<compile_context>
chip_gen: v7x
topology: tpu7x:2x2x1
jax: 0.10.2.dev20260603
libtpu: 0.0.44.dev20260713+nightly
codegen_flags: <defaults>
</compile_context>

<pallas_src>
import functools

import jax
import jax.numpy as jnp
from jax import lax
from jax.experimental import pallas as pl
from jax.experimental.pallas import tpu as pltpu
from jax.experimental.pallas import tpu_sc as plsc

VOCAB = 1000000
HIDDEN = 64
SEQ = 200
BATCH = 4096
EPS = 1e-12

L = 16
NV = HIDDEN // L
NTOK = BATCH * SEQ
NW = 32
PER_W = NTOK // NW
C = 256
HF = 128
NCHUNK = PER_W // C
R = NCHUNK // 2
UNROLL = 2
OPITCH = 257


def _rsqrt64_v(x):
    i = lax.bitcast_convert_type(x, jnp.int32)
    i = jnp.int32(0x60B759DF) - lax.shift_right_arithmetic(i, 1)
    y = lax.bitcast_convert_type(i, jnp.float32)
    hx = x * jnp.float32(0.5 / 64.0)
    for _ in range(2):
        y = y * (jnp.float32(1.5) - hx * y * y)
    return y


@functools.partial(
    pl.kernel,
    mesh=plsc.VectorSubcoreMesh(core_axis_name="c", subcore_axis_name="s"),
    out_type=jax.ShapeDtypeStruct(
        (SEQ, HIDDEN // 8, BATCH // 128, 8, 128), jnp.float32),
    scratch_types=[
        pltpu.VMEM((2, HF), jnp.int32),
        pltpu.VMEM((2, HF), jnp.int32),
        pltpu.VMEM((C, HIDDEN), jnp.float32),
        pltpu.VMEM((C, HIDDEN), jnp.float32),
        pltpu.VMEM((HIDDEN, OPITCH), jnp.float32),
        pltpu.VMEM((HIDDEN, OPITCH), jnp.float32),
        pltpu.VMEM((SEQ, HIDDEN), jnp.float32),
        pltpu.VMEM((HIDDEN,), jnp.float32),
        pltpu.VMEM((HIDDEN,), jnp.float32),
        pltpu.SemaphoreType.DMA,
        pltpu.SemaphoreType.DMA,
        pltpu.SemaphoreType.DMA,
        pltpu.SemaphoreType.DMA,
        pltpu.SemaphoreType.DMA,
        pltpu.SemaphoreType.DMA,
    ],
    compiler_params=pltpu.CompilerParams(
        use_tc_tiling_on_sc=False, needs_layout_passes=False),
)
def _emb_ln(ids_hbm, tok_hbm, pos_hbm, gam_hbm, bet_hbm, out_hbm,
            idx0, idx1, gb0, gb1, ob0, ob1, pos_v, gam_v, bet_v,
            sg0, sg1, si0, si1, so0, so1):
    cc = lax.axis_index("c")
    ss = lax.axis_index("s")
    base_w = (ss * 2 + cc) * PER_W

    idx = (idx0, idx1)
    gb = (gb0, gb1)
    ob = (ob0, ob1)
    sg = (sg0, sg1)
    si = (si0, si1)
    so = (so0, so1)

    io = lax.iota(jnp.int32, L)
    perms = [lax.bitwise_xor(io, jnp.int32(d)) for d in (8, 4, 2, 1)]
    hidx = [io + jnp.int32(L * k) for k in range(NV)]

    def crosslane_sum(x):
        for pm in perms:
            x = x + x.at[pm].get(mode="promise_in_bounds")
        return x

    pltpu.sync_copy(pos_hbm.at[pl.ds(0, SEQ)], pos_v)
    pltpu.sync_copy(gam_hbm, gam_v)
    pltpu.sync_copy(bet_hbm, bet_v)

    def fire_idx(ch, q, sem):
        for h in range(2):
            pltpu.async_copy(
                ids_hbm.at[pl.ds(base_w + ch * C + h * HF, HF)],
                idx[q].at[h], sem)

    def wait_idx(q, sem):
        for h in range(2):
            pltpu.make_async_copy(
                ids_hbm.at[pl.ds(0, HF)], idx[q].at[h], sem).wait()

    def fire_gather(q, sem):
        for h in range(2):
            pltpu.async_copy(
                tok_hbm.at[idx[q].at[h]],
                gb[q].at[pl.ds(h * HF, HF)], sem)

    def wait_gather(q, sem):
        for h in range(2):
            pltpu.make_async_copy(
                tok_hbm.at[idx[q].at[h]],
                gb[q].at[pl.ds(h * HF, HF)], sem).wait()

    def fire_wb(ch, q, sem):
        flat = base_w + ch * C
        s = lax.shift_right_logical(flat, 12)
        btg = lax.shift_right_logical(flat & jnp.int32(4095), 7)
        for ht in range(HIDDEN // 8):
            for bt in range(C // 128):
                pltpu.async_copy(
                    ob[q].at[pl.ds(ht * 8, 8), pl.ds(bt * 128, 128)],
                    out_hbm.at[s, ht, btg + bt], sem)

    def wait_wb(q, sem):
        for ht in range(HIDDEN // 8):
            for bt in range(C // 128):
                pltpu.make_async_copy(
                    ob[q].at[pl.ds(ht * 8, 8), pl.ds(bt * 128, 128)],
                    out_hbm.at[0, 0, 0], sem).wait()

    def compute(ch, q):
        sp = lax.shift_right_logical(base_w + ch * C, 12)
        pvs = [pos_v[sp, pl.ds(L * k, L)] for k in range(NV)]
        gvs = [gam_v[pl.ds(L * k, L)] for k in range(NV)]
        bvs = [bet_v[pl.ds(L * k, L)] for k in range(NV)]
        gq = gb[q]
        oq = ob[q]

        @plsc.parallel_loop(0, C, unroll=UNROLL)
        def _row(i):
            xs = [gq[i, pl.ds(L * k, L)] + pvs[k] for k in range(NV)]
            tsum = (xs[0] + xs[1]) + (xs[2] + xs[3])
            qsum = (xs[0] * xs[0] + xs[1] * xs[1]) + (
                xs[2] * xs[2] + xs[3] * xs[3])
            meanv = crosslane_sum(tsum) * jnp.float32(1.0 / HIDDEN)
            m2s = crosslane_sum(qsum)
            var64 = m2s - (meanv * meanv) * jnp.float32(HIDDEN)
            inv = _rsqrt64_v(var64 + jnp.float32(HIDDEN * EPS))
            bv = jnp.broadcast_to(i, (L,)).astype(jnp.int32)
            for k in range(NV):
                y = (xs[k] - meanv) * inv * gvs[k] + bvs[k]
                plsc.store_scatter(oq, [hidx[k], bv], y)

    for h in range(2):
        pltpu.sync_copy(ids_hbm.at[pl.ds(base_w + h * HF, HF)], idx[0].at[h])
    fire_gather(0, sg[0])
    fire_idx(1, 1, si[1])

    def iter_body(r, _):
        for q in range(2):
            ch = 2 * r + q
            if q == 0:
                wait_idx(1, si[1])
                fire_gather(1, sg[1])
            else:
                @pl.when(r < R - 1)
                def _():
                    wait_idx(0, si[0])
                    fire_gather(0, sg[0])
            wait_gather(q, sg[q])
            @pl.when(r < R - 1)
            def _():
                fire_idx(ch + 2, q, si[q])
            @pl.when(r > 0)
            def _():
                wait_wb(q, so[q])
            compute(ch, q)
            fire_wb(ch, q, so[q])
        return 0

    lax.fori_loop(0, R, iter_body, 0)
    wait_wb(0, so[0])
    wait_wb(1, so[1])


def kernel(input_ids, token_table, pos_table, ln_gamma, ln_beta):
    ids_t = jnp.transpose(input_ids).reshape(-1)
    out5 = _emb_ln(ids_t, token_table, pos_table, ln_gamma, ln_beta)
    return out5.transpose((2, 4, 0, 1, 3)).reshape(BATCH, SEQ, HIDDEN)

# --- scband reference (transcript-rebuilt; emitter-appended) ---
"""Pipeline reference for scband-embeddings-6004364279981 (READ-ONLY COPY).

The authoritative reference and input builder live on the scoring server;
editing this copy changes nothing except your own understanding.
"""

import jax, jax.numpy as jnp
import numpy as np

VOCAB = 1000000
HIDDEN = 64
MAX_POS = 512
BATCH = 4096
SEQ = 200
EPS = 1e-12

def setup_inputs(seed: int = 0) -> dict:
    key = jax.random.key(seed)
    k1, k2, k3 = jax.random.split(key, 3)
    input_ids = jax.random.randint(k1, (BATCH, SEQ), 0, VOCAB, dtype=jnp.int64 if jax.config.jax_enable_x64 else jnp.int32).astype(jnp.int32)
    token_table = jax.random.normal(k2, (VOCAB, HIDDEN), dtype=jnp.float32)
    pos_table = jax.random.normal(k3, (MAX_POS, HIDDEN), dtype=jnp.float32)
    ln_gamma = jnp.ones((HIDDEN,), dtype=jnp.float32)
    ln_beta = jnp.zeros((HIDDEN,), dtype=jnp.float32)
    return {"input_ids": input_ids, "token_table": token_table, "pos_table": pos_table, "ln_gamma": ln_gamma, "ln_beta": ln_beta}

def _layer_norm(x, gamma, beta, eps):
    mean = jnp.mean(x, axis=-1, keepdims=True)
    var = jnp.mean(jnp.square(x - mean), axis=-1, keepdims=True)
    xn = (x - mean) / jnp.sqrt(var + eps)
    return xn * gamma + beta

def reference(input_ids, token_table, pos_table, ln_gamma, ln_beta):
    seq_length = input_ids.shape[1]
    position_ids = jnp.arange(seq_length, dtype=jnp.int32)[None, :]
    token_embeddings = jnp.take(token_table, input_ids, axis=0)
    position_embeddings = jnp.take(pos_table, position_ids, axis=0)
    embeddings = token_embeddings + position_embeddings
    embeddings = _layer_norm(embeddings, ln_gamma, ln_beta, EPS)
    # dropout is identity in eval mode
    return embeddings

if __name__ == "__main__":
    import jax
    _d = setup_inputs()
    print(jax.jit(kernel)(*tuple(_d.values())))

</pallas_src>

<mosaic_0001>
#map = affine_map<(d0, d1) -> (0)>
#map1 = affine_map<(d0, d1) -> (0, 0)>
#map2 = affine_map<(d0, d1) -> (0, 0, 0, 0, 0)>
module attributes {stable_mosaic.version = 14 : i64} {
  func.func @_emb_ln(%arg0: i32, %arg1: i32, %arg2: memref<819200xi32, #tpu.memory_space<hbm>>, %arg3: memref<1000000x64xf32, #tpu.memory_space<hbm>>, %arg4: memref<512x64xf32, #tpu.memory_space<hbm>>, %arg5: memref<64xf32, #tpu.memory_space<hbm>>, %arg6: memref<64xf32, #tpu.memory_space<hbm>>, %arg7: memref<200x8x32x8x128xf32, #tpu.memory_space<hbm>>, %arg8: memref<2x128xi32, #tpu.memory_space<vmem>>, %arg9: memref<2x128xi32, #tpu.memory_space<vmem>>, %arg10: memref<256x64xf32, #tpu.memory_space<vmem>>, %arg11: memref<256x64xf32, #tpu.memory_space<vmem>>, %arg12: memref<64x257xf32, #tpu.memory_space<vmem>>, %arg13: memref<64x257xf32, #tpu.memory_space<vmem>>, %arg14: memref<200x64xf32, #tpu.memory_space<vmem>>, %arg15: memref<64xf32, #tpu.memory_space<vmem>>, %arg16: memref<64xf32, #tpu.memory_space<vmem>>, %arg17: memref<!tpu.dma_semaphore, #tpu.memory_space<semaphore_mem>>, %arg18: memref<!tpu.dma_semaphore, #tpu.memory_space<semaphore_mem>>, %arg19: memref<!tpu.dma_semaphore, #tpu.memory_space<semaphore_mem>>, %arg20: memref<!tpu.dma_semaphore, #tpu.memory_space<semaphore_mem>>, %arg21: memref<!tpu.dma_semaphore, #tpu.memory_space<semaphore_mem>>, %arg22: memref<!tpu.dma_semaphore, #tpu.memory_space<semaphore_mem>>) attributes {dimension_semantics = [#tpu.dimension_semantics<core_parallel>, #tpu.dimension_semantics<subcore_parallel>], iteration_bounds = array<i64: 2, 16>, scalar_prefetch = 0 : i64, scratch_operands = 15 : i64, tpu.core_type = #tpu.core_type<sc_vector_subcore>, window_params = [{transform_indices = #map}, {transform_indices = #map1}, {transform_indices = #map1}, {transform_indices = #map}, {transform_indices = #map}, {transform_indices = #map2}]} {
    %mul3A = arith.constant 2 : i32
    %mul3A_0 = arith.muli %arg1, %mul3A : i32
    %add3A = arith.addi %mul3A_0, %arg0 : i32
    %mul3A_1 = arith.constant 25600 : i32
    %mul3A_2 = arith.muli %add3A, %mul3A_1 : i32
    %iota3A = tpu.iota {dimensions = array<i32: 0>} : vector<16xi32>
    %xor3A = arith.constant 8 : i32
    %xor3A_3 = vector.broadcast %xor3A : i32 to vector<16xi32>
    %xor3A_4 = arith.xori %iota3A, %xor3A_3 : vector<16xi32>
    %xor3A_5 = arith.constant 4 : i32
    %xor3A_6 = vector.broadcast %xor3A_5 : i32 to vector<16xi32>
    %xor3A_7 = arith.xori %iota3A, %xor3A_6 : vector<16xi32>
    %xor3A_8 = arith.constant 2 : i32
    %xor3A_9 = vector.broadcast %xor3A_8 : i32 to vector<16xi32>
    %xor3A_10 = arith.xori %iota3A, %xor3A_9 : vector<16xi32>
    %xor3A_11 = arith.constant 1 : i32
    %xor3A_12 = vector.broadcast %xor3A_11 : i32 to vector<16xi32>
    %xor3A_13 = arith.xori %iota3A, %xor3A_12 : vector<16xi32>
    %add3A_14 = arith.constant 0 : i32
    %add3A_15 = vector.broadcast %add3A_14 : i32 to vector<16xi32>
    %add3A_16 = arith.addi %iota3A, %add3A_15 : vector<16xi32>
    %add3A_17 = arith.constant 16 : i32
    %add3A_18 = vector.broadcast %add3A_17 : i32 to vector<16xi32>
    %add3A_19 = arith.addi %iota3A, %add3A_18 : vector<16xi32>
    %add3A_20 = arith.constant 32 : i32
    %add3A_21 = vector.broadcast %add3A_20 : i32 to vector<16xi32>
    %add3A_22 = arith.addi %iota3A, %add3A_21 : vector<16xi32>
    %add3A_23 = arith.constant 48 : i32
    %add3A_24 = vector.broadcast %add3A_23 : i32 to vector<16xi32>
    %add3A_25 = arith.addi %iota3A, %add3A_24 : vector<16xi32>
    "tpu.region"() ({
      %run_scoped3A_625 = tpu.sem_alloc : memref<!tpu.dma_semaphore, #tpu.memory_space<semaphore_mem>>
      %dma_start3A_626 = arith.constant 0 : i32
      %dma_start3A_627 = arith.constant 0 : i32
      %dma_start3A_628 = tpu.memref_slice %arg4[%dma_start3A_626, %dma_start3A_627] : memref<512x64xf32, #tpu.memory_space<hbm>> -> memref<200x64xf32, #tpu.memory_space<hbm>>
      %dma_start3A_629 = arith.constant 0 : i32
      %dma_start3A_630 = arith.constant 0 : i32
      %dma_start3A_631 = tpu.memref_slice %arg4[%dma_start3A_629, %dma_start3A_630] : memref<512x64xf32, #tpu.memory_space<hbm>> -> memref<200x64xf32, #tpu.memory_space<hbm>>
      tpu.enqueue_dma source(%dma_start3A_631 : memref<200x64xf32, #tpu.memory_space<hbm>>) target(%arg14 : memref<200x64xf32, #tpu.memory_space<vmem>>) target_semaphore(%run_scoped3A_625 : memref<!tpu.dma_semaphore, #tpu.memory_space<semaphore_mem>>)
      %dma_wait3A_632 = arith.constant 0 : i32
      %dma_wait3A_633 = arith.constant 0 : i32
      %dma_wait3A_634 = tpu.memref_slice %arg4[%dma_wait3A_632, %dma_wait3A_633] : memref<512x64xf32, #tpu.memory_space<hbm>> -> memref<200x64xf32, #tpu.memory_space<hbm>>
      %dma_wait3A_635 = arith.constant 0 : i32
      %dma_wait3A_636 = arith.constant 0 : i32
      %dma_wait3A_637 = tpu.memref_slice %arg4[%dma_wait3A_635, %dma_wait3A_636] : memref<512x64xf32, #tpu.memory_space<hbm>> -> memref<200x64xf32, #tpu.memory_space<hbm>>
      tpu.wait_dma2 semaphore(%run_scoped3A_625 : memref<!tpu.dma_semaphore, #tpu.memory_space<semaphore_mem>>) src(%dma_wait3A_637 : memref<200x64xf32, #tpu.memory_space<hbm>>) dst(%arg14 : memref<200x64xf32, #tpu.memory_space<vmem>>)
      tpu.yield
    }) : () -> ()
    "tpu.region"() ({
      %run_scoped3A_625 = tpu.sem_alloc : memref<!tpu.dma_semaphore, #tpu.memory_space<semaphore_mem>>
      tpu.enqueue_dma source(%arg5 : memref<64xf32, #tpu.memory_space<hbm>>) target(%arg15 : memref<64xf32, #tpu.memory_space<vmem>>) target_semaphore(%run_scoped3A_625 : memref<!tpu.dma_semaphore, #tpu.memory_space<semaphore_mem>>)
      tpu.wait_dma2 semaphore(%run_scoped3A_625 : memref<!tpu.dma_semaphore, #tpu.memory_space<semaphore_mem>>) src(%arg5 : memref<64xf32, #tpu.memory_space<hbm>>) dst(%arg15 : memref<64xf32, #tpu.memory_space<vmem>>)
      tpu.yield
    }) : () -> ()
    "tpu.region"() ({
      %run_scoped3A_625 = tpu.sem_alloc : memref<!tpu.dma_semaphore, #tpu.memory_space<semaphore_mem>>
      tpu.enqueue_dma source(%arg6 : memref<64xf32, #tpu.memory_space<hbm>>) target(%arg16 : memref<64xf32, #tpu.memory_space<vmem>>) target_semaphore(%run_scoped3A_625 : memref<!tpu.dma_semaphore, #tpu.memory_space<semaphore_mem>>)
      tpu.wait_dma2 semaphore(%run_scoped3A_625 : memref<!tpu.dma_semaphore, #tpu.memory_space<semaphore_mem>>) src(%arg6 : memref<64xf32, #tpu.memory_space<hbm>>) dst(%arg16 : memref<64xf32, #tpu.memory_space<vmem>>)
      tpu.yield
    }) : () -> ()
    %add3A_26 = arith.constant 0 : i32
    %add3A_27 = arith.addi %mul3A_2, %add3A_26 : i32
    %run_scoped3A = arith.constant 0 : i32
    "tpu.region"() ({
      %run_scoped3A_625 = tpu.sem_alloc : memref<!tpu.dma_semaphore, #tpu.memory_space<semaphore_mem>>
      %dma_start3A_626 = arith.constant 0 : i32
      %dma_start3A_627 = tpu.memref_slice %arg8[%run_scoped3A, %dma_start3A_626] : memref<2x128xi32, #tpu.memory_space<vmem>> -> memref<1x128xi32, #tpu.memory_space<vmem>>
      %dma_start3A_628 = tpu.memref_squeeze %dma_start3A_627 : memref<1x128xi32, #tpu.memory_space<vmem>> -> memref<128xi32, #tpu.memory_space<vmem>>
      %dma_start3A_629 = tpu.memref_slice %arg2[%add3A_27] : memref<819200xi32, #tpu.memory_space<hbm>> -> memref<128xi32, #tpu.memory_space<hbm>>
      %dma_start3A_630 = arith.constant 0 : i32
      %dma_start3A_631 = tpu.memref_slice %arg8[%run_scoped3A, %dma_start3A_630] : memref<2x128xi32, #tpu.memory_space<vmem>> -> memref<1x128xi32, #tpu.memory_space<vmem>>
      %dma_start3A_632 = tpu.memref_squeeze %dma_start3A_631 : memref<1x128xi32, #tpu.memory_space<vmem>> -> memref<128xi32, #tpu.memory_space<vmem>>
      %dma_start3A_633 = tpu.memref_slice %arg2[%add3A_27] : memref<819200xi32, #tpu.memory_space<hbm>> -> memref<128xi32, #tpu.memory_space<hbm>>
      tpu.enqueue_dma source(%dma_start3A_633 : memref<128xi32, #tpu.memory_space<hbm>>) target(%dma_start3A_632 : memref<128xi32, #tpu.memory_space<vmem>>) target_semaphore(%run_scoped3A_625 : memref<!tpu.dma_semaphore, #tpu.memory_space<semaphore_mem>>)
      %dma_wait3A_634 = arith.constant 0 : i32
      %dma_wait3A_635 = tpu.memref_slice %arg8[%run_scoped3A, %dma_wait3A_634] : memref<2x128xi32, #tpu.memory_space<vmem>> -> memref<1x128xi32, #tpu.memory_space<vmem>>
      %dma_wait3A_636 = tpu.memref_squeeze %dma_wait3A_635 : memref<1x128xi32, #tpu.memory_space<vmem>> -> memref<128xi32, #tpu.memory_space<vmem>>
      %dma_wait3A_637 = tpu.memref_slice %arg2[%add3A_27] : memref<819200xi32, #tpu.memory_space<hbm>> -> memref<128xi32, #tpu.memory_space<hbm>>
      %dma_wait3A_638 = arith.constant 0 : i32
      %dma_wait3A_639 = tpu.memref_slice %arg8[%run_scoped3A, %dma_wait3A_638] : memref<2x128xi32, #tpu.memory_space<vmem>> -> memref<1x128xi32, #tpu.memory_space<vmem>>
      %dma_wait3A_640 = tpu.memref_squeeze %dma_wait3A_639 : memref<1x128xi32, #tpu.memory_space<vmem>> -> memref<128xi32, #tpu.memory_space<vmem>>
      %dma_wait3A_641 = tpu.memref_slice %arg2[%add3A_27] : memref<819200xi32, #tpu.memory_space<hbm>> -> memref<128xi32, #tpu.memory_space<hbm>>
      tpu.wait_dma2 semaphore(%run_scoped3A_625 : memref<!tpu.dma_semaphore, #tpu.memory_space<semaphore_mem>>) src(%dma_wait3A_641 : memref<128xi32, #tpu.memory_space<hbm>>) dst(%dma_wait3A_640 : memref<128xi32, #tpu.memory_space<vmem>>)
      tpu.yield
    }) : () -> ()
    %add3A_28 = arith.constant 128 : i32
    %add3A_29 = arith.addi %mul3A_2, %add3A_28 : i32
    %run_scoped3A_30 = arith.constant 1 : i32
    "tpu.region"() ({
      %run_scoped3A_625 = tpu.sem_alloc : memref<!tpu.dma_semaphore, #tpu.memory_space<semaphore_mem>>
      %dma_start3A_626 = arith.constant 0 : i32
      %dma_start3A_627 = tpu.memref_slice %arg8[%run_scoped3A_30, %dma_start3A_626] : memref<2x128xi32, #tpu.memory_space<vmem>> -> memref<1x128xi32, #tpu.memory_space<vmem>>
      %dma_start3A_628 = tpu.memref_squeeze %dma_start3A_627 : memref<1x128xi32, #tpu.memory_space<vmem>> -> memref<128xi32, #tpu.memory_space<vmem>>
      %dma_start3A_629 = tpu.memref_slice %arg2[%add3A_29] : memref<819200xi32, #tpu.memory_space<hbm>> -> memref<128xi32, #tpu.memory_space<hbm>>
      %dma_start3A_630 = arith.constant 0 : i32
      %dma_start3A_631 = tpu.memref_slice %arg8[%run_scoped3A_30, %dma_start3A_630] : memref<2x128xi32, #tpu.memory_space<vmem>> -> memref<1x128xi32, #tpu.memory_space<vmem>>
      %dma_start3A_632 = tpu.memref_squeeze %dma_start3A_631 : memref<1x128xi32, #tpu.memory_space<vmem>> -> memref<128xi32, #tpu.memory_space<vmem>>
      %dma_start3A_633 = tpu.memref_slice %arg2[%add3A_29] : memref<819200xi32, #tpu.memory_space<hbm>> -> memref<128xi32, #tpu.memory_space<hbm>>
      tpu.enqueue_dma source(%dma_start3A_633 : memref<128xi32, #tpu.memory_space<hbm>>) target(%dma_start3A_632 : memref<128xi32, #tpu.memory_space<vmem>>) target_semaphore(%run_scoped3A_625 : memref<!tpu.dma_semaphore, #tpu.memory_space<semaphore_mem>>)
      %dma_wait3A_634 = arith.constant 0 : i32
      %dma_wait3A_635 = tpu.memref_slice %arg8[%run_scoped3A_30, %dma_wait3A_634] : memref<2x128xi32, #tpu.memory_space<vmem>> -> memref<1x128xi32, #tpu.memory_space<vmem>>
      %dma_wait3A_636 = tpu.memref_squeeze %dma_wait3A_635 : memref<1x128xi32, #tpu.memory_space<vmem>> -> memref<128xi32, #tpu.memory_space<vmem>>
      %dma_wait3A_637 = tpu.memref_slice %arg2[%add3A_29] : memref<819200xi32, #tpu.memory_space<hbm>> -> memref<128xi32, #tpu.memory_space<hbm>>
      %dma_wait3A_638 = arith.constant 0 : i32
      %dma_wait3A_639 = tpu.memref_slice %arg8[%run_scoped3A_30, %dma_wait3A_638] : memref<2x128xi32, #tpu.memory_space<vmem>> -> memref<1x128xi32, #tpu.memory_space<vmem>>
      %dma_wait3A_640 = tpu.memref_squeeze %dma_wait3A_639 : memref<1x128xi32, #tpu.memory_space<vmem>> -> memref<128xi32, #tpu.memory_space<vmem>>
      %dma_wait3A_641 = tpu.memref_slice %arg2[%add3A_29] : memref<819200xi32, #tpu.memory_space<hbm>> -> memref<128xi32, #tpu.memory_space<hbm>>
      tpu.wait_dma2 semaphore(%run_scoped3A_625 : memref<!tpu.dma_semaphore, #tpu.memory_space<semaphore_mem>>) src(%dma_wait3A_641 : memref<128xi32, #tpu.memory_space<hbm>>) dst(%dma_wait3A_640 : memref<128xi32, #tpu.memory_space<vmem>>)
      tpu.yield
    }) : () -> ()
    %dma_start3A = arith.constant 0 : i32
    %dma_start3A_31 = arith.constant 0 : i32
    %dma_start3A_32 = arith.constant 0 : i32
    %dma_start3A_33 = tpu.memref_slice %arg10[%dma_start3A_31, %dma_start3A_32] : memref<256x64xf32, #tpu.memory_space<vmem>> -> memref<128x64xf32, #tpu.memory_space<vmem>>
    %dma_start3A_34 = arith.constant 0 : i32
    %dma_start3A_35 = tpu.memref_slice %arg8[%dma_start3A, %dma_start3A_34] : memref<2x128xi32, #tpu.memory_space<vmem>> -> memref<1x128xi32, #tpu.memory_space<vmem>>
    %dma_start3A_36 = tpu.memref_squeeze %dma_start3A_35 : memref<1x128xi32, #tpu.memory_space<vmem>> -> memref<128xi32, #tpu.memory_space<vmem>>
    %dma_start3A_37 = arith.constant 0 : i32
    %dma_start3A_38 = arith.constant 0 : i32
    %dma_start3A_39 = tpu.memref_slice %arg3[%dma_start3A_37, %dma_start3A_38] : memref<1000000x64xf32, #tpu.memory_space<hbm>> -> memref<1000000x64xf32, #tpu.memory_space<hbm>>
    tpu.enqueue_indirect_dma source(%dma_start3A_39 : memref<1000000x64xf32, #tpu.memory_space<hbm>>) target(%dma_start3A_33 : memref<128x64xf32, #tpu.memory_space<vmem>>) offsets(%dma_start3A_36 : memref<128xi32, #tpu.memory_space<vmem>>) semaphore(%arg17 : memref<!tpu.dma_semaphore, #tpu.memory_space<semaphore_mem>>)
    %dma_start3A_40 = arith.constant 1 : i32
    %dma_start3A_41 = arith.constant 128 : i32
    %dma_start3A_42 = arith.constant 0 : i32
    %dma_start3A_43 = tpu.memref_slice %arg10[%dma_start3A_41, %dma_start3A_42] : memref<256x64xf32, #tpu.memory_space<vmem>> -> memref<128x64xf32, #tpu.memory_space<vmem>>
    %dma_start3A_44 = arith.constant 0 : i32
    %dma_start3A_45 = tpu.memref_slice %arg8[%dma_start3A_40, %dma_start3A_44] : memref<2x128xi32, #tpu.memory_space<vmem>> -> memref<1x128xi32, #tpu.memory_space<vmem>>
    %dma_start3A_46 = tpu.memref_squeeze %dma_start3A_45 : memref<1x128xi32, #tpu.memory_space<vmem>> -> memref<128xi32, #tpu.memory_space<vmem>>
    %dma_start3A_47 = arith.constant 0 : i32
    %dma_start3A_48 = arith.constant 0 : i32
    %dma_start3A_49 = tpu.memref_slice %arg3[%dma_start3A_47, %dma_start3A_48] : memref<1000000x64xf32, #tpu.memory_space<hbm>> -> memref<1000000x64xf32, #tpu.memory_space<hbm>>
    tpu.enqueue_indirect_dma source(%dma_start3A_49 : memref<1000000x64xf32, #tpu.memory_space<hbm>>) target(%dma_start3A_43 : memref<128x64xf32, #tpu.memory_space<vmem>>) offsets(%dma_start3A_46 : memref<128xi32, #tpu.memory_space<vmem>>) semaphore(%arg17 : memref<!tpu.dma_semaphore, #tpu.memory_space<semaphore_mem>>)
    %add3A_50 = arith.constant 256 : i32
    %add3A_51 = arith.addi %mul3A_2, %add3A_50 : i32
    %add3A_52 = arith.constant 0 : i32
    %add3A_53 = arith.addi %add3A_51, %add3A_52 : i32
    %dma_start3A_54 = arith.constant 0 : i32
    %dma_start3A_55 = arith.constant 0 : i32
    %dma_start3A_56 = tpu.memref_slice %arg9[%dma_start3A_54, %dma_start3A_55] : memref<2x128xi32, #tpu.memory_space<vmem>> -> memref<1x128xi32, #tpu.memory_space<vmem>>
    %dma_start3A_57 = tpu.memref_squeeze %dma_start3A_56 : memref<1x128xi32, #tpu.memory_space<vmem>> -> memref<128xi32, #tpu.memory_space<vmem>>
    %dma_start3A_58 = tpu.memref_slice %arg2[%add3A_53] : memref<819200xi32, #tpu.memory_space<hbm>> -> memref<128xi32, #tpu.memory_space<hbm>>
    %dma_start3A_59 = arith.constant 0 : i32
    %dma_start3A_60 = tpu.memref_slice %arg9[%dma_start3A_54, %dma_start3A_59] : memref<2x128xi32, #tpu.memory_space<vmem>> -> memref<1x128xi32, #tpu.memory_space<vmem>>
    %dma_start3A_61 = tpu.memref_squeeze %dma_start3A_60 : memref<1x128xi32, #tpu.memory_space<vmem>> -> memref<128xi32, #tpu.memory_space<vmem>>
    %dma_start3A_62 = tpu.memref_slice %arg2[%add3A_53] : memref<819200xi32, #tpu.memory_space<hbm>> -> memref<128xi32, #tpu.memory_space<hbm>>
    tpu.enqueue_dma source(%dma_start3A_62 : memref<128xi32, #tpu.memory_space<hbm>>) target(%dma_start3A_61 : memref<128xi32, #tpu.memory_space<vmem>>) target_semaphore(%arg20 : memref<!tpu.dma_semaphore, #tpu.memory_space<semaphore_mem>>)
    %add3A_63 = arith.constant 256 : i32
    %add3A_64 = arith.addi %mul3A_2, %add3A_63 : i32
    %add3A_65 = arith.constant 128 : i32
    %add3A_66 = arith.addi %add3A_64, %add3A_65 : i32
    %dma_start3A_67 = arith.constant 1 : i32
    %dma_start3A_68 = arith.constant 0 : i32
    %dma_start3A_69 = tpu.memref_slice %arg9[%dma_start3A_67, %dma_start3A_68] : memref<2x128xi32, #tpu.memory_space<vmem>> -> memref<1x128xi32, #tpu.memory_space<vmem>>
    %dma_start3A_70 = tpu.memref_squeeze %dma_start3A_69 : memref<1x128xi32, #tpu.memory_space<vmem>> -> memref<128xi32, #tpu.memory_space<vmem>>
    %dma_start3A_71 = tpu.memref_slice %arg2[%add3A_66] : memref<819200xi32, #tpu.memory_space<hbm>> -> memref<128xi32, #tpu.memory_space<hbm>>
    %dma_start3A_72 = arith.constant 0 : i32
    %dma_start3A_73 = tpu.memref_slice %arg9[%dma_start3A_67, %dma_start3A_72] : memref<2x128xi32, #tpu.memory_space<vmem>> -> memref<1x128xi32, #tpu.memory_space<vmem>>
    %dma_start3A_74 = tpu.memref_squeeze %dma_start3A_73 : memref<1x128xi32, #tpu.memory_space<vmem>> -> memref<128xi32, #tpu.memory_space<vmem>>
    %dma_start3A_75 = tpu.memref_slice %arg2[%add3A_66] : memref<819200xi32, #tpu.memory_space<hbm>> -> memref<128xi32, #tpu.memory_space<hbm>>
    tpu.enqueue_dma source(%dma_start3A_75 : memref<128xi32, #tpu.memory_space<hbm>>) target(%dma_start3A_74 : memref<128xi32, #tpu.memory_space<vmem>>) target_semaphore(%arg20 : memref<!tpu.dma_semaphore, #tpu.memory_space<semaphore_mem>>)
    %scan3A = arith.constant 0 : i32
    %scan3A_76 = arith.constant 0 : i32
    %scan3A_77 = arith.constant 50 : i32
    %scan3A_78 = arith.addi %scan3A_76, %scan3A_77 : i32
    %scan3A_79 = arith.constant 1 : i32
    %scan3A_80 = scf.for %scan3A_625 = %scan3A_76 to %scan3A_78 step %scan3A_79 iter_args(%scan3A_626 = %scan3A) -> (i32)  : i32 {
      %mul3A_627 = arith.constant 2 : i32
      %mul3A_628 = arith.muli %mul3A_627, %scan3A_625 : i32
      %add3A_629 = arith.constant 0 : i32
      %add3A_630 = arith.addi %mul3A_628, %add3A_629 : i32
      %dma_wait3A_631 = arith.constant 0 : i32
      %dma_wait3A_632 = arith.constant 0 : i32
      %dma_wait3A_633 = tpu.memref_slice %arg9[%dma_wait3A_631, %dma_wait3A_632] : memref<2x128xi32, #tpu.memory_space<vmem>> -> memref<1x128xi32, #tpu.memory_space<vmem>>
      %dma_wait3A_634 = tpu.memref_squeeze %dma_wait3A_633 : memref<1x128xi32, #tpu.memory_space<vmem>> -> memref<128xi32, #tpu.memory_space<vmem>>
      %dma_wait3A_635 = arith.constant 0 : i32
      %dma_wait3A_636 = tpu.memref_slice %arg2[%dma_wait3A_635] : memref<819200xi32, #tpu.memory_space<hbm>> -> memref<128xi32, #tpu.memory_space<hbm>>
      %dma_wait3A_637 = arith.constant 0 : i32
      %dma_wait3A_638 = tpu.memref_slice %arg9[%dma_wait3A_631, %dma_wait3A_637] : memref<2x128xi32, #tpu.memory_space<vmem>> -> memref<1x128xi32, #tpu.memory_space<vmem>>
      %dma_wait3A_639 = tpu.memref_squeeze %dma_wait3A_638 : memref<1x128xi32, #tpu.memory_space<vmem>> -> memref<128xi32, #tpu.memory_space<vmem>>
      %dma_wait3A_640 = arith.constant 0 : i32
      %dma_wait3A_641 = tpu.memref_slice %arg2[%dma_wait3A_640] : memref<819200xi32, #tpu.memory_space<hbm>> -> memref<128xi32, #tpu.memory_space<hbm>>
      tpu.wait_dma2 semaphore(%arg20 : memref<!tpu.dma_semaphore, #tpu.memory_space<semaphore_mem>>) src(%dma_wait3A_641 : memref<128xi32, #tpu.memory_space<hbm>>) dst(%dma_wait3A_639 : memref<128xi32, #tpu.memory_space<vmem>>)
      %dma_wait3A_642 = arith.constant 1 : i32
      %dma_wait3A_643 = arith.constant 0 : i32
      %dma_wait3A_644 = tpu.memref_slice %arg9[%dma_wait3A_642, %dma_wait3A_643] : memref<2x128xi32, #tpu.memory_space<vmem>> -> memref<1x128xi32, #tpu.memory_space<vmem>>
      %dma_wait3A_645 = tpu.memref_squeeze %dma_wait3A_644 : memref<1x128xi32, #tpu.memory_space<vmem>> -> memref<128xi32, #tpu.memory_space<vmem>>
      %dma_wait3A_646 = arith.constant 0 : i32
      %dma_wait3A_647 = tpu.memref_slice %arg2[%dma_wait3A_646] : memref<819200xi32, #tpu.memory_space<hbm>> -> memref<128xi32, #tpu.memory_space<hbm>>
      %dma_wait3A_648 = arith.constant 0 : i32
      %dma_wait3A_649 = tpu.memref_slice %arg9[%dma_wait3A_642, %dma_wait3A_648] : memref<2x128xi32, #tpu.memory_space<vmem>> -> memref<1x128xi32, #tpu.memory_space<vmem>>
      %dma_wait3A_650 = tpu.memref_squeeze %dma_wait3A_649 : memref<1x128xi32, #tpu.memory_space<vmem>> -> memref<128xi32, #tpu.memory_space<vmem>>
      %dma_wait3A_651 = arith.constant 0 : i32
      %dma_wait3A_652 = tpu.memref_slice %arg2[%dma_wait3A_651] : memref<819200xi32, #tpu.memory_space<hbm>> -> memref<128xi32, #tpu.memory_space<hbm>>
      tpu.wait_dma2 semaphore(%arg20 : memref<!tpu.dma_semaphore, #tpu.memory_space<semaphore_mem>>) src(%dma_wait3A_652 : memref<128xi32, #tpu.memory_space<hbm>>) dst(%dma_wait3A_650 : memref<128xi32, #tpu.memory_space<vmem>>)
      %dma_start3A_653 = arith.constant 0 : i32
      %dma_start3A_654 = arith.constant 0 : i32
      %dma_start3A_655 = arith.constant 0 : i32
      %dma_start3A_656 = tpu.memref_slice %arg11[%dma_start3A_654, %dma_start3A_655] : memref<256x64xf32, #tpu.memory_space<vmem>> -> memref<128x64xf32, #tpu.memory_space<vmem>>
      %dma_start3A_657 = arith.constant 0 : i32
      %dma_start3A_658 = tpu.memref_slice %arg9[%dma_start3A_653, %dma_start3A_657] : memref<2x128xi32, #tpu.memory_space<vmem>> -> memref<1x128xi32, #tpu.memory_space<vmem>>
      %dma_start3A_659 = tpu.memref_squeeze %dma_start3A_658 : memref<1x128xi32, #tpu.memory_space<vmem>> -> memref<128xi32, #tpu.memory_space<vmem>>
      %dma_start3A_660 = arith.constant 0 : i32
      %dma_start3A_661 = arith.constant 0 : i32
      %dma_start3A_662 = tpu.memref_slice %arg3[%dma_start3A_660, %dma_start3A_661] : memref<1000000x64xf32, #tpu.memory_space<hbm>> -> memref<1000000x64xf32, #tpu.memory_space<hbm>>
      tpu.enqueue_indirect_dma source(%dma_start3A_662 : memref<1000000x64xf32, #tpu.memory_space<hbm>>) target(%dma_start3A_656 : memref<128x64xf32, #tpu.memory_space<vmem>>) offsets(%dma_start3A_659 : memref<128xi32, #tpu.memory_space<vmem>>) semaphore(%arg18 : memref<!tpu.dma_semaphore, #tpu.memory_space<semaphore_mem>>)
      %dma_start3A_663 = arith.constant 1 : i32
      %dma_start3A_664 = arith.constant 128 : i32
      %dma_start3A_665 = arith.constant 0 : i32
      %dma_start3A_666 = tpu.memref_slice %arg11[%dma_start3A_664, %dma_start3A_665] : memref<256x64xf32, #tpu.memory_space<vmem>> -> memref<128x64xf32, #tpu.memory_space<vmem>>
      %dma_start3A_667 = arith.constant 0 : i32
      %dma_start3A_668 = tpu.memref_slice %arg9[%dma_start3A_663, %dma_start3A_667] : memref<2x128xi32, #tpu.memory_space<vmem>> -> memref<1x128xi32, #tpu.memory_space<vmem>>
      %dma_start3A_669 = tpu.memref_squeeze %dma_start3A_668 : memref<1x128xi32, #tpu.memory_space<vmem>> -> memref<128xi32, #tpu.memory_space<vmem>>
      %dma_start3A_670 = arith.constant 0 : i32
      %dma_start3A_671 = arith.constant 0 : i32
      %dma_start3A_672 = tpu.memref_slice %arg3[%dma_start3A_670, %dma_start3A_671] : memref<1000000x64xf32, #tpu.memory_space<hbm>> -> memref<1000000x64xf32, #tpu.memory_space<hbm>>
      tpu.enqueue_indirect_dma source(%dma_start3A_672 : memref<1000000x64xf32, #tpu.memory_space<hbm>>) target(%dma_start3A_666 : memref<128x64xf32, #tpu.memory_space<vmem>>) offsets(%dma_start3A_669 : memref<128xi32, #tpu.memory_space<vmem>>) semaphore(%arg18 : memref<!tpu.dma_semaphore, #tpu.memory_space<semaphore_mem>>)
      %dma_wait3A_673 = arith.constant 0 : i32
      %dma_wait3A_674 = arith.constant 0 : i32
      %dma_wait3A_675 = arith.constant 0 : i32
      %dma_wait3A_676 = tpu.memref_slice %arg10[%dma_wait3A_674, %dma_wait3A_675] : memref<256x64xf32, #tpu.memory_space<vmem>> -> memref<128x64xf32, #tpu.memory_space<vmem>>
      %dma_wait3A_677 = arith.constant 0 : i32
      %dma_wait3A_678 = tpu.memref_slice %arg8[%dma_wait3A_673, %dma_wait3A_677] : memref<2x128xi32, #tpu.memory_space<vmem>> -> memref<1x128xi32, #tpu.memory_space<vmem>>
      %dma_wait3A_679 = tpu.memref_squeeze %dma_wait3A_678 : memref<1x128xi32, #tpu.memory_space<vmem>> -> memref<128xi32, #tpu.memory_space<vmem>>
      %dma_wait3A_680 = arith.constant 0 : i32
      %dma_wait3A_681 = arith.constant 0 : i32
      %dma_wait3A_682 = tpu.memref_slice %arg3[%dma_wait3A_680, %dma_wait3A_681] : memref<1000000x64xf32, #tpu.memory_space<hbm>> -> memref<1000000x64xf32, #tpu.memory_space<hbm>>
      tpu.wait_indirect_dma semaphore(%arg17 : memref<!tpu.dma_semaphore, #tpu.memory_space<semaphore_mem>>) src(%dma_wait3A_682 : memref<1000000x64xf32, #tpu.memory_space<hbm>>) dst(%dma_wait3A_676 : memref<128x64xf32, #tpu.memory_space<vmem>>)
      %dma_wait3A_683 = arith.constant 1 : i32
      %dma_wait3A_684 = arith.constant 128 : i32
      %dma_wait3A_685 = arith.constant 0 : i32
      %dma_wait3A_686 = tpu.memref_slice %arg10[%dma_wait3A_684, %dma_wait3A_685] : memref<256x64xf32, #tpu.memory_space<vmem>> -> memref<128x64xf32, #tpu.memory_space<vmem>>
      %dma_wait3A_687 = arith.constant 0 : i32
      %dma_wait3A_688 = tpu.memref_slice %arg8[%dma_wait3A_683, %dma_wait3A_687] : memref<2x128xi32, #tpu.memory_space<vmem>> -> memref<1x128xi32, #tpu.memory_space<vmem>>
      %dma_wait3A_689 = tpu.memref_squeeze %dma_wait3A_688 : memref<1x128xi32, #tpu.memory_space<vmem>> -> memref<128xi32, #tpu.memory_space<vmem>>
      %dma_wait3A_690 = arith.constant 0 : i32
      %dma_wait3A_691 = arith.constant 0 : i32
      %dma_wait3A_692 = tpu.memref_slice %arg3[%dma_wait3A_690, %dma_wait3A_691] : memref<1000000x64xf32, #tpu.memory_space<hbm>> -> memref<1000000x64xf32, #tpu.memory_space<hbm>>
      tpu.wait_indirect_dma semaphore(%arg17 : memref<!tpu.dma_semaphore, #tpu.memory_space<semaphore_mem>>) src(%dma_wait3A_692 : memref<1000000x64xf32, #tpu.memory_space<hbm>>) dst(%dma_wait3A_686 : memref<128x64xf32, #tpu.memory_space<vmem>>)
      %lt3A = arith.constant 49 : i32
      %lt3A_693 = arith.cmpi slt, %scan3A_625, %lt3A : i32
      %convert_element_type3A = arith.extui %lt3A_693 : i1 to i32
      %cond3A = arith.constant 0 : i32
      %cond3A_694 = arith.cmpi ne, %convert_element_type3A, %cond3A : i32
      scf.if %cond3A_694 {
        %add3A_1369 = arith.constant 2 : i32
        %add3A_1370 = arith.addi %add3A_630, %add3A_1369 : i32
        %mul3A_1371 = arith.constant 256 : i32
        %mul3A_1372 = arith.muli %add3A_1370, %mul3A_1371 : i32
        %add3A_1373 = arith.addi %mul3A_2, %mul3A_1372 : i32
        %add3A_1374 = arith.constant 0 : i32
        %add3A_1375 = arith.addi %add3A_1373, %add3A_1374 : i32
        %dma_start3A_1376 = arith.constant 0 : i32
        %dma_start3A_1377 = arith.constant 0 : i32
        %dma_start3A_1378 = tpu.memref_slice %arg8[%dma_start3A_1376, %dma_start3A_1377] : memref<2x128xi32, #tpu.memory_space<vmem>> -> memref<1x128xi32, #tpu.memory_space<vmem>>
        %dma_start3A_1379 = tpu.memref_squeeze %dma_start3A_1378 : memref<1x128xi32, #tpu.memory_space<vmem>> -> memref<128xi32, #tpu.memory_space<vmem>>
        %dma_start3A_1380 = tpu.memref_slice %arg2[%add3A_1375] : memref<819200xi32, #tpu.memory_space<hbm>> -> memref<128xi32, #tpu.memory_space<hbm>>
        %dma_start3A_1381 = arith.constant 0 : i32
        %dma_start3A_1382 = tpu.memref_slice %arg8[%dma_start3A_1376, %dma_start3A_1381] : memref<2x128xi32, #tpu.memory_space<vmem>> -> memref<1x128xi32, #tpu.memory_space<vmem>>
        %dma_start3A_1383 = tpu.memref_squeeze %dma_start3A_1382 : memref<1x128xi32, #tpu.memory_space<vmem>> -> memref<128xi32, #tpu.memory_space<vmem>>
        %dma_start3A_1384 = tpu.memref_slice %arg2[%add3A_1375] : memref<819200xi32, #tpu.memory_space<hbm>> -> memref<128xi32, #tpu.memory_space<hbm>>
        tpu.enqueue_dma source(%dma_start3A_1384 : memref<128xi32, #tpu.memory_space<hbm>>) target(%dma_start3A_1383 : memref<128xi32, #tpu.memory_space<vmem>>) target_semaphore(%arg19 : memref<!tpu.dma_semaphore, #tpu.memory_space<semaphore_mem>>)
        %mul3A_1385 = arith.constant 256 : i32
        %mul3A_1386 = arith.muli %add3A_1370, %mul3A_1385 : i32
        %add3A_1387 = arith.addi %mul3A_2, %mul3A_1386 : i32
        %add3A_1388 = arith.constant 128 : i32
        %add3A_1389 = arith.addi %add3A_1387, %add3A_1388 : i32
        %dma_start3A_1390 = arith.constant 1 : i32
        %dma_start3A_1391 = arith.constant 0 : i32
        %dma_start3A_1392 = tpu.memref_slice %arg8[%dma_start3A_1390, %dma_start3A_1391] : memref<2x128xi32, #tpu.memory_space<vmem>> -> memref<1x128xi32, #tpu.memory_space<vmem>>
        %dma_start3A_1393 = tpu.memref_squeeze %dma_start3A_1392 : memref<1x128xi32, #tpu.memory_space<vmem>> -> memref<128xi32, #tpu.memory_space<vmem>>
        %dma_start3A_1394 = tpu.memref_slice %arg2[%add3A_1389] : memref<819200xi32, #tpu.memory_space<hbm>> -> memref<128xi32, #tpu.memory_space<hbm>>
        %dma_start3A_1395 = arith.constant 0 : i32
        %dma_start3A_1396 = tpu.memref_slice %arg8[%dma_start3A_1390, %dma_start3A_1395] : memref<2x128xi32, #tpu.memory_space<vmem>> -> memref<1x128xi32, #tpu.memory_space<vmem>>
        %dma_start3A_1397 = tpu.memref_squeeze %dma_start3A_1396 : memref<1x128xi32, #tpu.memory_space<vmem>> -> memref<128xi32, #tpu.memory_space<vmem>>
        %dma_start3A_1398 = tpu.memref_slice %arg2[%add3A_1389] : memref<819200xi32, #tpu.memory_space<hbm>> -> memref<128xi32, #tpu.memory_space<hbm>>
        tpu.enqueue_dma source(%dma_start3A_1398 : memref<128xi32, #tpu.memory_space<hbm>>) target(%dma_start3A_1397 : memref<128xi32, #tpu.memory_space<vmem>>) target_semaphore(%arg19 : memref<!tpu.dma_semaphore, #tpu.memory_space<semaphore_mem>>)
      } else {
      }
      %gt3A = arith.constant 0 : i32
      %gt3A_695 = arith.cmpi sgt, %scan3A_625, %gt3A : i32
      %convert_element_type3A_696 = arith.extui %gt3A_695 : i1 to i32
      %cond3A_697 = arith.constant 0 : i32
      %cond3A_698 = arith.cmpi ne, %convert_element_type3A_696, %cond3A_697 : i32
      scf.if %cond3A_698 {
        %dma_wait3A_1369 = arith.constant 0 : i32
        %dma_wait3A_1370 = arith.constant 0 : i32
        %dma_wait3A_1371 = arith.constant 0 : i32
        %dma_wait3A_1372 = arith.constant 0 : i32
        %dma_wait3A_1373 = arith.constant 0 : i32
        %dma_wait3A_1374 = tpu.memref_slice %arg12[%dma_wait3A_1372, %dma_wait3A_1373] : memref<64x257xf32, #tpu.memory_space<vmem>> -> memref<8x128xf32, #tpu.memory_space<vmem>>
        %dma_wait3A_1375 = arith.constant 0 : i32
        %dma_wait3A_1376 = arith.constant 0 : i32
        %dma_wait3A_1377 = tpu.memref_slice %arg7[%dma_wait3A_1369, %dma_wait3A_1370, %dma_wait3A_1371, %dma_wait3A_1375, %dma_wait3A_1376] : memref<200x8x32x8x128xf32, #tpu.memory_space<hbm>> -> memref<1x1x1x8x128xf32, #tpu.memory_space<hbm>>
        %dma_wait3A_1378 = tpu.memref_squeeze %dma_wait3A_1377 : memref<1x1x1x8x128xf32, #tpu.memory_space<hbm>> -> memref<8x128xf32, #tpu.memory_space<hbm>>
        %dma_wait3A_1379 = arith.constant 0 : i32
        %dma_wait3A_1380 = arith.constant 0 : i32
        %dma_wait3A_1381 = tpu.memref_slice %arg7[%dma_wait3A_1369, %dma_wait3A_1370, %dma_wait3A_1371, %dma_wait3A_1379, %dma_wait3A_1380] : memref<200x8x32x8x128xf32, #tpu.memory_space<hbm>> -> memref<1x1x1x8x128xf32, #tpu.memory_space<hbm>>
        %dma_wait3A_1382 = tpu.memref_squeeze %dma_wait3A_1381 : memref<1x1x1x8x128xf32, #tpu.memory_space<hbm>> -> memref<8x128xf32, #tpu.memory_space<hbm>>
        %dma_wait3A_1383 = arith.constant 0 : i32
        %dma_wait3A_1384 = arith.constant 0 : i32
        %dma_wait3A_1385 = tpu.memref_slice %arg12[%dma_wait3A_1383, %dma_wait3A_1384] : memref<64x257xf32, #tpu.memory_space<vmem>> -> memref<8x128xf32, #tpu.memory_space<vmem>>
        tpu.wait_dma2 semaphore(%arg21 : memref<!tpu.dma_semaphore, #tpu.memory_space<semaphore_mem>>) src(%dma_wait3A_1385 : memref<8x128xf32, #tpu.memory_space<vmem>>) dst(%dma_wait3A_1382 : memref<8x128xf32, #tpu.memory_space<hbm>>)
        %dma_wait3A_1386 = arith.constant 0 : i32
        %dma_wait3A_1387 = arith.constant 0 : i32
        %dma_wait3A_1388 = arith.constant 0 : i32
        %dma_wait3A_1389 = arith.constant 0 : i32
        %dma_wait3A_1390 = arith.constant 128 : i32
        %dma_wait3A_1391 = tpu.memref_slice %arg12[%dma_wait3A_1389, %dma_wait3A_1390] : memref<64x257xf32, #tpu.memory_space<vmem>> -> memref<8x128xf32, #tpu.memory_space<vmem>>
        %dma_wait3A_1392 = arith.constant 0 : i32
        %dma_wait3A_1393 = arith.constant 0 : i32
        %dma_wait3A_1394 = tpu.memref_slice %arg7[%dma_wait3A_1386, %dma_wait3A_1387, %dma_wait3A_1388, %dma_wait3A_1392, %dma_wait3A_1393] : memref<200x8x32x8x128xf32, #tpu.memory_space<hbm>> -> memref<1x1x1x8x128xf32, #tpu.memory_space<hbm>>
        %dma_wait3A_1395 = tpu.memref_squeeze %dma_wait3A_1394 : memref<1x1x1x8x128xf32, #tpu.memory_space<hbm>> -> memref<8x128xf32, #tpu.memory_space<hbm>>
        %dma_wait3A_1396 = arith.constant 0 : i32
        %dma_wait3A_1397 = arith.constant 0 : i32
        %dma_wait3A_1398 = tpu.memref_slice %arg7[%dma_wait3A_1386, %dma_wait3A_1387, %dma_wait3A_1388, %dma_wait3A_1396, %dma_wait3A_1397] : memref<200x8x32x8x128xf32, #tpu.memory_space<hbm>> -> memref<1x1x1x8x128xf32, #tpu.memory_space<hbm>>
        %dma_wait3A_1399 = tpu.memref_squeeze %dma_wait3A_1398 : memref<1x1x1x8x128xf32, #tpu.memory_space<hbm>> -> memref<8x128xf32, #tpu.memory_space<hbm>>
        %dma_wait3A_1400 = arith.constant 0 : i32
        %dma_wait3A_1401 = arith.constant 128 : i32
        %dma_wait3A_1402 = tpu.memref_slice %arg12[%dma_wait3A_1400, %dma_wait3A_1401] : memref<64x257xf32, #tpu.memory_space<vmem>> -> memref<8x128xf32, #tpu.memory_space<vmem>>
        tpu.wait_dma2 semaphore(%arg21 : memref<!tpu.dma_semaphore, #tpu.memory_space<semaphore_mem>>) src(%dma_wait3A_1402 : memref<8x128xf32, #tpu.memory_space<vmem>>) dst(%dma_wait3A_1399 : memref<8x128xf32, #tpu.memory_space<hbm>>)
        %dma_wait3A_1403 = arith.constant 0 : i32
        %dma_wait3A_1404 = arith.constant 0 : i32
        %dma_wait3A_1405 = arith.constant 0 : i32
        %dma_wait3A_1406 = arith.constant 8 : i32
        %dma_wait3A_1407 = arith.constant 0 : i32
        %dma_wait3A_1408 = tpu.memref_slice %arg12[%dma_wait3A_1406, %dma_wait3A_1407] : memref<64x257xf32, #tpu.memory_space<vmem>> -> memref<8x128xf32, #tpu.memory_space<vmem>>
        %dma_wait3A_1409 = arith.constant 0 : i32
        %dma_wait3A_1410 = arith.constant 0 : i32
        %dma_wait3A_1411 = tpu.memref_slice %arg7[%dma_wait3A_1403, %dma_wait3A_1404, %dma_wait3A_1405, %dma_wait3A_1409, %dma_wait3A_1410] : memref<200x8x32x8x128xf32, #tpu.memory_space<hbm>> -> memref<1x1x1x8x128xf32, #tpu.memory_space<hbm>>
        %dma_wait3A_1412 = tpu.memref_squeeze %dma_wait3A_1411 : memref<1x1x1x8x128xf32, #tpu.memory_space<hbm>> -> memref<8x128xf32, #tpu.memory_space<hbm>>
        %dma_wait3A_1413 = arith.constant 0 : i32
        %dma_wait3A_1414 = arith.constant 0 : i32
        %dma_wait3A_1415 = tpu.memref_slice %arg7[%dma_wait3A_1403, %dma_wait3A_1404, %dma_wait3A_1405, %dma_wait3A_1413, %dma_wait3A_1414] : memref<200x8x32x8x128xf32, #tpu.memory_space<hbm>> -> memref<1x1x1x8x128xf32, #tpu.memory_space<hbm>>
        %dma_wait3A_1416 = tpu.memref_squeeze %dma_wait3A_1415 : memref<1x1x1x8x128xf32, #tpu.memory_space<hbm>> -> memref<8x128xf32, #tpu.memory_space<hbm>>
        %dma_wait3A_1417 = arith.constant 8 : i32
        %dma_wait3A_1418 = arith.constant 0 : i32
        %dma_wait3A_1419 = tpu.memref_slice %arg12[%dma_wait3A_1417, %dma_wait3A_1418] : memref<64x257xf32, #tpu.memory_space<vmem>> -> memref<8x128xf32, #tpu.memory_space<vmem>>
        tpu.wait_dma2 semaphore(%arg21 : memref<!tpu.dma_semaphore, #tpu.memory_space<semaphore_mem>>) src(%dma_wait3A_1419 : memref<8x128xf32, #tpu.memory_space<vmem>>) dst(%dma_wait3A_1416 : memref<8x128xf32, #tpu.memory_space<hbm>>)
        %dma_wait3A_1420 = arith.constant 0 : i32
        %dma_wait3A_1421 = arith.constant 0 : i32
        %dma_wait3A_1422 = arith.constant 0 : i32
        %dma_wait3A_1423 = arith.constant 8 : i32
        %dma_wait3A_1424 = arith.constant 128 : i32
        %dma_wait3A_1425 = tpu.memref_slice %arg12[%dma_wait3A_1423, %dma_wait3A_1424] : memref<64x257xf32, #tpu.memory_space<vmem>> -> memref<8x128xf32, #tpu.memory_space<vmem>>
        %dma_wait3A_1426 = arith.constant 0 : i32
        %dma_wait3A_1427 = arith.constant 0 : i32
        %dma_wait3A_1428 = tpu.memref_slice %arg7[%dma_wait3A_1420, %dma_wait3A_1421, %dma_wait3A_1422, %dma_wait3A_1426, %dma_wait3A_1427] : memref<200x8x32x8x128xf32, #tpu.memory_space<hbm>> -> memref<1x1x1x8x128xf32, #tpu.memory_space<hbm>>
        %dma_wait3A_1429 = tpu.memref_squeeze %dma_wait3A_1428 : memref<1x1x1x8x128xf32, #tpu.memory_space<hbm>> -> memref<8x128xf32, #tpu.memory_space<hbm>>
        %dma_wait3A_1430 = arith.constant 0 : i32
        %dma_wait3A_1431 = arith.constant 0 : i32
        %dma_wait3A_1432 = tpu.memref_slice %arg7[%dma_wait3A_1420, %dma_wait3A_1421, %dma_wait3A_1422, %dma_wait3A_1430, %dma_wait3A_1431] : memref<200x8x32x8x128xf32, #tpu.memory_space<hbm>> -> memref<1x1x1x8x128xf32, #tpu.memory_space<hbm>>
        %dma_wait3A_1433 = tpu.memref_squeeze %dma_wait3A_1432 : memref<1x1x1x8x128xf32, #tpu.memory_space<hbm>> -> memref<8x128xf32, #tpu.memory_space<hbm>>
        %dma_wait3A_1434 = arith.constant 8 : i32
        %dma_wait3A_1435 = arith.constant 128 : i32
        %dma_wait3A_1436 = tpu.memref_slice %arg12[%dma_wait3A_1434, %dma_wait3A_1435] : memref<64x257xf32, #tpu.memory_space<vmem>> -> memref<8x128xf32, #tpu.memory_space<vmem>>
        tpu.wait_dma2 semaphore(%arg21 : memref<!tpu.dma_semaphore, #tpu.memory_space<semaphore_mem>>) src(%dma_wait3A_1436 : memref<8x128xf32, #tpu.memory_space<vmem>>) dst(%dma_wait3A_1433 : memref<8x128xf32, #tpu.memory_space<hbm>>)
        %dma_wait3A_1437 = arith.constant 0 : i32
        %dma_wait3A_1438 = arith.constant 0 : i32
        %dma_wait3A_1439 = arith.constant 0 : i32
        %dma_wait3A_1440 = arith.constant 16 : i32
        %dma_wait3A_1441 = arith.constant 0 : i32
        %dma_wait3A_1442 = tpu.memref_slice %arg12[%dma_wait3A_1440, %dma_wait3A_1441] : memref<64x257xf32, #tpu.memory_space<vmem>> -> memref<8x128xf32, #tpu.memory_space<vmem>>
        %dma_wait3A_1443 = arith.constant 0 : i32
        %dma_wait3A_1444 = arith.constant 0 : i32
        %dma_wait3A_1445 = tpu.memref_slice %arg7[%dma_wait3A_1437, %dma_wait3A_1438, %dma_wait3A_1439, %dma_wait3A_1443, %dma_wait3A_1444] : memref<200x8x32x8x128xf32, #tpu.memory_space<hbm>> -> memref<1x1x1x8x128xf32, #tpu.memory_space<hbm>>
        %dma_wait3A_1446 = tpu.memref_squeeze %dma_wait3A_1445 : memref<1x1x1x8x128xf32, #tpu.memory_space<hbm>> -> memref<8x128xf32, #tpu.memory_space<hbm>>
        %dma_wait3A_1447 = arith.constant 0 : i32
        %dma_wait3A_1448 = arith.constant 0 : i32
        %dma_wait3A_1449 = tpu.memref_slice %arg7[%dma_wait3A_1437, %dma_wait3A_1438, %dma_wait3A_1439, %dma_wait3A_1447, %dma_wait3A_1448] : memref<200x8x32x8x128xf32, #tpu.memory_space<hbm>> -> memref<1x1x1x8x128xf32, #tpu.memory_space<hbm>>
        %dma_wait3A_1450 = tpu.memref_squeeze %dma_wait3A_1449 : memref<1x1x1x8x128xf32, #tpu.memory_space<hbm>> -> memref<8x128xf32, #tpu.memory_space<hbm>>
        %dma_wait3A_1451 = arith.constant 16 : i32
        %dma_wait3A_1452 = arith.constant 0 : i32
        %dma_wait3A_1453 = tpu.memref_slice %arg12[%dma_wait3A_1451, %dma_wait3A_1452] : memref<64x257xf32, #tpu.memory_space<vmem>> -> memref<8x128xf32, #tpu.memory_space<vmem>>
        tpu.wait_dma2 semaphore(%arg21 : memref<!tpu.dma_semaphore, #tpu.memory_space<semaphore_mem>>) src(%dma_wait3A_1453 : memref<8x128xf32, #tpu.memory_space<vmem>>) dst(%dma_wait3A_1450 : memref<8x128xf32, #tpu.memory_space<hbm>>)
        %dma_wait3A_1454 = arith.constant 0 : i32
        %dma_wait3A_1455 = arith.constant 0 : i32
        %dma_wait3A_1456 = arith.constant 0 : i32
        %dma_wait3A_1457 = arith.constant 16 : i32
        %dma_wait3A_1458 = arith.constant 128 : i32
        %dma_wait3A_1459 = tpu.memref_slice %arg12[%dma_wait3A_1457, %dma_wait3A_1458] : memref<64x257xf32, #tpu.memory_space<vmem>> -> memref<8x128xf32, #tpu.memory_space<vmem>>
        %dma_wait3A_1460 = arith.constant 0 : i32
        %dma_wait3A_1461 = arith.constant 0 : i32
        %dma_wait3A_1462 = tpu.memref_slice %arg7[%dma_wait3A_1454, %dma_wait3A_1455, %dma_wait3A_1456, %dma_wait3A_1460, %dma_wait3A_1461] : memref<200x8x32x8x128xf32, #tpu.memory_space<hbm>> -> memref<1x1x1x8x128xf32, #tpu.memory_space<hbm>>
        %dma_wait3A_1463 = tpu.memref_squeeze %dma_wait3A_1462 : memref<1x1x1x8x128xf32, #tpu.memory_space<hbm>> -> memref<8x128xf32, #tpu.memory_space<hbm>>
        %dma_wait3A_1464 = arith.constant 0 : i32
        %dma_wait3A_1465 = arith.constant 0 : i32
        %dma_wait3A_1466 = tpu.memref_slice %arg7[%dma_wait3A_1454, %dma_wait3A_1455, %dma_wait3A_1456, %dma_wait3A_1464, %dma_wait3A_1465] : memref<200x8x32x8x128xf32, #tpu.memory_space<hbm>> -> memref<1x1x1x8x128xf32, #tpu.memory_space<hbm>>
        %dma_wait3A_1467 = tpu.memref_squeeze %dma_wait3A_1466 : memref<1x1x1x8x128xf32, #tpu.memory_space<hbm>> -> memref<8x128xf32, #tpu.memory_space<hbm>>
        %dma_wait3A_1468 = arith.constant 16 : i32
        %dma_wait3A_1469 = arith.constant 128 : i32
        %dma_wait3A_1470 = tpu.memref_slice %arg12[%dma_wait3A_1468, %dma_wait3A_1469] : memref<64x257xf32, #tpu.memory_space<vmem>> -> memref<8x128xf32, #tpu.memory_space<vmem>>
        tpu.wait_dma2 semaphore(%arg21 : memref<!tpu.dma_semaphore, #tpu.memory_space<semaphore_mem>>) src(%dma_wait3A_1470 : memref<8x128xf32, #tpu.memory_space<vmem>>) dst(%dma_wait3A_1467 : memref<8x128xf32, #tpu.memory_space<hbm>>)
        %dma_wait3A_1471 = arith.constant 0 : i32
        %dma_wait3A_1472 = arith.constant 0 : i32
        %dma_wait3A_1473 = arith.constant 0 : i32
        %dma_wait3A_1474 = arith.constant 24 : i32
        %dma_wait3A_1475 = arith.constant 0 : i32
        %dma_wait3A_1476 = tpu.memref_slice %arg12[%dma_wait3A_1474, %dma_wait3A_1475] : memref<64x257xf32, #tpu.memory_space<vmem>> -> memref<8x128xf32, #tpu.memory_space<vmem>>
        %dma_wait3A_1477 = arith.constant 0 : i32
        %dma_wait3A_1478 = arith.constant 0 : i32
        %dma_wait3A_1479 = tpu.memref_slice %arg7[%dma_wait3A_1471, %dma_wait3A_1472, %dma_wait3A_1473, %dma_wait3A_1477, %dma_wait3A_1478] : memref<200x8x32x8x128xf32, #tpu.memory_space<hbm>> -> memref<1x1x1x8x128xf32, #tpu.memory_space<hbm>>
        %dma_wait3A_1480 = tpu.memref_squeeze %dma_wait3A_1479 : memref<1x1x1x8x128xf32, #tpu.memory_space<hbm>> -> memref<8x128xf32, #tpu.memory_space<hbm>>
        %dma_wait3A_1481 = arith.constant 0 : i32
        %dma_wait3A_1482 = arith.constant 0 : i32
        %dma_wait3A_1483 = tpu.memref_slice %arg7[%dma_wait3A_1471, %dma_wait3A_1472, %dma_wait3A_1473, %dma_wait3A_1481, %dma_wait3A_1482] : memref<200x8x32x8x128xf32, #tpu.memory_space<hbm>> -> memref<1x1x1x8x128xf32, #tpu.memory_space<hbm>>
        %dma_wait3A_1484 = tpu.memref_squeeze %dma_wait3A_1483 : memref<1x1x1x8x128xf32, #tpu.memory_space<hbm>> -> memref<8x128xf32, #tpu.memory_space<hbm>>
        %dma_wait3A_1485 = arith.constant 24 : i32
        %dma_wait3A_1486 = arith.constant 0 : i32
        %dma_wait3A_1487 = tpu.memref_slice %arg12[%dma_wait3A_1485, %dma_wait3A_1486] : memref<64x257xf32, #tpu.memory_space<vmem>> -> memref<8x128xf32, #tpu.memory_space<vmem>>
        tpu.wait_dma2 semaphore(%arg21 : memref<!tpu.dma_semaphore, #tpu.memory_space<semaphore_mem>>) src(%dma_wait3A_1487 : memref<8x128xf32, #tpu.memory_space<vmem>>) dst(%dma_wait3A_1484 : memref<8x128xf32, #tpu.memory_space<hbm>>)
        %dma_wait3A_1488 = arith.constant 0 : i32
        %dma_wait3A_1489 = arith.constant 0 : i32
        %dma_wait3A_1490 = arith.constant 0 : i32
        %dma_wait3A_1491 = arith.constant 24 : i32
        %dma_wait3A_1492 = arith.constant 128 : i32
        %dma_wait3A_1493 = tpu.memref_slice %arg12[%dma_wait3A_1491, %dma_wait3A_1492] : memref<64x257xf32, #tpu.memory_space<vmem>> -> memref<8x128xf32, #tpu.memory_space<vmem>>
        %dma_wait3A_1494 = arith.constant 0 : i32
        %dma_wait3A_1495 = arith.constant 0 : i32
        %dma_wait3A_1496 = tpu.memref_slice %arg7[%dma_wait3A_1488, %dma_wait3A_1489, %dma_wait3A_1490, %dma_wait3A_1494, %dma_wait3A_1495] : memref<200x8x32x8x128xf32, #tpu.memory_space<hbm>> -> memref<1x1x1x8x128xf32, #tpu.memory_space<hbm>>
        %dma_wait3A_1497 = tpu.memref_squeeze %dma_wait3A_1496 : memref<1x1x1x8x128xf32, #tpu.memory_space<hbm>> -> memref<8x128xf32, #tpu.memory_space<hbm>>
        %dma_wait3A_1498 = arith.constant 0 : i32
        %dma_wait3A_1499 = arith.constant 0 : i32
        %dma_wait3A_1500 = tpu.memref_slice %arg7[%dma_wait3A_1488, %dma_wait3A_1489, %dma_wait3A_1490, %dma_wait3A_1498, %dma_wait3A_1499] : memref<200x8x32x8x128xf32, #tpu.memory_space<hbm>> -> memref<1x1x1x8x128xf32, #tpu.memory_space<hbm>>
        %dma_wait3A_1501 = tpu.memref_squeeze %dma_wait3A_1500 : memref<1x1x1x8x128xf32, #tpu.memory_space<hbm>> -> memref<8x128xf32, #tpu.memory_space<hbm>>
        %dma_wait3A_1502 = arith.constant 24 : i32
        %dma_wait3A_1503 = arith.constant 128 : i32
        %dma_wait3A_1504 = tpu.memref_slice %arg12[%dma_wait3A_1502, %dma_wait3A_1503] : memref<64x257xf32, #tpu.memory_space<vmem>> -> memref<8x128xf32, #tpu.memory_space<vmem>>
        tpu.wait_dma2 semaphore(%arg21 : memref<!tpu.dma_semaphore, #tpu.memory_space<semaphore_mem>>) src(%dma_wait3A_1504 : memref<8x128xf32, #tpu.memory_space<vmem>>) dst(%dma_wait3A_1501 : memref<8x128xf32, #tpu.memory_space<hbm>>)
        %dma_wait3A_1505 = arith.constant 0 : i32
        %dma_wait3A_1506 = arith.constant 0 : i32
        %dma_wait3A_1507 = arith.constant 0 : i32
        %dma_wait3A_1508 = arith.constant 32 : i32
        %dma_wait3A_1509 = arith.constant 0 : i32
        %dma_wait3A_1510 = tpu.memref_slice %arg12[%dma_wait3A_1508, %dma_wait3A_1509] : memref<64x257xf32, #tpu.memory_space<vmem>> -> memref<8x128xf32, #tpu.memory_space<vmem>>
        %dma_wait3A_1511 = arith.constant 0 : i32
        %dma_wait3A_1512 = arith.constant 0 : i32
        %dma_wait3A_1513 = tpu.memref_slice %arg7[%dma_wait3A_1505, %dma_wait3A_1506, %dma_wait3A_1507, %dma_wait3A_1511, %dma_wait3A_1512] : memref<200x8x32x8x128xf32, #tpu.memory_space<hbm>> -> memref<1x1x1x8x128xf32, #tpu.memory_space<hbm>>
        %dma_wait3A_1514 = tpu.memref_squeeze %dma_wait3A_1513 : memref<1x1x1x8x128xf32, #tpu.memory_space<hbm>> -> memref<8x128xf32, #tpu.memory_space<hbm>>
        %dma_wait3A_1515 = arith.constant 0 : i32
        %dma_wait3A_1516 = arith.constant 0 : i32
        %dma_wait3A_1517 = tpu.memref_slice %arg7[%dma_wait3A_1505, %dma_wait3A_1506, %dma_wait3A_1507, %dma_wait3A_1515, %dma_wait3A_1516] : memref<200x8x32x8x128xf32, #tpu.memory_space<hbm>> -> memref<1x1x1x8x128xf32, #tpu.memory_space<hbm>>
        %dma_wait3A_1518 = tpu.memref_squeeze %dma_wait3A_1517 : memref<1x1x1x8x128xf32, #tpu.memory_space<hbm>> -> memref<8x128xf32, #tpu.memory_space<hbm>>
        %dma_wait3A_1519 = arith.constant 32 : i32
        %dma_wait3A_1520 = arith.constant 0 : i32
        %dma_wait3A_1521 = tpu.memref_slice %arg12[%dma_wait3A_1519, %dma_wait3A_1520] : memref<64x257xf32, #tpu.memory_space<vmem>> -> memref<8x128xf32, #tpu.memory_space<vmem>>
        tpu.wait_dma2 semaphore(%arg21 : memref<!tpu.dma_semaphore, #tpu.memory_space<semaphore_mem>>) src(%dma_wait3A_1521 : memref<8x128xf32, #tpu.memory_space<vmem>>) dst(%dma_wait3A_1518 : memref<8x128xf32, #tpu.memory_space<hbm>>)
        %dma_wait3A_1522 = arith.constant 0 : i32
        %dma_wait3A_1523 = arith.constant 0 : i32
        %dma_wait3A_1524 = arith.constant 0 : i32
        %dma_wait3A_1525 = arith.constant 32 : i32
        %dma_wait3A_1526 = arith.constant 128 : i32
        %dma_wait3A_1527 = tpu.memref_slice %arg12[%dma_wait3A_1525, %dma_wait3A_1526] : memref<64x257xf32, #tpu.memory_space<vmem>> -> memref<8x128xf32, #tpu.memory_space<vmem>>
        %dma_wait3A_1528 = arith.constant 0 : i32
        %dma_wait3A_1529 = arith.constant 0 : i32
        %dma_wait3A_1530 = tpu.memref_slice %arg7[%dma_wait3A_1522, %dma_wait3A_1523, %dma_wait3A_1524, %dma_wait3A_1528, %dma_wait3A_1529] : memref<200x8x32x8x128xf32, #tpu.memory_space<hbm>> -> memref<1x1x1x8x128xf32, #tpu.memory_space<hbm>>
        %dma_wait3A_1531 = tpu.memref_squeeze %dma_wait3A_1530 : memref<1x1x1x8x128xf32, #tpu.memory_space<hbm>> -> memref<8x128xf32, #tpu.memory_space<hbm>>
        %dma_wait3A_1532 = arith.constant 0 : i32
        %dma_wait3A_1533 = arith.constant 0 : i32
        %dma_wait3A_1534 = tpu.memref_slice %arg7[%dma_wait3A_1522, %dma_wait3A_1523, %dma_wait3A_1524, %dma_wait3A_1532, %dma_wait3A_1533] : memref<200x8x32x8x128xf32, #tpu.memory_space<hbm>> -> memref<1x1x1x8x128xf32, #tpu.memory_space<hbm>>
        %dma_wait3A_1535 = tpu.memref_squeeze %dma_wait3A_1534 : memref<1x1x1x8x128xf32, #tpu.memory_space<hbm>> -> memref<8x128xf32, #tpu.memory_space<hbm>>
        %dma_wait3A_1536 = arith.constant 32 : i32
        %dma_wait3A_1537 = arith.constant 128 : i32
        %dma_wait3A_1538 = tpu.memref_slice %arg12[%dma_wait3A_1536, %dma_wait3A_1537] : memref<64x257xf32, #tpu.memory_space<vmem>> -> memref<8x128xf32, #tpu.memory_space<vmem>>
        tpu.wait_dma2 semaphore(%arg21 : memref<!tpu.dma_semaphore, #tpu.memory_space<semaphore_mem>>) src(%dma_wait3A_1538 : memref<8x128xf32, #tpu.memory_space<vmem>>) dst(%dma_wait3A_1535 : memref<8x128xf32, #tpu.memory_space<hbm>>)
        %dma_wait3A_1539 = arith.constant 0 : i32
        %dma_wait3A_1540 = arith.constant 0 : i32
        %dma_wait3A_1541 = arith.constant 0 : i32
        %dma_wait3A_1542 = arith.constant 40 : i32
        %dma_wait3A_1543 = arith.constant 0 : i32
        %dma_wait3A_1544 = tpu.memref_slice %arg12[%dma_wait3A_1542, %dma_wait3A_1543] : memref<64x257xf32, #tpu.memory_space<vmem>> -> memref<8x128xf32, #tpu.memory_space<vmem>>
        %dma_wait3A_1545 = arith.constant 0 : i32
        %dma_wait3A_1546 = arith.constant 0 : i32
        %dma_wait3A_1547 = tpu.memref_slice %arg7[%dma_wait3A_1539, %dma_wait3A_1540, %dma_wait3A_1541, %dma_wait3A_1545, %dma_wait3A_1546] : memref<200x8x32x8x128xf32, #tpu.memory_space<hbm>> -> memref<1x1x1x8x128xf32, #tpu.memory_space<hbm>>
        %dma_wait3A_1548 = tpu.memref_squeeze %dma_wait3A_1547 : memref<1x1x1x8x128xf32, #tpu.memory_space<hbm>> -> memref<8x128xf32, #tpu.memory_space<hbm>>
        %dma_wait3A_1549 = arith.constant 0 : i32
        %dma_wait3A_1550 = arith.constant 0 : i32
        %dma_wait3A_1551 = tpu.memref_slice %arg7[%dma_wait3A_1539, %dma_wait3A_1540, %dma_wait3A_1541, %dma_wait3A_1549, %dma_wait3A_1550] : memref<200x8x32x8x128xf32, #tpu.memory_space<hbm>> -> memref<1x1x1x8x128xf32, #tpu.memory_space<hbm>>
        %dma_wait3A_1552 = tpu.memref_squeeze %dma_wait3A_1551 : memref<1x1x1x8x128xf32, #tpu.memory_space<hbm>> -> memref<8x128xf32, #tpu.memory_space<hbm>>
        %dma_wait3A_1553 = arith.constant 40 : i32
        %dma_wait3A_1554 = arith.constant 0 : i32
        %dma_wait3A_1555 = tpu.memref_slice %arg12[%dma_wait3A_1553, %dma_wait3A_1554] : memref<64x257xf32, #tpu.memory_space<vmem>> -> memref<8x128xf32, #tpu.memory_space<vmem>>
        tpu.wait_dma2 semaphore(%arg21 : memref<!tpu.dma_semaphore, #tpu.memory_space<semaphore_mem>>) src(%dma_wait3A_1555 : memref<8x128xf32, #tpu.memory_space<vmem>>) dst(%dma_wait3A_1552 : memref<8x128xf32, #tpu.memory_space<hbm>>)
        %dma_wait3A_1556 = arith.constant 0 : i32
        %dma_wait3A_1557 = arith.constant 0 : i32
        %dma_wait3A_1558 = arith.constant 0 : i32
        %dma_wait3A_1559 = arith.constant 40 : i32
        %dma_wait3A_1560 = arith.constant 128 : i32
        %dma_wait3A_1561 = tpu.memref_slice %arg12[%dma_wait3A_1559, %dma_wait3A_1560] : memref<64x257xf32, #tpu.memory_space<vmem>> -> memref<8x128xf32, #tpu.memory_space<vmem>>
        %dma_wait3A_1562 = arith.constant 0 : i32
        %dma_wait3A_1563 = arith.constant 0 : i32
        %dma_wait3A_1564 = tpu.memref_slice %arg7[%dma_wait3A_1556, %dma_wait3A_1557, %dma_wait3A_1558, %dma_wait3A_1562, %dma_wait3A_1563] : memref<200x8x32x8x128xf32, #tpu.memory_space<hbm>> -> memref<1x1x1x8x128xf32, #tpu.memory_space<hbm>>
        %dma_wait3A_1565 = tpu.memref_squeeze %dma_wait3A_1564 : memref<1x1x1x8x128xf32, #tpu.memory_space<hbm>> -> memref<8x128xf32, #tpu.memory_space<hbm>>
        %dma_wait3A_1566 = arith.constant 0 : i32
        %dma_wait3A_1567 = arith.constant 0 : i32
        %dma_wait3A_1568 = tpu.memref_slice %arg7[%dma_wait3A_1556, %dma_wait3A_1557, %dma_wait3A_1558, %dma_wait3A_1566, %dma_wait3A_1567] : memref<200x8x32x8x128xf32, #tpu.memory_space<hbm>> -> memref<1x1x1x8x128xf32, #tpu.memory_space<hbm>>
        %dma_wait3A_1569 = tpu.memref_squeeze %dma_wait3A_1568 : memref<1x1x1x8x128xf32, #tpu.memory_space<hbm>> -> memref<8x128xf32, #tpu.memory_space<hbm>>
        %dma_wait3A_1570 = arith.constant 40 : i32
        %dma_wait3A_1571 = arith.constant 128 : i32
        %dma_wait3A_1572 = tpu.memref_slice %arg12[%dma_wait3A_1570, %dma_wait3A_1571] : memref<64x257xf32, #tpu.memory_space<vmem>> -> memref<8x128xf32, #tpu.memory_space<vmem>>
        tpu.wait_dma2 semaphore(%arg21 : memref<!tpu.dma_semaphore, #tpu.memory_space<semaphore_mem>>) src(%dma_wait3A_1572 : memref<8x128xf32, #tpu.memory_space<vmem>>) dst(%dma_wait3A_1569 : memref<8x128xf32, #tpu.memory_space<hbm>>)
        %dma_wait3A_1573 = arith.constant 0 : i32
        %dma_wait3A_1574 = arith.constant 0 : i32
        %dma_wait3A_1575 = arith.constant 0 : i32
        %dma_wait3A_1576 = arith.constant 48 : i32
        %dma_wait3A_1577 = arith.constant 0 : i32
        %dma_wait3A_1578 = tpu.memref_slice %arg12[%dma_wait3A_1576, %dma_wait3A_1577] : memref<64x257xf32, #tpu.memory_space<vmem>> -> memref<8x128xf32, #tpu.memory_space<vmem>>
        %dma_wait3A_1579 = arith.constant 0 : i32
        %dma_wait3A_1580 = arith.constant 0 : i32
        %dma_wait3A_1581 = tpu.memref_slice %arg7[%dma_wait3A_1573, %dma_wait3A_1574, %dma_wait3A_1575, %dma_wait3A_1579, %dma_wait3A_1580] : memref<200x8x32x8x128xf32, #tpu.memory_space<hbm>> -> memref<1x1x1x8x128xf32, #tpu.memory_space<hbm>>
        %dma_wait3A_1582 = tpu.memref_squeeze %dma_wait3A_1581 : memref<1x1x1x8x128xf32, #tpu.memory_space<hbm>> -> memref<8x128xf32, #tpu.memory_space<hbm>>
        %dma_wait3A_1583 = arith.constant 0 : i32
        %dma_wait3A_1584 = arith.constant 0 : i32
        %dma_wait3A_1585 = tpu.memref_slice %arg7[%dma_wait3A_1573, %dma_wait3A_1574, %dma_wait3A_1575, %dma_wait3A_1583, %dma_wait3A_1584] : memref<200x8x32x8x128xf32, #tpu.memory_space<hbm>> -> memref<1x1x1x8x128xf32, #tpu.memory_space<hbm>>
        %dma_wait3A_1586 = tpu.memref_squeeze %dma_wait3A_1585 : memref<1x1x1x8x128xf32, #tpu.memory_space<hbm>> -> memref<8x128xf32, #tpu.memory_space<hbm>>
        %dma_wait3A_1587 = arith.constant 48 : i32
        %dma_wait3A_1588 = arith.constant 0 : i32
        %dma_wait3A_1589 = tpu.memref_slice %arg12[%dma_wait3A_1587, %dma_wait3A_1588] : memref<64x257xf32, #tpu.memory_space<vmem>> -> memref<8x128xf32, #tpu.memory_space<vmem>>
        tpu.wait_dma2 semaphore(%arg21 : memref<!tpu.dma_semaphore, #tpu.memory_space<semaphore_mem>>) src(%dma_wait3A_1589 : memref<8x128xf32, #tpu.memory_space<vmem>>) dst(%dma_wait3A_1586 : memref<8x128xf32, #tpu.memory_space<hbm>>)
        %dma_wait3A_1590 = arith.constant 0 : i32
        %dma_wait3A_1591 = arith.constant 0 : i32
        %dma_wait3A_1592 = arith.constant 0 : i32
        %dma_wait3A_1593 = arith.constant 48 : i32
        %dma_wait3A_1594 = arith.constant 128 : i32
        %dma_wait3A_1595 = tpu.memref_slice %arg12[%dma_wait3A_1593, %dma_wait3A_1594] : memref<64x257xf32, #tpu.memory_space<vmem>> -> memref<8x128xf32, #tpu.memory_space<vmem>>
        %dma_wait3A_1596 = arith.constant 0 : i32
        %dma_wait3A_1597 = arith.constant 0 : i32
        %dma_wait3A_1598 = tpu.memref_slice %arg7[%dma_wait3A_1590, %dma_wait3A_1591, %dma_wait3A_1592, %dma_wait3A_1596, %dma_wait3A_1597] : memref<200x8x32x8x128xf32, #tpu.memory_space<hbm>> -> memref<1x1x1x8x128xf32, #tpu.memory_space<hbm>>
        %dma_wait3A_1599 = tpu.memref_squeeze %dma_wait3A_1598 : memref<1x1x1x8x128xf32, #tpu.memory_space<hbm>> -> memref<8x128xf32, #tpu.memory_space<hbm>>
        %dma_wait3A_1600 = arith.constant 0 : i32
        %dma_wait3A_1601 = arith.constant 0 : i32
        %dma_wait3A_1602 = tpu.memref_slice %arg7[%dma_wait3A_1590, %dma_wait3A_1591, %dma_wait3A_1592, %dma_wait3A_1600, %dma_wait3A_1601] : memref<200x8x32x8x128xf32, #tpu.memory_space<hbm>> -> memref<1x1x1x8x128xf32, #tpu.memory_space<hbm>>
        %dma_wait3A_1603 = tpu.memref_squeeze %dma_wait3A_1602 : memref<1x1x1x8x128xf32, #tpu.memory_space<hbm>> -> memref<8x128xf32, #tpu.memory_space<hbm>>
        %dma_wait3A_1604 = arith.constant 48 : i32
        %dma_wait3A_1605 = arith.constant 128 : i32
        %dma_wait3A_1606 = tpu.memref_slice %arg12[%dma_wait3A_1604, %dma_wait3A_1605] : memref<64x257xf32, #tpu.memory_space<vmem>> -> memref<8x128xf32, #tpu.memory_space<vmem>>
        tpu.wait_dma2 semaphore(%arg21 : memref<!tpu.dma_semaphore, #tpu.memory_space<semaphore_mem>>) src(%dma_wait3A_1606 : memref<8x128xf32, #tpu.memory_space<vmem>>) dst(%dma_wait3A_1603 : memref<8x128xf32, #tpu.memory_space<hbm>>)
        %dma_wait3A_1607 = arith.constant 0 : i32
        %dma_wait3A_1608 = arith.constant 0 : i32
        %dma_wait3A_1609 = arith.constant 0 : i32
        %dma_wait3A_1610 = arith.constant 56 : i32
        %dma_wait3A_1611 = arith.constant 0 : i32
        %dma_wait3A_1612 = tpu.memref_slice %arg12[%dma_wait3A_1610, %dma_wait3A_1611] : memref<64x257xf32, #tpu.memory_space<vmem>> -> memref<8x128xf32, #tpu.memory_space<vmem>>
        %dma_wait3A_1613 = arith.constant 0 : i32
        %dma_wait3A_1614 = arith.constant 0 : i32
        %dma_wait3A_1615 = tpu.memref_slice %arg7[%dma_wait3A_1607, %dma_wait3A_1608, %dma_wait3A_1609, %dma_wait3A_1613, %dma_wait3A_1614] : memref<200x8x32x8x128xf32, #tpu.memory_space<hbm>> -> memref<1x1x1x8x128xf32, #tpu.memory_space<hbm>>
        %dma_wait3A_1616 = tpu.memref_squeeze %dma_wait3A_1615 : memref<1x1x1x8x128xf32, #tpu.memory_space<hbm>> -> memref<8x128xf32, #tpu.memory_space<hbm>>
        %dma_wait3A_1617 = arith.constant 0 : i32
        %dma_wait3A_1618 = arith.constant 0 : i32
        %dma_wait3A_1619 = tpu.memref_slice %arg7[%dma_wait3A_1607, %dma_wait3A_1608, %dma_wait3A_1609, %dma_wait3A_1617, %dma_wait3A_1618] : memref<200x8x32x8x128xf32, #tpu.memory_space<hbm>> -> memref<1x1x1x8x128xf32, #tpu.memory_space<hbm>>
        %dma_wait3A_1620 = tpu.memref_squeeze %dma_wait3A_1619 : memref<1x1x1x8x128xf32, #tpu.memory_space<hbm>> -> memref<8x128xf32, #tpu.memory_space<hbm>>
        %dma_wait3A_1621 = arith.constant 56 : i32
        %dma_wait3A_1622 = arith.constant 0 : i32
        %dma_wait3A_1623 = tpu.memref_slice %arg12[%dma_wait3A_1621, %dma_wait3A_1622] : memref<64x257xf32, #tpu.memory_space<vmem>> -> memref<8x128xf32, #tpu.memory_space<vmem>>
        tpu.wait_dma2 semaphore(%arg21 : memref<!tpu.dma_semaphore, #tpu.memory_space<semaphore_mem>>) src(%dma_wait3A_1623 : memref<8x128xf32, #tpu.memory_space<vmem>>) dst(%dma_wait3A_1620 : memref<8x128xf32, #tpu.memory_space<hbm>>)
        %dma_wait3A_1624 = arith.constant 0 : i32
        %dma_wait3A_1625 = arith.constant 0 : i32
        %dma_wait3A_1626 = arith.constant 0 : i32
        %dma_wait3A_1627 = arith.constant 56 : i32
        %dma_wait3A_1628 = arith.constant 128 : i32
        %dma_wait3A_1629 = tpu.memref_slice %arg12[%dma_wait3A_1627, %dma_wait3A_1628] : memref<64x257xf32, #tpu.memory_space<vmem>> -> memref<8x128xf32, #tpu.memory_space<vmem>>
        %dma_wait3A_1630 = arith.constant 0 : i32
        %dma_wait3A_1631 = arith.constant 0 : i32
        %dma_wait3A_1632 = tpu.memref_slice %arg7[%dma_wait3A_1624, %dma_wait3A_1625, %dma_wait3A_1626, %dma_wait3A_1630, %dma_wait3A_1631] : memref<200x8x32x8x128xf32, #tpu.memory_space<hbm>> -> memref<1x1x1x8x128xf32, #tpu.memory_space<hbm>>
        %dma_wait3A_1633 = tpu.memref_squeeze %dma_wait3A_1632 : memref<1x1x1x8x128xf32, #tpu.memory_space<hbm>> -> memref<8x128xf32, #tpu.memory_space<hbm>>
        %dma_wait3A_1634 = arith.constant 0 : i32
        %dma_wait3A_1635 = arith.constant 0 : i32
        %dma_wait3A_1636 = tpu.memref_slice %arg7[%dma_wait3A_1624, %dma_wait3A_1625, %dma_wait3A_1626, %dma_wait3A_1634, %dma_wait3A_1635] : memref<200x8x32x8x128xf32, #tpu.memory_space<hbm>> -> memref<1x1x1x8x128xf32, #tpu.memory_space<hbm>>
        %dma_wait3A_1637 = tpu.memref_squeeze %dma_wait3A_1636 : memref<1x1x1x8x128xf32, #tpu.memory_space<hbm>> -> memref<8x128xf32, #tpu.memory_space<hbm>>
        %dma_wait3A_1638 = arith.constant 56 : i32
        %dma_wait3A_1639 = arith.constant 128 : i32
        %dma_wait3A_1640 = tpu.memref_slice %arg12[%dma_wait3A_1638, %dma_wait3A_1639] : memref<64x257xf32, #tpu.memory_space<vmem>> -> memref<8x128xf32, #tpu.memory_space<vmem>>
        tpu.wait_dma2 semaphore(%arg21 : memref<!tpu.dma_semaphore, #tpu.memory_space<semaphore_mem>>) src(%dma_wait3A_1640 : memref<8x128xf32, #tpu.memory_space<vmem>>) dst(%dma_wait3A_1637 : memref<8x128xf32, #tpu.memory_space<hbm>>)
      } else {
      }
      %mul3A_699 = arith.constant 256 : i32
      %mul3A_700 = arith.muli %add3A_630, %mul3A_699 : i32
      %add3A_701 = arith.addi %mul3A_2, %mul3A_700 : i32
      %shift_right_logical3A = arith.constant 12 : i32
      %shift_right_logical3A_702 = arith.shrui %add3A_701, %shift_right_logical3A : i32
      %get3A = arith.index_cast %shift_right_logical3A_702 : i32 to index
      %get3A_703 = arith.constant 0 : index
      %get3A_704 = tpu.vector_load %arg14[%get3A, %get3A_703] {strides = array<i32>} : memref<200x64xf32, #tpu.memory_space<vmem>>, vector<16xf32>,
      %get3A_705 = arith.index_cast %shift_right_logical3A_702 : i32 to index
      %get3A_706 = arith.constant 16 : index
      %get3A_707 = tpu.vector_load %arg14[%get3A_705, %get3A_706] {strides = array<i32>} : memref<200x64xf32, #tpu.memory_space<vmem>>, vector<16xf32>,
      %get3A_708 = arith.index_cast %shift_right_logical3A_702 : i32 to index
      %get3A_709 = arith.constant 32 : index
      %get3A_710 = tpu.vector_load %arg14[%get3A_708, %get3A_709] {strides = array<i32>} : memref<200x64xf32, #tpu.memory_space<vmem>>, vector<16xf32>,
      %get3A_711 = arith.index_cast %shift_right_logical3A_702 : i32 to index
      %get3A_712 = arith.constant 48 : index
      %get3A_713 = tpu.vector_load %arg14[%get3A_711, %get3A_712] {strides = array<i32>} : memref<200x64xf32, #tpu.memory_space<vmem>>, vector<16xf32>,
      %get3A_714 = arith.constant 0 : index
      %get3A_715 = tpu.vector_load %arg15[%get3A_714] {strides = array<i32>} : memref<64xf32, #tpu.memory_space<vmem>>, vector<16xf32>,
      %get3A_716 = arith.constant 16 : index
      %get3A_717 = tpu.vector_load %arg15[%get3A_716] {strides = array<i32>} : memref<64xf32, #tpu.memory_space<vmem>>, vector<16xf32>,
      %get3A_718 = arith.constant 32 : index
      %get3A_719 = tpu.vector_load %arg15[%get3A_718] {strides = array<i32>} : memref<64xf32, #tpu.memory_space<vmem>>, vector<16xf32>,
      %get3A_720 = arith.constant 48 : index
      %get3A_721 = tpu.vector_load %arg15[%get3A_720] {strides = array<i32>} : memref<64xf32, #tpu.memory_space<vmem>>, vector<16xf32>,
      %get3A_722 = arith.constant 0 : index
      %get3A_723 = tpu.vector_load %arg16[%get3A_722] {strides = array<i32>} : memref<64xf32, #tpu.memory_space<vmem>>, vector<16xf32>,
      %get3A_724 = arith.constant 16 : index
      %get3A_725 = tpu.vector_load %arg16[%get3A_724] {strides = array<i32>} : memref<64xf32, #tpu.memory_space<vmem>>, vector<16xf32>,
      %get3A_726 = arith.constant 32 : index
      %get3A_727 = tpu.vector_load %arg16[%get3A_726] {strides = array<i32>} : memref<64xf32, #tpu.memory_space<vmem>>, vector<16xf32>,
      %get3A_728 = arith.constant 48 : index
      %get3A_729 = tpu.vector_load %arg16[%get3A_728] {strides = array<i32>} : memref<64xf32, #tpu.memory_space<vmem>>, vector<16xf32>,
      %parallel_loop3A = arith.constant 0 : i32
      %parallel_loop3A_730 = arith.constant 256 : i32
      %parallel_loop3A_731 = arith.constant 1 : i32
      scf.for %parallel_loop3A_1369 = %parallel_loop3A to %parallel_loop3A_730 step %parallel_loop3A_731  : i32 {
        %parallel_loop3A_1370 = arith.index_cast %parallel_loop3A_1369 : i32 to index
        %parallel_loop3A_1371 = arith.constant 0 : index
        %parallel_loop3A_1372 = tpu.vector_load %arg10[%parallel_loop3A_1370, %parallel_loop3A_1371] {strides = array<i32>} : memref<256x64xf32, #tpu.memory_space<vmem>>, vector<16xf32>,
        %parallel_loop3A_1373 = arith.addf %parallel_loop3A_1372, %get3A_704 : vector<16xf32>
        %parallel_loop3A_1374 = arith.index_cast %parallel_loop3A_1369 : i32 to index
        %parallel_loop3A_1375 = arith.constant 16 : index
        %parallel_loop3A_1376 = tpu.vector_load %arg10[%parallel_loop3A_1374, %parallel_loop3A_1375] {strides = array<i32>} : memref<256x64xf32, #tpu.memory_space<vmem>>, vector<16xf32>,
        %parallel_loop3A_1377 = arith.addf %parallel_loop3A_1376, %get3A_707 : vector<16xf32>
        %parallel_loop3A_1378 = arith.index_cast %parallel_loop3A_1369 : i32 to index
        %parallel_loop3A_1379 = arith.constant 32 : index
        %parallel_loop3A_1380 = tpu.vector_load %arg10[%parallel_loop3A_1378, %parallel_loop3A_1379] {strides = array<i32>} : memref<256x64xf32, #tpu.memory_space<vmem>>, vector<16xf32>,
        %parallel_loop3A_1381 = arith.addf %parallel_loop3A_1380, %get3A_710 : vector<16xf32>
        %parallel_loop3A_1382 = arith.index_cast %parallel_loop3A_1369 : i32 to index
        %parallel_loop3A_1383 = arith.constant 48 : index
        %parallel_loop3A_1384 = tpu.vector_load %arg10[%parallel_loop3A_1382, %parallel_loop3A_1383] {strides = array<i32>} : memref<256x64xf32, #tpu.memory_space<vmem>>, vector<16xf32>,
        %parallel_loop3A_1385 = arith.addf %parallel_loop3A_1384, %get3A_713 : vector<16xf32>
        %parallel_loop3A_1386 = arith.addf %parallel_loop3A_1373, %parallel_loop3A_1377 : vector<16xf32>
        %parallel_loop3A_1387 = arith.addf %parallel_loop3A_1381, %parallel_loop3A_1385 : vector<16xf32>
        %parallel_loop3A_1388 = arith.addf %parallel_loop3A_1386, %parallel_loop3A_1387 : vector<16xf32>
        %parallel_loop3A_1389 = arith.mulf %parallel_loop3A_1373, %parallel_loop3A_1373 : vector<16xf32>
        %parallel_loop3A_1390 = arith.mulf %parallel_loop3A_1377, %parallel_loop3A_1377 : vector<16xf32>
        %parallel_loop3A_1391 = arith.addf %parallel_loop3A_1389, %parallel_loop3A_1390 : vector<16xf32>
        %parallel_loop3A_1392 = arith.mulf %parallel_loop3A_1381, %parallel_loop3A_1381 : vector<16xf32>
        %parallel_loop3A_1393 = arith.mulf %parallel_loop3A_1385, %parallel_loop3A_1385 : vector<16xf32>
        %parallel_loop3A_1394 = arith.addf %parallel_loop3A_1392, %parallel_loop3A_1393 : vector<16xf32>
        %parallel_loop3A_1395 = arith.addf %parallel_loop3A_1391, %parallel_loop3A_1394 : vector<16xf32>
        %parallel_loop3A_1396 = arith.constant 0 : i32
        %parallel_loop3A_1397 = vector.broadcast %parallel_loop3A_1396 : i32 to vector<16xi32>
        %parallel_loop3A_1398 = arith.cmpi slt, %xor3A_4, %parallel_loop3A_1397 : vector<16xi32>
        %parallel_loop3A_1399 = arith.constant 16 : i32
        %parallel_loop3A_1400 = vector.broadcast %parallel_loop3A_1399 : i32 to vector<16xi32>
        %parallel_loop3A_1401 = arith.addi %xor3A_4, %parallel_loop3A_1400 : vector<16xi32>
        %parallel_loop3A_1402 = arith.select %parallel_loop3A_1398, %parallel_loop3A_1401, %xor3A_4 : vector<16xi1>, vector<16xi32>
        %parallel_loop3A_1403 = vector.shape_cast %parallel_loop3A_1402 : vector<16xi32> to vector<16x1xi32>
        %parallel_loop3A_1404 = vector.shape_cast %parallel_loop3A_1403 : vector<16x1xi32> to vector<16xi32>
        %parallel_loop3A_1405 = tpu.dynamic_gather %parallel_loop3A_1388[%parallel_loop3A_1404] in [0] : vector<16xf32>, vector<16xi32> -> vector<16xf32>
        %parallel_loop3A_1406 = arith.addf %parallel_loop3A_1388, %parallel_loop3A_1405 : vector<16xf32>
        %parallel_loop3A_1407 = arith.constant 0 : i32
        %parallel_loop3A_1408 = vector.broadcast %parallel_loop3A_1407 : i32 to vector<16xi32>
        %parallel_loop3A_1409 = arith.cmpi slt, %xor3A_7, %parallel_loop3A_1408 : vector<16xi32>
        %parallel_loop3A_1410 = arith.constant 16 : i32
        %parallel_loop3A_1411 = vector.broadcast %parallel_loop3A_1410 : i32 to vector<16xi32>
        %parallel_loop3A_1412 = arith.addi %xor3A_7, %parallel_loop3A_1411 : vector<16xi32>
        %parallel_loop3A_1413 = arith.select %parallel_loop3A_1409, %parallel_loop3A_1412, %xor3A_7 : vector<16xi1>, vector<16xi32>
        %parallel_loop3A_1414 = vector.shape_cast %parallel_loop3A_1413 : vector<16xi32> to vector<16x1xi32>
        %parallel_loop3A_1415 = vector.shape_cast %parallel_loop3A_1414 : vector<16x1xi32> to vector<16xi32>
        %parallel_loop3A_1416 = tpu.dynamic_gather %parallel_loop3A_1406[%parallel_loop3A_1415] in [0] : vector<16xf32>, vector<16xi32> -> vector<16xf32>
        %parallel_loop3A_1417 = arith.addf %parallel_loop3A_1406, %parallel_loop3A_1416 : vector<16xf32>
        %parallel_loop3A_1418 = arith.constant 0 : i32
        %parallel_loop3A_1419 = vector.broadcast %parallel_loop3A_1418 : i32 to vector<16xi32>
        %parallel_loop3A_1420 = arith.cmpi slt, %xor3A_10, %parallel_loop3A_1419 : vector<16xi32>
        %parallel_loop3A_1421 = arith.constant 16 : i32
        %parallel_loop3A_1422 = vector.broadcast %parallel_loop3A_1421 : i32 to vector<16xi32>
        %parallel_loop3A_1423 = arith.addi %xor3A_10, %parallel_loop3A_1422 : vector<16xi32>
        %parallel_loop3A_1424 = arith.select %parallel_loop3A_1420, %parallel_loop3A_1423, %xor3A_10 : vector<16xi1>, vector<16xi32>
        %parallel_loop3A_1425 = vector.shape_cast %parallel_loop3A_1424 : vector<16xi32> to vector<16x1xi32>
        %parallel_loop3A_1426 = vector.shape_cast %parallel_loop3A_1425 : vector<16x1xi32> to vector<16xi32>
        %parallel_loop3A_1427 = tpu.dynamic_gather %parallel_loop3A_1417[%parallel_loop3A_1426] in [0] : vector<16xf32>, vector<16xi32> -> vector<16xf32>
        %parallel_loop3A_1428 = arith.addf %parallel_loop3A_1417, %parallel_loop3A_1427 : vector<16xf32>
        %parallel_loop3A_1429 = arith.constant 0 : i32
        %parallel_loop3A_1430 = vector.broadcast %parallel_loop3A_1429 : i32 to vector<16xi32>
        %parallel_loop3A_1431 = arith.cmpi slt, %xor3A_13, %parallel_loop3A_1430 : vector<16xi32>
        %parallel_loop3A_1432 = arith.constant 16 : i32
        %parallel_loop3A_1433 = vector.broadcast %parallel_loop3A_1432 : i32 to vector<16xi32>
        %parallel_loop3A_1434 = arith.addi %xor3A_13, %parallel_loop3A_1433 : vector<16xi32>
        %parallel_loop3A_1435 = arith.select %parallel_loop3A_1431, %parallel_loop3A_1434, %xor3A_13 : vector<16xi1>, vector<16xi32>
        %parallel_loop3A_1436 = vector.shape_cast %parallel_loop3A_1435 : vector<16xi32> to vector<16x1xi32>
        %parallel_loop3A_1437 = vector.shape_cast %parallel_loop3A_1436 : vector<16x1xi32> to vector<16xi32>
        %parallel_loop3A_1438 = tpu.dynamic_gather %parallel_loop3A_1428[%parallel_loop3A_1437] in [0] : vector<16xf32>, vector<16xi32> -> vector<16xf32>
        %parallel_loop3A_1439 = arith.addf %parallel_loop3A_1428, %parallel_loop3A_1438 : vector<16xf32>
        %parallel_loop3A_1440 = arith.constant 1.562500e-02 : f32
        %parallel_loop3A_1441 = vector.broadcast %parallel_loop3A_1440 : f32 to vector<16xf32>
        %parallel_loop3A_1442 = arith.mulf %parallel_loop3A_1439, %parallel_loop3A_1441 : vector<16xf32>
        %parallel_loop3A_1443 = arith.constant 0 : i32
        %parallel_loop3A_1444 = vector.broadcast %parallel_loop3A_1443 : i32 to vector<16xi32>
        %parallel_loop3A_1445 = arith.cmpi slt, %xor3A_4, %parallel_loop3A_1444 : vector<16xi32>
        %parallel_loop3A_1446 = arith.constant 16 : i32
        %parallel_loop3A_1447 = vector.broadcast %parallel_loop3A_1446 : i32 to vector<16xi32>
        %parallel_loop3A_1448 = arith.addi %xor3A_4, %parallel_loop3A_1447 : vector<16xi32>
        %parallel_loop3A_1449 = arith.select %parallel_loop3A_1445, %parallel_loop3A_1448, %xor3A_4 : vector<16xi1>, vector<16xi32>
        %parallel_loop3A_1450 = vector.shape_cast %parallel_loop3A_1449 : vector<16xi32> to vector<16x1xi32>
        %parallel_loop3A_1451 = vector.shape_cast %parallel_loop3A_1450 : vector<16x1xi32> to vector<16xi32>
        %parallel_loop3A_1452 = tpu.dynamic_gather %parallel_loop3A_1395[%parallel_loop3A_1451] in [0] : vector<16xf32>, vector<16xi32> -> vector<16xf32>
        %parallel_loop3A_1453 = arith.addf %parallel_loop3A_1395, %parallel_loop3A_1452 : vector<16xf32>
        %parallel_loop3A_1454 = arith.constant 0 : i32
        %parallel_loop3A_1455 = vector.broadcast %parallel_loop3A_1454 : i32 to vector<16xi32>
        %parallel_loop3A_1456 = arith.cmpi slt, %xor3A_7, %parallel_loop3A_1455 : vector<16xi32>
        %parallel_loop3A_1457 = arith.constant 16 : i32
        %parallel_loop3A_1458 = vector.broadcast %parallel_loop3A_1457 : i32 to vector<16xi32>
        %parallel_loop3A_1459 = arith.addi %xor3A_7, %parallel_loop3A_1458 : vector<16xi32>
        %parallel_loop3A_1460 = arith.select %parallel_loop3A_1456, %parallel_loop3A_1459, %xor3A_7 : vector<16xi1>, vector<16xi32>
        %parallel_loop3A_1461 = vector.shape_cast %parallel_loop3A_1460 : vector<16xi32> to vector<16x1xi32>
        %parallel_loop3A_1462 = vector.shape_cast %parallel_loop3A_1461 : vector<16x1xi32> to vector<16xi32>
        %parallel_loop3A_1463 = tpu.dynamic_gather %parallel_loop3A_1453[%parallel_loop3A_1462] in [0] : vector<16xf32>, vector<16xi32> -> vector<16xf32>
        %parallel_loop3A_1464 = arith.addf %parallel_loop3A_1453, %parallel_loop3A_1463 : vector<16xf32>
        %parallel_loop3A_1465 = arith.constant 0 : i32
        %parallel_loop3A_1466 = vector.broadcast %parallel_loop3A_1465 : i32 to vector<16xi32>
        %parallel_loop3A_1467 = arith.cmpi slt, %xor3A_10, %parallel_loop3A_1466 : vector<16xi32>
        %parallel_loop3A_1468 = arith.constant 16 : i32
        %parallel_loop3A_1469 = vector.broadcast %parallel_loop3A_1468 : i32 to vector<16xi32>
        %parallel_loop3A_1470 = arith.addi %xor3A_10, %parallel_loop3A_1469 : vector<16xi32>
        %parallel_loop3A_1471 = arith.select %parallel_loop3A_1467, %parallel_loop3A_1470, %xor3A_10 : vector<16xi1>, vector<16xi32>
        %parallel_loop3A_1472 = vector.shape_cast %parallel_loop3A_1471 : vector<16xi32> to vector<16x1xi32>
        %parallel_loop3A_1473 = vector.shape_cast %parallel_loop3A_1472 : vector<16x1xi32> to vector<16xi32>
        %parallel_loop3A_1474 = tpu.dynamic_gather %parallel_loop3A_1464[%parallel_loop3A_1473] in [0] : vector<16xf32>, vector<16xi32> -> vector<16xf32>
        %parallel_loop3A_1475 = arith.addf %parallel_loop3A_1464, %parallel_loop3A_1474 : vector<16xf32>
        %parallel_loop3A_1476 = arith.constant 0 : i32
        %parallel_loop3A_1477 = vector.broadcast %parallel_loop3A_1476 : i32 to vector<16xi32>
        %parallel_loop3A_1478 = arith.cmpi slt, %xor3A_13, %parallel_loop3A_1477 : vector<16xi32>
        %parallel_loop3A_1479 = arith.constant 16 : i32
        %parallel_loop3A_1480 = vector.broadcast %parallel_loop3A_1479 : i32 to vector<16xi32>
        %parallel_loop3A_1481 = arith.addi %xor3A_13, %parallel_loop3A_1480 : vector<16xi32>
        %parallel_loop3A_1482 = arith.select %parallel_loop3A_1478, %parallel_loop3A_1481, %xor3A_13 : vector<16xi1>, vector<16xi32>
        %parallel_loop3A_1483 = vector.shape_cast %parallel_loop3A_1482 : vector<16xi32> to vector<16x1xi32>
        %parallel_loop3A_1484 = vector.shape_cast %parallel_loop3A_1483 : vector<16x1xi32> to vector<16xi32>
        %parallel_loop3A_1485 = tpu.dynamic_gather %parallel_loop3A_1475[%parallel_loop3A_1484] in [0] : vector<16xf32>, vector<16xi32> -> vector<16xf32>
        %parallel_loop3A_1486 = arith.addf %parallel_loop3A_1475, %parallel_loop3A_1485 : vector<16xf32>
        %parallel_loop3A_1487 = arith.mulf %parallel_loop3A_1442, %parallel_loop3A_1442 : vector<16xf32>
        %parallel_loop3A_1488 = arith.constant 6.400000e+01 : f32
        %parallel_loop3A_1489 = vector.broadcast %parallel_loop3A_1488 : f32 to vector<16xf32>
        %parallel_loop3A_1490 = arith.mulf %parallel_loop3A_1487, %parallel_loop3A_1489 : vector<16xf32>
        %parallel_loop3A_1491 = arith.subf %parallel_loop3A_1486, %parallel_loop3A_1490 : vector<16xf32>
        %parallel_loop3A_1492 = arith.constant 6.400000e-11 : f32
        %parallel_loop3A_1493 = vector.broadcast %parallel_loop3A_1492 : f32 to vector<16xf32>
        %parallel_loop3A_1494 = arith.addf %parallel_loop3A_1491, %parallel_loop3A_1493 : vector<16xf32>
        %parallel_loop3A_1495 = tpu.bitcast %parallel_loop3A_1494 : vector<16xf32> -> vector<16xi32>
        %parallel_loop3A_1496 = arith.constant 1 : i32
        %parallel_loop3A_1497 = vector.broadcast %parallel_loop3A_1496 : i32 to vector<16xi32>
        %parallel_loop3A_1498 = arith.shrsi %parallel_loop3A_1495, %parallel_loop3A_1497 : vector<16xi32>
        %parallel_loop3A_1499 = arith.constant 1622628831 : i32
        %parallel_loop3A_1500 = vector.broadcast %parallel_loop3A_1499 : i32 to vector<16xi32>
        %parallel_loop3A_1501 = arith.subi %parallel_loop3A_1500, %parallel_loop3A_1498 : vector<16xi32>
        %parallel_loop3A_1502 = tpu.bitcast %parallel_loop3A_1501 : vector<16xi32> -> vector<16xf32>
        %parallel_loop3A_1503 = arith.constant 7.812500e-03 : f32
        %parallel_loop3A_1504 = vector.broadcast %parallel_loop3A_1503 : f32 to vector<16xf32>
        %parallel_loop3A_1505 = arith.mulf %parallel_loop3A_1494, %parallel_loop3A_1504 : vector<16xf32>
        %parallel_loop3A_1506 = arith.mulf %parallel_loop3A_1505, %parallel_loop3A_1502 : vector<16xf32>
        %parallel_loop3A_1507 = arith.mulf %parallel_loop3A_1506, %parallel_loop3A_1502 : vector<16xf32>
        %parallel_loop3A_1508 = arith.constant 1.500000e+00 : f32
        %parallel_loop3A_1509 = vector.broadcast %parallel_loop3A_1508 : f32 to vector<16xf32>
        %parallel_loop3A_1510 = arith.subf %parallel_loop3A_1509, %parallel_loop3A_1507 : vector<16xf32>
        %parallel_loop3A_1511 = arith.mulf %parallel_loop3A_1502, %parallel_loop3A_1510 : vector<16xf32>
        %parallel_loop3A_1512 = arith.mulf %parallel_loop3A_1505, %parallel_loop3A_1511 : vector<16xf32>
        %parallel_loop3A_1513 = arith.mulf %parallel_loop3A_1512, %parallel_loop3A_1511 : vector<16xf32>
        %parallel_loop3A_1514 = arith.constant 1.500000e+00 : f32
        %parallel_loop3A_1515 = vector.broadcast %parallel_loop3A_1514 : f32 to vector<16xf32>
        %parallel_loop3A_1516 = arith.subf %parallel_loop3A_1515, %parallel_loop3A_1513 : vector<16xf32>
        %parallel_loop3A_1517 = arith.mulf %parallel_loop3A_1511, %parallel_loop3A_1516 : vector<16xf32>
        %parallel_loop3A_1518 = vector.broadcast %parallel_loop3A_1369 : i32 to vector<16xi32>
        %parallel_loop3A_1519 = arith.subf %parallel_loop3A_1373, %parallel_loop3A_1442 : vector<16xf32>
        %parallel_loop3A_1520 = arith.mulf %parallel_loop3A_1519, %parallel_loop3A_1517 : vector<16xf32>
        %parallel_loop3A_1521 = arith.mulf %parallel_loop3A_1520, %get3A_715 : vector<16xf32>
        %parallel_loop3A_1522 = arith.addf %parallel_loop3A_1521, %get3A_723 : vector<16xf32>
        tpu.vector_store_idx %arg12[%add3A_16, %parallel_loop3A_1518], %parallel_loop3A_1522 : memref<64x257xf32, #tpu.memory_space<vmem>>[vector<16xi32>, vector<16xi32>], vector<16xf32>,
        %parallel_loop3A_1523 = arith.subf %parallel_loop3A_1377, %parallel_loop3A_1442 : vector<16xf32>
        %parallel_loop3A_1524 = arith.mulf %parallel_loop3A_1523, %parallel_loop3A_1517 : vector<16xf32>
        %parallel_loop3A_1525 = arith.mulf %parallel_loop3A_1524, %get3A_717 : vector<16xf32>
        %parallel_loop3A_1526 = arith.addf %parallel_loop3A_1525, %get3A_725 : vector<16xf32>
        tpu.vector_store_idx %arg12[%add3A_19, %parallel_loop3A_1518], %parallel_loop3A_1526 : memref<64x257xf32, #tpu.memory_space<vmem>>[vector<16xi32>, vector<16xi32>], vector<16xf32>,
        %parallel_loop3A_1527 = arith.subf %parallel_loop3A_1381, %parallel_loop3A_1442 : vector<16xf32>
        %parallel_loop3A_1528 = arith.mulf %parallel_loop3A_1527, %parallel_loop3A_1517 : vector<16xf32>
        %parallel_loop3A_1529 = arith.mulf %parallel_loop3A_1528, %get3A_719 : vector<16xf32>
        %parallel_loop3A_1530 = arith.addf %parallel_loop3A_1529, %get3A_727 : vector<16xf32>
        tpu.vector_store_idx %arg12[%add3A_22, %parallel_loop3A_1518], %parallel_loop3A_1530 : memref<64x257xf32, #tpu.memory_space<vmem>>[vector<16xi32>, vector<16xi32>], vector<16xf32>,
        %parallel_loop3A_1531 = arith.subf %parallel_loop3A_1385, %parallel_loop3A_1442 : vector<16xf32>
        %parallel_loop3A_1532 = arith.mulf %parallel_loop3A_1531, %parallel_loop3A_1517 : vector<16xf32>
        %parallel_loop3A_1533 = arith.mulf %parallel_loop3A_1532, %get3A_721 : vector<16xf32>
        %parallel_loop3A_1534 = arith.addf %parallel_loop3A_1533, %get3A_729 : vector<16xf32>
        tpu.vector_store_idx %arg12[%add3A_25, %parallel_loop3A_1518], %parallel_loop3A_1534 : memref<64x257xf32, #tpu.memory_space<vmem>>[vector<16xi32>, vector<16xi32>], vector<16xf32>,
      } {sc.loop_unroll_factor = 2 : i64, sc.parallel_access}
      %mul3A_732 = arith.constant 256 : i32
      %mul3A_733 = arith.muli %add3A_630, %mul3A_732 : i32
      %add3A_734 = arith.addi %mul3A_2, %mul3A_733 : i32
      %shift_right_logical3A_735 = arith.constant 12 : i32
      %shift_right_logical3A_736 = arith.shrui %add3A_734, %shift_right_logical3A_735 : i32
      %and3A = arith.constant 4095 : i32
      %and3A_737 = arith.andi %add3A_734, %and3A : i32
      %shift_right_logical3A_738 = arith.constant 7 : i32
      %shift_right_logical3A_739 = arith.shrui %and3A_737, %shift_right_logical3A_738 : i32
      %add3A_740 = arith.constant 0 : i32
      %add3A_741 = arith.addi %shift_right_logical3A_739, %add3A_740 : i32
      %dma_start3A_742 = arith.constant 0 : i32
      %dma_start3A_743 = arith.constant 0 : i32
      %dma_start3A_744 = arith.constant 0 : i32
      %dma_start3A_745 = tpu.memref_slice %arg12[%dma_start3A_743, %dma_start3A_744] : memref<64x257xf32, #tpu.memory_space<vmem>> -> memref<8x128xf32, #tpu.memory_space<vmem>>
      %dma_start3A_746 = arith.constant 0 : i32
      %dma_start3A_747 = arith.constant 0 : i32
      %dma_start3A_748 = tpu.memref_slice %arg7[%shift_right_logical3A_736, %dma_start3A_742, %add3A_741, %dma_start3A_746, %dma_start3A_747] : memref<200x8x32x8x128xf32, #tpu.memory_space<hbm>> -> memref<1x1x1x8x128xf32, #tpu.memory_space<hbm>>
      %dma_start3A_749 = tpu.memref_squeeze %dma_start3A_748 : memref<1x1x1x8x128xf32, #tpu.memory_space<hbm>> -> memref<8x128xf32, #tpu.memory_space<hbm>>
      %dma_start3A_750 = arith.constant 0 : i32
      %dma_start3A_751 = arith.constant 0 : i32
      %dma_start3A_752 = tpu.memref_slice %arg7[%shift_right_logical3A_736, %dma_start3A_742, %add3A_741, %dma_start3A_750, %dma_start3A_751] : memref<200x8x32x8x128xf32, #tpu.memory_space<hbm>> -> memref<1x1x1x8x128xf32, #tpu.memory_space<hbm>>
      %dma_start3A_753 = tpu.memref_squeeze %dma_start3A_752 : memref<1x1x1x8x128xf32, #tpu.memory_space<hbm>> -> memref<8x128xf32, #tpu.memory_space<hbm>>
      %dma_start3A_754 = arith.constant 0 : i32
      %dma_start3A_755 = arith.constant 0 : i32
      %dma_start3A_756 = tpu.memref_slice %arg12[%dma_start3A_754, %dma_start3A_755] : memref<64x257xf32, #tpu.memory_space<vmem>> -> memref<8x128xf32, #tpu.memory_space<vmem>>
      tpu.enqueue_dma source(%dma_start3A_756 : memref<8x128xf32, #tpu.memory_space<vmem>>) target(%dma_start3A_753 : memref<8x128xf32, #tpu.memory_space<hbm>>) target_semaphore(%arg21 : memref<!tpu.dma_semaphore, #tpu.memory_space<semaphore_mem>>)
      %add3A_757 = arith.constant 1 : i32
      %add3A_758 = arith.addi %shift_right_logical3A_739, %add3A_757 : i32
      %dma_start3A_759 = arith.constant 0 : i32
      %dma_start3A_760 = arith.constant 0 : i32
      %dma_start3A_761 = arith.constant 128 : i32
      %dma_start3A_762 = tpu.memref_slice %arg12[%dma_start3A_760, %dma_start3A_761] : memref<64x257xf32, #tpu.memory_space<vmem>> -> memref<8x128xf32, #tpu.memory_space<vmem>>
      %dma_start3A_763 = arith.constant 0 : i32
      %dma_start3A_764 = arith.constant 0 : i32
      %dma_start3A_765 = tpu.memref_slice %arg7[%shift_right_logical3A_736, %dma_start3A_759, %add3A_758, %dma_start3A_763, %dma_start3A_764] : memref<200x8x32x8x128xf32, #tpu.memory_space<hbm>> -> memref<1x1x1x8x128xf32, #tpu.memory_space<hbm>>
      %dma_start3A_766 = tpu.memref_squeeze %dma_start3A_765 : memref<1x1x1x8x128xf32, #tpu.memory_space<hbm>> -> memref<8x128xf32, #tpu.memory_space<hbm>>
      %dma_start3A_767 = arith.constant 0 : i32
      %dma_start3A_768 = arith.constant 0 : i32
      %dma_start3A_769 = tpu.memref_slice %arg7[%shift_right_logical3A_736, %dma_start3A_759, %add3A_758, %dma_start3A_767, %dma_start3A_768] : memref<200x8x32x8x128xf32, #tpu.memory_space<hbm>> -> memref<1x1x1x8x128xf32, #tpu.memory_space<hbm>>
      %dma_start3A_770 = tpu.memref_squeeze %dma_start3A_769 : memref<1x1x1x8x128xf32, #tpu.memory_space<hbm>> -> memref<8x128xf32, #tpu.memory_space<hbm>>
      %dma_start3A_771 = arith.constant 0 : i32
      %dma_start3A_772 = arith.constant 128 : i32
      %dma_start3A_773 = tpu.memref_slice %arg12[%dma_start3A_771, %dma_start3A_772] : memref<64x257xf32, #tpu.memory_space<vmem>> -> memref<8x128xf32, #tpu.memory_space<vmem>>
      tpu.enqueue_dma source(%dma_start3A_773 : memref<8x128xf32, #tpu.memory_space<vmem>>) target(%dma_start3A_770 : memref<8x128xf32, #tpu.memory_space<hbm>>) target_semaphore(%arg21 : memref<!tpu.dma_semaphore, #tpu.memory_space<semaphore_mem>>)
      %add3A_774 = arith.constant 0 : i32
      %add3A_775 = arith.addi %shift_right_logical3A_739, %add3A_774 : i32
      %dma_start3A_776 = arith.constant 1 : i32
      %dma_start3A_777 = arith.constant 8 : i32
      %dma_start3A_778 = arith.constant 0 : i32
      %dma_start3A_779 = tpu.memref_slice %arg12[%dma_start3A_777, %dma_start3A_778] : memref<64x257xf32, #tpu.memory_space<vmem>> -> memref<8x128xf32, #tpu.memory_space<vmem>>
      %dma_start3A_780 = arith.constant 0 : i32
      %dma_start3A_781 = arith.constant 0 : i32
      %dma_start3A_782 = tpu.memref_slice %arg7[%shift_right_logical3A_736, %dma_start3A_776, %add3A_775, %dma_start3A_780, %dma_start3A_781] : memref<200x8x32x8x128xf32, #tpu.memory_space<hbm>> -> memref<1x1x1x8x128xf32, #tpu.memory_space<hbm>>
      %dma_start3A_783 = tpu.memref_squeeze %dma_start3A_782 : memref<1x1x1x8x128xf32, #tpu.memory_space<hbm>> -> memref<8x128xf32, #tpu.memory_space<hbm>>
      %dma_start3A_784 = arith.constant 0 : i32
      %dma_start3A_785 = arith.constant 0 : i32
      %dma_start3A_786 = tpu.memref_slice %arg7[%shift_right_logical3A_736, %dma_start3A_776, %add3A_775, %dma_start3A_784, %dma_start3A_785] : memref<200x8x32x8x128xf32, #tpu.memory_space<hbm>> -> memref<1x1x1x8x128xf32, #tpu.memory_space<hbm>>
      %dma_start3A_787 = tpu.memref_squeeze %dma_start3A_786 : memref<1x1x1x8x128xf32, #tpu.memory_space<hbm>> -> memref<8x128xf32, #tpu.memory_space<hbm>>
      %dma_start3A_788 = arith.constant 8 : i32
      %dma_start3A_789 = arith.constant 0 : i32
      %dma_start3A_790 = tpu.memref_slice %arg12[%dma_start3A_788, %dma_start3A_789] : memref<64x257xf32, #tpu.memory_space<vmem>> -> memref<8x128xf32, #tpu.memory_space<vmem>>
      tpu.enqueue_dma source(%dma_start3A_790 : memref<8x128xf32, #tpu.memory_space<vmem>>) target(%dma_start3A_787 : memref<8x128xf32, #tpu.memory_space<hbm>>) target_semaphore(%arg21 : memref<!tpu.dma_semaphore, #tpu.memory_space<semaphore_mem>>)
      %add3A_791 = arith.constant 1 : i32
      %add3A_792 = arith.addi %shift_right_logical3A_739, %add3A_791 : i32
      %dma_start3A_793 = arith.constant 1 : i32
      %dma_start3A_794 = arith.constant 8 : i32
      %dma_start3A_795 = arith.constant 128 : i32
      %dma_start3A_796 = tpu.memref_slice %arg12[%dma_start3A_794, %dma_start3A_795] : memref<64x257xf32, #tpu.memory_space<vmem>> -> memref<8x128xf32, #tpu.memory_space<vmem>>
      %dma_start3A_797 = arith.constant 0 : i32
      %dma_start3A_798 = arith.constant 0 : i32
      %dma_start3A_799 = tpu.memref_slice %arg7[%shift_right_logical3A_736, %dma_start3A_793, %add3A_792, %dma_start3A_797, %dma_start3A_798] : memref<200x8x32x8x128xf32, #tpu.memory_space<hbm>> -> memref<1x1x1x8x128xf32, #tpu.memory_space<hbm>>
      %dma_start3A_800 = tpu.memref_squeeze %dma_start3A_799 : memref<1x1x1x8x128xf32, #tpu.memory_space<hbm>> -> memref<8x128xf32, #tpu.memory_space<hbm>>
      %dma_start3A_801 = arith.constant 0 : i32
      %dma_start3A_802 = arith.constant 0 : i32
      %dma_start3A_803 = tpu.memref_slice %arg7[%shift_right_logical3A_736, %dma_start3A_793, %add3A_792, %dma_start3A_801, %dma_start3A_802] : memref<200x8x32x8x128xf32, #tpu.memory_space<hbm>> -> memref<1x1x1x8x128xf32, #tpu.memory_space<hbm>>
      %dma_start3A_804 = tpu.memref_squeeze %dma_start3A_803 : memref<1x1x1x8x128xf32, #tpu.memory_space<hbm>> -> memref<8x128xf32, #tpu.memory_space<hbm>>
      %dma_start3A_805 = arith.constant 8 : i32
      %dma_start3A_806 = arith.constant 128 : i32
      %dma_start3A_807 = tpu.memref_slice %arg12[%dma_start3A_805, %dma_start3A_806] : memref<64x257xf32, #tpu.memory_space<vmem>> -> memref<8x128xf32, #tpu.memory_space<vmem>>
      tpu.enqueue_dma source(%dma_start3A_807 : memref<8x128xf32, #tpu.memory_space<vmem>>) target(%dma_start3A_804 : memref<8x128xf32, #tpu.memory_space<hbm>>) target_semaphore(%arg21 : memref<!tpu.dma_semaphore, #tpu.memory_space<semaphore_mem>>)
      %add3A_808 = arith.constant 0 : i32
      %add3A_809 = arith.addi %shift_right_logical3A_739, %add3A_808 : i32
      %dma_start3A_810 = arith.constant 2 : i32
      %dma_start3A_811 = arith.constant 16 : i32
      %dma_start3A_812 = arith.constant 0 : i32
      %dma_start3A_813 = tpu.memref_slice %arg12[%dma_start3A_811, %dma_start3A_812] : memref<64x257xf32, #tpu.memory_space<vmem>> -> memref<8x128xf32, #tpu.memory_space<vmem>>
      %dma_start3A_814 = arith.constant 0 : i32
      %dma_start3A_815 = arith.constant 0 : i32
      %dma_start3A_816 = tpu.memref_slice %arg7[%shift_right_logical3A_736, %dma_start3A_810, %add3A_809, %dma_start3A_814, %dma_start3A_815] : memref<200x8x32x8x128xf32, #tpu.memory_space<hbm>> -> memref<1x1x1x8x128xf32, #tpu.memory_space<hbm>>
      %dma_start3A_817 = tpu.memref_squeeze %dma_start3A_816 : memref<1x1x1x8x128xf32, #tpu.memory_space<hbm>> -> memref<8x128xf32, #tpu.memory_space<hbm>>
      %dma_start3A_818 = arith.constant 0 : i32
      %dma_start3A_819 = arith.constant 0 : i32
      %dma_start3A_820 = tpu.memref_slice %arg7[%shift_right_logical3A_736, %dma_start3A_810, %add3A_809, %dma_start3A_818, %dma_start3A_819] : memref<200x8x32x8x128xf32, #tpu.memory_space<hbm>> -> memref<1x1x1x8x128xf32, #tpu.memory_space<hbm>>
      %dma_start3A_821 = tpu.memref_squeeze %dma_start3A_820 : memref<1x1x1x8x128xf32, #tpu.memory_space<hbm>> -> memref<8x128xf32, #tpu.memory_space<hbm>>
      %dma_start3A_822 = arith.constant 16 : i32
      %dma_start3A_823 = arith.constant 0 : i32
      %dma_start3A_824 = tpu.memref_slice %arg12[%dma_start3A_822, %dma_start3A_823] : memref<64x257xf32, #tpu.memory_space<vmem>> -> memref<8x128xf32, #tpu.memory_space<vmem>>
      tpu.enqueue_dma source(%dma_start3A_824 : memref<8x128xf32, #tpu.memory_space<vmem>>) target(%dma_start3A_821 : memref<8x128xf32, #tpu.memory_space<hbm>>) target_semaphore(%arg21 : memref<!tpu.dma_semaphore, #tpu.memory_space<semaphore_mem>>)
      %add3A_825 = arith.constant 1 : i32
      %add3A_826 = arith.addi %shift_right_logical3A_739, %add3A_825 : i32
      %dma_start3A_827 = arith.constant 2 : i32
      %dma_start3A_828 = arith.constant 16 : i32
      %dma_start3A_829 = arith.constant 128 : i32
      %dma_start3A_830 = tpu.memref_slice %arg12[%dma_start3A_828, %dma_start3A_829] : memref<64x257xf32, #tpu.memory_space<vmem>> -> memref<8x128xf32, #tpu.memory_space<vmem>>
      %dma_start3A_831 = arith.constant 0 : i32
      %dma_start3A_832 = arith.constant 0 : i32
      %dma_start3A_833 = tpu.memref_slice %arg7[%shift_right_logical3A_736, %dma_start3A_827, %add3A_826, %dma_start3A_831, %dma_start3A_832] : memref<200x8x32x8x128xf32, #tpu.memory_space<hbm>> -> memref<1x1x1x8x128xf32, #tpu.memory_space<hbm>>
      %dma_start3A_834 = tpu.memref_squeeze %dma_start3A_833 : memref<1x1x1x8x128xf32, #tpu.memory_space<hbm>> -> memref<8x128xf32, #tpu.memory_space<hbm>>
      %dma_start3A_835 = arith.constant 0 : i32
      %dma_start3A_836 = arith.constant 0 : i32
      %dma_start3A_837 = tpu.memref_slice %arg7[%shift_right_logical3A_736, %dma_start3A_827, %add3A_826, %dma_start3A_835, %dma_start3A_836] : memref<200x8x32x8x128xf32, #tpu.memory_space<hbm>> -> memref<1x1x1x8x128xf32, #tpu.memory_space<hbm>>
      %dma_start3A_838 = tpu.memref_squeeze %dma_start3A_837 : memref<1x1x1x8x128xf32, #tpu.memory_space<hbm>> -> memref<8x128xf32, #tpu.memory_space<hbm>>
      %dma_start3A_839 = arith.constant 16 : i32
      %dma_start3A_840 = arith.constant 128 : i32
      %dma_start3A_841 = tpu.memref_slice %arg12[%dma_start3A_839, %dma_start3A_840] : memref<64x257xf32, #tpu.memory_space<vmem>> -> memref<8x128xf32, #tpu.memory_space<vmem>>
      tpu.enqueue_dma source(%dma_start3A_841 : memref<8x128xf32, #tpu.memory_space<vmem>>) target(%dma_start3A_838 : memref<8x128xf32, #tpu.memory_space<hbm>>) target_semaphore(%arg21 : memref<!tpu.dma_semaphore, #tpu.memory_space<semaphore_mem>>)
      %add3A_842 = arith.constant 0 : i32
      %add3A_843 = arith.addi %shift_right_logical3A_739, %add3A_842 : i32
      %dma_start3A_844 = arith.constant 3 : i32
      %dma_start3A_845 = arith.constant 24 : i32
      %dma_start3A_846 = arith.constant 0 : i32
      %dma_start3A_847 = tpu.memref_slice %arg12[%dma_start3A_845, %dma_start3A_846] : memref<64x257xf32, #tpu.memory_space<vmem>> -> memref<8x128xf32, #tpu.memory_space<vmem>>
      %dma_start3A_848 = arith.constant 0 : i32
      %dma_start3A_849 = arith.constant 0 : i32
      %dma_start3A_850 = tpu.memref_slice %arg7[%shift_right_logical3A_736, %dma_start3A_844, %add3A_843, %dma_start3A_848, %dma_start3A_849] : memref<200x8x32x8x128xf32, #tpu.memory_space<hbm>> -> memref<1x1x1x8x128xf32, #tpu.memory_space<hbm>>
      %dma_start3A_851 = tpu.memref_squeeze %dma_start3A_850 : memref<1x1x1x8x128xf32, #tpu.memory_space<hbm>> -> memref<8x128xf32, #tpu.memory_space<hbm>>
      %dma_start3A_852 = arith.constant 0 : i32
      %dma_start3A_853 = arith.constant 0 : i32
      %dma_start3A_854 = tpu.memref_slice %arg7[%shift_right_logical3A_736, %dma_start3A_844, %add3A_843, %dma_start3A_852, %dma_start3A_853] : memref<200x8x32x8x128xf32, #tpu.memory_space<hbm>> -> memref<1x1x1x8x128xf32, #tpu.memory_space<hbm>>
      %dma_start3A_855 = tpu.memref_squeeze %dma_start3A_854 : memref<1x1x1x8x128xf32, #tpu.memory_space<hbm>> -> memref<8x128xf32, #tpu.memory_space<hbm>>
      %dma_start3A_856 = arith.constant 24 : i32
      %dma_start3A_857 = arith.constant 0 : i32
      %dma_start3A_858 = tpu.memref_slice %arg12[%dma_start3A_856, %dma_start3A_857] : memref<64x257xf32, #tpu.memory_space<vmem>> -> memref<8x128xf32, #tpu.memory_space<vmem>>
      tpu.enqueue_dma source(%dma_start3A_858 : memref<8x128xf32, #tpu.memory_space<vmem>>) target(%dma_start3A_855 : memref<8x128xf32, #tpu.memory_space<hbm>>) target_semaphore(%arg21 : memref<!tpu.dma_semaphore, #tpu.memory_space<semaphore_mem>>)
      %add3A_859 = arith.constant 1 : i32
      %add3A_860 = arith.addi %shift_right_logical3A_739, %add3A_859 : i32
      %dma_start3A_861 = arith.constant 3 : i32
      %dma_start3A_862 = arith.constant 24 : i32
      %dma_start3A_863 = arith.constant 128 : i32
      %dma_start3A_864 = tpu.memref_slice %arg12[%dma_start3A_862, %dma_start3A_863] : memref<64x257xf32, #tpu.memory_space<vmem>> -> memref<8x128xf32, #tpu.memory_space<vmem>>
      %dma_start3A_865 = arith.constant 0 : i32
      %dma_start3A_866 = arith.constant 0 : i32
      %dma_start3A_867 = tpu.memref_slice %arg7[%shift_right_logical3A_736, %dma_start3A_861, %add3A_860, %dma_start3A_865, %dma_start3A_866] : memref<200x8x32x8x128xf32, #tpu.memory_space<hbm>> -> memref<1x1x1x8x128xf32, #tpu.memory_space<hbm>>
      %dma_start3A_868 = tpu.memref_squeeze %dma_start3A_867 : memref<1x1x1x8x128xf32, #tpu.memory_space<hbm>> -> memref<8x128xf32, #tpu.memory_space<hbm>>
      %dma_start3A_869 = arith.constant 0 : i32
      %dma_start3A_870 = arith.constant 0 : i32
      %dma_start3A_871 = tpu.memref_slice %arg7[%shift_right_logical3A_736, %dma_start3A_861, %add3A_860, %dma_start3A_869, %dma_start3A_870] : memref<200x8x32x8x128xf32, #tpu.memory_space<hbm>> -> memref<1x1x1x8x128xf32, #tpu.memory_space<hbm>>
      %dma_start3A_872 = tpu.memref_squeeze %dma_start3A_871 : memref<1x1x1x8x128xf32, #tpu.memory_space<hbm>> -> memref<8x128xf32, #tpu.memory_space<hbm>>
      %dma_start3A_873 = arith.constant 24 : i32
      %dma_start3A_874 = arith.constant 128 : i32
      %dma_start3A_875 = tpu.memref_slice %arg12[%dma_start3A_873, %dma_start3A_874] : memref<64x257xf32, #tpu.memory_space<vmem>> -> memref<8x128xf32, #tpu.memory_space<vmem>>
      tpu.enqueue_dma source(%dma_start3A_875 : memref<8x128xf32, #tpu.memory_space<vmem>>) target(%dma_start3A_872 : memref<8x128xf32, #tpu.memory_space<hbm>>) target_semaphore(%arg21 : memref<!tpu.dma_semaphore, #tpu.memory_space<semaphore_mem>>)
      %add3A_876 = arith.constant 0 : i32
      %add3A_877 = arith.addi %shift_right_logical3A_739, %add3A_876 : i32
      %dma_start3A_878 = arith.constant 4 : i32
      %dma_start3A_879 = arith.constant 32 : i32
      %dma_start3A_880 = arith.constant 0 : i32
      %dma_start3A_881 = tpu.memref_slice %arg12[%dma_start3A_879, %dma_start3A_880] : memref<64x257xf32, #tpu.memory_space<vmem>> -> memref<8x128xf32, #tpu.memory_space<vmem>>
      %dma_start3A_882 = arith.constant 0 : i32
      %dma_start3A_883 = arith.constant 0 : i32
      %dma_start3A_884 = tpu.memref_slice %arg7[%shift_right_logical3A_736, %dma_start3A_878, %add3A_877, %dma_start3A_882, %dma_start3A_883] : memref<200x8x32x8x128xf32, #tpu.memory_space<hbm>> -> memref<1x1x1x8x128xf32, #tpu.memory_space<hbm>>
      %dma_start3A_885 = tpu.memref_squeeze %dma_start3A_884 : memref<1x1x1x8x128xf32, #tpu.memory_space<hbm>> -> memref<8x128xf32, #tpu.memory_space<hbm>>
      %dma_start3A_886 = arith.constant 0 : i32
      %dma_start3A_887 = arith.constant 0 : i32
      %dma_start3A_888 = tpu.memref_slice %arg7[%shift_right_logical3A_736, %dma_start3A_878, %add3A_877, %dma_start3A_886, %dma_start3A_887] : memref<200x8x32x8x128xf32, #tpu.memory_space<hbm>> -> memref<1x1x1x8x128xf32, #tpu.memory_space<hbm>>
      %dma_start3A_889 = tpu.memref_squeeze %dma_start3A_888 : memref<1x1x1x8x128xf32, #tpu.memory_space<hbm>> -> memref<8x128xf32, #tpu.memory_space<hbm>>
      %dma_start3A_890 = arith.constant 32 : i32
      %dma_start3A_891 = arith.constant 0 : i32
      %dma_start3A_892 = tpu.memref_slice %arg12[%dma_start3A_890, %dma_start3A_891] : memref<64x257xf32, #tpu.memory_space<vmem>> -> memref<8x128xf32, #tpu.memory_space<vmem>>
      tpu.enqueue_dma source(%dma_start3A_892 : memref<8x128xf32, #tpu.memory_space<vmem>>) target(%dma_start3A_889 : memref<8x128xf32, #tpu.memory_space<hbm>>) target_semaphore(%arg21 : memref<!tpu.dma_semaphore, #tpu.memory_space<semaphore_mem>>)
      %add3A_893 = arith.constant 1 : i32
      %add3A_894 = arith.addi %shift_right_logical3A_739, %add3A_893 : i32
      %dma_start3A_895 = arith.constant 4 : i32
      %dma_start3A_896 = arith.constant 32 : i32
      %dma_start3A_897 = arith.constant 128 : i32
      %dma_start3A_898 = tpu.memref_slice %arg12[%dma_start3A_896, %dma_start3A_897] : memref<64x257xf32, #tpu.memory_space<vmem>> -> memref<8x128xf32, #tpu.memory_space<vmem>>
      %dma_start3A_899 = arith.constant 0 : i32
      %dma_start3A_900 = arith.constant 0 : i32
      %dma_start3A_901 = tpu.memref_slice %arg7[%shift_right_logical3A_736, %dma_start3A_895, %add3A_894, %dma_start3A_899, %dma_start3A_900] : memref<200x8x32x8x128xf32, #tpu.memory_space<hbm>> -> memref<1x1x1x8x128xf32, #tpu.memory_space<hbm>>
      %dma_start3A_902 = tpu.memref_squeeze %dma_start3A_901 : memref<1x1x1x8x128xf32, #tpu.memory_space<hbm>> -> memref<8x128xf32, #tpu.memory_space<hbm>>
      %dma_start3A_903 = arith.constant 0 : i32
      %dma_start3A_904 = arith.constant 0 : i32
      %dma_start3A_905 = tpu.memref_slice %arg7[%shift_right_logical3A_736, %dma_start3A_895, %add3A_894, %dma_start3A_903, %dma_start3A_904] : memref<200x8x32x8x128xf32, #tpu.memory_space<hbm>> -> memref<1x1x1x8x128xf32, #tpu.memory_space<hbm>>
      %dma_start3A_906 = tpu.memref_squeeze %dma_start3A_905 : memref<1x1x1x8x128xf32, #tpu.memory_space<hbm>> -> memref<8x128xf32, #tpu.memory_space<hbm>>
      %dma_start3A_907 = arith.constant 32 : i32
      %dma_start3A_908 = arith.constant 128 : i32
      %dma_start3A_909 = tpu.memref_slice %arg12[%dma_start3A_907, %dma_start3A_908] : memref<64x257xf32, #tpu.memory_space<vmem>> -> memref<8x128xf32, #tpu.memory_space<vmem>>
      tpu.enqueue_dma source(%dma_start3A_909 : memref<8x128xf32, #tpu.memory_space<vmem>>) target(%dma_start3A_906 : memref<8x128xf32, #tpu.memory_space<hbm>>) target_semaphore(%arg21 : memref<!tpu.dma_semaphore, #tpu.memory_space<semaphore_mem>>)
      %add3A_910 = arith.constant 0 : i32
      %add3A_911 = arith.addi %shift_right_logical3A_739, %add3A_910 : i32
      %dma_start3A_912 = arith.constant 5 : i32
      %dma_start3A_913 = arith.constant 40 : i32
      %dma_start3A_914 = arith.constant 0 : i32
      %dma_start3A_915 = tpu.memref_slice %arg12[%dma_start3A_913, %dma_start3A_914] : memref<64x257xf32, #tpu.memory_space<vmem>> -> memref<8x128xf32, #tpu.memory_space<vmem>>
      %dma_start3A_916 = arith.constant 0 : i32
      %dma_start3A_917 = arith.constant 0 : i32
      %dma_start3A_918 = tpu.memref_slice %arg7[%shift_right_logical3A_736, %dma_start3A_912, %add3A_911, %dma_start3A_916, %dma_start3A_917] : memref<200x8x32x8x128xf32, #tpu.memory_space<hbm>> -> memref<1x1x1x8x128xf32, #tpu.memory_space<hbm>>
      %dma_start3A_919 = tpu.memref_squeeze %dma_start3A_918 : memref<1x1x1x8x128xf32, #tpu.memory_space<hbm>> -> memref<8x128xf32, #tpu.memory_space<hbm>>
      %dma_start3A_920 = arith.constant 0 : i32
      %dma_start3A_921 = arith.constant 0 : i32
      %dma_start3A_922 = tpu.memref_slice %arg7[%shift_right_logical3A_736, %dma_start3A_912, %add3A_911, %dma_start3A_920, %dma_start3A_921] : memref<200x8x32x8x128xf32, #tpu.memory_space<hbm>> -> memref<1x1x1x8x128xf32, #tpu.memory_space<hbm>>
      %dma_start3A_923 = tpu.memref_squeeze %dma_start3A_922 : memref<1x1x1x8x128xf32, #tpu.memory_space<hbm>> -> memref<8x128xf32, #tpu.memory_space<hbm>>
      %dma_start3A_924 = arith.constant 40 : i32
      %dma_start3A_925 = arith.constant 0 : i32
      %dma_start3A_926 = tpu.memref_slice %arg12[%dma_start3A_924, %dma_start3A_925] : memref<64x257xf32, #tpu.memory_space<vmem>> -> memref<8x128xf32, #tpu.memory_space<vmem>>
      tpu.enqueue_dma source(%dma_start3A_926 : memref<8x128xf32, #tpu.memory_space<vmem>>) target(%dma_start3A_923 : memref<8x128xf32, #tpu.memory_space<hbm>>) target_semaphore(%arg21 : memref<!tpu.dma_semaphore, #tpu.memory_space<semaphore_mem>>)
      %add3A_927 = arith.constant 1 : i32
      %add3A_928 = arith.addi %shift_right_logical3A_739, %add3A_927 : i32
      %dma_start3A_929 = arith.constant 5 : i32
      %dma_start3A_930 = arith.constant 40 : i32
      %dma_start3A_931 = arith.constant 128 : i32
      %dma_start3A_932 = tpu.memref_slice %arg12[%dma_start3A_930, %dma_start3A_931] : memref<64x257xf32, #tpu.memory_space<vmem>> -> memref<8x128xf32, #tpu.memory_space<vmem>>
      %dma_start3A_933 = arith.constant 0 : i32
      %dma_start3A_934 = arith.constant 0 : i32
      %dma_start3A_935 = tpu.memref_slice %arg7[%shift_right_logical3A_736, %dma_start3A_929, %add3A_928, %dma_start3A_933, %dma_start3A_934] : memref<200x8x32x8x128xf32, #tpu.memory_space<hbm>> -> memref<1x1x1x8x128xf32, #tpu.memory_space<hbm>>
      %dma_start3A_936 = tpu.memref_squeeze %dma_start3A_935 : memref<1x1x1x8x128xf32, #tpu.memory_space<hbm>> -> memref<8x128xf32, #tpu.memory_space<hbm>>
      %dma_start3A_937 = arith.constant 0 : i32
      %dma_start3A_938 = arith.constant 0 : i32
      %dma_start3A_939 = tpu.memref_slice %arg7[%shift_right_logical3A_736, %dma_start3A_929, %add3A_928, %dma_start3A_937, %dma_start3A_938] : memref<200x8x32x8x128xf32, #tpu.memory_space<hbm>> -> memref<1x1x1x8x128xf32, #tpu.memory_space<hbm>>
      %dma_start3A_940 = tpu.memref_squeeze %dma_start3A_939 : memref<1x1x1x8x128xf32, #tpu.memory_space<hbm>> -> memref<8x128xf32, #tpu.memory_space<hbm>>
      %dma_start3A_941 = arith.constant 40 : i32
      %dma_start3A_942 = arith.constant 128 : i32
      %dma_start3A_943 = tpu.memref_slice %arg12[%dma_start3A_941, %dma_start3A_942] : memref<64x257xf32, #tpu.memory_space<vmem>> -> memref<8x128xf32, #tpu.memory_space<vmem>>
      tpu.enqueue_dma source(%dma_start3A_943 : memref<8x128xf32, #tpu.memory_space<vmem>>) target(%dma_start3A_940 : memref<8x128xf32, #tpu.memory_space<hbm>>) target_semaphore(%arg21 : memref<!tpu.dma_semaphore, #tpu.memory_space<semaphore_mem>>)
      %add3A_944 = arith.constant 0 : i32
      %add3A_945 = arith.addi %shift_right_logical3A_739, %add3A_944 : i32
      %dma_start3A_946 = arith.constant 6 : i32
      %dma_start3A_947 = arith.constant 48 : i32
      %dma_start3A_948 = arith.constant 0 : i32
      %dma_start3A_949 = tpu.memref_slice %arg12[%dma_start3A_947, %dma_start3A_948] : memref<64x257xf32, #tpu.memory_space<vmem>> -> memref<8x128xf32, #tpu.memory_space<vmem>>
      %dma_start3A_950 = arith.constant 0 : i32
      %dma_start3A_951 = arith.constant 0 : i32
      %dma_start3A_952 = tpu.memref_slice %arg7[%shift_right_logical3A_736, %dma_start3A_946, %add3A_945, %dma_start3A_950, %dma_start3A_951] : memref<200x8x32x8x128xf32, #tpu.memory_space<hbm>> -> memref<1x1x1x8x128xf32, #tpu.memory_space<hbm>>
      %dma_start3A_953 = tpu.memref_squeeze %dma_start3A_952 : memref<1x1x1x8x128xf32, #tpu.memory_space<hbm>> -> memref<8x128xf32, #tpu.memory_space<hbm>>
      %dma_start3A_954 = arith.constant 0 : i32
      %dma_start3A_955 = arith.constant 0 : i32
      %dma_start3A_956 = tpu.memref_slice %arg7[%shift_right_logical3A_736, %dma_start3A_946, %add3A_945, %dma_start3A_954, %dma_start3A_955] : memref<200x8x32x8x128xf32, #tpu.memory_space<hbm>> -> memref<1x1x1x8x128xf32, #tpu.memory_space<hbm>>
      %dma_start3A_957 = tpu.memref_squeeze %dma_start3A_956 : memref<1x1x1x8x128xf32, #tpu.memory_space<hbm>> -> memref<8x128xf32, #tpu.memory_space<hbm>>
      %dma_start3A_958 = arith.constant 48 : i32
      %dma_start3A_959 = arith.constant 0 : i32
      %dma_start3A_960 = tpu.memref_slice %arg12[%dma_start3A_958, %dma_start3A_959] : memref<64x257xf32, #tpu.memory_space<vmem>> -> memref<8x128xf32, #tpu.memory_space<vmem>>
      tpu.enqueue_dma source(%dma_start3A_960 : memref<8x128xf32, #tpu.memory_space<vmem>>) target(%dma_start3A_957 : memref<8x128xf32, #tpu.memory_space<hbm>>) target_semaphore(%arg21 : memref<!tpu.dma_semaphore, #tpu.memory_space<semaphore_mem>>)
      %add3A_961 = arith.constant 1 : i32
      %add3A_962 = arith.addi %shift_right_logical3A_739, %add3A_961 : i32
      %dma_start3A_963 = arith.constant 6 : i32
      %dma_start3A_964 = arith.constant 48 : i32
      %dma_start3A_965 = arith.constant 128 : i32
      %dma_start3A_966 = tpu.memref_slice %arg12[%dma_start3A_964, %dma_start3A_965] : memref<64x257xf32, #tpu.memory_space<vmem>> -> memref<8x128xf32, #tpu.memory_space<vmem>>
      %dma_start3A_967 = arith.constant 0 : i32
      %dma_start3A_968 = arith.constant 0 : i32
      %dma_start3A_969 = tpu.memref_slice %arg7[%shift_right_logical3A_736, %dma_start3A_963, %add3A_962, %dma_start3A_967, %dma_start3A_968] : memref<200x8x32x8x128xf32, #tpu.memory_space<hbm>> -> memref<1x1x1x8x128xf32, #tpu.memory_space<hbm>>
      %dma_start3A_970 = tpu.memref_squeeze %dma_start3A_969 : memref<1x1x1x8x128xf32, #tpu.memory_space<hbm>> -> memref<8x128xf32, #tpu.memory_space<hbm>>
      %dma_start3A_971 = arith.constant 0 : i32
      %dma_start3A_972 = arith.constant 0 : i32
      %dma_start3A_973 = tpu.memref_slice %arg7[%shift_right_logical3A_736, %dma_start3A_963, %add3A_962, %dma_start3A_971, %dma_start3A_972] : memref<200x8x32x8x128xf32, #tpu.memory_space<hbm>> -> memref<1x1x1x8x128xf32, #tpu.memory_space<hbm>>
      %dma_start3A_974 = tpu.memref_squeeze %dma_start3A_973 : memref<1x1x1x8x128xf32, #tpu.memory_space<hbm>> -> memref<8x128xf32, #tpu.memory_space<hbm>>
      %dma_start3A_975 = arith.constant 48 : i32
      %dma_start3A_976 = arith.constant 128 : i32
      %dma_start3A_977 = tpu.memref_slice %arg12[%dma_start3A_975, %dma_start3A_976] : memref<64x257xf32, #tpu.memory_space<vmem>> -> memref<8x128xf32, #tpu.memory_space<vmem>>
      tpu.enqueue_dma source(%dma_start3A_977 : memref<8x128xf32, #tpu.memory_space<vmem>>) target(%dma_start3A_974 : memref<8x128xf32, #tpu.memory_space<hbm>>) target_semaphore(%arg21 : memref<!tpu.dma_semaphore, #tpu.memory_space<semaphore_mem>>)
      %add3A_978 = arith.constant 0 : i32
      %add3A_979 = arith.addi %shift_right_logical3A_739, %add3A_978 : i32
      %dma_start3A_980 = arith.constant 7 : i32
      %dma_start3A_981 = arith.constant 56 : i32
      %dma_start3A_982 = arith.constant 0 : i32
      %dma_start3A_983 = tpu.memref_slice %arg12[%dma_start3A_981, %dma_start3A_982] : memref<64x257xf32, #tpu.memory_space<vmem>> -> memref<8x128xf32, #tpu.memory_space<vmem>>
      %dma_start3A_984 = arith.constant 0 : i32
      %dma_start3A_985 = arith.constant 0 : i32
      %dma_start3A_986 = tpu.memref_slice %arg7[%shift_right_logical3A_736, %dma_start3A_980, %add3A_979, %dma_start3A_984, %dma_start3A_985] : memref<200x8x32x8x128xf32, #tpu.memory_space<hbm>> -> memref<1x1x1x8x128xf32, #tpu.memory_space<hbm>>
      %dma_start3A_987 = tpu.memref_squeeze %dma_start3A_986 : memref<1x1x1x8x128xf32, #tpu.memory_space<hbm>> -> memref<8x128xf32, #tpu.memory_space<hbm>>
      %dma_start3A_988 = arith.constant 0 : i32
      %dma_start3A_989 = arith.constant 0 : i32
      %dma_start3A_990 = tpu.memref_slice %arg7[%shift_right_logical3A_736, %dma_start3A_980, %add3A_979, %dma_start3A_988, %dma_start3A_989] : memref<200x8x32x8x128xf32, #tpu.memory_space<hbm>> -> memref<1x1x1x8x128xf32, #tpu.memory_space<hbm>>
      %dma_start3A_991 = tpu.memref_squeeze %dma_start3A_990 : memref<1x1x1x8x128xf32, #tpu.memory_space<hbm>> -> memref<8x128xf32, #tpu.memory_space<hbm>>
      %dma_start3A_992 = arith.constant 56 : i32
      %dma_start3A_993 = arith.constant 0 : i32
      %dma_start3A_994 = tpu.memref_slice %arg12[%dma_start3A_992, %dma_start3A_993] : memref<64x257xf32, #tpu.memory_space<vmem>> -> memref<8x128xf32, #tpu.memory_space<vmem>>
      tpu.enqueue_dma source(%dma_start3A_994 : memref<8x128xf32, #tpu.memory_space<vmem>>) target(%dma_start3A_991 : memref<8x128xf32, #tpu.memory_space<hbm>>) target_semaphore(%arg21 : memref<!tpu.dma_semaphore, #tpu.memory_space<semaphore_mem>>)
      %add3A_995 = arith.constant 1 : i32
      %add3A_996 = arith.addi %shift_right_logical3A_739, %add3A_995 : i32
      %dma_start3A_997 = arith.constant 7 : i32
      %dma_start3A_998 = arith.constant 56 : i32
      %dma_start3A_999 = arith.constant 128 : i32
      %dma_start3A_1000 = tpu.memref_slice %arg12[%dma_start3A_998, %dma_start3A_999] : memref<64x257xf32, #tpu.memory_space<vmem>> -> memref<8x128xf32, #tpu.memory_space<vmem>>
      %dma_start3A_1001 = arith.constant 0 : i32
      %dma_start3A_1002 = arith.constant 0 : i32
      %dma_start3A_1003 = tpu.memref_slice %arg7[%shift_right_logical3A_736, %dma_start3A_997, %add3A_996, %dma_start3A_1001, %dma_start3A_1002] : memref<200x8x32x8x128xf32, #tpu.memory_space<hbm>> -> memref<1x1x1x8x128xf32, #tpu.memory_space<hbm>>
      %dma_start3A_1004 = tpu.memref_squeeze %dma_start3A_1003 : memref<1x1x1x8x128xf32, #tpu.memory_space<hbm>> -> memref<8x128xf32, #tpu.memory_space<hbm>>
      %dma_start3A_1005 = arith.constant 0 : i32
      %dma_start3A_1006 = arith.constant 0 : i32
      %dma_start3A_1007 = tpu.memref_slice %arg7[%shift_right_logical3A_736, %dma_start3A_997, %add3A_996, %dma_start3A_1005, %dma_start3A_1006] : memref<200x8x32x8x128xf32, #tpu.memory_space<hbm>> -> memref<1x1x1x8x128xf32, #tpu.memory_space<hbm>>
      %dma_start3A_1008 = tpu.memref_squeeze %dma_start3A_1007 : memref<1x1x1x8x128xf32, #tpu.memory_space<hbm>> -> memref<8x128xf32, #tpu.memory_space<hbm>>
      %dma_start3A_1009 = arith.constant 56 : i32
      %dma_start3A_1010 = arith.constant 128 : i32
      %dma_start3A_1011 = tpu.memref_slice %arg12[%dma_start3A_1009, %dma_start3A_1010] : memref<64x257xf32, #tpu.memory_space<vmem>> -> memref<8x128xf32, #tpu.memory_space<vmem>>
      tpu.enqueue_dma source(%dma_start3A_1011 : memref<8x128xf32, #tpu.memory_space<vmem>>) target(%dma_start3A_1008 : memref<8x128xf32, #tpu.memory_space<hbm>>) target_semaphore(%arg21 : memref<!tpu.dma_semaphore, #tpu.memory_space<semaphore_mem>>)
      %mul3A_1012 = arith.constant 2 : i32
      %mul3A_1013 = arith.muli %mul3A_1012, %scan3A_625 : i32
      %add3A_1014 = arith.constant 1 : i32
      %add3A_1015 = arith.addi %mul3A_1013, %add3A_1014 : i32
      %lt3A_1016 = arith.constant 49 : i32
      %lt3A_1017 = arith.cmpi slt, %scan3A_625, %lt3A_1016 : i32
      %convert_element_type3A_1018 = arith.extui %lt3A_1017 : i1 to i32
      %cond3A_1019 = arith.constant 0 : i32
      %cond3A_1020 = arith.cmpi ne, %convert_element_type3A_1018, %cond3A_1019 : i32
      scf.if %cond3A_1020 {
        %dma_wait3A_1369 = arith.constant 0 : i32
        %dma_wait3A_1370 = arith.constant 0 : i32
        %dma_wait3A_1371 = tpu.memref_slice %arg8[%dma_wait3A_1369, %dma_wait3A_1370] : memref<2x128xi32, #tpu.memory_space<vmem>> -> memref<1x128xi32, #tpu.memory_space<vmem>>
        %dma_wait3A_1372 = tpu.memref_squeeze %dma_wait3A_1371 : memref<1x128xi32, #tpu.memory_space<vmem>> -> memref<128xi32, #tpu.memory_space<vmem>>
        %dma_wait3A_1373 = arith.constant 0 : i32
        %dma_wait3A_1374 = tpu.memref_slice %arg2[%dma_wait3A_1373] : memref<819200xi32, #tpu.memory_space<hbm>> -> memref<128xi32, #tpu.memory_space<hbm>>
        %dma_wait3A_1375 = arith.constant 0 : i32
        %dma_wait3A_1376 = tpu.memref_slice %arg8[%dma_wait3A_1369, %dma_wait3A_1375] : memref<2x128xi32, #tpu.memory_space<vmem>> -> memref<1x128xi32, #tpu.memory_space<vmem>>
        %dma_wait3A_1377 = tpu.memref_squeeze %dma_wait3A_1376 : memref<1x128xi32, #tpu.memory_space<vmem>> -> memref<128xi32, #tpu.memory_space<vmem>>
        %dma_wait3A_1378 = arith.constant 0 : i32
        %dma_wait3A_1379 = tpu.memref_slice %arg2[%dma_wait3A_1378] : memref<819200xi32, #tpu.memory_space<hbm>> -> memref<128xi32, #tpu.memory_space<hbm>>
        tpu.wait_dma2 semaphore(%arg19 : memref<!tpu.dma_semaphore, #tpu.memory_space<semaphore_mem>>) src(%dma_wait3A_1379 : memref<128xi32, #tpu.memory_space<hbm>>) dst(%dma_wait3A_1377 : memref<128xi32, #tpu.memory_space<vmem>>)
        %dma_wait3A_1380 = arith.constant 1 : i32
        %dma_wait3A_1381 = arith.constant 0 : i32
        %dma_wait3A_1382 = tpu.memref_slice %arg8[%dma_wait3A_1380, %dma_wait3A_1381] : memref<2x128xi32, #tpu.memory_space<vmem>> -> memref<1x128xi32, #tpu.memory_space<vmem>>
        %dma_wait3A_1383 = tpu.memref_squeeze %dma_wait3A_1382 : memref<1x128xi32, #tpu.memory_space<vmem>> -> memref<128xi32, #tpu.memory_space<vmem>>
        %dma_wait3A_1384 = arith.constant 0 : i32
        %dma_wait3A_1385 = tpu.memref_slice %arg2[%dma_wait3A_1384] : memref<819200xi32, #tpu.memory_space<hbm>> -> memref<128xi32, #tpu.memory_space<hbm>>
        %dma_wait3A_1386 = arith.constant 0 : i32
        %dma_wait3A_1387 = tpu.memref_slice %arg8[%dma_wait3A_1380, %dma_wait3A_1386] : memref<2x128xi32, #tpu.memory_space<vmem>> -> memref<1x128xi32, #tpu.memory_space<vmem>>
        %dma_wait3A_1388 = tpu.memref_squeeze %dma_wait3A_1387 : memref<1x128xi32, #tpu.memory_space<vmem>> -> memref<128xi32, #tpu.memory_space<vmem>>
        %dma_wait3A_1389 = arith.constant 0 : i32
        %dma_wait3A_1390 = tpu.memref_slice %arg2[%dma_wait3A_1389] : memref<819200xi32, #tpu.memory_space<hbm>> -> memref<128xi32, #tpu.memory_space<hbm>>
        tpu.wait_dma2 semaphore(%arg19 : memref<!tpu.dma_semaphore, #tpu.memory_space<semaphore_mem>>) src(%dma_wait3A_1390 : memref<128xi32, #tpu.memory_space<hbm>>) dst(%dma_wait3A_1388 : memref<128xi32, #tpu.memory_space<vmem>>)
        %dma_start3A_1391 = arith.constant 0 : i32
        %dma_start3A_1392 = arith.constant 0 : i32
        %dma_start3A_1393 = arith.constant 0 : i32
        %dma_start3A_1394 = tpu.memref_slice %arg10[%dma_start3A_1392, %dma_start3A_1393] : memref<256x64xf32, #tpu.memory_space<vmem>> -> memref<128x64xf32, #tpu.memory_space<vmem>>
        %dma_start3A_1395 = arith.constant 0 : i32
        %dma_start3A_1396 = tpu.memref_slice %arg8[%dma_start3A_1391, %dma_start3A_1395] : memref<2x128xi32, #tpu.memory_space<vmem>> -> memref<1x128xi32, #tpu.memory_space<vmem>>
        %dma_start3A_1397 = tpu.memref_squeeze %dma_start3A_1396 : memref<1x128xi32, #tpu.memory_space<vmem>> -> memref<128xi32, #tpu.memory_space<vmem>>
        %dma_start3A_1398 = arith.constant 0 : i32
        %dma_start3A_1399 = arith.constant 0 : i32
        %dma_start3A_1400 = tpu.memref_slice %arg3[%dma_start3A_1398, %dma_start3A_1399] : memref<1000000x64xf32, #tpu.memory_space<hbm>> -> memref<1000000x64xf32, #tpu.memory_space<hbm>>
        tpu.enqueue_indirect_dma source(%dma_start3A_1400 : memref<1000000x64xf32, #tpu.memory_space<hbm>>) target(%dma_start3A_1394 : memref<128x64xf32, #tpu.memory_space<vmem>>) offsets(%dma_start3A_1397 : memref<128xi32, #tpu.memory_space<vmem>>) semaphore(%arg17 : memref<!tpu.dma_semaphore, #tpu.memory_space<semaphore_mem>>)
        %dma_start3A_1401 = arith.constant 1 : i32
        %dma_start3A_1402 = arith.constant 128 : i32
        %dma_start3A_1403 = arith.constant 0 : i32
        %dma_start3A_1404 = tpu.memref_slice %arg10[%dma_start3A_1402, %dma_start3A_1403] : memref<256x64xf32, #tpu.memory_space<vmem>> -> memref<128x64xf32, #tpu.memory_space<vmem>>
        %dma_start3A_1405 = arith.constant 0 : i32
        %dma_start3A_1406 = tpu.memref_slice %arg8[%dma_start3A_1401, %dma_start3A_1405] : memref<2x128xi32, #tpu.memory_space<vmem>> -> memref<1x128xi32, #tpu.memory_space<vmem>>
        %dma_start3A_1407 = tpu.memref_squeeze %dma_start3A_1406 : memref<1x128xi32, #tpu.memory_space<vmem>> -> memref<128xi32, #tpu.memory_space<vmem>>
        %dma_start3A_1408 = arith.constant 0 : i32
        %dma_start3A_1409 = arith.constant 0 : i32
        %dma_start3A_1410 = tpu.memref_slice %arg3[%dma_start3A_1408, %dma_start3A_1409] : memref<1000000x64xf32, #tpu.memory_space<hbm>> -> memref<1000000x64xf32, #tpu.memory_space<hbm>>
        tpu.enqueue_indirect_dma source(%dma_start3A_1410 : memref<1000000x64xf32, #tpu.memory_space<hbm>>) target(%dma_start3A_1404 : memref<128x64xf32, #tpu.memory_space<vmem>>) offsets(%dma_start3A_1407 : memref<128xi32, #tpu.memory_space<vmem>>) semaphore(%arg17 : memref<!tpu.dma_semaphore, #tpu.memory_space<semaphore_mem>>)
      } else {
      }
      %dma_wait3A_1021 = arith.constant 0 : i32
      %dma_wait3A_1022 = arith.constant 0 : i32
      %dma_wait3A_1023 = arith.constant 0 : i32
      %dma_wait3A_1024 = tpu.memref_slice %arg11[%dma_wait3A_1022, %dma_wait3A_1023] : memref<256x64xf32, #tpu.memory_space<vmem>> -> memref<128x64xf32, #tpu.memory_space<vmem>>
      %dma_wait3A_1025 = arith.constant 0 : i32
      %dma_wait3A_1026 = tpu.memref_slice %arg9[%dma_wait3A_1021, %dma_wait3A_1025] : memref<2x128xi32, #tpu.memory_space<vmem>> -> memref<1x128xi32, #tpu.memory_space<vmem>>
      %dma_wait3A_1027 = tpu.memref_squeeze %dma_wait3A_1026 : memref<1x128xi32, #tpu.memory_space<vmem>> -> memref<128xi32, #tpu.memory_space<vmem>>
      %dma_wait3A_1028 = arith.constant 0 : i32
      %dma_wait3A_1029 = arith.constant 0 : i32
      %dma_wait3A_1030 = tpu.memref_slice %arg3[%dma_wait3A_1028, %dma_wait3A_1029] : memref<1000000x64xf32, #tpu.memory_space<hbm>> -> memref<1000000x64xf32, #tpu.memory_space<hbm>>
      tpu.wait_indirect_dma semaphore(%arg18 : memref<!tpu.dma_semaphore, #tpu.memory_space<semaphore_mem>>) src(%dma_wait3A_1030 : memref<1000000x64xf32, #tpu.memory_space<hbm>>) dst(%dma_wait3A_1024 : memref<128x64xf32, #tpu.memory_space<vmem>>)
      %dma_wait3A_1031 = arith.constant 1 : i32
      %dma_wait3A_1032 = arith.constant 128 : i32
      %dma_wait3A_1033 = arith.constant 0 : i32
      %dma_wait3A_1034 = tpu.memref_slice %arg11[%dma_wait3A_1032, %dma_wait3A_1033] : memref<256x64xf32, #tpu.memory_space<vmem>> -> memref<128x64xf32, #tpu.memory_space<vmem>>
      %dma_wait3A_1035 = arith.constant 0 : i32
      %dma_wait3A_1036 = tpu.memref_slice %arg9[%dma_wait3A_1031, %dma_wait3A_1035] : memref<2x128xi32, #tpu.memory_space<vmem>> -> memref<1x128xi32, #tpu.memory_space<vmem>>
      %dma_wait3A_1037 = tpu.memref_squeeze %dma_wait3A_1036 : memref<1x128xi32, #tpu.memory_space<vmem>> -> memref<128xi32, #tpu.memory_space<vmem>>
      %dma_wait3A_1038 = arith.constant 0 : i32
      %dma_wait3A_1039 = arith.constant 0 : i32
      %dma_wait3A_1040 = tpu.memref_slice %arg3[%dma_wait3A_1038, %dma_wait3A_1039] : memref<1000000x64xf32, #tpu.memory_space<hbm>> -> memref<1000000x64xf32, #tpu.memory_space<hbm>>
      tpu.wait_indirect_dma semaphore(%arg18 : memref<!tpu.dma_semaphore, #tpu.memory_space<semaphore_mem>>) src(%dma_wait3A_1040 : memref<1000000x64xf32, #tpu.memory_space<hbm>>) dst(%dma_wait3A_1034 : memref<128x64xf32, #tpu.memory_space<vmem>>)
      %lt3A_1041 = arith.constant 49 : i32
      %lt3A_1042 = arith.cmpi slt, %scan3A_625, %lt3A_1041 : i32
      %convert_element_type3A_1043 = arith.extui %lt3A_1042 : i1 to i32
      %cond3A_1044 = arith.constant 0 : i32
      %cond3A_1045 = arith.cmpi ne, %convert_element_type3A_1043, %cond3A_1044 : i32
      scf.if %cond3A_1045 {
        %add3A_1369 = arith.constant 2 : i32
        %add3A_1370 = arith.addi %add3A_1015, %add3A_1369 : i32
        %mul3A_1371 = arith.constant 256 : i32
        %mul3A_1372 = arith.muli %add3A_1370, %mul3A_1371 : i32
        %add3A_1373 = arith.addi %mul3A_2, %mul3A_1372 : i32
        %add3A_1374 = arith.constant 0 : i32
        %add3A_1375 = arith.addi %add3A_1373, %add3A_1374 : i32
        %dma_start3A_1376 = arith.constant 0 : i32
        %dma_start3A_1377 = arith.constant 0 : i32
        %dma_start3A_1378 = tpu.memref_slice %arg9[%dma_start3A_1376, %dma_start3A_1377] : memref<2x128xi32, #tpu.memory_space<vmem>> -> memref<1x128xi32, #tpu.memory_space<vmem>>
        %dma_start3A_1379 = tpu.memref_squeeze %dma_start3A_1378 : memref<1x128xi32, #tpu.memory_space<vmem>> -> memref<128xi32, #tpu.memory_space<vmem>>
        %dma_start3A_1380 = tpu.memref_slice %arg2[%add3A_1375] : memref<819200xi32, #tpu.memory_space<hbm>> -> memref<128xi32, #tpu.memory_space<hbm>>
        %dma_start3A_1381 = arith.constant 0 : i32
        %dma_start3A_1382 = tpu.memref_slice %arg9[%dma_start3A_1376, %dma_start3A_1381] : memref<2x128xi32, #tpu.memory_space<vmem>> -> memref<1x128xi32, #tpu.memory_space<vmem>>
        %dma_start3A_1383 = tpu.memref_squeeze %dma_start3A_1382 : memref<1x128xi32, #tpu.memory_space<vmem>> -> memref<128xi32, #tpu.memory_space<vmem>>
        %dma_start3A_1384 = tpu.memref_slice %arg2[%add3A_1375] : memref<819200xi32, #tpu.memory_space<hbm>> -> memref<128xi32, #tpu.memory_space<hbm>>
        tpu.enqueue_dma source(%dma_start3A_1384 : memref<128xi32, #tpu.memory_space<hbm>>) target(%dma_start3A_1383 : memref<128xi32, #tpu.memory_space<vmem>>) target_semaphore(%arg20 : memref<!tpu.dma_semaphore, #tpu.memory_space<semaphore_mem>>)
        %mul3A_1385 = arith.constant 256 : i32
        %mul3A_1386 = arith.muli %add3A_1370, %mul3A_1385 : i32
        %add3A_1387 = arith.addi %mul3A_2, %mul3A_1386 : i32
        %add3A_1388 = arith.constant 128 : i32
        %add3A_1389 = arith.addi %add3A_1387, %add3A_1388 : i32
        %dma_start3A_1390 = arith.constant 1 : i32
        %dma_start3A_1391 = arith.constant 0 : i32
        %dma_start3A_1392 = tpu.memref_slice %arg9[%dma_start3A_1390, %dma_start3A_1391] : memref<2x128xi32, #tpu.memory_space<vmem>> -> memref<1x128xi32, #tpu.memory_space<vmem>>
        %dma_start3A_1393 = tpu.memref_squeeze %dma_start3A_1392 : memref<1x128xi32, #tpu.memory_space<vmem>> -> memref<128xi32, #tpu.memory_space<vmem>>
        %dma_start3A_1394 = tpu.memref_slice %arg2[%add3A_1389] : memref<819200xi32, #tpu.memory_space<hbm>> -> memref<128xi32, #tpu.memory_space<hbm>>
        %dma_start3A_1395 = arith.constant 0 : i32
        %dma_start3A_1396 = tpu.memref_slice %arg9[%dma_start3A_1390, %dma_start3A_1395] : memref<2x128xi32, #tpu.memory_space<vmem>> -> memref<1x128xi32, #tpu.memory_space<vmem>>
        %dma_start3A_1397 = tpu.memref_squeeze %dma_start3A_1396 : memref<1x128xi32, #tpu.memory_space<vmem>> -> memref<128xi32, #tpu.memory_space<vmem>>
        %dma_start3A_1398 = tpu.memref_slice %arg2[%add3A_1389] : memref<819200xi32, #tpu.memory_space<hbm>> -> memref<128xi32, #tpu.memory_space<hbm>>
        tpu.enqueue_dma source(%dma_start3A_1398 : memref<128xi32, #tpu.memory_space<hbm>>) target(%dma_start3A_1397 : memref<128xi32, #tpu.memory_space<vmem>>) target_semaphore(%arg20 : memref<!tpu.dma_semaphore, #tpu.memory_space<semaphore_mem>>)
      } else {
      }
      %gt3A_1046 = arith.constant 0 : i32
      %gt3A_1047 = arith.cmpi sgt, %scan3A_625, %gt3A_1046 : i32
      %convert_element_type3A_1048 = arith.extui %gt3A_1047 : i1 to i32
      %cond3A_1049 = arith.constant 0 : i32
      %cond3A_1050 = arith.cmpi ne, %convert_element_type3A_1048, %cond3A_1049 : i32
      scf.if %cond3A_1050 {
        %dma_wait3A_1369 = arith.constant 0 : i32
        %dma_wait3A_1370 = arith.constant 0 : i32
        %dma_wait3A_1371 = arith.constant 0 : i32
        %dma_wait3A_1372 = arith.constant 0 : i32
        %dma_wait3A_1373 = arith.constant 0 : i32
        %dma_wait3A_1374 = tpu.memref_slice %arg13[%dma_wait3A_1372, %dma_wait3A_1373] : memref<64x257xf32, #tpu.memory_space<vmem>> -> memref<8x128xf32, #tpu.memory_space<vmem>>
        %dma_wait3A_1375 = arith.constant 0 : i32
        %dma_wait3A_1376 = arith.constant 0 : i32
        %dma_wait3A_1377 = tpu.memref_slice %arg7[%dma_wait3A_1369, %dma_wait3A_1370, %dma_wait3A_1371, %dma_wait3A_1375, %dma_wait3A_1376] : memref<200x8x32x8x128xf32, #tpu.memory_space<hbm>> -> memref<1x1x1x8x128xf32, #tpu.memory_space<hbm>>
        %dma_wait3A_1378 = tpu.memref_squeeze %dma_wait3A_1377 : memref<1x1x1x8x128xf32, #tpu.memory_space<hbm>> -> memref<8x128xf32, #tpu.memory_space<hbm>>
        %dma_wait3A_1379 = arith.constant 0 : i32
        %dma_wait3A_1380 = arith.constant 0 : i32
        %dma_wait3A_1381 = tpu.memref_slice %arg7[%dma_wait3A_1369, %dma_wait3A_1370, %dma_wait3A_1371, %dma_wait3A_1379, %dma_wait3A_1380] : memref<200x8x32x8x128xf32, #tpu.memory_space<hbm>> -> memref<1x1x1x8x128xf32, #tpu.memory_space<hbm>>
        %dma_wait3A_1382 = tpu.memref_squeeze %dma_wait3A_1381 : memref<1x1x1x8x128xf32, #tpu.memory_space<hbm>> -> memref<8x128xf32, #tpu.memory_space<hbm>>
        %dma_wait3A_1383 = arith.constant 0 : i32
        %dma_wait3A_1384 = arith.constant 0 : i32
        %dma_wait3A_1385 = tpu.memref_slice %arg13[%dma_wait3A_1383, %dma_wait3A_1384] : memref<64x257xf32, #tpu.memory_space<vmem>> -> memref<8x128xf32, #tpu.memory_space<vmem>>
        tpu.wait_dma2 semaphore(%arg22 : memref<!tpu.dma_semaphore, #tpu.memory_space<semaphore_mem>>) src(%dma_wait3A_1385 : memref<8x128xf32, #tpu.memory_space<vmem>>) dst(%dma_wait3A_1382 : memref<8x128xf32, #tpu.memory_space<hbm>>)
        %dma_wait3A_1386 = arith.constant 0 : i32
        %dma_wait3A_1387 = arith.constant 0 : i32
        %dma_wait3A_1388 = arith.constant 0 : i32
        %dma_wait3A_1389 = arith.constant 0 : i32
        %dma_wait3A_1390 = arith.constant 128 : i32
        %dma_wait3A_1391 = tpu.memref_slice %arg13[%dma_wait3A_1389, %dma_wait3A_1390] : memref<64x257xf32, #tpu.memory_space<vmem>> -> memref<8x128xf32, #tpu.memory_space<vmem>>
        %dma_wait3A_1392 = arith.constant 0 : i32
        %dma_wait3A_1393 = arith.constant 0 : i32
        %dma_wait3A_1394 = tpu.memref_slice %arg7[%dma_wait3A_1386, %dma_wait3A_1387, %dma_wait3A_1388, %dma_wait3A_1392, %dma_wait3A_1393] : memref<200x8x32x8x128xf32, #tpu.memory_space<hbm>> -> memref<1x1x1x8x128xf32, #tpu.memory_space<hbm>>
        %dma_wait3A_1395 = tpu.memref_squeeze %dma_wait3A_1394 : memref<1x1x1x8x128xf32, #tpu.memory_space<hbm>> -> memref<8x128xf32, #tpu.memory_space<hbm>>
        %dma_wait3A_1396 = arith.constant 0 : i32
        %dma_wait3A_1397 = arith.constant 0 : i32
        %dma_wait3A_1398 = tpu.memref_slice %arg7[%dma_wait3A_1386, %dma_wait3A_1387, %dma_wait3A_1388, %dma_wait3A_1396, %dma_wait3A_1397] : memref<200x8x32x8x128xf32, #tpu.memory_space<hbm>> -> memref<1x1x1x8x128xf32, #tpu.memory_space<hbm>>
        %dma_wait3A_1399 = tpu.memref_squeeze %dma_wait3A_1398 : memref<1x1x1x8x128xf32, #tpu.memory_space<hbm>> -> memref<8x128xf32, #tpu.memory_space<hbm>>
        %dma_wait3A_1400 = arith.constant 0 : i32
        %dma_wait3A_1401 = arith.constant 128 : i32
        %dma_wait3A_1402 = tpu.memref_slice %arg13[%dma_wait3A_1400, %dma_wait3A_1401] : memref<64x257xf32, #tpu.memory_space<vmem>> -> memref<8x128xf32, #tpu.memory_space<vmem>>
        tpu.wait_dma2 semaphore(%arg22 : memref<!tpu.dma_semaphore, #tpu.memory_space<semaphore_mem>>) src(%dma_wait3A_1402 : memref<8x128xf32, #tpu.memory_space<vmem>>) dst(%dma_wait3A_1399 : memref<8x128xf32, #tpu.memory_space<hbm>>)
        %dma_wait3A_1403 = arith.constant 0 : i32
        %dma_wait3A_1404 = arith.constant 0 : i32
        %dma_wait3A_1405 = arith.constant 0 : i32
        %dma_wait3A_1406 = arith.constant 8 : i32
        %dma_wait3A_1407 = arith.constant 0 : i32
        %dma_wait3A_1408 = tpu.memref_slice %arg13[%dma_wait3A_1406, %dma_wait3A_1407] : memref<64x257xf32, #tpu.memory_space<vmem>> -> memref<8x128xf32, #tpu.memory_space<vmem>>
        %dma_wait3A_1409 = arith.constant 0 : i32
        %dma_wait3A_1410 = arith.constant 0 : i32
        %dma_wait3A_1411 = tpu.memref_slice %arg7[%dma_wait3A_1403, %dma_wait3A_1404, %dma_wait3A_1405, %dma_wait3A_1409, %dma_wait3A_1410] : memref<200x8x32x8x128xf32, #tpu.memory_space<hbm>> -> memref<1x1x1x8x128xf32, #tpu.memory_space<hbm>>
        %dma_wait3A_1412 = tpu.memref_squeeze %dma_wait3A_1411 : memref<1x1x1x8x128xf32, #tpu.memory_space<hbm>> -> memref<8x128xf32, #tpu.memory_space<hbm>>
        %dma_wait3A_1413 = arith.constant 0 : i32
        %dma_wait3A_1414 = arith.constant 0 : i32
        %dma_wait3A_1415 = tpu.memref_slice %arg7[%dma_wait3A_1403, %dma_wait3A_1404, %dma_wait3A_1405, %dma_wait3A_1413, %dma_wait3A_1414] : memref<200x8x32x8x128xf32, #tpu.memory_space<hbm>> -> memref<1x1x1x8x128xf32, #tpu.memory_space<hbm>>
        %dma_wait3A_1416 = tpu.memref_squeeze %dma_wait3A_1415 : memref<1x1x1x8x128xf32, #tpu.memory_space<hbm>> -> memref<8x128xf32, #tpu.memory_space<hbm>>
        %dma_wait3A_1417 = arith.constant 8 : i32
        %dma_wait3A_1418 = arith.constant 0 : i32
        %dma_wait3A_1419 = tpu.memref_slice %arg13[%dma_wait3A_1417, %dma_wait3A_1418] : memref<64x257xf32, #tpu.memory_space<vmem>> -> memref<8x128xf32, #tpu.memory_space<vmem>>
        tpu.wait_dma2 semaphore(%arg22 : memref<!tpu.dma_semaphore, #tpu.memory_space<semaphore_mem>>) src(%dma_wait3A_1419 : memref<8x128xf32, #tpu.memory_space<vmem>>) dst(%dma_wait3A_1416 : memref<8x128xf32, #tpu.memory_space<hbm>>)
        %dma_wait3A_1420 = arith.constant 0 : i32
        %dma_wait3A_1421 = arith.constant 0 : i32
        %dma_wait3A_1422 = arith.constant 0 : i32
        %dma_wait3A_1423 = arith.constant 8 : i32
        %dma_wait3A_1424 = arith.constant 128 : i32
        %dma_wait3A_1425 = tpu.memref_slice %arg13[%dma_wait3A_1423, %dma_wait3A_1424] : memref<64x257xf32, #tpu.memory_space<vmem>> -> memref<8x128xf32, #tpu.memory_space<vmem>>
        %dma_wait3A_1426 = arith.constant 0 : i32
        %dma_wait3A_1427 = arith.constant 0 : i32
        %dma_wait3A_1428 = tpu.memref_slice %arg7[%dma_wait3A_1420, %dma_wait3A_1421, %dma_wait3A_1422, %dma_wait3A_1426, %dma_wait3A_1427] : memref<200x8x32x8x128xf32, #tpu.memory_space<hbm>> -> memref<1x1x1x8x128xf32, #tpu.memory_space<hbm>>
        %dma_wait3A_1429 = tpu.memref_squeeze %dma_wait3A_1428 : memref<1x1x1x8x128xf32, #tpu.memory_space<hbm>> -> memref<8x128xf32, #tpu.memory_space<hbm>>
        %dma_wait3A_1430 = arith.constant 0 : i32
        %dma_wait3A_1431 = arith.constant 0 : i32
        %dma_wait3A_1432 = tpu.memref_slice %arg7[%dma_wait3A_1420, %dma_wait3A_1421, %dma_wait3A_1422, %dma_wait3A_1430, %dma_wait3A_1431] : memref<200x8x32x8x128xf32, #tpu.memory_space<hbm>> -> memref<1x1x1x8x128xf32, #tpu.memory_space<hbm>>
        %dma_wait3A_1433 = tpu.memref_squeeze %dma_wait3A_1432 : memref<1x1x1x8x128xf32, #tpu.memory_space<hbm>> -> memref<8x128xf32, #tpu.memory_space<hbm>>
        %dma_wait3A_1434 = arith.constant 8 : i32
        %dma_wait3A_1435 = arith.constant 128 : i32
        %dma_wait3A_1436 = tpu.memref_slice %arg13[%dma_wait3A_1434, %dma_wait3A_1435] : memref<64x257xf32, #tpu.memory_space<vmem>> -> memref<8x128xf32, #tpu.memory_space<vmem>>
        tpu.wait_dma2 semaphore(%arg22 : memref<!tpu.dma_semaphore, #tpu.memory_space<semaphore_mem>>) src(%dma_wait3A_1436 : memref<8x128xf32, #tpu.memory_space<vmem>>) dst(%dma_wait3A_1433 : memref<8x128xf32, #tpu.memory_space<hbm>>)
        %dma_wait3A_1437 = arith.constant 0 : i32
        %dma_wait3A_1438 = arith.constant 0 : i32
        %dma_wait3A_1439 = arith.constant 0 : i32
        %dma_wait3A_1440 = arith.constant 16 : i32
        %dma_wait3A_1441 = arith.constant 0 : i32
        %dma_wait3A_1442 = tpu.memref_slice %arg13[%dma_wait3A_1440, %dma_wait3A_1441] : memref<64x257xf32, #tpu.memory_space<vmem>> -> memref<8x128xf32, #tpu.memory_space<vmem>>
        %dma_wait3A_1443 = arith.constant 0 : i32
        %dma_wait3A_1444 = arith.constant 0 : i32
        %dma_wait3A_1445 = tpu.memref_slice %arg7[%dma_wait3A_1437, %dma_wait3A_1438, %dma_wait3A_1439, %dma_wait3A_1443, %dma_wait3A_1444] : memref<200x8x32x8x128xf32, #tpu.memory_space<hbm>> -> memref<1x1x1x8x128xf32, #tpu.memory_space<hbm>>
        %dma_wait3A_1446 = tpu.memref_squeeze %dma_wait3A_1445 : memref<1x1x1x8x128xf32, #tpu.memory_space<hbm>> -> memref<8x128xf32, #tpu.memory_space<hbm>>
        %dma_wait3A_1447 = arith.constant 0 : i32
        %dma_wait3A_1448 = arith.constant 0 : i32
        %dma_wait3A_1449 = tpu.memref_slice %arg7[%dma_wait3A_1437, %dma_wait3A_1438, %dma_wait3A_1439, %dma_wait3A_1447, %dma_wait3A_1448] : memref<200x8x32x8x128xf32, #tpu.memory_space<hbm>> -> memref<1x1x1x8x128xf32, #tpu.memory_space<hbm>>
        %dma_wait3A_1450 = tpu.memref_squeeze %dma_wait3A_1449 : memref<1x1x1x8x128xf32, #tpu.memory_space<hbm>> -> memref<8x128xf32, #tpu.memory_space<hbm>>
        %dma_wait3A_1451 = arith.constant 16 : i32
        %dma_wait3A_1452 = arith.constant 0 : i32
        %dma_wait3A_1453 = tpu.memref_slice %arg13[%dma_wait3A_1451, %dma_wait3A_1452] : memref<64x257xf32, #tpu.memory_space<vmem>> -> memref<8x128xf32, #tpu.memory_space<vmem>>
        tpu.wait_dma2 semaphore(%arg22 : memref<!tpu.dma_semaphore, #tpu.memory_space<semaphore_mem>>) src(%dma_wait3A_1453 : memref<8x128xf32, #tpu.memory_space<vmem>>) dst(%dma_wait3A_1450 : memref<8x128xf32, #tpu.memory_space<hbm>>)
        %dma_wait3A_1454 = arith.constant 0 : i32
        %dma_wait3A_1455 = arith.constant 0 : i32
        %dma_wait3A_1456 = arith.constant 0 : i32
        %dma_wait3A_1457 = arith.constant 16 : i32
        %dma_wait3A_1458 = arith.constant 128 : i32
        %dma_wait3A_1459 = tpu.memref_slice %arg13[%dma_wait3A_1457, %dma_wait3A_1458] : memref<64x257xf32, #tpu.memory_space<vmem>> -> memref<8x128xf32, #tpu.memory_space<vmem>>
        %dma_wait3A_1460 = arith.constant 0 : i32
        %dma_wait3A_1461 = arith.constant 0 : i32
        %dma_wait3A_1462 = tpu.memref_slice %arg7[%dma_wait3A_1454, %dma_wait3A_1455, %dma_wait3A_1456, %dma_wait3A_1460, %dma_wait3A_1461] : memref<200x8x32x8x128xf32, #tpu.memory_space<hbm>> -> memref<1x1x1x8x128xf32, #tpu.memory_space<hbm>>
        %dma_wait3A_1463 = tpu.memref_squeeze %dma_wait3A_1462 : memref<1x1x1x8x128xf32, #tpu.memory_space<hbm>> -> memref<8x128xf32, #tpu.memory_space<hbm>>
        %dma_wait3A_1464 = arith.constant 0 : i32
        %dma_wait3A_1465 = arith.constant 0 : i32
        %dma_wait3A_1466 = tpu.memref_slice %arg7[%dma_wait3A_1454, %dma_wait3A_1455, %dma_wait3A_1456, %dma_wait3A_1464, %dma_wait3A_1465] : memref<200x8x32x8x128xf32, #tpu.memory_space<hbm>> -> memref<1x1x1x8x128xf32, #tpu.memory_space<hbm>>
        %dma_wait3A_1467 = tpu.memref_squeeze %dma_wait3A_1466 : memref<1x1x1x8x128xf32, #tpu.memory_space<hbm>> -> memref<8x128xf32, #tpu.memory_space<hbm>>
        %dma_wait3A_1468 = arith.constant 16 : i32
        %dma_wait3A_1469 = arith.constant 128 : i32
        %dma_wait3A_1470 = tpu.memref_slice %arg13[%dma_wait3A_1468, %dma_wait3A_1469] : memref<64x257xf32, #tpu.memory_space<vmem>> -> memref<8x128xf32, #tpu.memory_space<vmem>>
        tpu.wait_dma2 semaphore(%arg22 : memref<!tpu.dma_semaphore, #tpu.memory_space<semaphore_mem>>) src(%dma_wait3A_1470 : memref<8x128xf32, #tpu.memory_space<vmem>>) dst(%dma_wait3A_1467 : memref<8x128xf32, #tpu.memory_space<hbm>>)
        %dma_wait3A_1471 = arith.constant 0 : i32
        %dma_wait3A_1472 = arith.constant 0 : i32
        %dma_wait3A_1473 = arith.constant 0 : i32
        %dma_wait3A_1474 = arith.constant 24 : i32
        %dma_wait3A_1475 = arith.constant 0 : i32
        %dma_wait3A_1476 = tpu.memref_slice %arg13[%dma_wait3A_1474, %dma_wait3A_1475] : memref<64x257xf32, #tpu.memory_space<vmem>> -> memref<8x128xf32, #tpu.memory_space<vmem>>
        %dma_wait3A_1477 = arith.constant 0 : i32
        %dma_wait3A_1478 = arith.constant 0 : i32
        %dma_wait3A_1479 = tpu.memref_slice %arg7[%dma_wait3A_1471, %dma_wait3A_1472, %dma_wait3A_1473, %dma_wait3A_1477, %dma_wait3A_1478] : memref<200x8x32x8x128xf32, #tpu.memory_space<hbm>> -> memref<1x1x1x8x128xf32, #tpu.memory_space<hbm>>
        %dma_wait3A_1480 = tpu.memref_squeeze %dma_wait3A_1479 : memref<1x1x1x8x128xf32, #tpu.memory_space<hbm>> -> memref<8x128xf32, #tpu.memory_space<hbm>>
        %dma_wait3A_1481 = arith.constant 0 : i32
        %dma_wait3A_1482 = arith.constant 0 : i32
        %dma_wait3A_1483 = tpu.memref_slice %arg7[%dma_wait3A_1471, %dma_wait3A_1472, %dma_wait3A_1473, %dma_wait3A_1481, %dma_wait3A_1482] : memref<200x8x32x8x128xf32, #tpu.memory_space<hbm>> -> memref<1x1x1x8x128xf32, #tpu.memory_space<hbm>>
        %dma_wait3A_1484 = tpu.memref_squeeze %dma_wait3A_1483 : memref<1x1x1x8x128xf32, #tpu.memory_space<hbm>> -> memref<8x128xf32, #tpu.memory_space<hbm>>
        %dma_wait3A_1485 = arith.constant 24 : i32
        %dma_wait3A_1486 = arith.constant 0 : i32
        %dma_wait3A_1487 = tpu.memref_slice %arg13[%dma_wait3A_1485, %dma_wait3A_1486] : memref<64x257xf32, #tpu.memory_space<vmem>> -> memref<8x128xf32, #tpu.memory_space<vmem>>
        tpu.wait_dma2 semaphore(%arg22 : memref<!tpu.dma_semaphore, #tpu.memory_space<semaphore_mem>>) src(%dma_wait3A_1487 : memref<8x128xf32, #tpu.memory_space<vmem>>) dst(%dma_wait3A_1484 : memref<8x128xf32, #tpu.memory_space<hbm>>)
        %dma_wait3A_1488 = arith.constant 0 : i32
        %dma_wait3A_1489 = arith.constant 0 : i32
        %dma_wait3A_1490 = arith.constant 0 : i32
        %dma_wait3A_1491 = arith.constant 24 : i32
        %dma_wait3A_1492 = arith.constant 128 : i32
        %dma_wait3A_1493 = tpu.memref_slice %arg13[%dma_wait3A_1491, %dma_wait3A_1492] : memref<64x257xf32, #tpu.memory_space<vmem>> -> memref<8x128xf32, #tpu.memory_space<vmem>>
        %dma_wait3A_1494 = arith.constant 0 : i32
        %dma_wait3A_1495 = arith.constant 0 : i32
        %dma_wait3A_1496 = tpu.memref_slice %arg7[%dma_wait3A_1488, %dma_wait3A_1489, %dma_wait3A_1490, %dma_wait3A_1494, %dma_wait3A_1495] : memref<200x8x32x8x128xf32, #tpu.memory_space<hbm>> -> memref<1x1x1x8x128xf32, #tpu.memory_space<hbm>>
        %dma_wait3A_1497 = tpu.memref_squeeze %dma_wait3A_1496 : memref<1x1x1x8x128xf32, #tpu.memory_space<hbm>> -> memref<8x128xf32, #tpu.memory_space<hbm>>
        %dma_wait3A_1498 = arith.constant 0 : i32
        %dma_wait3A_1499 = arith.constant 0 : i32
        %dma_wait3A_1500 = tpu.memref_slice %arg7[%dma_wait3A_1488, %dma_wait3A_1489, %dma_wait3A_1490, %dma_wait3A_1498, %dma_wait3A_1499] : memref<200x8x32x8x128xf32, #tpu.memory_space<hbm>> -> memref<1x1x1x8x128xf32, #tpu.memory_space<hbm>>
        %dma_wait3A_1501 = tpu.memref_squeeze %dma_wait3A_1500 : memref<1x1x1x8x128xf32, #tpu.memory_space<hbm>> -> memref<8x128xf32, #tpu.memory_space<hbm>>
        %dma_wait3A_1502 = arith.constant 24 : i32
        %dma_wait3A_1503 = arith.constant 128 : i32
        %dma_wait3A_1504 = tpu.memref_slice %arg13[%dma_wait3A_1502, %dma_wait3A_1503] : memref<64x257xf32, #tpu.memory_space<vmem>> -> memref<8x128xf32, #tpu.memory_space<vmem>>
        tpu.wait_dma2 semaphore(%arg22 : memref<!tpu.dma_semaphore, #tpu.memory_space<semaphore_mem>>) src(%dma_wait3A_1504 : memref<8x128xf32, #tpu.memory_space<vmem>>) dst(%dma_wait3A_1501 : memref<8x128xf32, #tpu.memory_space<hbm>>)
        %dma_wait3A_1505 = arith.constant 0 : i32
        %dma_wait3A_1506 = arith.constant 0 : i32
        %dma_wait3A_1507 = arith.constant 0 : i32
        %dma_wait3A_1508 = arith.constant 32 : i32
        %dma_wait3A_1509 = arith.constant 0 : i32
        %dma_wait3A_1510 = tpu.memref_slice %arg13[%dma_wait3A_1508, %dma_wait3A_1509] : memref<64x257xf32, #tpu.memory_space<vmem>> -> memref<8x128xf32, #tpu.memory_space<vmem>>
        %dma_wait3A_1511 = arith.constant 0 : i32
        %dma_wait3A_1512 = arith.constant 0 : i32
        %dma_wait3A_1513 = tpu.memref_slice %arg7[%dma_wait3A_1505, %dma_wait3A_1506, %dma_wait3A_1507, %dma_wait3A_1511, %dma_wait3A_1512] : memref<200x8x32x8x128xf32, #tpu.memory_space<hbm>> -> memref<1x1x1x8x128xf32, #tpu.memory_space<hbm>>
        %dma_wait3A_1514 = tpu.memref_squeeze %dma_wait3A_1513 : memref<1x1x1x8x128xf32, #tpu.memory_space<hbm>> -> memref<8x128xf32, #tpu.memory_space<hbm>>
        %dma_wait3A_1515 = arith.constant 0 : i32
        %dma_wait3A_1516 = arith.constant 0 : i32
        %dma_wait3A_1517 = tpu.memref_slice %arg7[%dma_wait3A_1505, %dma_wait3A_1506, %dma_wait3A_1507, %dma_wait3A_1515, %dma_wait3A_1516] : memref<200x8x32x8x128xf32, #tpu.memory_space<hbm>> -> memref<1x1x1x8x128xf32, #tpu.memory_space<hbm>>
        %dma_wait3A_1518 = tpu.memref_squeeze %dma_wait3A_1517 : memref<1x1x1x8x128xf32, #tpu.memory_space<hbm>> -> memref<8x128xf32, #tpu.memory_space<hbm>>
        %dma_wait3A_1519 = arith.constant 32 : i32
        %dma_wait3A_1520 = arith.constant 0 : i32
        %dma_wait3A_1521 = tpu.memref_slice %arg13[%dma_wait3A_1519, %dma_wait3A_1520] : memref<64x257xf32, #tpu.memory_space<vmem>> -> memref<8x128xf32, #tpu.memory_space<vmem>>
        tpu.wait_dma2 semaphore(%arg22 : memref<!tpu.dma_semaphore, #tpu.memory_space<semaphore_mem>>) src(%dma_wait3A_1521 : memref<8x128xf32, #tpu.memory_space<vmem>>) dst(%dma_wait3A_1518 : memref<8x128xf32, #tpu.memory_space<hbm>>)
        %dma_wait3A_1522 = arith.constant 0 : i32
        %dma_wait3A_1523 = arith.constant 0 : i32
        %dma_wait3A_1524 = arith.constant 0 : i32
        %dma_wait3A_1525 = arith.constant 32 : i32
        %dma_wait3A_1526 = arith.constant 128 : i32
        %dma_wait3A_1527 = tpu.memref_slice %arg13[%dma_wait3A_1525, %dma_wait3A_1526] : memref<64x257xf32, #tpu.memory_space<vmem>> -> memref<8x128xf32, #tpu.memory_space<vmem>>
        %dma_wait3A_1528 = arith.constant 0 : i32
        %dma_wait3A_1529 = arith.constant 0 : i32
        %dma_wait3A_1530 = tpu.memref_slice %arg7[%dma_wait3A_1522, %dma_wait3A_1523, %dma_wait3A_1524, %dma_wait3A_1528, %dma_wait3A_1529] : memref<200x8x32x8x128xf32, #tpu.memory_space<hbm>> -> memref<1x1x1x8x128xf32, #tpu.memory_space<hbm>>
        %dma_wait3A_1531 = tpu.memref_squeeze %dma_wait3A_1530 : memref<1x1x1x8x128xf32, #tpu.memory_space<hbm>> -> memref<8x128xf32, #tpu.memory_space<hbm>>
        %dma_wait3A_1532 = arith.constant 0 : i32
        %dma_wait3A_1533 = arith.constant 0 : i32
        %dma_wait3A_1534 = tpu.memref_slice %arg7[%dma_wait3A_1522, %dma_wait3A_1523, %dma_wait3A_1524, %dma_wait3A_1532, %dma_wait3A_1533] : memref<200x8x32x8x128xf32, #tpu.memory_space<hbm>> -> memref<1x1x1x8x128xf32, #tpu.memory_space<hbm>>
        %dma_wait3A_1535 = tpu.memref_squeeze %dma_wait3A_1534 : memref<1x1x1x8x128xf32, #tpu.memory_space<hbm>> -> memref<8x128xf32, #tpu.memory_space<hbm>>
        %dma_wait3A_1536 = arith.constant 32 : i32
        %dma_wait3A_1537 = arith.constant 128 : i32
        %dma_wait3A_1538 = tpu.memref_slice %arg13[%dma_wait3A_1536, %dma_wait3A_1537] : memref<64x257xf32, #tpu.memory_space<vmem>> -> memref<8x128xf32, #tpu.memory_space<vmem>>
        tpu.wait_dma2 semaphore(%arg22 : memref<!tpu.dma_semaphore, #tpu.memory_space<semaphore_mem>>) src(%dma_wait3A_1538 : memref<8x128xf32, #tpu.memory_space<vmem>>) dst(%dma_wait3A_1535 : memref<8x128xf32, #tpu.memory_space<hbm>>)
        %dma_wait3A_1539 = arith.constant 0 : i32
        %dma_wait3A_1540 = arith.constant 0 : i32
        %dma_wait3A_1541 = arith.constant 0 : i32
        %dma_wait3A_1542 = arith.constant 40 : i32
        %dma_wait3A_1543 = arith.constant 0 : i32
        %dma_wait3A_1544 = tpu.memref_slice %arg13[%dma_wait3A_1542, %dma_wait3A_1543] : memref<64x257xf32, #tpu.memory_space<vmem>> -> memref<8x128xf32, #tpu.memory_space<vmem>>
        %dma_wait3A_1545 = arith.constant 0 : i32
        %dma_wait3A_1546 = arith.constant 0 : i32
        %dma_wait3A_1547 = tpu.memref_slice %arg7[%dma_wait3A_1539, %dma_wait3A_1540, %dma_wait3A_1541, %dma_wait3A_1545, %dma_wait3A_1546] : memref<200x8x32x8x128xf32, #tpu.memory_space<hbm>> -> memref<1x1x1x8x128xf32, #tpu.memory_space<hbm>>
        %dma_wait3A_1548 = tpu.memref_squeeze %dma_wait3A_1547 : memref<1x1x1x8x128xf32, #tpu.memory_space<hbm>> -> memref<8x128xf32, #tpu.memory_space<hbm>>
        %dma_wait3A_1549 = arith.constant 0 : i32
        %dma_wait3A_1550 = arith.constant 0 : i32
        %dma_wait3A_1551 = tpu.memref_slice %arg7[%dma_wait3A_1539, %dma_wait3A_1540, %dma_wait3A_1541, %dma_wait3A_1549, %dma_wait3A_1550] : memref<200x8x32x8x128xf32, #tpu.memory_space<hbm>> -> memref<1x1x1x8x128xf32, #tpu.memory_space<hbm>>
        %dma_wait3A_1552 = tpu.memref_squeeze %dma_wait3A_1551 : memref<1x1x1x8x128xf32, #tpu.memory_space<hbm>> -> memref<8x128xf32, #tpu.memory_space<hbm>>
        %dma_wait3A_1553 = arith.constant 40 : i32
        %dma_wait3A_1554 = arith.constant 0 : i32
        %dma_wait3A_1555 = tpu.memref_slice %arg13[%dma_wait3A_1553, %dma_wait3A_1554] : memref<64x257xf32, #tpu.memory_space<vmem>> -> memref<8x128xf32, #tpu.memory_space<vmem>>
        tpu.wait_dma2 semaphore(%arg22 : memref<!tpu.dma_semaphore, #tpu.memory_space<semaphore_mem>>) src(%dma_wait3A_1555 : memref<8x128xf32, #tpu.memory_space<vmem>>) dst(%dma_wait3A_1552 : memref<8x128xf32, #tpu.memory_space<hbm>>)
        %dma_wait3A_1556 = arith.constant 0 : i32
        %dma_wait3A_1557 = arith.constant 0 : i32
        %dma_wait3A_1558 = arith.constant 0 : i32
        %dma_wait3A_1559 = arith.constant 40 : i32
        %dma_wait3A_1560 = arith.constant 128 : i32
        %dma_wait3A_1561 = tpu.memref_slice %arg13[%dma_wait3A_1559, %dma_wait3A_1560] : memref<64x257xf32, #tpu.memory_space<vmem>> -> memref<8x128xf32, #tpu.memory_space<vmem>>
        %dma_wait3A_1562 = arith.constant 0 : i32
        %dma_wait3A_1563 = arith.constant 0 : i32
        %dma_wait3A_1564 = tpu.memref_slice %arg7[%dma_wait3A_1556, %dma_wait3A_1557, %dma_wait3A_1558, %dma_wait3A_1562, %dma_wait3A_1563] : memref<200x8x32x8x128xf32, #tpu.memory_space<hbm>> -> memref<1x1x1x8x128xf32, #tpu.memory_space<hbm>>
        %dma_wait3A_1565 = tpu.memref_squeeze %dma_wait3A_1564 : memref<1x1x1x8x128xf32, #tpu.memory_space<hbm>> -> memref<8x128xf32, #tpu.memory_space<hbm>>
        %dma_wait3A_1566 = arith.constant 0 : i32
        %dma_wait3A_1567 = arith.constant 0 : i32
        %dma_wait3A_1568 = tpu.memref_slice %arg7[%dma_wait3A_1556, %dma_wait3A_1557, %dma_wait3A_1558, %dma_wait3A_1566, %dma_wait3A_1567] : memref<200x8x32x8x128xf32, #tpu.memory_space<hbm>> -> memref<1x1x1x8x128xf32, #tpu.memory_space<hbm>>
        %dma_wait3A_1569 = tpu.memref_squeeze %dma_wait3A_1568 : memref<1x1x1x8x128xf32, #tpu.memory_space<hbm>> -> memref<8x128xf32, #tpu.memory_space<hbm>>
        %dma_wait3A_1570 = arith.constant 40 : i32
        %dma_wait3A_1571 = arith.constant 128 : i32
        %dma_wait3A_1572 = tpu.memref_slice %arg13[%dma_wait3A_1570, %dma_wait3A_1571] : memref<64x257xf32, #tpu.memory_space<vmem>> -> memref<8x128xf32, #tpu.memory_space<vmem>>
        tpu.wait_dma2 semaphore(%arg22 : memref<!tpu.dma_semaphore, #tpu.memory_space<semaphore_mem>>) src(%dma_wait3A_1572 : memref<8x128xf32, #tpu.memory_space<vmem>>) dst(%dma_wait3A_1569 : memref<8x128xf32, #tpu.memory_space<hbm>>)
        %dma_wait3A_1573 = arith.constant 0 : i32
        %dma_wait3A_1574 = arith.constant 0 : i32
        %dma_wait3A_1575 = arith.constant 0 : i32
        %dma_wait3A_1576 = arith.constant 48 : i32
        %dma_wait3A_1577 = arith.constant 0 : i32
        %dma_wait3A_1578 = tpu.memref_slice %arg13[%dma_wait3A_1576, %dma_wait3A_1577] : memref<64x257xf32, #tpu.memory_space<vmem>> -> memref<8x128xf32, #tpu.memory_space<vmem>>
        %dma_wait3A_1579 = arith.constant 0 : i32
        %dma_wait3A_1580 = arith.constant 0 : i32
        %dma_wait3A_1581 = tpu.memref_slice %arg7[%dma_wait3A_1573, %dma_wait3A_1574, %dma_wait3A_1575, %dma_wait3A_1579, %dma_wait3A_1580] : memref<200x8x32x8x128xf32, #tpu.memory_space<hbm>> -> memref<1x1x1x8x128xf32, #tpu.memory_space<hbm>>
        %dma_wait3A_1582 = tpu.memref_squeeze %dma_wait3A_1581 : memref<1x1x1x8x128xf32, #tpu.memory_space<hbm>> -> memref<8x128xf32, #tpu.memory_space<hbm>>
        %dma_wait3A_1583 = arith.constant 0 : i32
        %dma_wait3A_1584 = arith.constant 0 : i32
        %dma_wait3A_1585 = tpu.memref_slice %arg7[%dma_wait3A_1573, %dma_wait3A_1574, %dma_wait3A_1575, %dma_wait3A_1583, %dma_wait3A_1584] : memref<200x8x32x8x128xf32, #tpu.memory_space<hbm>> -> memref<1x1x1x8x128xf32, #tpu.memory_space<hbm>>
        %dma_wait3A_1586 = tpu.memref_squeeze %dma_wait3A_1585 : memref<1x1x1x8x128xf32, #tpu.memory_space<hbm>> -> memref<8x128xf32, #tpu.memory_space<hbm>>
        %dma_wait3A_1587 = arith.constant 48 : i32
        %dma_wait3A_1588 = arith.constant 0 : i32
        %dma_wait3A_1589 = tpu.memref_slice %arg13[%dma_wait3A_1587, %dma_wait3A_1588] : memref<64x257xf32, #tpu.memory_space<vmem>> -> memref<8x128xf32, #tpu.memory_space<vmem>>
        tpu.wait_dma2 semaphore(%arg22 : memref<!tpu.dma_semaphore, #tpu.memory_space<semaphore_mem>>) src(%dma_wait3A_1589 : memref<8x128xf32, #tpu.memory_space<vmem>>) dst(%dma_wait3A_1586 : memref<8x128xf32, #tpu.memory_space<hbm>>)
        %dma_wait3A_1590 = arith.constant 0 : i32
        %dma_wait3A_1591 = arith.constant 0 : i32
        %dma_wait3A_1592 = arith.constant 0 : i32
        %dma_wait3A_1593 = arith.constant 48 : i32
        %dma_wait3A_1594 = arith.constant 128 : i32
        %dma_wait3A_1595 = tpu.memref_slice %arg13[%dma_wait3A_1593, %dma_wait3A_1594] : memref<64x257xf32, #tpu.memory_space<vmem>> -> memref<8x128xf32, #tpu.memory_space<vmem>>
        %dma_wait3A_1596 = arith.constant 0 : i32
        %dma_wait3A_1597 = arith.constant 0 : i32
        %dma_wait3A_1598 = tpu.memref_slice %arg7[%dma_wait3A_1590, %dma_wait3A_1591, %dma_wait3A_1592, %dma_wait3A_1596, %dma_wait3A_1597] : memref<200x8x32x8x128xf32, #tpu.memory_space<hbm>> -> memref<1x1x1x8x128xf32, #tpu.memory_space<hbm>>
        %dma_wait3A_1599 = tpu.memref_squeeze %dma_wait3A_1598 : memref<1x1x1x8x128xf32, #tpu.memory_space<hbm>> -> memref<8x128xf32, #tpu.memory_space<hbm>>
        %dma_wait3A_1600 = arith.constant 0 : i32
        %dma_wait3A_1601 = arith.constant 0 : i32
        %dma_wait3A_1602 = tpu.memref_slice %arg7[%dma_wait3A_1590, %dma_wait3A_1591, %dma_wait3A_1592, %dma_wait3A_1600, %dma_wait3A_1601] : memref<200x8x32x8x128xf32, #tpu.memory_space<hbm>> -> memref<1x1x1x8x128xf32, #tpu.memory_space<hbm>>
        %dma_wait3A_1603 = tpu.memref_squeeze %dma_wait3A_1602 : memref<1x1x1x8x128xf32, #tpu.memory_space<hbm>> -> memref<8x128xf32, #tpu.memory_space<hbm>>
        %dma_wait3A_1604 = arith.constant 48 : i32
        %dma_wait3A_1605 = arith.constant 128 : i32
        %dma_wait3A_1606 = tpu.memref_slice %arg13[%dma_wait3A_1604, %dma_wait3A_1605] : memref<64x257xf32, #tpu.memory_space<vmem>> -> memref<8x128xf32, #tpu.memory_space<vmem>>
        tpu.wait_dma2 semaphore(%arg22 : memref<!tpu.dma_semaphore, #tpu.memory_space<semaphore_mem>>) src(%dma_wait3A_1606 : memref<8x128xf32, #tpu.memory_space<vmem>>) dst(%dma_wait3A_1603 : memref<8x128xf32, #tpu.memory_space<hbm>>)
        %dma_wait3A_1607 = arith.constant 0 : i32
        %dma_wait3A_1608 = arith.constant 0 : i32
        %dma_wait3A_1609 = arith.constant 0 : i32
        %dma_wait3A_1610 = arith.constant 56 : i32
        %dma_wait3A_1611 = arith.constant 0 : i32
        %dma_wait3A_1612 = tpu.memref_slice %arg13[%dma_wait3A_1610, %dma_wait3A_1611] : memref<64x257xf32, #tpu.memory_space<vmem>> -> memref<8x128xf32, #tpu.memory_space<vmem>>
        %dma_wait3A_1613 = arith.constant 0 : i32
        %dma_wait3A_1614 = arith.constant 0 : i32
        %dma_wait3A_1615 = tpu.memref_slice %arg7[%dma_wait3A_1607, %dma_wait3A_1608, %dma_wait3A_1609, %dma_wait3A_1613, %dma_wait3A_1614] : memref<200x8x32x8x128xf32, #tpu.memory_space<hbm>> -> memref<1x1x1x8x128xf32, #tpu.memory_space<hbm>>
        %dma_wait3A_1616 = tpu.memref_squeeze %dma_wait3A_1615 : memref<1x1x1x8x128xf32, #tpu.memory_space<hbm>> -> memref<8x128xf32, #tpu.memory_space<hbm>>
        %dma_wait3A_1617 = arith.constant 0 : i32
        %dma_wait3A_1618 = arith.constant 0 : i32
        %dma_wait3A_1619 = tpu.memref_slice %arg7[%dma_wait3A_1607, %dma_wait3A_1608, %dma_wait3A_1609, %dma_wait3A_1617, %dma_wait3A_1618] : memref<200x8x32x8x128xf32, #tpu.memory_space<hbm>> -> memref<1x1x1x8x128xf32, #tpu.memory_space<hbm>>
        %dma_wait3A_1620 = tpu.memref_squeeze %dma_wait3A_1619 : memref<1x1x1x8x128xf32, #tpu.memory_space<hbm>> -> memref<8x128xf32, #tpu.memory_space<hbm>>
        %dma_wait3A_1621 = arith.constant 56 : i32
        %dma_wait3A_1622 = arith.constant 0 : i32
        %dma_wait3A_1623 = tpu.memref_slice %arg13[%dma_wait3A_1621, %dma_wait3A_1622] : memref<64x257xf32, #tpu.memory_space<vmem>> -> memref<8x128xf32, #tpu.memory_space<vmem>>
        tpu.wait_dma2 semaphore(%arg22 : memref<!tpu.dma_semaphore, #tpu.memory_space<semaphore_mem>>) src(%dma_wait3A_1623 : memref<8x128xf32, #tpu.memory_space<vmem>>) dst(%dma_wait3A_1620 : memref<8x128xf32, #tpu.memory_space<hbm>>)
        %dma_wait3A_1624 = arith.constant 0 : i32
        %dma_wait3A_1625 = arith.constant 0 : i32
        %dma_wait3A_1626 = arith.constant 0 : i32
        %dma_wait3A_1627 = arith.constant 56 : i32
        %dma_wait3A_1628 = arith.constant 128 : i32
        %dma_wait3A_1629 = tpu.memref_slice %arg13[%dma_wait3A_1627, %dma_wait3A_1628] : memref<64x257xf32, #tpu.memory_space<vmem>> -> memref<8x128xf32, #tpu.memory_space<vmem>>
        %dma_wait3A_1630 = arith.constant 0 : i32
        %dma_wait3A_1631 = arith.constant 0 : i32
        %dma_wait3A_1632 = tpu.memref_slice %arg7[%dma_wait3A_1624, %dma_wait3A_1625, %dma_wait3A_1626, %dma_wait3A_1630, %dma_wait3A_1631] : memref<200x8x32x8x128xf32, #tpu.memory_space<hbm>> -> memref<1x1x1x8x128xf32, #tpu.memory_space<hbm>>
        %dma_wait3A_1633 = tpu.memref_squeeze %dma_wait3A_1632 : memref<1x1x1x8x128xf32, #tpu.memory_space<hbm>> -> memref<8x128xf32, #tpu.memory_space<hbm>>
        %dma_wait3A_1634 = arith.constant 0 : i32
        %dma_wait3A_1635 = arith.constant 0 : i32
        %dma_wait3A_1636 = tpu.memref_slice %arg7[%dma_wait3A_1624, %dma_wait3A_1625, %dma_wait3A_1626, %dma_wait3A_1634, %dma_wait3A_1635] : memref<200x8x32x8x128xf32, #tpu.memory_space<hbm>> -> memref<1x1x1x8x128xf32, #tpu.memory_space<hbm>>
        %dma_wait3A_1637 = tpu.memref_squeeze %dma_wait3A_1636 : memref<1x1x1x8x128xf32, #tpu.memory_space<hbm>> -> memref<8x128xf32, #tpu.memory_space<hbm>>
        %dma_wait3A_1638 = arith.constant 56 : i32
        %dma_wait3A_1639 = arith.constant 128 : i32
        %dma_wait3A_1640 = tpu.memref_slice %arg13[%dma_wait3A_1638, %dma_wait3A_1639] : memref<64x257xf32, #tpu.memory_space<vmem>> -> memref<8x128xf32, #tpu.memory_space<vmem>>
        tpu.wait_dma2 semaphore(%arg22 : memref<!tpu.dma_semaphore, #tpu.memory_space<semaphore_mem>>) src(%dma_wait3A_1640 : memref<8x128xf32, #tpu.memory_space<vmem>>) dst(%dma_wait3A_1637 : memref<8x128xf32, #tpu.memory_space<hbm>>)
      } else {
      }
      %mul3A_1051 = arith.constant 256 : i32
      %mul3A_1052 = arith.muli %add3A_1015, %mul3A_1051 : i32
      %add3A_1053 = arith.addi %mul3A_2, %mul3A_1052 : i32
      %shift_right_logical3A_1054 = arith.constant 12 : i32
      %shift_right_logical3A_1055 = arith.shrui %add3A_1053, %shift_right_logical3A_1054 : i32
      %get3A_1056 = arith.index_cast %shift_right_logical3A_1055 : i32 to index
      %get3A_1057 = arith.constant 0 : index
      %get3A_1058 = tpu.vector_load %arg14[%get3A_1056, %get3A_1057] {strides = array<i32>} : memref<200x64xf32, #tpu.memory_space<vmem>>, vector<16xf32>,
      %get3A_1059 = arith.index_cast %shift_right_logical3A_1055 : i32 to index
      %get3A_1060 = arith.constant 16 : index
      %get3A_1061 = tpu.vector_load %arg14[%get3A_1059, %get3A_1060] {strides = array<i32>} : memref<200x64xf32, #tpu.memory_space<vmem>>, vector<16xf32>,
      %get3A_1062 = arith.index_cast %shift_right_logical3A_1055 : i32 to index
      %get3A_1063 = arith.constant 32 : index
      %get3A_1064 = tpu.vector_load %arg14[%get3A_1062, %get3A_1063] {strides = array<i32>} : memref<200x64xf32, #tpu.memory_space<vmem>>, vector<16xf32>,
      %get3A_1065 = arith.index_cast %shift_right_logical3A_1055 : i32 to index
      %get3A_1066 = arith.constant 48 : index
      %get3A_1067 = tpu.vector_load %arg14[%get3A_1065, %get3A_1066] {strides = array<i32>} : memref<200x64xf32, #tpu.memory_space<vmem>>, vector<16xf32>,
      %get3A_1068 = arith.constant 0 : index
      %get3A_1069 = tpu.vector_load %arg15[%get3A_1068] {strides = array<i32>} : memref<64xf32, #tpu.memory_space<vmem>>, vector<16xf32>,
      %get3A_1070 = arith.constant 16 : index
      %get3A_1071 = tpu.vector_load %arg15[%get3A_1070] {strides = array<i32>} : memref<64xf32, #tpu.memory_space<vmem>>, vector<16xf32>,
      %get3A_1072 = arith.constant 32 : index
      %get3A_1073 = tpu.vector_load %arg15[%get3A_1072] {strides = array<i32>} : memref<64xf32, #tpu.memory_space<vmem>>, vector<16xf32>,
      %get3A_1074 = arith.constant 48 : index
      %get3A_1075 = tpu.vector_load %arg15[%get3A_1074] {strides = array<i32>} : memref<64xf32, #tpu.memory_space<vmem>>, vector<16xf32>,
      %get3A_1076 = arith.constant 0 : index
      %get3A_1077 = tpu.vector_load %arg16[%get3A_1076] {strides = array<i32>} : memref<64xf32, #tpu.memory_space<vmem>>, vector<16xf32>,
      %get3A_1078 = arith.constant 16 : index
      %get3A_1079 = tpu.vector_load %arg16[%get3A_1078] {strides = array<i32>} : memref<64xf32, #tpu.memory_space<vmem>>, vector<16xf32>,
      %get3A_1080 = arith.constant 32 : index
      %get3A_1081 = tpu.vector_load %arg16[%get3A_1080] {strides = array<i32>} : memref<64xf32, #tpu.memory_space<vmem>>, vector<16xf32>,
      %get3A_1082 = arith.constant 48 : index
      %get3A_1083 = tpu.vector_load %arg16[%get3A_1082] {strides = array<i32>} : memref<64xf32, #tpu.memory_space<vmem>>, vector<16xf32>,
      %parallel_loop3A_1084 = arith.constant 0 : i32
      %parallel_loop3A_1085 = arith.constant 256 : i32
      %parallel_loop3A_1086 = arith.constant 1 : i32
      scf.for %parallel_loop3A_1369 = %parallel_loop3A_1084 to %parallel_loop3A_1085 step %parallel_loop3A_1086  : i32 {
        %parallel_loop3A_1370 = arith.index_cast %parallel_loop3A_1369 : i32 to index
        %parallel_loop3A_1371 = arith.constant 0 : index
        %parallel_loop3A_1372 = tpu.vector_load %arg11[%parallel_loop3A_1370, %parallel_loop3A_1371] {strides = array<i32>} : memref<256x64xf32, #tpu.memory_space<vmem>>, vector<16xf32>,
        %parallel_loop3A_1373 = arith.addf %parallel_loop3A_1372, %get3A_1058 : vector<16xf32>
        %parallel_loop3A_1374 = arith.index_cast %parallel_loop3A_1369 : i32 to index
        %parallel_loop3A_1375 = arith.constant 16 : index
        %parallel_loop3A_1376 = tpu.vector_load %arg11[%parallel_loop3A_1374, %parallel_loop3A_1375] {strides = array<i32>} : memref<256x64xf32, #tpu.memory_space<vmem>>, vector<16xf32>,
        %parallel_loop3A_1377 = arith.addf %parallel_loop3A_1376, %get3A_1061 : vector<16xf32>
        %parallel_loop3A_1378 = arith.index_cast %parallel_loop3A_1369 : i32 to index
        %parallel_loop3A_1379 = arith.constant 32 : index
        %parallel_loop3A_1380 = tpu.vector_load %arg11[%parallel_loop3A_1378, %parallel_loop3A_1379] {strides = array<i32>} : memref<256x64xf32, #tpu.memory_space<vmem>>, vector<16xf32>,
        %parallel_loop3A_1381 = arith.addf %parallel_loop3A_1380, %get3A_1064 : vector<16xf32>
        %parallel_loop3A_1382 = arith.index_cast %parallel_loop3A_1369 : i32 to index
        %parallel_loop3A_1383 = arith.constant 48 : index
        %parallel_loop3A_1384 = tpu.vector_load %arg11[%parallel_loop3A_1382, %parallel_loop3A_1383] {strides = array<i32>} : memref<256x64xf32, #tpu.memory_space<vmem>>, vector<16xf32>,
        %parallel_loop3A_1385 = arith.addf %parallel_loop3A_1384, %get3A_1067 : vector<16xf32>
        %parallel_loop3A_1386 = arith.addf %parallel_loop3A_1373, %parallel_loop3A_1377 : vector<16xf32>
        %parallel_loop3A_1387 = arith.addf %parallel_loop3A_1381, %parallel_loop3A_1385 : vector<16xf32>
        %parallel_loop3A_1388 = arith.addf %parallel_loop3A_1386, %parallel_loop3A_1387 : vector<16xf32>
        %parallel_loop3A_1389 = arith.mulf %parallel_loop3A_1373, %parallel_loop3A_1373 : vector<16xf32>
        %parallel_loop3A_1390 = arith.mulf %parallel_loop3A_1377, %parallel_loop3A_1377 : vector<16xf32>
        %parallel_loop3A_1391 = arith.addf %parallel_loop3A_1389, %parallel_loop3A_1390 : vector<16xf32>
        %parallel_loop3A_1392 = arith.mulf %parallel_loop3A_1381, %parallel_loop3A_1381 : vector<16xf32>
        %parallel_loop3A_1393 = arith.mulf %parallel_loop3A_1385, %parallel_loop3A_1385 : vector<16xf32>
        %parallel_loop3A_1394 = arith.addf %parallel_loop3A_1392, %parallel_loop3A_1393 : vector<16xf32>
        %parallel_loop3A_1395 = arith.addf %parallel_loop3A_1391, %parallel_loop3A_1394 : vector<16xf32>
        %parallel_loop3A_1396 = arith.constant 0 : i32
        %parallel_loop3A_1397 = vector.broadcast %parallel_loop3A_1396 : i32 to vector<16xi32>
        %parallel_loop3A_1398 = arith.cmpi slt, %xor3A_4, %parallel_loop3A_1397 : vector<16xi32>
        %parallel_loop3A_1399 = arith.constant 16 : i32
        %parallel_loop3A_1400 = vector.broadcast %parallel_loop3A_1399 : i32 to vector<16xi32>
        %parallel_loop3A_1401 = arith.addi %xor3A_4, %parallel_loop3A_1400 : vector<16xi32>
        %parallel_loop3A_1402 = arith.select %parallel_loop3A_1398, %parallel_loop3A_1401, %xor3A_4 : vector<16xi1>, vector<16xi32>
        %parallel_loop3A_1403 = vector.shape_cast %parallel_loop3A_1402 : vector<16xi32> to vector<16x1xi32>
        %parallel_loop3A_1404 = vector.shape_cast %parallel_loop3A_1403 : vector<16x1xi32> to vector<16xi32>
        %parallel_loop3A_1405 = tpu.dynamic_gather %parallel_loop3A_1388[%parallel_loop3A_1404] in [0] : vector<16xf32>, vector<16xi32> -> vector<16xf32>
        %parallel_loop3A_1406 = arith.addf %parallel_loop3A_1388, %parallel_loop3A_1405 : vector<16xf32>
        %parallel_loop3A_1407 = arith.constant 0 : i32
        %parallel_loop3A_1408 = vector.broadcast %parallel_loop3A_1407 : i32 to vector<16xi32>
        %parallel_loop3A_1409 = arith.cmpi slt, %xor3A_7, %parallel_loop3A_1408 : vector<16xi32>
        %parallel_loop3A_1410 = arith.constant 16 : i32
        %parallel_loop3A_1411 = vector.broadcast %parallel_loop3A_1410 : i32 to vector<16xi32>
        %parallel_loop3A_1412 = arith.addi %xor3A_7, %parallel_loop3A_1411 : vector<16xi32>
        %parallel_loop3A_1413 = arith.select %parallel_loop3A_1409, %parallel_loop3A_1412, %xor3A_7 : vector<16xi1>, vector<16xi32>
        %parallel_loop3A_1414 = vector.shape_cast %parallel_loop3A_1413 : vector<16xi32> to vector<16x1xi32>
        %parallel_loop3A_1415 = vector.shape_cast %parallel_loop3A_1414 : vector<16x1xi32> to vector<16xi32>
        %parallel_loop3A_1416 = tpu.dynamic_gather %parallel_loop3A_1406[%parallel_loop3A_1415] in [0] : vector<16xf32>, vector<16xi32> -> vector<16xf32>
        %parallel_loop3A_1417 = arith.addf %parallel_loop3A_1406, %parallel_loop3A_1416 : vector<16xf32>
        %parallel_loop3A_1418 = arith.constant 0 : i32
        %parallel_loop3A_1419 = vector.broadcast %parallel_loop3A_1418 : i32 to vector<16xi32>
        %parallel_loop3A_1420 = arith.cmpi slt, %xor3A_10, %parallel_loop3A_1419 : vector<16xi32>
        %parallel_loop3A_1421 = arith.constant 16 : i32
        %parallel_loop3A_1422 = vector.broadcast %parallel_loop3A_1421 : i32 to vector<16xi32>
        %parallel_loop3A_1423 = arith.addi %xor3A_10, %parallel_loop3A_1422 : vector<16xi32>
        %parallel_loop3A_1424 = arith.select %parallel_loop3A_1420, %parallel_loop3A_1423, %xor3A_10 : vector<16xi1>, vector<16xi32>
        %parallel_loop3A_1425 = vector.shape_cast %parallel_loop3A_1424 : vector<16xi32> to vector<16x1xi32>
        %parallel_loop3A_1426 = vector.shape_cast %parallel_loop3A_1425 : vector<16x1xi32> to vector<16xi32>
        %parallel_loop3A_1427 = tpu.dynamic_gather %parallel_loop3A_1417[%parallel_loop3A_1426] in [0] : vector<16xf32>, vector<16xi32> -> vector<16xf32>
        %parallel_loop3A_1428 = arith.addf %parallel_loop3A_1417, %parallel_loop3A_1427 : vector<16xf32>
        %parallel_loop3A_1429 = arith.constant 0 : i32
        %parallel_loop3A_1430 = vector.broadcast %parallel_loop3A_1429 : i32 to vector<16xi32>
        %parallel_loop3A_1431 = arith.cmpi slt, %xor3A_13, %parallel_loop3A_1430 : vector<16xi32>
        %parallel_loop3A_1432 = arith.constant 16 : i32
        %parallel_loop3A_1433 = vector.broadcast %parallel_loop3A_1432 : i32 to vector<16xi32>
        %parallel_loop3A_1434 = arith.addi %xor3A_13, %parallel_loop3A_1433 : vector<16xi32>
        %parallel_loop3A_1435 = arith.select %parallel_loop3A_1431, %parallel_loop3A_1434, %xor3A_13 : vector<16xi1>, vector<16xi32>
        %parallel_loop3A_1436 = vector.shape_cast %parallel_loop3A_1435 : vector<16xi32> to vector<16x1xi32>
        %parallel_loop3A_1437 = vector.shape_cast %parallel_loop3A_1436 : vector<16x1xi32> to vector<16xi32>
        %parallel_loop3A_1438 = tpu.dynamic_gather %parallel_loop3A_1428[%parallel_loop3A_1437] in [0] : vector<16xf32>, vector<16xi32> -> vector<16xf32>
        %parallel_loop3A_1439 = arith.addf %parallel_loop3A_1428, %parallel_loop3A_1438 : vector<16xf32>
        %parallel_loop3A_1440 = arith.constant 1.562500e-02 : f32
        %parallel_loop3A_1441 = vector.broadcast %parallel_loop3A_1440 : f32 to vector<16xf32>
        %parallel_loop3A_1442 = arith.mulf %parallel_loop3A_1439, %parallel_loop3A_1441 : vector<16xf32>
        %parallel_loop3A_1443 = arith.constant 0 : i32
        %parallel_loop3A_1444 = vector.broadcast %parallel_loop3A_1443 : i32 to vector<16xi32>
        %parallel_loop3A_1445 = arith.cmpi slt, %xor3A_4, %parallel_loop3A_1444 : vector<16xi32>
        %parallel_loop3A_1446 = arith.constant 16 : i32
        %parallel_loop3A_1447 = vector.broadcast %parallel_loop3A_1446 : i32 to vector<16xi32>
        %parallel_loop3A_1448 = arith.addi %xor3A_4, %parallel_loop3A_1447 : vector<16xi32>
        %parallel_loop3A_1449 = arith.select %parallel_loop3A_1445, %parallel_loop3A_1448, %xor3A_4 : vector<16xi1>, vector<16xi32>
        %parallel_loop3A_1450 = vector.shape_cast %parallel_loop3A_1449 : vector<16xi32> to vector<16x1xi32>
        %parallel_loop3A_1451 = vector.shape_cast %parallel_loop3A_1450 : vector<16x1xi32> to vector<16xi32>
        %parallel_loop3A_1452 = tpu.dynamic_gather %parallel_loop3A_1395[%parallel_loop3A_1451] in [0] : vector<16xf32>, vector<16xi32> -> vector<16xf32>
        %parallel_loop3A_1453 = arith.addf %parallel_loop3A_1395, %parallel_loop3A_1452 : vector<16xf32>
        %parallel_loop3A_1454 = arith.constant 0 : i32
        %parallel_loop3A_1455 = vector.broadcast %parallel_loop3A_1454 : i32 to vector<16xi32>
        %parallel_loop3A_1456 = arith.cmpi slt, %xor3A_7, %parallel_loop3A_1455 : vector<16xi32>
        %parallel_loop3A_1457 = arith.constant 16 : i32
        %parallel_loop3A_1458 = vector.broadcast %parallel_loop3A_1457 : i32 to vector<16xi32>
        %parallel_loop3A_1459 = arith.addi %xor3A_7, %parallel_loop3A_1458 : vector<16xi32>
        %parallel_loop3A_1460 = arith.select %parallel_loop3A_1456, %parallel_loop3A_1459, %xor3A_7 : vector<16xi1>, vector<16xi32>
        %parallel_loop3A_1461 = vector.shape_cast %parallel_loop3A_1460 : vector<16xi32> to vector<16x1xi32>
        %parallel_loop3A_1462 = vector.shape_cast %parallel_loop3A_1461 : vector<16x1xi32> to vector<16xi32>
        %parallel_loop3A_1463 = tpu.dynamic_gather %parallel_loop3A_1453[%parallel_loop3A_1462] in [0] : vector<16xf32>, vector<16xi32> -> vector<16xf32>
        %parallel_loop3A_1464 = arith.addf %parallel_loop3A_1453, %parallel_loop3A_1463 : vector<16xf32>
        %parallel_loop3A_1465 = arith.constant 0 : i32
        %parallel_loop3A_1466 = vector.broadcast %parallel_loop3A_1465 : i32 to vector<16xi32>
        %parallel_loop3A_1467 = arith.cmpi slt, %xor3A_10, %parallel_loop3A_1466 : vector<16xi32>
        %parallel_loop3A_1468 = arith.constant 16 : i32
        %parallel_loop3A_1469 = vector.broadcast %parallel_loop3A_1468 : i32 to vector<16xi32>
        %parallel_loop3A_1470 = arith.addi %xor3A_10, %parallel_loop3A_1469 : vector<16xi32>
        %parallel_loop3A_1471 = arith.select %parallel_loop3A_1467, %parallel_loop3A_1470, %xor3A_10 : vector<16xi1>, vector<16xi32>
        %parallel_loop3A_1472 = vector.shape_cast %parallel_loop3A_1471 : vector<16xi32> to vector<16x1xi32>
        %parallel_loop3A_1473 = vector.shape_cast %parallel_loop3A_1472 : vector<16x1xi32> to vector<16xi32>
        %parallel_loop3A_1474 = tpu.dynamic_gather %parallel_loop3A_1464[%parallel_loop3A_1473] in [0] : vector<16xf32>, vector<16xi32> -> vector<16xf32>
        %parallel_loop3A_1475 = arith.addf %parallel_loop3A_1464, %parallel_loop3A_1474 : vector<16xf32>
        %parallel_loop3A_1476 = arith.constant 0 : i32
        %parallel_loop3A_1477 = vector.broadcast %parallel_loop3A_1476 : i32 to vector<16xi32>
        %parallel_loop3A_1478 = arith.cmpi slt, %xor3A_13, %parallel_loop3A_1477 : vector<16xi32>
        %parallel_loop3A_1479 = arith.constant 16 : i32
        %parallel_loop3A_1480 = vector.broadcast %parallel_loop3A_1479 : i32 to vector<16xi32>
        %parallel_loop3A_1481 = arith.addi %xor3A_13, %parallel_loop3A_1480 : vector<16xi32>
        %parallel_loop3A_1482 = arith.select %parallel_loop3A_1478, %parallel_loop3A_1481, %xor3A_13 : vector<16xi1>, vector<16xi32>
        %parallel_loop3A_1483 = vector.shape_cast %parallel_loop3A_1482 : vector<16xi32> to vector<16x1xi32>
        %parallel_loop3A_1484 = vector.shape_cast %parallel_loop3A_1483 : vector<16x1xi32> to vector<16xi32>
        %parallel_loop3A_1485 = tpu.dynamic_gather %parallel_loop3A_1475[%parallel_loop3A_1484] in [0] : vector<16xf32>, vector<16xi32> -> vector<16xf32>
        %parallel_loop3A_1486 = arith.addf %parallel_loop3A_1475, %parallel_loop3A_1485 : vector<16xf32>
        %parallel_loop3A_1487 = arith.mulf %parallel_loop3A_1442, %parallel_loop3A_1442 : vector<16xf32>
        %parallel_loop3A_1488 = arith.constant 6.400000e+01 : f32
        %parallel_loop3A_1489 = vector.broadcast %parallel_loop3A_1488 : f32 to vector<16xf32>
        %parallel_loop3A_1490 = arith.mulf %parallel_loop3A_1487, %parallel_loop3A_1489 : vector<16xf32>
        %parallel_loop3A_1491 = arith.subf %parallel_loop3A_1486, %parallel_loop3A_1490 : vector<16xf32>
        %parallel_loop3A_1492 = arith.constant 6.400000e-11 : f32
        %parallel_loop3A_1493 = vector.broadcast %parallel_loop3A_1492 : f32 to vector<16xf32>
        %parallel_loop3A_1494 = arith.addf %parallel_loop3A_1491, %parallel_loop3A_1493 : vector<16xf32>
        %parallel_loop3A_1495 = tpu.bitcast %parallel_loop3A_1494 : vector<16xf32> -> vector<16xi32>
        %parallel_loop3A_1496 = arith.constant 1 : i32
        %parallel_loop3A_1497 = vector.broadcast %parallel_loop3A_1496 : i32 to vector<16xi32>
        %parallel_loop3A_1498 = arith.shrsi %parallel_loop3A_1495, %parallel_loop3A_1497 : vector<16xi32>
        %parallel_loop3A_1499 = arith.constant 1622628831 : i32
        %parallel_loop3A_1500 = vector.broadcast %parallel_loop3A_1499 : i32 to vector<16xi32>
        %parallel_loop3A_1501 = arith.subi %parallel_loop3A_1500, %parallel_loop3A_1498 : vector<16xi32>
        %parallel_loop3A_1502 = tpu.bitcast %parallel_loop3A_1501 : vector<16xi32> -> vector<16xf32>
        %parallel_loop3A_1503 = arith.constant 7.812500e-03 : f32
        %parallel_loop3A_1504 = vector.broadcast %parallel_loop3A_1503 : f32 to vector<16xf32>
        %parallel_loop3A_1505 = arith.mulf %parallel_loop3A_1494, %parallel_loop3A_1504 : vector<16xf32>
        %parallel_loop3A_1506 = arith.mulf %parallel_loop3A_1505, %parallel_loop3A_1502 : vector<16xf32>
        %parallel_loop3A_1507 = arith.mulf %parallel_loop3A_1506, %parallel_loop3A_1502 : vector<16xf32>
        %parallel_loop3A_1508 = arith.constant 1.500000e+00 : f32
        %parallel_loop3A_1509 = vector.broadcast %parallel_loop3A_1508 : f32 to vector<16xf32>
        %parallel_loop3A_1510 = arith.subf %parallel_loop3A_1509, %parallel_loop3A_1507 : vector<16xf32>
        %parallel_loop3A_1511 = arith.mulf %parallel_loop3A_1502, %parallel_loop3A_1510 : vector<16xf32>
        %parallel_loop3A_1512 = arith.mulf %parallel_loop3A_1505, %parallel_loop3A_1511 : vector<16xf32>
        %parallel_loop3A_1513 = arith.mulf %parallel_loop3A_1512, %parallel_loop3A_1511 : vector<16xf32>
        %parallel_loop3A_1514 = arith.constant 1.500000e+00 : f32
        %parallel_loop3A_1515 = vector.broadcast %parallel_loop3A_1514 : f32 to vector<16xf32>
        %parallel_loop3A_1516 = arith.subf %parallel_loop3A_1515, %parallel_loop3A_1513 : vector<16xf32>
        %parallel_loop3A_1517 = arith.mulf %parallel_loop3A_1511, %parallel_loop3A_1516 : vector<16xf32>
        %parallel_loop3A_1518 = vector.broadcast %parallel_loop3A_1369 : i32 to vector<16xi32>
        %parallel_loop3A_1519 = arith.subf %parallel_loop3A_1373, %parallel_loop3A_1442 : vector<16xf32>
        %parallel_loop3A_1520 = arith.mulf %parallel_loop3A_1519, %parallel_loop3A_1517 : vector<16xf32>
        %parallel_loop3A_1521 = arith.mulf %parallel_loop3A_1520, %get3A_1069 : vector<16xf32>
        %parallel_loop3A_1522 = arith.addf %parallel_loop3A_1521, %get3A_1077 : vector<16xf32>
        tpu.vector_store_idx %arg13[%add3A_16, %parallel_loop3A_1518], %parallel_loop3A_1522 : memref<64x257xf32, #tpu.memory_space<vmem>>[vector<16xi32>, vector<16xi32>], vector<16xf32>,
        %parallel_loop3A_1523 = arith.subf %parallel_loop3A_1377, %parallel_loop3A_1442 : vector<16xf32>
        %parallel_loop3A_1524 = arith.mulf %parallel_loop3A_1523, %parallel_loop3A_1517 : vector<16xf32>
        %parallel_loop3A_1525 = arith.mulf %parallel_loop3A_1524, %get3A_1071 : vector<16xf32>
        %parallel_loop3A_1526 = arith.addf %parallel_loop3A_1525, %get3A_1079 : vector<16xf32>
        tpu.vector_store_idx %arg13[%add3A_19, %parallel_loop3A_1518], %parallel_loop3A_1526 : memref<64x257xf32, #tpu.memory_space<vmem>>[vector<16xi32>, vector<16xi32>], vector<16xf32>,
        %parallel_loop3A_1527 = arith.subf %parallel_loop3A_1381, %parallel_loop3A_1442 : vector<16xf32>
        %parallel_loop3A_1528 = arith.mulf %parallel_loop3A_1527, %parallel_loop3A_1517 : vector<16xf32>
        %parallel_loop3A_1529 = arith.mulf %parallel_loop3A_1528, %get3A_1073 : vector<16xf32>
        %parallel_loop3A_1530 = arith.addf %parallel_loop3A_1529, %get3A_1081 : vector<16xf32>
        tpu.vector_store_idx %arg13[%add3A_22, %parallel_loop3A_1518], %parallel_loop3A_1530 : memref<64x257xf32, #tpu.memory_space<vmem>>[vector<16xi32>, vector<16xi32>], vector<16xf32>,
        %parallel_loop3A_1531 = arith.subf %parallel_loop3A_1385, %parallel_loop3A_1442 : vector<16xf32>
        %parallel_loop3A_1532 = arith.mulf %parallel_loop3A_1531, %parallel_loop3A_1517 : vector<16xf32>
        %parallel_loop3A_1533 = arith.mulf %parallel_loop3A_1532, %get3A_1075 : vector<16xf32>
        %parallel_loop3A_1534 = arith.addf %parallel_loop3A_1533, %get3A_1083 : vector<16xf32>
        tpu.vector_store_idx %arg13[%add3A_25, %parallel_loop3A_1518], %parallel_loop3A_1534 : memref<64x257xf32, #tpu.memory_space<vmem>>[vector<16xi32>, vector<16xi32>], vector<16xf32>,
      } {sc.loop_unroll_factor = 2 : i64, sc.parallel_access}
      %mul3A_1087 = arith.constant 256 : i32
      %mul3A_1088 = arith.muli %add3A_1015, %mul3A_1087 : i32
      %add3A_1089 = arith.addi %mul3A_2, %mul3A_1088 : i32
      %shift_right_logical3A_1090 = arith.constant 12 : i32
      %shift_right_logical3A_1091 = arith.shrui %add3A_1089, %shift_right_logical3A_1090 : i32
      %and3A_1092 = arith.constant 4095 : i32
      %and3A_1093 = arith.andi %add3A_1089, %and3A_1092 : i32
      %shift_right_logical3A_1094 = arith.constant 7 : i32
      %shift_right_logical3A_1095 = arith.shrui %and3A_1093, %shift_right_logical3A_1094 : i32
      %add3A_1096 = arith.constant 0 : i32
      %add3A_1097 = arith.addi %shift_right_logical3A_1095, %add3A_1096 : i32
      %dma_start3A_1098 = arith.constant 0 : i32
      %dma_start3A_1099 = arith.constant 0 : i32
      %dma_start3A_1100 = arith.constant 0 : i32
      %dma_start3A_1101 = tpu.memref_slice %arg13[%dma_start3A_1099, %dma_start3A_1100] : memref<64x257xf32, #tpu.memory_space<vmem>> -> memref<8x128xf32, #tpu.memory_space<vmem>>
      %dma_start3A_1102 = arith.constant 0 : i32
      %dma_start3A_1103 = arith.constant 0 : i32
      %dma_start3A_1104 = tpu.memref_slice %arg7[%shift_right_logical3A_1091, %dma_start3A_1098, %add3A_1097, %dma_start3A_1102, %dma_start3A_1103] : memref<200x8x32x8x128xf32, #tpu.memory_space<hbm>> -> memref<1x1x1x8x128xf32, #tpu.memory_space<hbm>>
      %dma_start3A_1105 = tpu.memref_squeeze %dma_start3A_1104 : memref<1x1x1x8x128xf32, #tpu.memory_space<hbm>> -> memref<8x128xf32, #tpu.memory_space<hbm>>
      %dma_start3A_1106 = arith.constant 0 : i32
      %dma_start3A_1107 = arith.constant 0 : i32
      %dma_start3A_1108 = tpu.memref_slice %arg7[%shift_right_logical3A_1091, %dma_start3A_1098, %add3A_1097, %dma_start3A_1106, %dma_start3A_1107] : memref<200x8x32x8x128xf32, #tpu.memory_space<hbm>> -> memref<1x1x1x8x128xf32, #tpu.memory_space<hbm>>
      %dma_start3A_1109 = tpu.memref_squeeze %dma_start3A_1108 : memref<1x1x1x8x128xf32, #tpu.memory_space<hbm>> -> memref<8x128xf32, #tpu.memory_space<hbm>>
      %dma_start3A_1110 = arith.constant 0 : i32
      %dma_start3A_1111 = arith.constant 0 : i32
      %dma_start3A_1112 = tpu.memref_slice %arg13[%dma_start3A_1110, %dma_start3A_1111] : memref<64x257xf32, #tpu.memory_space<vmem>> -> memref<8x128xf32, #tpu.memory_space<vmem>>
      tpu.enqueue_dma source(%dma_start3A_1112 : memref<8x128xf32, #tpu.memory_space<vmem>>) target(%dma_start3A_1109 : memref<8x128xf32, #tpu.memory_space<hbm>>) target_semaphore(%arg22 : memref<!tpu.dma_semaphore, #tpu.memory_space<semaphore_mem>>)
      %add3A_1113 = arith.constant 1 : i32
      %add3A_1114 = arith.addi %shift_right_logical3A_1095, %add3A_1113 : i32
      %dma_start3A_1115 = arith.constant 0 : i32
      %dma_start3A_1116 = arith.constant 0 : i32
      %dma_start3A_1117 = arith.constant 128 : i32
      %dma_start3A_1118 = tpu.memref_slice %arg13[%dma_start3A_1116, %dma_start3A_1117] : memref<64x257xf32, #tpu.memory_space<vmem>> -> memref<8x128xf32, #tpu.memory_space<vmem>>
      %dma_start3A_1119 = arith.constant 0 : i32
      %dma_start3A_1120 = arith.constant 0 : i32
      %dma_start3A_1121 = tpu.memref_slice %arg7[%shift_right_logical3A_1091, %dma_start3A_1115, %add3A_1114, %dma_start3A_1119, %dma_start3A_1120] : memref<200x8x32x8x128xf32, #tpu.memory_space<hbm>> -> memref<1x1x1x8x128xf32, #tpu.memory_space<hbm>>
      %dma_start3A_1122 = tpu.memref_squeeze %dma_start3A_1121 : memref<1x1x1x8x128xf32, #tpu.memory_space<hbm>> -> memref<8x128xf32, #tpu.memory_space<hbm>>
      %dma_start3A_1123 = arith.constant 0 : i32
      %dma_start3A_1124 = arith.constant 0 : i32
      %dma_start3A_1125 = tpu.memref_slice %arg7[%shift_right_logical3A_1091, %dma_start3A_1115, %add3A_1114, %dma_start3A_1123, %dma_start3A_1124] : memref<200x8x32x8x128xf32, #tpu.memory_space<hbm>> -> memref<1x1x1x8x128xf32, #tpu.memory_space<hbm>>
      %dma_start3A_1126 = tpu.memref_squeeze %dma_start3A_1125 : memref<1x1x1x8x128xf32, #tpu.memory_space<hbm>> -> memref<8x128xf32, #tpu.memory_space<hbm>>
      %dma_start3A_1127 = arith.constant 0 : i32
      %dma_start3A_1128 = arith.constant 128 : i32
      %dma_start3A_1129 = tpu.memref_slice %arg13[%dma_start3A_1127, %dma_start3A_1128] : memref<64x257xf32, #tpu.memory_space<vmem>> -> memref<8x128xf32, #tpu.memory_space<vmem>>
      tpu.enqueue_dma source(%dma_start3A_1129 : memref<8x128xf32, #tpu.memory_space<vmem>>) target(%dma_start3A_1126 : memref<8x128xf32, #tpu.memory_space<hbm>>) target_semaphore(%arg22 : memref<!tpu.dma_semaphore, #tpu.memory_space<semaphore_mem>>)
      %add3A_1130 = arith.constant 0 : i32
      %add3A_1131 = arith.addi %shift_right_logical3A_1095, %add3A_1130 : i32
      %dma_start3A_1132 = arith.constant 1 : i32
      %dma_start3A_1133 = arith.constant 8 : i32
      %dma_start3A_1134 = arith.constant 0 : i32
      %dma_start3A_1135 = tpu.memref_slice %arg13[%dma_start3A_1133, %dma_start3A_1134] : memref<64x257xf32, #tpu.memory_space<vmem>> -> memref<8x128xf32, #tpu.memory_space<vmem>>
      %dma_start3A_1136 = arith.constant 0 : i32
      %dma_start3A_1137 = arith.constant 0 : i32
      %dma_start3A_1138 = tpu.memref_slice %arg7[%shift_right_logical3A_1091, %dma_start3A_1132, %add3A_1131, %dma_start3A_1136, %dma_start3A_1137] : memref<200x8x32x8x128xf32, #tpu.memory_space<hbm>> -> memref<1x1x1x8x128xf32, #tpu.memory_space<hbm>>
      %dma_start3A_1139 = tpu.memref_squeeze %dma_start3A_1138 : memref<1x1x1x8x128xf32, #tpu.memory_space<hbm>> -> memref<8x128xf32, #tpu.memory_space<hbm>>
      %dma_start3A_1140 = arith.constant 0 : i32
      %dma_start3A_1141 = arith.constant 0 : i32
      %dma_start3A_1142 = tpu.memref_slice %arg7[%shift_right_logical3A_1091, %dma_start3A_1132, %add3A_1131, %dma_start3A_1140, %dma_start3A_1141] : memref<200x8x32x8x128xf32, #tpu.memory_space<hbm>> -> memref<1x1x1x8x128xf32, #tpu.memory_space<hbm>>
      %dma_start3A_1143 = tpu.memref_squeeze %dma_start3A_1142 : memref<1x1x1x8x128xf32, #tpu.memory_space<hbm>> -> memref<8x128xf32, #tpu.memory_space<hbm>>
      %dma_start3A_1144 = arith.constant 8 : i32
      %dma_start3A_1145 = arith.constant 0 : i32
      %dma_start3A_1146 = tpu.memref_slice %arg13[%dma_start3A_1144, %dma_start3A_1145] : memref<64x257xf32, #tpu.memory_space<vmem>> -> memref<8x128xf32, #tpu.memory_space<vmem>>
      tpu.enqueue_dma source(%dma_start3A_1146 : memref<8x128xf32, #tpu.memory_space<vmem>>) target(%dma_start3A_1143 : memref<8x128xf32, #tpu.memory_space<hbm>>) target_semaphore(%arg22 : memref<!tpu.dma_semaphore, #tpu.memory_space<semaphore_mem>>)
      %add3A_1147 = arith.constant 1 : i32
      %add3A_1148 = arith.addi %shift_right_logical3A_1095, %add3A_1147 : i32
      %dma_start3A_1149 = arith.constant 1 : i32
      %dma_start3A_1150 = arith.constant 8 : i32
      %dma_start3A_1151 = arith.constant 128 : i32
      %dma_start3A_1152 = tpu.memref_slice %arg13[%dma_start3A_1150, %dma_start3A_1151] : memref<64x257xf32, #tpu.memory_space<vmem>> -> memref<8x128xf32, #tpu.memory_space<vmem>>
      %dma_start3A_1153 = arith.constant 0 : i32
      %dma_start3A_1154 = arith.constant 0 : i32
      %dma_start3A_1155 = tpu.memref_slice %arg7[%shift_right_logical3A_1091, %dma_start3A_1149, %add3A_1148, %dma_start3A_1153, %dma_start3A_1154] : memref<200x8x32x8x128xf32, #tpu.memory_space<hbm>> -> memref<1x1x1x8x128xf32, #tpu.memory_space<hbm>>
      %dma_start3A_1156 = tpu.memref_squeeze %dma_start3A_1155 : memref<1x1x1x8x128xf32, #tpu.memory_space<hbm>> -> memref<8x128xf32, #tpu.memory_space<hbm>>
      %dma_start3A_1157 = arith.constant 0 : i32
      %dma_start3A_1158 = arith.constant 0 : i32
      %dma_start3A_1159 = tpu.memref_slice %arg7[%shift_right_logical3A_1091, %dma_start3A_1149, %add3A_1148, %dma_start3A_1157, %dma_start3A_1158] : memref<200x8x32x8x128xf32, #tpu.memory_space<hbm>> -> memref<1x1x1x8x128xf32, #tpu.memory_space<hbm>>
      %dma_start3A_1160 = tpu.memref_squeeze %dma_start3A_1159 : memref<1x1x1x8x128xf32, #tpu.memory_space<hbm>> -> memref<8x128xf32, #tpu.memory_space<hbm>>
      %dma_start3A_1161 = arith.constant 8 : i32
      %dma_start3A_1162 = arith.constant 128 : i32
      %dma_start3A_1163 = tpu.memref_slice %arg13[%dma_start3A_1161, %dma_start3A_1162] : memref<64x257xf32, #tpu.memory_space<vmem>> -> memref<8x128xf32, #tpu.memory_space<vmem>>
      tpu.enqueue_dma source(%dma_start3A_1163 : memref<8x128xf32, #tpu.memory_space<vmem>>) target(%dma_start3A_1160 : memref<8x128xf32, #tpu.memory_space<hbm>>) target_semaphore(%arg22 : memref<!tpu.dma_semaphore, #tpu.memory_space<semaphore_mem>>)
      %add3A_1164 = arith.constant 0 : i32
      %add3A_1165 = arith.addi %shift_right_logical3A_1095, %add3A_1164 : i32
      %dma_start3A_1166 = arith.constant 2 : i32
      %dma_start3A_1167 = arith.constant 16 : i32
      %dma_start3A_1168 = arith.constant 0 : i32
      %dma_start3A_1169 = tpu.memref_slice %arg13[%dma_start3A_1167, %dma_start3A_1168] : memref<64x257xf32, #tpu.memory_space<vmem>> -> memref<8x128xf32, #tpu.memory_space<vmem>>
      %dma_start3A_1170 = arith.constant 0 : i32
      %dma_start3A_1171 = arith.constant 0 : i32
      %dma_start3A_1172 = tpu.memref_slice %arg7[%shift_right_logical3A_1091, %dma_start3A_1166, %add3A_1165, %dma_start3A_1170, %dma_start3A_1171] : memref<200x8x32x8x128xf32, #tpu.memory_space<hbm>> -> memref<1x1x1x8x128xf32, #tpu.memory_space<hbm>>
      %dma_start3A_1173 = tpu.memref_squeeze %dma_start3A_1172 : memref<1x1x1x8x128xf32, #tpu.memory_space<hbm>> -> memref<8x128xf32, #tpu.memory_space<hbm>>
      %dma_start3A_1174 = arith.constant 0 : i32
      %dma_start3A_1175 = arith.constant 0 : i32
      %dma_start3A_1176 = tpu.memref_slice %arg7[%shift_right_logical3A_1091, %dma_start3A_1166, %add3A_1165, %dma_start3A_1174, %dma_start3A_1175] : memref<200x8x32x8x128xf32, #tpu.memory_space<hbm>> -> memref<1x1x1x8x128xf32, #tpu.memory_space<hbm>>
      %dma_start3A_1177 = tpu.memref_squeeze %dma_start3A_1176 : memref<1x1x1x8x128xf32, #tpu.memory_space<hbm>> -> memref<8x128xf32, #tpu.memory_space<hbm>>
      %dma_start3A_1178 = arith.constant 16 : i32
      %dma_start3A_1179 = arith.constant 0 : i32
      %dma_start3A_1180 = tpu.memref_slice %arg13[%dma_start3A_1178, %dma_start3A_1179] : memref<64x257xf32, #tpu.memory_space<vmem>> -> memref<8x128xf32, #tpu.memory_space<vmem>>
      tpu.enqueue_dma source(%dma_start3A_1180 : memref<8x128xf32, #tpu.memory_space<vmem>>) target(%dma_start3A_1177 : memref<8x128xf32, #tpu.memory_space<hbm>>) target_semaphore(%arg22 : memref<!tpu.dma_semaphore, #tpu.memory_space<semaphore_mem>>)
      %add3A_1181 = arith.constant 1 : i32
      %add3A_1182 = arith.addi %shift_right_logical3A_1095, %add3A_1181 : i32
      %dma_start3A_1183 = arith.constant 2 : i32
      %dma_start3A_1184 = arith.constant 16 : i32
      %dma_start3A_1185 = arith.constant 128 : i32
      %dma_start3A_1186 = tpu.memref_slice %arg13[%dma_start3A_1184, %dma_start3A_1185] : memref<64x257xf32, #tpu.memory_space<vmem>> -> memref<8x128xf32, #tpu.memory_space<vmem>>
      %dma_start3A_1187 = arith.constant 0 : i32
      %dma_start3A_1188 = arith.constant 0 : i32
      %dma_start3A_1189 = tpu.memref_slice %arg7[%shift_right_logical3A_1091, %dma_start3A_1183, %add3A_1182, %dma_start3A_1187, %dma_start3A_1188] : memref<200x8x32x8x128xf32, #tpu.memory_space<hbm>> -> memref<1x1x1x8x128xf32, #tpu.memory_space<hbm>>
      %dma_start3A_1190 = tpu.memref_squeeze %dma_start3A_1189 : memref<1x1x1x8x128xf32, #tpu.memory_space<hbm>> -> memref<8x128xf32, #tpu.memory_space<hbm>>
      %dma_start3A_1191 = arith.constant 0 : i32
      %dma_start3A_1192 = arith.constant 0 : i32
      %dma_start3A_1193 = tpu.memref_slice %arg7[%shift_right_logical3A_1091, %dma_start3A_1183, %add3A_1182, %dma_start3A_1191, %dma_start3A_1192] : memref<200x8x32x8x128xf32, #tpu.memory_space<hbm>> -> memref<1x1x1x8x128xf32, #tpu.memory_space<hbm>>
      %dma_start3A_1194 = tpu.memref_squeeze %dma_start3A_1193 : memref<1x1x1x8x128xf32, #tpu.memory_space<hbm>> -> memref<8x128xf32, #tpu.memory_space<hbm>>
      %dma_start3A_1195 = arith.constant 16 : i32
      %dma_start3A_1196 = arith.constant 128 : i32
      %dma_start3A_1197 = tpu.memref_slice %arg13[%dma_start3A_1195, %dma_start3A_1196] : memref<64x257xf32, #tpu.memory_space<vmem>> -> memref<8x128xf32, #tpu.memory_space<vmem>>
      tpu.enqueue_dma source(%dma_start3A_1197 : memref<8x128xf32, #tpu.memory_space<vmem>>) target(%dma_start3A_1194 : memref<8x128xf32, #tpu.memory_space<hbm>>) target_semaphore(%arg22 : memref<!tpu.dma_semaphore, #tpu.memory_space<semaphore_mem>>)
      %add3A_1198 = arith.constant 0 : i32
      %add3A_1199 = arith.addi %shift_right_logical3A_1095, %add3A_1198 : i32
      %dma_start3A_1200 = arith.constant 3 : i32
      %dma_start3A_1201 = arith.constant 24 : i32
      %dma_start3A_1202 = arith.constant 0 : i32
      %dma_start3A_1203 = tpu.memref_slice %arg13[%dma_start3A_1201, %dma_start3A_1202] : memref<64x257xf32, #tpu.memory_space<vmem>> -> memref<8x128xf32, #tpu.memory_space<vmem>>
      %dma_start3A_1204 = arith.constant 0 : i32
      %dma_start3A_1205 = arith.constant 0 : i32
      %dma_start3A_1206 = tpu.memref_slice %arg7[%shift_right_logical3A_1091, %dma_start3A_1200, %add3A_1199, %dma_start3A_1204, %dma_start3A_1205] : memref<200x8x32x8x128xf32, #tpu.memory_space<hbm>> -> memref<1x1x1x8x128xf32, #tpu.memory_space<hbm>>
      %dma_start3A_1207 = tpu.memref_squeeze %dma_start3A_1206 : memref<1x1x1x8x128xf32, #tpu.memory_space<hbm>> -> memref<8x128xf32, #tpu.memory_space<hbm>>
      %dma_start3A_1208 = arith.constant 0 : i32
      %dma_start3A_1209 = arith.constant 0 : i32
      %dma_start3A_1210 = tpu.memref_slice %arg7[%shift_right_logical3A_1091, %dma_start3A_1200, %add3A_1199, %dma_start3A_1208, %dma_start3A_1209] : memref<200x8x32x8x128xf32, #tpu.memory_space<hbm>> -> memref<1x1x1x8x128xf32, #tpu.memory_space<hbm>>
      %dma_start3A_1211 = tpu.memref_squeeze %dma_start3A_1210 : memref<1x1x1x8x128xf32, #tpu.memory_space<hbm>> -> memref<8x128xf32, #tpu.memory_space<hbm>>
      %dma_start3A_1212 = arith.constant 24 : i32
      %dma_start3A_1213 = arith.constant 0 : i32
      %dma_start3A_1214 = tpu.memref_slice %arg13[%dma_start3A_1212, %dma_start3A_1213] : memref<64x257xf32, #tpu.memory_space<vmem>> -> memref<8x128xf32, #tpu.memory_space<vmem>>
      tpu.enqueue_dma source(%dma_start3A_1214 : memref<8x128xf32, #tpu.memory_space<vmem>>) target(%dma_start3A_1211 : memref<8x128xf32, #tpu.memory_space<hbm>>) target_semaphore(%arg22 : memref<!tpu.dma_semaphore, #tpu.memory_space<semaphore_mem>>)
      %add3A_1215 = arith.constant 1 : i32
      %add3A_1216 = arith.addi %shift_right_logical3A_1095, %add3A_1215 : i32
      %dma_start3A_1217 = arith.constant 3 : i32
      %dma_start3A_1218 = arith.constant 24 : i32
      %dma_start3A_1219 = arith.constant 128 : i32
      %dma_start3A_1220 = tpu.memref_slice %arg13[%dma_start3A_1218, %dma_start3A_1219] : memref<64x257xf32, #tpu.memory_space<vmem>> -> memref<8x128xf32, #tpu.memory_space<vmem>>
      %dma_start3A_1221 = arith.constant 0 : i32
      %dma_start3A_1222 = arith.constant 0 : i32
      %dma_start3A_1223 = tpu.memref_slice %arg7[%shift_right_logical3A_1091, %dma_start3A_1217, %add3A_1216, %dma_start3A_1221, %dma_start3A_1222] : memref<200x8x32x8x128xf32, #tpu.memory_space<hbm>> -> memref<1x1x1x8x128xf32, #tpu.memory_space<hbm>>
      %dma_start3A_1224 = tpu.memref_squeeze %dma_start3A_1223 : memref<1x1x1x8x128xf32, #tpu.memory_space<hbm>> -> memref<8x128xf32, #tpu.memory_space<hbm>>
      %dma_start3A_1225 = arith.constant 0 : i32
      %dma_start3A_1226 = arith.constant 0 : i32
      %dma_start3A_1227 = tpu.memref_slice %arg7[%shift_right_logical3A_1091, %dma_start3A_1217, %add3A_1216, %dma_start3A_1225, %dma_start3A_1226] : memref<200x8x32x8x128xf32, #tpu.memory_space<hbm>> -> memref<1x1x1x8x128xf32, #tpu.memory_space<hbm>>
      %dma_start3A_1228 = tpu.memref_squeeze %dma_start3A_1227 : memref<1x1x1x8x128xf32, #tpu.memory_space<hbm>> -> memref<8x128xf32, #tpu.memory_space<hbm>>
      %dma_start3A_1229 = arith.constant 24 : i32
      %dma_start3A_1230 = arith.constant 128 : i32
      %dma_start3A_1231 = tpu.memref_slice %arg13[%dma_start3A_1229, %dma_start3A_1230] : memref<64x257xf32, #tpu.memory_space<vmem>> -> memref<8x128xf32, #tpu.memory_space<vmem>>
      tpu.enqueue_dma source(%dma_start3A_1231 : memref<8x128xf32, #tpu.memory_space<vmem>>) target(%dma_start3A_1228 : memref<8x128xf32, #tpu.memory_space<hbm>>) target_semaphore(%arg22 : memref<!tpu.dma_semaphore, #tpu.memory_space<semaphore_mem>>)
      %add3A_1232 = arith.constant 0 : i32
      %add3A_1233 = arith.addi %shift_right_logical3A_1095, %add3A_1232 : i32
      %dma_start3A_1234 = arith.constant 4 : i32
      %dma_start3A_1235 = arith.constant 32 : i32
      %dma_start3A_1236 = arith.constant 0 : i32
      %dma_start3A_1237 = tpu.memref_slice %arg13[%dma_start3A_1235, %dma_start3A_1236] : memref<64x257xf32, #tpu.memory_space<vmem>> -> memref<8x128xf32, #tpu.memory_space<vmem>>
      %dma_start3A_1238 = arith.constant 0 : i32
      %dma_start3A_1239 = arith.constant 0 : i32
      %dma_start3A_1240 = tpu.memref_slice %arg7[%shift_right_logical3A_1091, %dma_start3A_1234, %add3A_1233, %dma_start3A_1238, %dma_start3A_1239] : memref<200x8x32x8x128xf32, #tpu.memory_space<hbm>> -> memref<1x1x1x8x128xf32, #tpu.memory_space<hbm>>
      %dma_start3A_1241 = tpu.memref_squeeze %dma_start3A_1240 : memref<1x1x1x8x128xf32, #tpu.memory_space<hbm>> -> memref<8x128xf32, #tpu.memory_space<hbm>>
      %dma_start3A_1242 = arith.constant 0 : i32
      %dma_start3A_1243 = arith.constant 0 : i32
      %dma_start3A_1244 = tpu.memref_slice %arg7[%shift_right_logical3A_1091, %dma_start3A_1234, %add3A_1233, %dma_start3A_1242, %dma_start3A_1243] : memref<200x8x32x8x128xf32, #tpu.memory_space<hbm>> -> memref<1x1x1x8x128xf32, #tpu.memory_space<hbm>>
      %dma_start3A_1245 = tpu.memref_squeeze %dma_start3A_1244 : memref<1x1x1x8x128xf32, #tpu.memory_space<hbm>> -> memref<8x128xf32, #tpu.memory_space<hbm>>
      %dma_start3A_1246 = arith.constant 32 : i32
      %dma_start3A_1247 = arith.constant 0 : i32
      %dma_start3A_1248 = tpu.memref_slice %arg13[%dma_start3A_1246, %dma_start3A_1247] : memref<64x257xf32, #tpu.memory_space<vmem>> -> memref<8x128xf32, #tpu.memory_space<vmem>>
      tpu.enqueue_dma source(%dma_start3A_1248 : memref<8x128xf32, #tpu.memory_space<vmem>>) target(%dma_start3A_1245 : memref<8x128xf32, #tpu.memory_space<hbm>>) target_semaphore(%arg22 : memref<!tpu.dma_semaphore, #tpu.memory_space<semaphore_mem>>)
      %add3A_1249 = arith.constant 1 : i32
      %add3A_1250 = arith.addi %shift_right_logical3A_1095, %add3A_1249 : i32
      %dma_start3A_1251 = arith.constant 4 : i32
      %dma_start3A_1252 = arith.constant 32 : i32
      %dma_start3A_1253 = arith.constant 128 : i32
      %dma_start3A_1254 = tpu.memref_slice %arg13[%dma_start3A_1252, %dma_start3A_1253] : memref<64x257xf32, #tpu.memory_space<vmem>> -> memref<8x128xf32, #tpu.memory_space<vmem>>
      %dma_start3A_1255 = arith.constant 0 : i32
      %dma_start3A_1256 = arith.constant 0 : i32
      %dma_start3A_1257 = tpu.memref_slice %arg7[%shift_right_logical3A_1091, %dma_start3A_1251, %add3A_1250, %dma_start3A_1255, %dma_start3A_1256] : memref<200x8x32x8x128xf32, #tpu.memory_space<hbm>> -> memref<1x1x1x8x128xf32, #tpu.memory_space<hbm>>
      %dma_start3A_1258 = tpu.memref_squeeze %dma_start3A_1257 : memref<1x1x1x8x128xf32, #tpu.memory_space<hbm>> -> memref<8x128xf32, #tpu.memory_space<hbm>>
      %dma_start3A_1259 = arith.constant 0 : i32
      %dma_start3A_1260 = arith.constant 0 : i32
      %dma_start3A_1261 = tpu.memref_slice %arg7[%shift_right_logical3A_1091, %dma_start3A_1251, %add3A_1250, %dma_start3A_1259, %dma_start3A_1260] : memref<200x8x32x8x128xf32, #tpu.memory_space<hbm>> -> memref<1x1x1x8x128xf32, #tpu.memory_space<hbm>>
      %dma_start3A_1262 = tpu.memref_squeeze %dma_start3A_1261 : memref<1x1x1x8x128xf32, #tpu.memory_space<hbm>> -> memref<8x128xf32, #tpu.memory_space<hbm>>
      %dma_start3A_1263 = arith.constant 32 : i32
      %dma_start3A_1264 = arith.constant 128 : i32
      %dma_start3A_1265 = tpu.memref_slice %arg13[%dma_start3A_1263, %dma_start3A_1264] : memref<64x257xf32, #tpu.memory_space<vmem>> -> memref<8x128xf32, #tpu.memory_space<vmem>>
      tpu.enqueue_dma source(%dma_start3A_1265 : memref<8x128xf32, #tpu.memory_space<vmem>>) target(%dma_start3A_1262 : memref<8x128xf32, #tpu.memory_space<hbm>>) target_semaphore(%arg22 : memref<!tpu.dma_semaphore, #tpu.memory_space<semaphore_mem>>)
      %add3A_1266 = arith.constant 0 : i32
      %add3A_1267 = arith.addi %shift_right_logical3A_1095, %add3A_1266 : i32
      %dma_start3A_1268 = arith.constant 5 : i32
      %dma_start3A_1269 = arith.constant 40 : i32
      %dma_start3A_1270 = arith.constant 0 : i32
      %dma_start3A_1271 = tpu.memref_slice %arg13[%dma_start3A_1269, %dma_start3A_1270] : memref<64x257xf32, #tpu.memory_space<vmem>> -> memref<8x128xf32, #tpu.memory_space<vmem>>
      %dma_start3A_1272 = arith.constant 0 : i32
      %dma_start3A_1273 = arith.constant 0 : i32
      %dma_start3A_1274 = tpu.memref_slice %arg7[%shift_right_logical3A_1091, %dma_start3A_1268, %add3A_1267, %dma_start3A_1272, %dma_start3A_1273] : memref<200x8x32x8x128xf32, #tpu.memory_space<hbm>> -> memref<1x1x1x8x128xf32, #tpu.memory_space<hbm>>
      %dma_start3A_1275 = tpu.memref_squeeze %dma_start3A_1274 : memref<1x1x1x8x128xf32, #tpu.memory_space<hbm>> -> memref<8x128xf32, #tpu.memory_space<hbm>>
      %dma_start3A_1276 = arith.constant 0 : i32
      %dma_start3A_1277 = arith.constant 0 : i32
      %dma_start3A_1278 = tpu.memref_slice %arg7[%shift_right_logical3A_1091, %dma_start3A_1268, %add3A_1267, %dma_start3A_1276, %dma_start3A_1277] : memref<200x8x32x8x128xf32, #tpu.memory_space<hbm>> -> memref<1x1x1x8x128xf32, #tpu.memory_space<hbm>>
      %dma_start3A_1279 = tpu.memref_squeeze %dma_start3A_1278 : memref<1x1x1x8x128xf32, #tpu.memory_space<hbm>> -> memref<8x128xf32, #tpu.memory_space<hbm>>
      %dma_start3A_1280 = arith.constant 40 : i32
      %dma_start3A_1281 = arith.constant 0 : i32
      %dma_start3A_1282 = tpu.memref_slice %arg13[%dma_start3A_1280, %dma_start3A_1281] : memref<64x257xf32, #tpu.memory_space<vmem>> -> memref<8x128xf32, #tpu.memory_space<vmem>>
      tpu.enqueue_dma source(%dma_start3A_1282 : memref<8x128xf32, #tpu.memory_space<vmem>>) target(%dma_start3A_1279 : memref<8x128xf32, #tpu.memory_space<hbm>>) target_semaphore(%arg22 : memref<!tpu.dma_semaphore, #tpu.memory_space<semaphore_mem>>)
      %add3A_1283 = arith.constant 1 : i32
      %add3A_1284 = arith.addi %shift_right_logical3A_1095, %add3A_1283 : i32
      %dma_start3A_1285 = arith.constant 5 : i32
      %dma_start3A_1286 = arith.constant 40 : i32
      %dma_start3A_1287 = arith.constant 128 : i32
      %dma_start3A_1288 = tpu.memref_slice %arg13[%dma_start3A_1286, %dma_start3A_1287] : memref<64x257xf32, #tpu.memory_space<vmem>> -> memref<8x128xf32, #tpu.memory_space<vmem>>
      %dma_start3A_1289 = arith.constant 0 : i32
      %dma_start3A_1290 = arith.constant 0 : i32
      %dma_start3A_1291 = tpu.memref_slice %arg7[%shift_right_logical3A_1091, %dma_start3A_1285, %add3A_1284, %dma_start3A_1289, %dma_start3A_1290] : memref<200x8x32x8x128xf32, #tpu.memory_space<hbm>> -> memref<1x1x1x8x128xf32, #tpu.memory_space<hbm>>
      %dma_start3A_1292 = tpu.memref_squeeze %dma_start3A_1291 : memref<1x1x1x8x128xf32, #tpu.memory_space<hbm>> -> memref<8x128xf32, #tpu.memory_space<hbm>>
      %dma_start3A_1293 = arith.constant 0 : i32
      %dma_start3A_1294 = arith.constant 0 : i32
      %dma_start3A_1295 = tpu.memref_slice %arg7[%shift_right_logical3A_1091, %dma_start3A_1285, %add3A_1284, %dma_start3A_1293, %dma_start3A_1294] : memref<200x8x32x8x128xf32, #tpu.memory_space<hbm>> -> memref<1x1x1x8x128xf32, #tpu.memory_space<hbm>>
      %dma_start3A_1296 = tpu.memref_squeeze %dma_start3A_1295 : memref<1x1x1x8x128xf32, #tpu.memory_space<hbm>> -> memref<8x128xf32, #tpu.memory_space<hbm>>
      %dma_start3A_1297 = arith.constant 40 : i32
      %dma_start3A_1298 = arith.constant 128 : i32
      %dma_start3A_1299 = tpu.memref_slice %arg13[%dma_start3A_1297, %dma_start3A_1298] : memref<64x257xf32, #tpu.memory_space<vmem>> -> memref<8x128xf32, #tpu.memory_space<vmem>>
      tpu.enqueue_dma source(%dma_start3A_1299 : memref<8x128xf32, #tpu.memory_space<vmem>>) target(%dma_start3A_1296 : memref<8x128xf32, #tpu.memory_space<hbm>>) target_semaphore(%arg22 : memref<!tpu.dma_semaphore, #tpu.memory_space<semaphore_mem>>)
      %add3A_1300 = arith.constant 0 : i32
      %add3A_1301 = arith.addi %shift_right_logical3A_1095, %add3A_1300 : i32
      %dma_start3A_1302 = arith.constant 6 : i32
      %dma_start3A_1303 = arith.constant 48 : i32
      %dma_start3A_1304 = arith.constant 0 : i32
      %dma_start3A_1305 = tpu.memref_slice %arg13[%dma_start3A_1303, %dma_start3A_1304] : memref<64x257xf32, #tpu.memory_space<vmem>> -> memref<8x128xf32, #tpu.memory_space<vmem>>
      %dma_start3A_1306 = arith.constant 0 : i32
      %dma_start3A_1307 = arith.constant 0 : i32
      %dma_start3A_1308 = tpu.memref_slice %arg7[%shift_right_logical3A_1091, %dma_start3A_1302, %add3A_1301, %dma_start3A_1306, %dma_start3A_1307] : memref<200x8x32x8x128xf32, #tpu.memory_space<hbm>> -> memref<1x1x1x8x128xf32, #tpu.memory_space<hbm>>
      %dma_start3A_1309 = tpu.memref_squeeze %dma_start3A_1308 : memref<1x1x1x8x128xf32, #tpu.memory_space<hbm>> -> memref<8x128xf32, #tpu.memory_space<hbm>>
      %dma_start3A_1310 = arith.constant 0 : i32
      %dma_start3A_1311 = arith.constant 0 : i32
      %dma_start3A_1312 = tpu.memref_slice %arg7[%shift_right_logical3A_1091, %dma_start3A_1302, %add3A_1301, %dma_start3A_1310, %dma_start3A_1311] : memref<200x8x32x8x128xf32, #tpu.memory_space<hbm>> -> memref<1x1x1x8x128xf32, #tpu.memory_space<hbm>>
      %dma_start3A_1313 = tpu.memref_squeeze %dma_start3A_1312 : memref<1x1x1x8x128xf32, #tpu.memory_space<hbm>> -> memref<8x128xf32, #tpu.memory_space<hbm>>
      %dma_start3A_1314 = arith.constant 48 : i32
      %dma_start3A_1315 = arith.constant 0 : i32
      %dma_start3A_1316 = tpu.memref_slice %arg13[%dma_start3A_1314, %dma_start3A_1315] : memref<64x257xf32, #tpu.memory_space<vmem>> -> memref<8x128xf32, #tpu.memory_space<vmem>>
      tpu.enqueue_dma source(%dma_start3A_1316 : memref<8x128xf32, #tpu.memory_space<vmem>>) target(%dma_start3A_1313 : memref<8x128xf32, #tpu.memory_space<hbm>>) target_semaphore(%arg22 : memref<!tpu.dma_semaphore, #tpu.memory_space<semaphore_mem>>)
      %add3A_1317 = arith.constant 1 : i32
      %add3A_1318 = arith.addi %shift_right_logical3A_1095, %add3A_1317 : i32
      %dma_start3A_1319 = arith.constant 6 : i32
      %dma_start3A_1320 = arith.constant 48 : i32
      %dma_start3A_1321 = arith.constant 128 : i32
      %dma_start3A_1322 = tpu.memref_slice %arg13[%dma_start3A_1320, %dma_start3A_1321] : memref<64x257xf32, #tpu.memory_space<vmem>> -> memref<8x128xf32, #tpu.memory_space<vmem>>
      %dma_start3A_1323 = arith.constant 0 : i32
      %dma_start3A_1324 = arith.constant 0 : i32
      %dma_start3A_1325 = tpu.memref_slice %arg7[%shift_right_logical3A_1091, %dma_start3A_1319, %add3A_1318, %dma_start3A_1323, %dma_start3A_1324] : memref<200x8x32x8x128xf32, #tpu.memory_space<hbm>> -> memref<1x1x1x8x128xf32, #tpu.memory_space<hbm>>
      %dma_start3A_1326 = tpu.memref_squeeze %dma_start3A_1325 : memref<1x1x1x8x128xf32, #tpu.memory_space<hbm>> -> memref<8x128xf32, #tpu.memory_space<hbm>>
      %dma_start3A_1327 = arith.constant 0 : i32
      %dma_start3A_1328 = arith.constant 0 : i32
      %dma_start3A_1329 = tpu.memref_slice %arg7[%shift_right_logical3A_1091, %dma_start3A_1319, %add3A_1318, %dma_start3A_1327, %dma_start3A_1328] : memref<200x8x32x8x128xf32, #tpu.memory_space<hbm>> -> memref<1x1x1x8x128xf32, #tpu.memory_space<hbm>>
      %dma_start3A_1330 = tpu.memref_squeeze %dma_start3A_1329 : memref<1x1x1x8x128xf32, #tpu.memory_space<hbm>> -> memref<8x128xf32, #tpu.memory_space<hbm>>
      %dma_start3A_1331 = arith.constant 48 : i32
      %dma_start3A_1332 = arith.constant 128 : i32
      %dma_start3A_1333 = tpu.memref_slice %arg13[%dma_start3A_1331, %dma_start3A_1332] : memref<64x257xf32, #tpu.memory_space<vmem>> -> memref<8x128xf32, #tpu.memory_space<vmem>>
      tpu.enqueue_dma source(%dma_start3A_1333 : memref<8x128xf32, #tpu.memory_space<vmem>>) target(%dma_start3A_1330 : memref<8x128xf32, #tpu.memory_space<hbm>>) target_semaphore(%arg22 : memref<!tpu.dma_semaphore, #tpu.memory_space<semaphore_mem>>)
      %add3A_1334 = arith.constant 0 : i32
      %add3A_1335 = arith.addi %shift_right_logical3A_1095, %add3A_1334 : i32
      %dma_start3A_1336 = arith.constant 7 : i32
      %dma_start3A_1337 = arith.constant 56 : i32
      %dma_start3A_1338 = arith.constant 0 : i32
      %dma_start3A_1339 = tpu.memref_slice %arg13[%dma_start3A_1337, %dma_start3A_1338] : memref<64x257xf32, #tpu.memory_space<vmem>> -> memref<8x128xf32, #tpu.memory_space<vmem>>
      %dma_start3A_1340 = arith.constant 0 : i32
      %dma_start3A_1341 = arith.constant 0 : i32
      %dma_start3A_1342 = tpu.memref_slice %arg7[%shift_right_logical3A_1091, %dma_start3A_1336, %add3A_1335, %dma_start3A_1340, %dma_start3A_1341] : memref<200x8x32x8x128xf32, #tpu.memory_space<hbm>> -> memref<1x1x1x8x128xf32, #tpu.memory_space<hbm>>
      %dma_start3A_1343 = tpu.memref_squeeze %dma_start3A_1342 : memref<1x1x1x8x128xf32, #tpu.memory_space<hbm>> -> memref<8x128xf32, #tpu.memory_space<hbm>>
      %dma_start3A_1344 = arith.constant 0 : i32
      %dma_start3A_1345 = arith.constant 0 : i32
      %dma_start3A_1346 = tpu.memref_slice %arg7[%shift_right_logical3A_1091, %dma_start3A_1336, %add3A_1335, %dma_start3A_1344, %dma_start3A_1345] : memref<200x8x32x8x128xf32, #tpu.memory_space<hbm>> -> memref<1x1x1x8x128xf32, #tpu.memory_space<hbm>>
      %dma_start3A_1347 = tpu.memref_squeeze %dma_start3A_1346 : memref<1x1x1x8x128xf32, #tpu.memory_space<hbm>> -> memref<8x128xf32, #tpu.memory_space<hbm>>
      %dma_start3A_1348 = arith.constant 56 : i32
      %dma_start3A_1349 = arith.constant 0 : i32
      %dma_start3A_1350 = tpu.memref_slice %arg13[%dma_start3A_1348, %dma_start3A_1349] : memref<64x257xf32, #tpu.memory_space<vmem>> -> memref<8x128xf32, #tpu.memory_space<vmem>>
      tpu.enqueue_dma source(%dma_start3A_1350 : memref<8x128xf32, #tpu.memory_space<vmem>>) target(%dma_start3A_1347 : memref<8x128xf32, #tpu.memory_space<hbm>>) target_semaphore(%arg22 : memref<!tpu.dma_semaphore, #tpu.memory_space<semaphore_mem>>)
      %add3A_1351 = arith.constant 1 : i32
      %add3A_1352 = arith.addi %shift_right_logical3A_1095, %add3A_1351 : i32
      %dma_start3A_1353 = arith.constant 7 : i32
      %dma_start3A_1354 = arith.constant 56 : i32
      %dma_start3A_1355 = arith.constant 128 : i32
      %dma_start3A_1356 = tpu.memref_slice %arg13[%dma_start3A_1354, %dma_start3A_1355] : memref<64x257xf32, #tpu.memory_space<vmem>> -> memref<8x128xf32, #tpu.memory_space<vmem>>
      %dma_start3A_1357 = arith.constant 0 : i32
      %dma_start3A_1358 = arith.constant 0 : i32
      %dma_start3A_1359 = tpu.memref_slice %arg7[%shift_right_logical3A_1091, %dma_start3A_1353, %add3A_1352, %dma_start3A_1357, %dma_start3A_1358] : memref<200x8x32x8x128xf32, #tpu.memory_space<hbm>> -> memref<1x1x1x8x128xf32, #tpu.memory_space<hbm>>
      %dma_start3A_1360 = tpu.memref_squeeze %dma_start3A_1359 : memref<1x1x1x8x128xf32, #tpu.memory_space<hbm>> -> memref<8x128xf32, #tpu.memory_space<hbm>>
      %dma_start3A_1361 = arith.constant 0 : i32
      %dma_start3A_1362 = arith.constant 0 : i32
      %dma_start3A_1363 = tpu.memref_slice %arg7[%shift_right_logical3A_1091, %dma_start3A_1353, %add3A_1352, %dma_start3A_1361, %dma_start3A_1362] : memref<200x8x32x8x128xf32, #tpu.memory_space<hbm>> -> memref<1x1x1x8x128xf32, #tpu.memory_space<hbm>>
      %dma_start3A_1364 = tpu.memref_squeeze %dma_start3A_1363 : memref<1x1x1x8x128xf32, #tpu.memory_space<hbm>> -> memref<8x128xf32, #tpu.memory_space<hbm>>
      %dma_start3A_1365 = arith.constant 56 : i32
      %dma_start3A_1366 = arith.constant 128 : i32
      %dma_start3A_1367 = tpu.memref_slice %arg13[%dma_start3A_1365, %dma_start3A_1366] : memref<64x257xf32, #tpu.memory_space<vmem>> -> memref<8x128xf32, #tpu.memory_space<vmem>>
      tpu.enqueue_dma source(%dma_start3A_1367 : memref<8x128xf32, #tpu.memory_space<vmem>>) target(%dma_start3A_1364 : memref<8x128xf32, #tpu.memory_space<hbm>>) target_semaphore(%arg22 : memref<!tpu.dma_semaphore, #tpu.memory_space<semaphore_mem>>)
      %scan3A_1368 = arith.constant 0 : i32
      scf.yield %scan3A_1368 : i32
    }
    %scan3A_81 = arith.constant 50 : i32
    %dma_wait3A = arith.constant 0 : i32
    %dma_wait3A_82 = arith.constant 0 : i32
    %dma_wait3A_83 = arith.constant 0 : i32
    %dma_wait3A_84 = arith.constant 0 : i32
    %dma_wait3A_85 = arith.constant 0 : i32
    %dma_wait3A_86 = tpu.memref_slice %arg12[%dma_wait3A_84, %dma_wait3A_85] : memref<64x257xf32, #tpu.memory_space<vmem>> -> memref<8x128xf32, #tpu.memory_space<vmem>>
    %dma_wait3A_87 = arith.constant 0 : i32
    %dma_wait3A_88 = arith.constant 0 : i32
    %dma_wait3A_89 = tpu.memref_slice %arg7[%dma_wait3A, %dma_wait3A_82, %dma_wait3A_83, %dma_wait3A_87, %dma_wait3A_88] : memref<200x8x32x8x128xf32, #tpu.memory_space<hbm>> -> memref<1x1x1x8x128xf32, #tpu.memory_space<hbm>>
    %dma_wait3A_90 = tpu.memref_squeeze %dma_wait3A_89 : memref<1x1x1x8x128xf32, #tpu.memory_space<hbm>> -> memref<8x128xf32, #tpu.memory_space<hbm>>
    %dma_wait3A_91 = arith.constant 0 : i32
    %dma_wait3A_92 = arith.constant 0 : i32
    %dma_wait3A_93 = tpu.memref_slice %arg7[%dma_wait3A, %dma_wait3A_82, %dma_wait3A_83, %dma_wait3A_91, %dma_wait3A_92] : memref<200x8x32x8x128xf32, #tpu.memory_space<hbm>> -> memref<1x1x1x8x128xf32, #tpu.memory_space<hbm>>
    %dma_wait3A_94 = tpu.memref_squeeze %dma_wait3A_93 : memref<1x1x1x8x128xf32, #tpu.memory_space<hbm>> -> memref<8x128xf32, #tpu.memory_space<hbm>>
    %dma_wait3A_95 = arith.constant 0 : i32
    %dma_wait3A_96 = arith.constant 0 : i32
    %dma_wait3A_97 = tpu.memref_slice %arg12[%dma_wait3A_95, %dma_wait3A_96] : memref<64x257xf32, #tpu.memory_space<vmem>> -> memref<8x128xf32, #tpu.memory_space<vmem>>
    tpu.wait_dma2 semaphore(%arg21 : memref<!tpu.dma_semaphore, #tpu.memory_space<semaphore_mem>>) src(%dma_wait3A_97 : memref<8x128xf32, #tpu.memory_space<vmem>>) dst(%dma_wait3A_94 : memref<8x128xf32, #tpu.memory_space<hbm>>)
    %dma_wait3A_98 = arith.constant 0 : i32
    %dma_wait3A_99 = arith.constant 0 : i32
    %dma_wait3A_100 = arith.constant 0 : i32
    %dma_wait3A_101 = arith.constant 0 : i32
    %dma_wait3A_102 = arith.constant 128 : i32
    %dma_wait3A_103 = tpu.memref_slice %arg12[%dma_wait3A_101, %dma_wait3A_102] : memref<64x257xf32, #tpu.memory_space<vmem>> -> memref<8x128xf32, #tpu.memory_space<vmem>>
    %dma_wait3A_104 = arith.constant 0 : i32
    %dma_wait3A_105 = arith.constant 0 : i32
    %dma_wait3A_106 = tpu.memref_slice %arg7[%dma_wait3A_98, %dma_wait3A_99, %dma_wait3A_100, %dma_wait3A_104, %dma_wait3A_105] : memref<200x8x32x8x128xf32, #tpu.memory_space<hbm>> -> memref<1x1x1x8x128xf32, #tpu.memory_space<hbm>>
    %dma_wait3A_107 = tpu.memref_squeeze %dma_wait3A_106 : memref<1x1x1x8x128xf32, #tpu.memory_space<hbm>> -> memref<8x128xf32, #tpu.memory_space<hbm>>
    %dma_wait3A_108 = arith.constant 0 : i32
    %dma_wait3A_109 = arith.constant 0 : i32
    %dma_wait3A_110 = tpu.memref_slice %arg7[%dma_wait3A_98, %dma_wait3A_99, %dma_wait3A_100, %dma_wait3A_108, %dma_wait3A_109] : memref<200x8x32x8x128xf32, #tpu.memory_space<hbm>> -> memref<1x1x1x8x128xf32, #tpu.memory_space<hbm>>
    %dma_wait3A_111 = tpu.memref_squeeze %dma_wait3A_110 : memref<1x1x1x8x128xf32, #tpu.memory_space<hbm>> -> memref<8x128xf32, #tpu.memory_space<hbm>>
    %dma_wait3A_112 = arith.constant 0 : i32
    %dma_wait3A_113 = arith.constant 128 : i32
    %dma_wait3A_114 = tpu.memref_slice %arg12[%dma_wait3A_112, %dma_wait3A_113] : memref<64x257xf32, #tpu.memory_space<vmem>> -> memref<8x128xf32, #tpu.memory_space<vmem>>
    tpu.wait_dma2 semaphore(%arg21 : memref<!tpu.dma_semaphore, #tpu.memory_space<semaphore_mem>>) src(%dma_wait3A_114 : memref<8x128xf32, #tpu.memory_space<vmem>>) dst(%dma_wait3A_111 : memref<8x128xf32, #tpu.memory_space<hbm>>)
    %dma_wait3A_115 = arith.constant 0 : i32
    %dma_wait3A_116 = arith.constant 0 : i32
    %dma_wait3A_117 = arith.constant 0 : i32
    %dma_wait3A_118 = arith.constant 8 : i32
    %dma_wait3A_119 = arith.constant 0 : i32
    %dma_wait3A_120 = tpu.memref_slice %arg12[%dma_wait3A_118, %dma_wait3A_119] : memref<64x257xf32, #tpu.memory_space<vmem>> -> memref<8x128xf32, #tpu.memory_space<vmem>>
    %dma_wait3A_121 = arith.constant 0 : i32
    %dma_wait3A_122 = arith.constant 0 : i32
    %dma_wait3A_123 = tpu.memref_slice %arg7[%dma_wait3A_115, %dma_wait3A_116, %dma_wait3A_117, %dma_wait3A_121, %dma_wait3A_122] : memref<200x8x32x8x128xf32, #tpu.memory_space<hbm>> -> memref<1x1x1x8x128xf32, #tpu.memory_space<hbm>>
    %dma_wait3A_124 = tpu.memref_squeeze %dma_wait3A_123 : memref<1x1x1x8x128xf32, #tpu.memory_space<hbm>> -> memref<8x128xf32, #tpu.memory_space<hbm>>
    %dma_wait3A_125 = arith.constant 0 : i32
    %dma_wait3A_126 = arith.constant 0 : i32
    %dma_wait3A_127 = tpu.memref_slice %arg7[%dma_wait3A_115, %dma_wait3A_116, %dma_wait3A_117, %dma_wait3A_125, %dma_wait3A_126] : memref<200x8x32x8x128xf32, #tpu.memory_space<hbm>> -> memref<1x1x1x8x128xf32, #tpu.memory_space<hbm>>
    %dma_wait3A_128 = tpu.memref_squeeze %dma_wait3A_127 : memref<1x1x1x8x128xf32, #tpu.memory_space<hbm>> -> memref<8x128xf32, #tpu.memory_space<hbm>>
    %dma_wait3A_129 = arith.constant 8 : i32
    %dma_wait3A_130 = arith.constant 0 : i32
    %dma_wait3A_131 = tpu.memref_slice %arg12[%dma_wait3A_129, %dma_wait3A_130] : memref<64x257xf32, #tpu.memory_space<vmem>> -> memref<8x128xf32, #tpu.memory_space<vmem>>
    tpu.wait_dma2 semaphore(%arg21 : memref<!tpu.dma_semaphore, #tpu.memory_space<semaphore_mem>>) src(%dma_wait3A_131 : memref<8x128xf32, #tpu.memory_space<vmem>>) dst(%dma_wait3A_128 : memref<8x128xf32, #tpu.memory_space<hbm>>)
    %dma_wait3A_132 = arith.constant 0 : i32
    %dma_wait3A_133 = arith.constant 0 : i32
    %dma_wait3A_134 = arith.constant 0 : i32
    %dma_wait3A_135 = arith.constant 8 : i32
    %dma_wait3A_136 = arith.constant 128 : i32
    %dma_wait3A_137 = tpu.memref_slice %arg12[%dma_wait3A_135, %dma_wait3A_136] : memref<64x257xf32, #tpu.memory_space<vmem>> -> memref<8x128xf32, #tpu.memory_space<vmem>>
    %dma_wait3A_138 = arith.constant 0 : i32
    %dma_wait3A_139 = arith.constant 0 : i32
    %dma_wait3A_140 = tpu.memref_slice %arg7[%dma_wait3A_132, %dma_wait3A_133, %dma_wait3A_134, %dma_wait3A_138, %dma_wait3A_139] : memref<200x8x32x8x128xf32, #tpu.memory_space<hbm>> -> memref<1x1x1x8x128xf32, #tpu.memory_space<hbm>>
    %dma_wait3A_141 = tpu.memref_squeeze %dma_wait3A_140 : memref<1x1x1x8x128xf32, #tpu.memory_space<hbm>> -> memref<8x128xf32, #tpu.memory_space<hbm>>
    %dma_wait3A_142 = arith.constant 0 : i32
    %dma_wait3A_143 = arith.constant 0 : i32
    %dma_wait3A_144 = tpu.memref_slice %arg7[%dma_wait3A_132, %dma_wait3A_133, %dma_wait3A_134, %dma_wait3A_142, %dma_wait3A_143] : memref<200x8x32x8x128xf32, #tpu.memory_space<hbm>> -> memref<1x1x1x8x128xf32, #tpu.memory_space<hbm>>
    %dma_wait3A_145 = tpu.memref_squeeze %dma_wait3A_144 : memref<1x1x1x8x128xf32, #tpu.memory_space<hbm>> -> memref<8x128xf32, #tpu.memory_space<hbm>>
    %dma_wait3A_146 = arith.constant 8 : i32
    %dma_wait3A_147 = arith.constant 128 : i32
    %dma_wait3A_148 = tpu.memref_slice %arg12[%dma_wait3A_146, %dma_wait3A_147] : memref<64x257xf32, #tpu.memory_space<vmem>> -> memref<8x128xf32, #tpu.memory_space<vmem>>
    tpu.wait_dma2 semaphore(%arg21 : memref<!tpu.dma_semaphore, #tpu.memory_space<semaphore_mem>>) src(%dma_wait3A_148 : memref<8x128xf32, #tpu.memory_space<vmem>>) dst(%dma_wait3A_145 : memref<8x128xf32, #tpu.memory_space<hbm>>)
    %dma_wait3A_149 = arith.constant 0 : i32
    %dma_wait3A_150 = arith.constant 0 : i32
    %dma_wait3A_151 = arith.constant 0 : i32
    %dma_wait3A_152 = arith.constant 16 : i32
    %dma_wait3A_153 = arith.constant 0 : i32
    %dma_wait3A_154 = tpu.memref_slice %arg12[%dma_wait3A_152, %dma_wait3A_153] : memref<64x257xf32, #tpu.memory_space<vmem>> -> memref<8x128xf32, #tpu.memory_space<vmem>>
    %dma_wait3A_155 = arith.constant 0 : i32
    %dma_wait3A_156 = arith.constant 0 : i32
    %dma_wait3A_157 = tpu.memref_slice %arg7[%dma_wait3A_149, %dma_wait3A_150, %dma_wait3A_151, %dma_wait3A_155, %dma_wait3A_156] : memref<200x8x32x8x128xf32, #tpu.memory_space<hbm>> -> memref<1x1x1x8x128xf32, #tpu.memory_space<hbm>>
    %dma_wait3A_158 = tpu.memref_squeeze %dma_wait3A_157 : memref<1x1x1x8x128xf32, #tpu.memory_space<hbm>> -> memref<8x128xf32, #tpu.memory_space<hbm>>
    %dma_wait3A_159 = arith.constant 0 : i32
    %dma_wait3A_160 = arith.constant 0 : i32
    %dma_wait3A_161 = tpu.memref_slice %arg7[%dma_wait3A_149, %dma_wait3A_150, %dma_wait3A_151, %dma_wait3A_159, %dma_wait3A_160] : memref<200x8x32x8x128xf32, #tpu.memory_space<hbm>> -> memref<1x1x1x8x128xf32, #tpu.memory_space<hbm>>
    %dma_wait3A_162 = tpu.memref_squeeze %dma_wait3A_161 : memref<1x1x1x8x128xf32, #tpu.memory_space<hbm>> -> memref<8x128xf32, #tpu.memory_space<hbm>>
    %dma_wait3A_163 = arith.constant 16 : i32
    %dma_wait3A_164 = arith.constant 0 : i32
    %dma_wait3A_165 = tpu.memref_slice %arg12[%dma_wait3A_163, %dma_wait3A_164] : memref<64x257xf32, #tpu.memory_space<vmem>> -> memref<8x128xf32, #tpu.memory_space<vmem>>
    tpu.wait_dma2 semaphore(%arg21 : memref<!tpu.dma_semaphore, #tpu.memory_space<semaphore_mem>>) src(%dma_wait3A_165 : memref<8x128xf32, #tpu.memory_space<vmem>>) dst(%dma_wait3A_162 : memref<8x128xf32, #tpu.memory_space<hbm>>)
    %dma_wait3A_166 = arith.constant 0 : i32
    %dma_wait3A_167 = arith.constant 0 : i32
    %dma_wait3A_168 = arith.constant 0 : i32
    %dma_wait3A_169 = arith.constant 16 : i32
    %dma_wait3A_170 = arith.constant 128 : i32
    %dma_wait3A_171 = tpu.memref_slice %arg12[%dma_wait3A_169, %dma_wait3A_170] : memref<64x257xf32, #tpu.memory_space<vmem>> -> memref<8x128xf32, #tpu.memory_space<vmem>>
    %dma_wait3A_172 = arith.constant 0 : i32
    %dma_wait3A_173 = arith.constant 0 : i32
    %dma_wait3A_174 = tpu.memref_slice %arg7[%dma_wait3A_166, %dma_wait3A_167, %dma_wait3A_168, %dma_wait3A_172, %dma_wait3A_173] : memref<200x8x32x8x128xf32, #tpu.memory_space<hbm>> -> memref<1x1x1x8x128xf32, #tpu.memory_space<hbm>>
    %dma_wait3A_175 = tpu.memref_squeeze %dma_wait3A_174 : memref<1x1x1x8x128xf32, #tpu.memory_space<hbm>> -> memref<8x128xf32, #tpu.memory_space<hbm>>
    %dma_wait3A_176 = arith.constant 0 : i32
    %dma_wait3A_177 = arith.constant 0 : i32
    %dma_wait3A_178 = tpu.memref_slice %arg7[%dma_wait3A_166, %dma_wait3A_167, %dma_wait3A_168, %dma_wait3A_176, %dma_wait3A_177] : memref<200x8x32x8x128xf32, #tpu.memory_space<hbm>> -> memref<1x1x1x8x128xf32, #tpu.memory_space<hbm>>
    %dma_wait3A_179 = tpu.memref_squeeze %dma_wait3A_178 : memref<1x1x1x8x128xf32, #tpu.memory_space<hbm>> -> memref<8x128xf32, #tpu.memory_space<hbm>>
    %dma_wait3A_180 = arith.constant 16 : i32
    %dma_wait3A_181 = arith.constant 128 : i32
    %dma_wait3A_182 = tpu.memref_slice %arg12[%dma_wait3A_180, %dma_wait3A_181] : memref<64x257xf32, #tpu.memory_space<vmem>> -> memref<8x128xf32, #tpu.memory_space<vmem>>
    tpu.wait_dma2 semaphore(%arg21 : memref<!tpu.dma_semaphore, #tpu.memory_space<semaphore_mem>>) src(%dma_wait3A_182 : memref<8x128xf32, #tpu.memory_space<vmem>>) dst(%dma_wait3A_179 : memref<8x128xf32, #tpu.memory_space<hbm>>)
    %dma_wait3A_183 = arith.constant 0 : i32
    %dma_wait3A_184 = arith.constant 0 : i32
    %dma_wait3A_185 = arith.constant 0 : i32
    %dma_wait3A_186 = arith.constant 24 : i32
    %dma_wait3A_187 = arith.constant 0 : i32
    %dma_wait3A_188 = tpu.memref_slice %arg12[%dma_wait3A_186, %dma_wait3A_187] : memref<64x257xf32, #tpu.memory_space<vmem>> -> memref<8x128xf32, #tpu.memory_space<vmem>>
    %dma_wait3A_189 = arith.constant 0 : i32
    %dma_wait3A_190 = arith.constant 0 : i32
    %dma_wait3A_191 = tpu.memref_slice %arg7[%dma_wait3A_183, %dma_wait3A_184, %dma_wait3A_185, %dma_wait3A_189, %dma_wait3A_190] : memref<200x8x32x8x128xf32, #tpu.memory_space<hbm>> -> memref<1x1x1x8x128xf32, #tpu.memory_space<hbm>>
    %dma_wait3A_192 = tpu.memref_squeeze %dma_wait3A_191 : memref<1x1x1x8x128xf32, #tpu.memory_space<hbm>> -> memref<8x128xf32, #tpu.memory_space<hbm>>
    %dma_wait3A_193 = arith.constant 0 : i32
    %dma_wait3A_194 = arith.constant 0 : i32
    %dma_wait3A_195 = tpu.memref_slice %arg7[%dma_wait3A_183, %dma_wait3A_184, %dma_wait3A_185, %dma_wait3A_193, %dma_wait3A_194] : memref<200x8x32x8x128xf32, #tpu.memory_space<hbm>> -> memref<1x1x1x8x128xf32, #tpu.memory_space<hbm>>
    %dma_wait3A_196 = tpu.memref_squeeze %dma_wait3A_195 : memref<1x1x1x8x128xf32, #tpu.memory_space<hbm>> -> memref<8x128xf32, #tpu.memory_space<hbm>>
    %dma_wait3A_197 = arith.constant 24 : i32
    %dma_wait3A_198 = arith.constant 0 : i32
    %dma_wait3A_199 = tpu.memref_slice %arg12[%dma_wait3A_197, %dma_wait3A_198] : memref<64x257xf32, #tpu.memory_space<vmem>> -> memref<8x128xf32, #tpu.memory_space<vmem>>
    tpu.wait_dma2 semaphore(%arg21 : memref<!tpu.dma_semaphore, #tpu.memory_space<semaphore_mem>>) src(%dma_wait3A_199 : memref<8x128xf32, #tpu.memory_space<vmem>>) dst(%dma_wait3A_196 : memref<8x128xf32, #tpu.memory_space<hbm>>)
    %dma_wait3A_200 = arith.constant 0 : i32
    %dma_wait3A_201 = arith.constant 0 : i32
    %dma_wait3A_202 = arith.constant 0 : i32
    %dma_wait3A_203 = arith.constant 24 : i32
    %dma_wait3A_204 = arith.constant 128 : i32
    %dma_wait3A_205 = tpu.memref_slice %arg12[%dma_wait3A_203, %dma_wait3A_204] : memref<64x257xf32, #tpu.memory_space<vmem>> -> memref<8x128xf32, #tpu.memory_space<vmem>>
    %dma_wait3A_206 = arith.constant 0 : i32
    %dma_wait3A_207 = arith.constant 0 : i32
    %dma_wait3A_208 = tpu.memref_slice %arg7[%dma_wait3A_200, %dma_wait3A_201, %dma_wait3A_202, %dma_wait3A_206, %dma_wait3A_207] : memref<200x8x32x8x128xf32, #tpu.memory_space<hbm>> -> memref<1x1x1x8x128xf32, #tpu.memory_space<hbm>>
    %dma_wait3A_209 = tpu.memref_squeeze %dma_wait3A_208 : memref<1x1x1x8x128xf32, #tpu.memory_space<hbm>> -> memref<8x128xf32, #tpu.memory_space<hbm>>
    %dma_wait3A_210 = arith.constant 0 : i32
    %dma_wait3A_211 = arith.constant 0 : i32
    %dma_wait3A_212 = tpu.memref_slice %arg7[%dma_wait3A_200, %dma_wait3A_201, %dma_wait3A_202, %dma_wait3A_210, %dma_wait3A_211] : memref<200x8x32x8x128xf32, #tpu.memory_space<hbm>> -> memref<1x1x1x8x128xf32, #tpu.memory_space<hbm>>
    %dma_wait3A_213 = tpu.memref_squeeze %dma_wait3A_212 : memref<1x1x1x8x128xf32, #tpu.memory_space<hbm>> -> memref<8x128xf32, #tpu.memory_space<hbm>>
    %dma_wait3A_214 = arith.constant 24 : i32
    %dma_wait3A_215 = arith.constant 128 : i32
    %dma_wait3A_216 = tpu.memref_slice %arg12[%dma_wait3A_214, %dma_wait3A_215] : memref<64x257xf32, #tpu.memory_space<vmem>> -> memref<8x128xf32, #tpu.memory_space<vmem>>
    tpu.wait_dma2 semaphore(%arg21 : memref<!tpu.dma_semaphore, #tpu.memory_space<semaphore_mem>>) src(%dma_wait3A_216 : memref<8x128xf32, #tpu.memory_space<vmem>>) dst(%dma_wait3A_213 : memref<8x128xf32, #tpu.memory_space<hbm>>)
    %dma_wait3A_217 = arith.constant 0 : i32
    %dma_wait3A_218 = arith.constant 0 : i32
    %dma_wait3A_219 = arith.constant 0 : i32
    %dma_wait3A_220 = arith.constant 32 : i32
    %dma_wait3A_221 = arith.constant 0 : i32
    %dma_wait3A_222 = tpu.memref_slice %arg12[%dma_wait3A_220, %dma_wait3A_221] : memref<64x257xf32, #tpu.memory_space<vmem>> -> memref<8x128xf32, #tpu.memory_space<vmem>>
    %dma_wait3A_223 = arith.constant 0 : i32
    %dma_wait3A_224 = arith.constant 0 : i32
    %dma_wait3A_225 = tpu.memref_slice %arg7[%dma_wait3A_217, %dma_wait3A_218, %dma_wait3A_219, %dma_wait3A_223, %dma_wait3A_224] : memref<200x8x32x8x128xf32, #tpu.memory_space<hbm>> -> memref<1x1x1x8x128xf32, #tpu.memory_space<hbm>>
    %dma_wait3A_226 = tpu.memref_squeeze %dma_wait3A_225 : memref<1x1x1x8x128xf32, #tpu.memory_space<hbm>> -> memref<8x128xf32, #tpu.memory_space<hbm>>
    %dma_wait3A_227 = arith.constant 0 : i32
    %dma_wait3A_228 = arith.constant 0 : i32
    %dma_wait3A_229 = tpu.memref_slice %arg7[%dma_wait3A_217, %dma_wait3A_218, %dma_wait3A_219, %dma_wait3A_227, %dma_wait3A_228] : memref<200x8x32x8x128xf32, #tpu.memory_space<hbm>> -> memref<1x1x1x8x128xf32, #tpu.memory_space<hbm>>
    %dma_wait3A_230 = tpu.memref_squeeze %dma_wait3A_229 : memref<1x1x1x8x128xf32, #tpu.memory_space<hbm>> -> memref<8x128xf32, #tpu.memory_space<hbm>>
    %dma_wait3A_231 = arith.constant 32 : i32
    %dma_wait3A_232 = arith.constant 0 : i32
    %dma_wait3A_233 = tpu.memref_slice %arg12[%dma_wait3A_231, %dma_wait3A_232] : memref<64x257xf32, #tpu.memory_space<vmem>> -> memref<8x128xf32, #tpu.memory_space<vmem>>
    tpu.wait_dma2 semaphore(%arg21 : memref<!tpu.dma_semaphore, #tpu.memory_space<semaphore_mem>>) src(%dma_wait3A_233 : memref<8x128xf32, #tpu.memory_space<vmem>>) dst(%dma_wait3A_230 : memref<8x128xf32, #tpu.memory_space<hbm>>)
    %dma_wait3A_234 = arith.constant 0 : i32
    %dma_wait3A_235 = arith.constant 0 : i32
    %dma_wait3A_236 = arith.constant 0 : i32
    %dma_wait3A_237 = arith.constant 32 : i32
    %dma_wait3A_238 = arith.constant 128 : i32
    %dma_wait3A_239 = tpu.memref_slice %arg12[%dma_wait3A_237, %dma_wait3A_238] : memref<64x257xf32, #tpu.memory_space<vmem>> -> memref<8x128xf32, #tpu.memory_space<vmem>>
    %dma_wait3A_240 = arith.constant 0 : i32
    %dma_wait3A_241 = arith.constant 0 : i32
    %dma_wait3A_242 = tpu.memref_slice %arg7[%dma_wait3A_234, %dma_wait3A_235, %dma_wait3A_236, %dma_wait3A_240, %dma_wait3A_241] : memref<200x8x32x8x128xf32, #tpu.memory_space<hbm>> -> memref<1x1x1x8x128xf32, #tpu.memory_space<hbm>>
    %dma_wait3A_243 = tpu.memref_squeeze %dma_wait3A_242 : memref<1x1x1x8x128xf32, #tpu.memory_space<hbm>> -> memref<8x128xf32, #tpu.memory_space<hbm>>
    %dma_wait3A_244 = arith.constant 0 : i32
    %dma_wait3A_245 = arith.constant 0 : i32
    %dma_wait3A_246 = tpu.memref_slice %arg7[%dma_wait3A_234, %dma_wait3A_235, %dma_wait3A_236, %dma_wait3A_244, %dma_wait3A_245] : memref<200x8x32x8x128xf32, #tpu.memory_space<hbm>> -> memref<1x1x1x8x128xf32, #tpu.memory_space<hbm>>
    %dma_wait3A_247 = tpu.memref_squeeze %dma_wait3A_246 : memref<1x1x1x8x128xf32, #tpu.memory_space<hbm>> -> memref<8x128xf32, #tpu.memory_space<hbm>>
    %dma_wait3A_248 = arith.constant 32 : i32
    %dma_wait3A_249 = arith.constant 128 : i32
    %dma_wait3A_250 = tpu.memref_slice %arg12[%dma_wait3A_248, %dma_wait3A_249] : memref<64x257xf32, #tpu.memory_space<vmem>> -> memref<8x128xf32, #tpu.memory_space<vmem>>
    tpu.wait_dma2 semaphore(%arg21 : memref<!tpu.dma_semaphore, #tpu.memory_space<semaphore_mem>>) src(%dma_wait3A_250 : memref<8x128xf32, #tpu.memory_space<vmem>>) dst(%dma_wait3A_247 : memref<8x128xf32, #tpu.memory_space<hbm>>)
    %dma_wait3A_251 = arith.constant 0 : i32
    %dma_wait3A_252 = arith.constant 0 : i32
    %dma_wait3A_253 = arith.constant 0 : i32
    %dma_wait3A_254 = arith.constant 40 : i32
    %dma_wait3A_255 = arith.constant 0 : i32
    %dma_wait3A_256 = tpu.memref_slice %arg12[%dma_wait3A_254, %dma_wait3A_255] : memref<64x257xf32, #tpu.memory_space<vmem>> -> memref<8x128xf32, #tpu.memory_space<vmem>>
    %dma_wait3A_257 = arith.constant 0 : i32
    %dma_wait3A_258 = arith.constant 0 : i32
    %dma_wait3A_259 = tpu.memref_slice %arg7[%dma_wait3A_251, %dma_wait3A_252, %dma_wait3A_253, %dma_wait3A_257, %dma_wait3A_258] : memref<200x8x32x8x128xf32, #tpu.memory_space<hbm>> -> memref<1x1x1x8x128xf32, #tpu.memory_space<hbm>>
    %dma_wait3A_260 = tpu.memref_squeeze %dma_wait3A_259 : memref<1x1x1x8x128xf32, #tpu.memory_space<hbm>> -> memref<8x128xf32, #tpu.memory_space<hbm>>
    %dma_wait3A_261 = arith.constant 0 : i32
    %dma_wait3A_262 = arith.constant 0 : i32
    %dma_wait3A_263 = tpu.memref_slice %arg7[%dma_wait3A_251, %dma_wait3A_252, %dma_wait3A_253, %dma_wait3A_261, %dma_wait3A_262] : memref<200x8x32x8x128xf32, #tpu.memory_space<hbm>> -> memref<1x1x1x8x128xf32, #tpu.memory_space<hbm>>
    %dma_wait3A_264 = tpu.memref_squeeze %dma_wait3A_263 : memref<1x1x1x8x128xf32, #tpu.memory_space<hbm>> -> memref<8x128xf32, #tpu.memory_space<hbm>>
    %dma_wait3A_265 = arith.constant 40 : i32
    %dma_wait3A_266 = arith.constant 0 : i32
    %dma_wait3A_267 = tpu.memref_slice %arg12[%dma_wait3A_265, %dma_wait3A_266] : memref<64x257xf32, #tpu.memory_space<vmem>> -> memref<8x128xf32, #tpu.memory_space<vmem>>
    tpu.wait_dma2 semaphore(%arg21 : memref<!tpu.dma_semaphore, #tpu.memory_space<semaphore_mem>>) src(%dma_wait3A_267 : memref<8x128xf32, #tpu.memory_space<vmem>>) dst(%dma_wait3A_264 : memref<8x128xf32, #tpu.memory_space<hbm>>)
    %dma_wait3A_268 = arith.constant 0 : i32
    %dma_wait3A_269 = arith.constant 0 : i32
    %dma_wait3A_270 = arith.constant 0 : i32
    %dma_wait3A_271 = arith.constant 40 : i32
    %dma_wait3A_272 = arith.constant 128 : i32
    %dma_wait3A_273 = tpu.memref_slice %arg12[%dma_wait3A_271, %dma_wait3A_272] : memref<64x257xf32, #tpu.memory_space<vmem>> -> memref<8x128xf32, #tpu.memory_space<vmem>>
    %dma_wait3A_274 = arith.constant 0 : i32
    %dma_wait3A_275 = arith.constant 0 : i32
    %dma_wait3A_276 = tpu.memref_slice %arg7[%dma_wait3A_268, %dma_wait3A_269, %dma_wait3A_270, %dma_wait3A_274, %dma_wait3A_275] : memref<200x8x32x8x128xf32, #tpu.memory_space<hbm>> -> memref<1x1x1x8x128xf32, #tpu.memory_space<hbm>>
    %dma_wait3A_277 = tpu.memref_squeeze %dma_wait3A_276 : memref<1x1x1x8x128xf32, #tpu.memory_space<hbm>> -> memref<8x128xf32, #tpu.memory_space<hbm>>
    %dma_wait3A_278 = arith.constant 0 : i32
    %dma_wait3A_279 = arith.constant 0 : i32
    %dma_wait3A_280 = tpu.memref_slice %arg7[%dma_wait3A_268, %dma_wait3A_269, %dma_wait3A_270, %dma_wait3A_278, %dma_wait3A_279] : memref<200x8x32x8x128xf32, #tpu.memory_space<hbm>> -> memref<1x1x1x8x128xf32, #tpu.memory_space<hbm>>
    %dma_wait3A_281 = tpu.memref_squeeze %dma_wait3A_280 : memref<1x1x1x8x128xf32, #tpu.memory_space<hbm>> -> memref<8x128xf32, #tpu.memory_space<hbm>>
    %dma_wait3A_282 = arith.constant 40 : i32
    %dma_wait3A_283 = arith.constant 128 : i32
    %dma_wait3A_284 = tpu.memref_slice %arg12[%dma_wait3A_282, %dma_wait3A_283] : memref<64x257xf32, #tpu.memory_space<vmem>> -> memref<8x128xf32, #tpu.memory_space<vmem>>
    tpu.wait_dma2 semaphore(%arg21 : memref<!tpu.dma_semaphore, #tpu.memory_space<semaphore_mem>>) src(%dma_wait3A_284 : memref<8x128xf32, #tpu.memory_space<vmem>>) dst(%dma_wait3A_281 : memref<8x128xf32, #tpu.memory_space<hbm>>)
    %dma_wait3A_285 = arith.constant 0 : i32
    %dma_wait3A_286 = arith.constant 0 : i32
    %dma_wait3A_287 = arith.constant 0 : i32
    %dma_wait3A_288 = arith.constant 48 : i32
    %dma_wait3A_289 = arith.constant 0 : i32
    %dma_wait3A_290 = tpu.memref_slice %arg12[%dma_wait3A_288, %dma_wait3A_289] : memref<64x257xf32, #tpu.memory_space<vmem>> -> memref<8x128xf32, #tpu.memory_space<vmem>>
    %dma_wait3A_291 = arith.constant 0 : i32
    %dma_wait3A_292 = arith.constant 0 : i32
    %dma_wait3A_293 = tpu.memref_slice %arg7[%dma_wait3A_285, %dma_wait3A_286, %dma_wait3A_287, %dma_wait3A_291, %dma_wait3A_292] : memref<200x8x32x8x128xf32, #tpu.memory_space<hbm>> -> memref<1x1x1x8x128xf32, #tpu.memory_space<hbm>>
    %dma_wait3A_294 = tpu.memref_squeeze %dma_wait3A_293 : memref<1x1x1x8x128xf32, #tpu.memory_space<hbm>> -> memref<8x128xf32, #tpu.memory_space<hbm>>
    %dma_wait3A_295 = arith.constant 0 : i32
    %dma_wait3A_296 = arith.constant 0 : i32
    %dma_wait3A_297 = tpu.memref_slice %arg7[%dma_wait3A_285, %dma_wait3A_286, %dma_wait3A_287, %dma_wait3A_295, %dma_wait3A_296] : memref<200x8x32x8x128xf32, #tpu.memory_space<hbm>> -> memref<1x1x1x8x128xf32, #tpu.memory_space<hbm>>
    %dma_wait3A_298 = tpu.memref_squeeze %dma_wait3A_297 : memref<1x1x1x8x128xf32, #tpu.memory_space<hbm>> -> memref<8x128xf32, #tpu.memory_space<hbm>>
    %dma_wait3A_299 = arith.constant 48 : i32
    %dma_wait3A_300 = arith.constant 0 : i32
    %dma_wait3A_301 = tpu.memref_slice %arg12[%dma_wait3A_299, %dma_wait3A_300] : memref<64x257xf32, #tpu.memory_space<vmem>> -> memref<8x128xf32, #tpu.memory_space<vmem>>
    tpu.wait_dma2 semaphore(%arg21 : memref<!tpu.dma_semaphore, #tpu.memory_space<semaphore_mem>>) src(%dma_wait3A_301 : memref<8x128xf32, #tpu.memory_space<vmem>>) dst(%dma_wait3A_298 : memref<8x128xf32, #tpu.memory_space<hbm>>)
    %dma_wait3A_302 = arith.constant 0 : i32
    %dma_wait3A_303 = arith.constant 0 : i32
    %dma_wait3A_304 = arith.constant 0 : i32
    %dma_wait3A_305 = arith.constant 48 : i32
    %dma_wait3A_306 = arith.constant 128 : i32
    %dma_wait3A_307 = tpu.memref_slice %arg12[%dma_wait3A_305, %dma_wait3A_306] : memref<64x257xf32, #tpu.memory_space<vmem>> -> memref<8x128xf32, #tpu.memory_space<vmem>>
    %dma_wait3A_308 = arith.constant 0 : i32
    %dma_wait3A_309 = arith.constant 0 : i32
    %dma_wait3A_310 = tpu.memref_slice %arg7[%dma_wait3A_302, %dma_wait3A_303, %dma_wait3A_304, %dma_wait3A_308, %dma_wait3A_309] : memref<200x8x32x8x128xf32, #tpu.memory_space<hbm>> -> memref<1x1x1x8x128xf32, #tpu.memory_space<hbm>>
    %dma_wait3A_311 = tpu.memref_squeeze %dma_wait3A_310 : memref<1x1x1x8x128xf32, #tpu.memory_space<hbm>> -> memref<8x128xf32, #tpu.memory_space<hbm>>
    %dma_wait3A_312 = arith.constant 0 : i32
    %dma_wait3A_313 = arith.constant 0 : i32
    %dma_wait3A_314 = tpu.memref_slice %arg7[%dma_wait3A_302, %dma_wait3A_303, %dma_wait3A_304, %dma_wait3A_312, %dma_wait3A_313] : memref<200x8x32x8x128xf32, #tpu.memory_space<hbm>> -> memref<1x1x1x8x128xf32, #tpu.memory_space<hbm>>
    %dma_wait3A_315 = tpu.memref_squeeze %dma_wait3A_314 : memref<1x1x1x8x128xf32, #tpu.memory_space<hbm>> -> memref<8x128xf32, #tpu.memory_space<hbm>>
    %dma_wait3A_316 = arith.constant 48 : i32
    %dma_wait3A_317 = arith.constant 128 : i32
    %dma_wait3A_318 = tpu.memref_slice %arg12[%dma_wait3A_316, %dma_wait3A_317] : memref<64x257xf32, #tpu.memory_space<vmem>> -> memref<8x128xf32, #tpu.memory_space<vmem>>
    tpu.wait_dma2 semaphore(%arg21 : memref<!tpu.dma_semaphore, #tpu.memory_space<semaphore_mem>>) src(%dma_wait3A_318 : memref<8x128xf32, #tpu.memory_space<vmem>>) dst(%dma_wait3A_315 : memref<8x128xf32, #tpu.memory_space<hbm>>)
    %dma_wait3A_319 = arith.constant 0 : i32
    %dma_wait3A_320 = arith.constant 0 : i32
    %dma_wait3A_321 = arith.constant 0 : i32
    %dma_wait3A_322 = arith.constant 56 : i32
    %dma_wait3A_323 = arith.constant 0 : i32
    %dma_wait3A_324 = tpu.memref_slice %arg12[%dma_wait3A_322, %dma_wait3A_323] : memref<64x257xf32, #tpu.memory_space<vmem>> -> memref<8x128xf32, #tpu.memory_space<vmem>>
    %dma_wait3A_325 = arith.constant 0 : i32
    %dma_wait3A_326 = arith.constant 0 : i32
    %dma_wait3A_327 = tpu.memref_slice %arg7[%dma_wait3A_319, %dma_wait3A_320, %dma_wait3A_321, %dma_wait3A_325, %dma_wait3A_326] : memref<200x8x32x8x128xf32, #tpu.memory_space<hbm>> -> memref<1x1x1x8x128xf32, #tpu.memory_space<hbm>>
    %dma_wait3A_328 = tpu.memref_squeeze %dma_wait3A_327 : memref<1x1x1x8x128xf32, #tpu.memory_space<hbm>> -> memref<8x128xf32, #tpu.memory_space<hbm>>
    %dma_wait3A_329 = arith.constant 0 : i32
    %dma_wait3A_330 = arith.constant 0 : i32
    %dma_wait3A_331 = tpu.memref_slice %arg7[%dma_wait3A_319, %dma_wait3A_320, %dma_wait3A_321, %dma_wait3A_329, %dma_wait3A_330] : memref<200x8x32x8x128xf32, #tpu.memory_space<hbm>> -> memref<1x1x1x8x128xf32, #tpu.memory_space<hbm>>
    %dma_wait3A_332 = tpu.memref_squeeze %dma_wait3A_331 : memref<1x1x1x8x128xf32, #tpu.memory_space<hbm>> -> memref<8x128xf32, #tpu.memory_space<hbm>>
    %dma_wait3A_333 = arith.constant 56 : i32
    %dma_wait3A_334 = arith.constant 0 : i32
    %dma_wait3A_335 = tpu.memref_slice %arg12[%dma_wait3A_333, %dma_wait3A_334] : memref<64x257xf32, #tpu.memory_space<vmem>> -> memref<8x128xf32, #tpu.memory_space<vmem>>
    tpu.wait_dma2 semaphore(%arg21 : memref<!tpu.dma_semaphore, #tpu.memory_space<semaphore_mem>>) src(%dma_wait3A_335 : memref<8x128xf32, #tpu.memory_space<vmem>>) dst(%dma_wait3A_332 : memref<8x128xf32, #tpu.memory_space<hbm>>)
    %dma_wait3A_336 = arith.constant 0 : i32
    %dma_wait3A_337 = arith.constant 0 : i32
    %dma_wait3A_338 = arith.constant 0 : i32
    %dma_wait3A_339 = arith.constant 56 : i32
    %dma_wait3A_340 = arith.constant 128 : i32
    %dma_wait3A_341 = tpu.memref_slice %arg12[%dma_wait3A_339, %dma_wait3A_340] : memref<64x257xf32, #tpu.memory_space<vmem>> -> memref<8x128xf32, #tpu.memory_space<vmem>>
    %dma_wait3A_342 = arith.constant 0 : i32
    %dma_wait3A_343 = arith.constant 0 : i32
    %dma_wait3A_344 = tpu.memref_slice %arg7[%dma_wait3A_336, %dma_wait3A_337, %dma_wait3A_338, %dma_wait3A_342, %dma_wait3A_343] : memref<200x8x32x8x128xf32, #tpu.memory_space<hbm>> -> memref<1x1x1x8x128xf32, #tpu.memory_space<hbm>>
    %dma_wait3A_345 = tpu.memref_squeeze %dma_wait3A_344 : memref<1x1x1x8x128xf32, #tpu.memory_space<hbm>> -> memref<8x128xf32, #tpu.memory_space<hbm>>
    %dma_wait3A_346 = arith.constant 0 : i32
    %dma_wait3A_347 = arith.constant 0 : i32
    %dma_wait3A_348 = tpu.memref_slice %arg7[%dma_wait3A_336, %dma_wait3A_337, %dma_wait3A_338, %dma_wait3A_346, %dma_wait3A_347] : memref<200x8x32x8x128xf32, #tpu.memory_space<hbm>> -> memref<1x1x1x8x128xf32, #tpu.memory_space<hbm>>
    %dma_wait3A_349 = tpu.memref_squeeze %dma_wait3A_348 : memref<1x1x1x8x128xf32, #tpu.memory_space<hbm>> -> memref<8x128xf32, #tpu.memory_space<hbm>>
    %dma_wait3A_350 = arith.constant 56 : i32
    %dma_wait3A_351 = arith.constant 128 : i32
    %dma_wait3A_352 = tpu.memref_slice %arg12[%dma_wait3A_350, %dma_wait3A_351] : memref<64x257xf32, #tpu.memory_space<vmem>> -> memref<8x128xf32, #tpu.memory_space<vmem>>
    tpu.wait_dma2 semaphore(%arg21 : memref<!tpu.dma_semaphore, #tpu.memory_space<semaphore_mem>>) src(%dma_wait3A_352 : memref<8x128xf32, #tpu.memory_space<vmem>>) dst(%dma_wait3A_349 : memref<8x128xf32, #tpu.memory_space<hbm>>)
    %dma_wait3A_353 = arith.constant 0 : i32
    %dma_wait3A_354 = arith.constant 0 : i32
    %dma_wait3A_355 = arith.constant 0 : i32
    %dma_wait3A_356 = arith.constant 0 : i32
    %dma_wait3A_357 = arith.constant 0 : i32
    %dma_wait3A_358 = tpu.memref_slice %arg13[%dma_wait3A_356, %dma_wait3A_357] : memref<64x257xf32, #tpu.memory_space<vmem>> -> memref<8x128xf32, #tpu.memory_space<vmem>>
    %dma_wait3A_359 = arith.constant 0 : i32
    %dma_wait3A_360 = arith.constant 0 : i32
    %dma_wait3A_361 = tpu.memref_slice %arg7[%dma_wait3A_353, %dma_wait3A_354, %dma_wait3A_355, %dma_wait3A_359, %dma_wait3A_360] : memref<200x8x32x8x128xf32, #tpu.memory_space<hbm>> -> memref<1x1x1x8x128xf32, #tpu.memory_space<hbm>>
    %dma_wait3A_362 = tpu.memref_squeeze %dma_wait3A_361 : memref<1x1x1x8x128xf32, #tpu.memory_space<hbm>> -> memref<8x128xf32, #tpu.memory_space<hbm>>
    %dma_wait3A_363 = arith.constant 0 : i32
    %dma_wait3A_364 = arith.constant 0 : i32
    %dma_wait3A_365 = tpu.memref_slice %arg7[%dma_wait3A_353, %dma_wait3A_354, %dma_wait3A_355, %dma_wait3A_363, %dma_wait3A_364] : memref<200x8x32x8x128xf32, #tpu.memory_space<hbm>> -> memref<1x1x1x8x128xf32, #tpu.memory_space<hbm>>
    %dma_wait3A_366 = tpu.memref_squeeze %dma_wait3A_365 : memref<1x1x1x8x128xf32, #tpu.memory_space<hbm>> -> memref<8x128xf32, #tpu.memory_space<hbm>>
    %dma_wait3A_367 = arith.constant 0 : i32
    %dma_wait3A_368 = arith.constant 0 : i32
    %dma_wait3A_369 = tpu.memref_slice %arg13[%dma_wait3A_367, %dma_wait3A_368] : memref<64x257xf32, #tpu.memory_space<vmem>> -> memref<8x128xf32, #tpu.memory_space<vmem>>
    tpu.wait_dma2 semaphore(%arg22 : memref<!tpu.dma_semaphore, #tpu.memory_space<semaphore_mem>>) src(%dma_wait3A_369 : memref<8x128xf32, #tpu.memory_space<vmem>>) dst(%dma_wait3A_366 : memref<8x128xf32, #tpu.memory_space<hbm>>)
    %dma_wait3A_370 = arith.constant 0 : i32
    %dma_wait3A_371 = arith.constant 0 : i32
    %dma_wait3A_372 = arith.constant 0 : i32
    %dma_wait3A_373 = arith.constant 0 : i32
    %dma_wait3A_374 = arith.constant 128 : i32
    %dma_wait3A_375 = tpu.memref_slice %arg13[%dma_wait3A_373, %dma_wait3A_374] : memref<64x257xf32, #tpu.memory_space<vmem>> -> memref<8x128xf32, #tpu.memory_space<vmem>>
    %dma_wait3A_376 = arith.constant 0 : i32
    %dma_wait3A_377 = arith.constant 0 : i32
    %dma_wait3A_378 = tpu.memref_slice %arg7[%dma_wait3A_370, %dma_wait3A_371, %dma_wait3A_372, %dma_wait3A_376, %dma_wait3A_377] : memref<200x8x32x8x128xf32, #tpu.memory_space<hbm>> -> memref<1x1x1x8x128xf32, #tpu.memory_space<hbm>>
    %dma_wait3A_379 = tpu.memref_squeeze %dma_wait3A_378 : memref<1x1x1x8x128xf32, #tpu.memory_space<hbm>> -> memref<8x128xf32, #tpu.memory_space<hbm>>
    %dma_wait3A_380 = arith.constant 0 : i32
    %dma_wait3A_381 = arith.constant 0 : i32
    %dma_wait3A_382 = tpu.memref_slice %arg7[%dma_wait3A_370, %dma_wait3A_371, %dma_wait3A_372, %dma_wait3A_380, %dma_wait3A_381] : memref<200x8x32x8x128xf32, #tpu.memory_space<hbm>> -> memref<1x1x1x8x128xf32, #tpu.memory_space<hbm>>
    %dma_wait3A_383 = tpu.memref_squeeze %dma_wait3A_382 : memref<1x1x1x8x128xf32, #tpu.memory_space<hbm>> -> memref<8x128xf32, #tpu.memory_space<hbm>>
    %dma_wait3A_384 = arith.constant 0 : i32
    %dma_wait3A_385 = arith.constant 128 : i32
    %dma_wait3A_386 = tpu.memref_slice %arg13[%dma_wait3A_384, %dma_wait3A_385] : memref<64x257xf32, #tpu.memory_space<vmem>> -> memref<8x128xf32, #tpu.memory_space<vmem>>
    tpu.wait_dma2 semaphore(%arg22 : memref<!tpu.dma_semaphore, #tpu.memory_space<semaphore_mem>>) src(%dma_wait3A_386 : memref<8x128xf32, #tpu.memory_space<vmem>>) dst(%dma_wait3A_383 : memref<8x128xf32, #tpu.memory_space<hbm>>)
    %dma_wait3A_387 = arith.constant 0 : i32
    %dma_wait3A_388 = arith.constant 0 : i32
    %dma_wait3A_389 = arith.constant 0 : i32
    %dma_wait3A_390 = arith.constant 8 : i32
    %dma_wait3A_391 = arith.constant 0 : i32
    %dma_wait3A_392 = tpu.memref_slice %arg13[%dma_wait3A_390, %dma_wait3A_391] : memref<64x257xf32, #tpu.memory_space<vmem>> -> memref<8x128xf32, #tpu.memory_space<vmem>>
    %dma_wait3A_393 = arith.constant 0 : i32
    %dma_wait3A_394 = arith.constant 0 : i32
    %dma_wait3A_395 = tpu.memref_slice %arg7[%dma_wait3A_387, %dma_wait3A_388, %dma_wait3A_389, %dma_wait3A_393, %dma_wait3A_394] : memref<200x8x32x8x128xf32, #tpu.memory_space<hbm>> -> memref<1x1x1x8x128xf32, #tpu.memory_space<hbm>>
    %dma_wait3A_396 = tpu.memref_squeeze %dma_wait3A_395 : memref<1x1x1x8x128xf32, #tpu.memory_space<hbm>> -> memref<8x128xf32, #tpu.memory_space<hbm>>
    %dma_wait3A_397 = arith.constant 0 : i32
    %dma_wait3A_398 = arith.constant 0 : i32
    %dma_wait3A_399 = tpu.memref_slice %arg7[%dma_wait3A_387, %dma_wait3A_388, %dma_wait3A_389, %dma_wait3A_397, %dma_wait3A_398] : memref<200x8x32x8x128xf32, #tpu.memory_space<hbm>> -> memref<1x1x1x8x128xf32, #tpu.memory_space<hbm>>
    %dma_wait3A_400 = tpu.memref_squeeze %dma_wait3A_399 : memref<1x1x1x8x128xf32, #tpu.memory_space<hbm>> -> memref<8x128xf32, #tpu.memory_space<hbm>>
    %dma_wait3A_401 = arith.constant 8 : i32
    %dma_wait3A_402 = arith.constant 0 : i32
    %dma_wait3A_403 = tpu.memref_slice %arg13[%dma_wait3A_401, %dma_wait3A_402] : memref<64x257xf32, #tpu.memory_space<vmem>> -> memref<8x128xf32, #tpu.memory_space<vmem>>
    tpu.wait_dma2 semaphore(%arg22 : memref<!tpu.dma_semaphore, #tpu.memory_space<semaphore_mem>>) src(%dma_wait3A_403 : memref<8x128xf32, #tpu.memory_space<vmem>>) dst(%dma_wait3A_400 : memref<8x128xf32, #tpu.memory_space<hbm>>)
    %dma_wait3A_404 = arith.constant 0 : i32
    %dma_wait3A_405 = arith.constant 0 : i32
    %dma_wait3A_406 = arith.constant 0 : i32
    %dma_wait3A_407 = arith.constant 8 : i32
    %dma_wait3A_408 = arith.constant 128 : i32
    %dma_wait3A_409 = tpu.memref_slice %arg13[%dma_wait3A_407, %dma_wait3A_408] : memref<64x257xf32, #tpu.memory_space<vmem>> -> memref<8x128xf32, #tpu.memory_space<vmem>>
    %dma_wait3A_410 = arith.constant 0 : i32
    %dma_wait3A_411 = arith.constant 0 : i32
    %dma_wait3A_412 = tpu.memref_slice %arg7[%dma_wait3A_404, %dma_wait3A_405, %dma_wait3A_406, %dma_wait3A_410, %dma_wait3A_411] : memref<200x8x32x8x128xf32, #tpu.memory_space<hbm>> -> memref<1x1x1x8x128xf32, #tpu.memory_space<hbm>>
    %dma_wait3A_413 = tpu.memref_squeeze %dma_wait3A_412 : memref<1x1x1x8x128xf32, #tpu.memory_space<hbm>> -> memref<8x128xf32, #tpu.memory_space<hbm>>
    %dma_wait3A_414 = arith.constant 0 : i32
    %dma_wait3A_415 = arith.constant 0 : i32
    %dma_wait3A_416 = tpu.memref_slice %arg7[%dma_wait3A_404, %dma_wait3A_405, %dma_wait3A_406, %dma_wait3A_414, %dma_wait3A_415] : memref<200x8x32x8x128xf32, #tpu.memory_space<hbm>> -> memref<1x1x1x8x128xf32, #tpu.memory_space<hbm>>
    %dma_wait3A_417 = tpu.memref_squeeze %dma_wait3A_416 : memref<1x1x1x8x128xf32, #tpu.memory_space<hbm>> -> memref<8x128xf32, #tpu.memory_space<hbm>>
    %dma_wait3A_418 = arith.constant 8 : i32
    %dma_wait3A_419 = arith.constant 128 : i32
    %dma_wait3A_420 = tpu.memref_slice %arg13[%dma_wait3A_418, %dma_wait3A_419] : memref<64x257xf32, #tpu.memory_space<vmem>> -> memref<8x128xf32, #tpu.memory_space<vmem>>
    tpu.wait_dma2 semaphore(%arg22 : memref<!tpu.dma_semaphore, #tpu.memory_space<semaphore_mem>>) src(%dma_wait3A_420 : memref<8x128xf32, #tpu.memory_space<vmem>>) dst(%dma_wait3A_417 : memref<8x128xf32, #tpu.memory_space<hbm>>)
    %dma_wait3A_421 = arith.constant 0 : i32
    %dma_wait3A_422 = arith.constant 0 : i32
    %dma_wait3A_423 = arith.constant 0 : i32
    %dma_wait3A_424 = arith.constant 16 : i32
    %dma_wait3A_425 = arith.constant 0 : i32
    %dma_wait3A_426 = tpu.memref_slice %arg13[%dma_wait3A_424, %dma_wait3A_425] : memref<64x257xf32, #tpu.memory_space<vmem>> -> memref<8x128xf32, #tpu.memory_space<vmem>>
    %dma_wait3A_427 = arith.constant 0 : i32
    %dma_wait3A_428 = arith.constant 0 : i32
    %dma_wait3A_429 = tpu.memref_slice %arg7[%dma_wait3A_421, %dma_wait3A_422, %dma_wait3A_423, %dma_wait3A_427, %dma_wait3A_428] : memref<200x8x32x8x128xf32, #tpu.memory_space<hbm>> -> memref<1x1x1x8x128xf32, #tpu.memory_space<hbm>>
    %dma_wait3A_430 = tpu.memref_squeeze %dma_wait3A_429 : memref<1x1x1x8x128xf32, #tpu.memory_space<hbm>> -> memref<8x128xf32, #tpu.memory_space<hbm>>
    %dma_wait3A_431 = arith.constant 0 : i32
    %dma_wait3A_432 = arith.constant 0 : i32
    %dma_wait3A_433 = tpu.memref_slice %arg7[%dma_wait3A_421, %dma_wait3A_422, %dma_wait3A_423, %dma_wait3A_431, %dma_wait3A_432] : memref<200x8x32x8x128xf32, #tpu.memory_space<hbm>> -> memref<1x1x1x8x128xf32, #tpu.memory_space<hbm>>
    %dma_wait3A_434 = tpu.memref_squeeze %dma_wait3A_433 : memref<1x1x1x8x128xf32, #tpu.memory_space<hbm>> -> memref<8x128xf32, #tpu.memory_space<hbm>>
    %dma_wait3A_435 = arith.constant 16 : i32
    %dma_wait3A_436 = arith.constant 0 : i32
    %dma_wait3A_437 = tpu.memref_slice %arg13[%dma_wait3A_435, %dma_wait3A_436] : memref<64x257xf32, #tpu.memory_space<vmem>> -> memref<8x128xf32, #tpu.memory_space<vmem>>
    tpu.wait_dma2 semaphore(%arg22 : memref<!tpu.dma_semaphore, #tpu.memory_space<semaphore_mem>>) src(%dma_wait3A_437 : memref<8x128xf32, #tpu.memory_space<vmem>>) dst(%dma_wait3A_434 : memref<8x128xf32, #tpu.memory_space<hbm>>)
    %dma_wait3A_438 = arith.constant 0 : i32
    %dma_wait3A_439 = arith.constant 0 : i32
    %dma_wait3A_440 = arith.constant 0 : i32
    %dma_wait3A_441 = arith.constant 16 : i32
    %dma_wait3A_442 = arith.constant 128 : i32
    %dma_wait3A_443 = tpu.memref_slice %arg13[%dma_wait3A_441, %dma_wait3A_442] : memref<64x257xf32, #tpu.memory_space<vmem>> -> memref<8x128xf32, #tpu.memory_space<vmem>>
    %dma_wait3A_444 = arith.constant 0 : i32
    %dma_wait3A_445 = arith.constant 0 : i32
    %dma_wait3A_446 = tpu.memref_slice %arg7[%dma_wait3A_438, %dma_wait3A_439, %dma_wait3A_440, %dma_wait3A_444, %dma_wait3A_445] : memref<200x8x32x8x128xf32, #tpu.memory_space<hbm>> -> memref<1x1x1x8x128xf32, #tpu.memory_space<hbm>>
    %dma_wait3A_447 = tpu.memref_squeeze %dma_wait3A_446 : memref<1x1x1x8x128xf32, #tpu.memory_space<hbm>> -> memref<8x128xf32, #tpu.memory_space<hbm>>
    %dma_wait3A_448 = arith.constant 0 : i32
    %dma_wait3A_449 = arith.constant 0 : i32
    %dma_wait3A_450 = tpu.memref_slice %arg7[%dma_wait3A_438, %dma_wait3A_439, %dma_wait3A_440, %dma_wait3A_448, %dma_wait3A_449] : memref<200x8x32x8x128xf32, #tpu.memory_space<hbm>> -> memref<1x1x1x8x128xf32, #tpu.memory_space<hbm>>
    %dma_wait3A_451 = tpu.memref_squeeze %dma_wait3A_450 : memref<1x1x1x8x128xf32, #tpu.memory_space<hbm>> -> memref<8x128xf32, #tpu.memory_space<hbm>>
    %dma_wait3A_452 = arith.constant 16 : i32
    %dma_wait3A_453 = arith.constant 128 : i32
    %dma_wait3A_454 = tpu.memref_slice %arg13[%dma_wait3A_452, %dma_wait3A_453] : memref<64x257xf32, #tpu.memory_space<vmem>> -> memref<8x128xf32, #tpu.memory_space<vmem>>
    tpu.wait_dma2 semaphore(%arg22 : memref<!tpu.dma_semaphore, #tpu.memory_space<semaphore_mem>>) src(%dma_wait3A_454 : memref<8x128xf32, #tpu.memory_space<vmem>>) dst(%dma_wait3A_451 : memref<8x128xf32, #tpu.memory_space<hbm>>)
    %dma_wait3A_455 = arith.constant 0 : i32
    %dma_wait3A_456 = arith.constant 0 : i32
    %dma_wait3A_457 = arith.constant 0 : i32
    %dma_wait3A_458 = arith.constant 24 : i32
    %dma_wait3A_459 = arith.constant 0 : i32
    %dma_wait3A_460 = tpu.memref_slice %arg13[%dma_wait3A_458, %dma_wait3A_459] : memref<64x257xf32, #tpu.memory_space<vmem>> -> memref<8x128xf32, #tpu.memory_space<vmem>>
    %dma_wait3A_461 = arith.constant 0 : i32
    %dma_wait3A_462 = arith.constant 0 : i32
    %dma_wait3A_463 = tpu.memref_slice %arg7[%dma_wait3A_455, %dma_wait3A_456, %dma_wait3A_457, %dma_wait3A_461, %dma_wait3A_462] : memref<200x8x32x8x128xf32, #tpu.memory_space<hbm>> -> memref<1x1x1x8x128xf32, #tpu.memory_space<hbm>>
    %dma_wait3A_464 = tpu.memref_squeeze %dma_wait3A_463 : memref<1x1x1x8x128xf32, #tpu.memory_space<hbm>> -> memref<8x128xf32, #tpu.memory_space<hbm>>
    %dma_wait3A_465 = arith.constant 0 : i32
    %dma_wait3A_466 = arith.constant 0 : i32
    %dma_wait3A_467 = tpu.memref_slice %arg7[%dma_wait3A_455, %dma_wait3A_456, %dma_wait3A_457, %dma_wait3A_465, %dma_wait3A_466] : memref<200x8x32x8x128xf32, #tpu.memory_space<hbm>> -> memref<1x1x1x8x128xf32, #tpu.memory_space<hbm>>
    %dma_wait3A_468 = tpu.memref_squeeze %dma_wait3A_467 : memref<1x1x1x8x128xf32, #tpu.memory_space<hbm>> -> memref<8x128xf32, #tpu.memory_space<hbm>>
    %dma_wait3A_469 = arith.constant 24 : i32
    %dma_wait3A_470 = arith.constant 0 : i32
    %dma_wait3A_471 = tpu.memref_slice %arg13[%dma_wait3A_469, %dma_wait3A_470] : memref<64x257xf32, #tpu.memory_space<vmem>> -> memref<8x128xf32, #tpu.memory_space<vmem>>
    tpu.wait_dma2 semaphore(%arg22 : memref<!tpu.dma_semaphore, #tpu.memory_space<semaphore_mem>>) src(%dma_wait3A_471 : memref<8x128xf32, #tpu.memory_space<vmem>>) dst(%dma_wait3A_468 : memref<8x128xf32, #tpu.memory_space<hbm>>)
    %dma_wait3A_472 = arith.constant 0 : i32
    %dma_wait3A_473 = arith.constant 0 : i32
    %dma_wait3A_474 = arith.constant 0 : i32
    %dma_wait3A_475 = arith.constant 24 : i32
    %dma_wait3A_476 = arith.constant 128 : i32
    %dma_wait3A_477 = tpu.memref_slice %arg13[%dma_wait3A_475, %dma_wait3A_476] : memref<64x257xf32, #tpu.memory_space<vmem>> -> memref<8x128xf32, #tpu.memory_space<vmem>>
    %dma_wait3A_478 = arith.constant 0 : i32
    %dma_wait3A_479 = arith.constant 0 : i32
    %dma_wait3A_480 = tpu.memref_slice %arg7[%dma_wait3A_472, %dma_wait3A_473, %dma_wait3A_474, %dma_wait3A_478, %dma_wait3A_479] : memref<200x8x32x8x128xf32, #tpu.memory_space<hbm>> -> memref<1x1x1x8x128xf32, #tpu.memory_space<hbm>>
    %dma_wait3A_481 = tpu.memref_squeeze %dma_wait3A_480 : memref<1x1x1x8x128xf32, #tpu.memory_space<hbm>> -> memref<8x128xf32, #tpu.memory_space<hbm>>
    %dma_wait3A_482 = arith.constant 0 : i32
    %dma_wait3A_483 = arith.constant 0 : i32
    %dma_wait3A_484 = tpu.memref_slice %arg7[%dma_wait3A_472, %dma_wait3A_473, %dma_wait3A_474, %dma_wait3A_482, %dma_wait3A_483] : memref<200x8x32x8x128xf32, #tpu.memory_space<hbm>> -> memref<1x1x1x8x128xf32, #tpu.memory_space<hbm>>
    %dma_wait3A_485 = tpu.memref_squeeze %dma_wait3A_484 : memref<1x1x1x8x128xf32, #tpu.memory_space<hbm>> -> memref<8x128xf32, #tpu.memory_space<hbm>>
    %dma_wait3A_486 = arith.constant 24 : i32
    %dma_wait3A_487 = arith.constant 128 : i32
    %dma_wait3A_488 = tpu.memref_slice %arg13[%dma_wait3A_486, %dma_wait3A_487] : memref<64x257xf32, #tpu.memory_space<vmem>> -> memref<8x128xf32, #tpu.memory_space<vmem>>
    tpu.wait_dma2 semaphore(%arg22 : memref<!tpu.dma_semaphore, #tpu.memory_space<semaphore_mem>>) src(%dma_wait3A_488 : memref<8x128xf32, #tpu.memory_space<vmem>>) dst(%dma_wait3A_485 : memref<8x128xf32, #tpu.memory_space<hbm>>)
    %dma_wait3A_489 = arith.constant 0 : i32
    %dma_wait3A_490 = arith.constant 0 : i32
    %dma_wait3A_491 = arith.constant 0 : i32
    %dma_wait3A_492 = arith.constant 32 : i32
    %dma_wait3A_493 = arith.constant 0 : i32
    %dma_wait3A_494 = tpu.memref_slice %arg13[%dma_wait3A_492, %dma_wait3A_493] : memref<64x257xf32, #tpu.memory_space<vmem>> -> memref<8x128xf32, #tpu.memory_space<vmem>>
    %dma_wait3A_495 = arith.constant 0 : i32
    %dma_wait3A_496 = arith.constant 0 : i32
    %dma_wait3A_497 = tpu.memref_slice %arg7[%dma_wait3A_489, %dma_wait3A_490, %dma_wait3A_491, %dma_wait3A_495, %dma_wait3A_496] : memref<200x8x32x8x128xf32, #tpu.memory_space<hbm>> -> memref<1x1x1x8x128xf32, #tpu.memory_space<hbm>>
    %dma_wait3A_498 = tpu.memref_squeeze %dma_wait3A_497 : memref<1x1x1x8x128xf32, #tpu.memory_space<hbm>> -> memref<8x128xf32, #tpu.memory_space<hbm>>
    %dma_wait3A_499 = arith.constant 0 : i32
    %dma_wait3A_500 = arith.constant 0 : i32
    %dma_wait3A_501 = tpu.memref_slice %arg7[%dma_wait3A_489, %dma_wait3A_490, %dma_wait3A_491, %dma_wait3A_499, %dma_wait3A_500] : memref<200x8x32x8x128xf32, #tpu.memory_space<hbm>> -> memref<1x1x1x8x128xf32, #tpu.memory_space<hbm>>
    %dma_wait3A_502 = tpu.memref_squeeze %dma_wait3A_501 : memref<1x1x1x8x128xf32, #tpu.memory_space<hbm>> -> memref<8x128xf32, #tpu.memory_space<hbm>>
    %dma_wait3A_503 = arith.constant 32 : i32
    %dma_wait3A_504 = arith.constant 0 : i32
    %dma_wait3A_505 = tpu.memref_slice %arg13[%dma_wait3A_503, %dma_wait3A_504] : memref<64x257xf32, #tpu.memory_space<vmem>> -> memref<8x128xf32, #tpu.memory_space<vmem>>
    tpu.wait_dma2 semaphore(%arg22 : memref<!tpu.dma_semaphore, #tpu.memory_space<semaphore_mem>>) src(%dma_wait3A_505 : memref<8x128xf32, #tpu.memory_space<vmem>>) dst(%dma_wait3A_502 : memref<8x128xf32, #tpu.memory_space<hbm>>)
    %dma_wait3A_506 = arith.constant 0 : i32
    %dma_wait3A_507 = arith.constant 0 : i32
    %dma_wait3A_508 = arith.constant 0 : i32
    %dma_wait3A_509 = arith.constant 32 : i32
    %dma_wait3A_510 = arith.constant 128 : i32
    %dma_wait3A_511 = tpu.memref_slice %arg13[%dma_wait3A_509, %dma_wait3A_510] : memref<64x257xf32, #tpu.memory_space<vmem>> -> memref<8x128xf32, #tpu.memory_space<vmem>>
    %dma_wait3A_512 = arith.constant 0 : i32
    %dma_wait3A_513 = arith.constant 0 : i32
    %dma_wait3A_514 = tpu.memref_slice %arg7[%dma_wait3A_506, %dma_wait3A_507, %dma_wait3A_508, %dma_wait3A_512, %dma_wait3A_513] : memref<200x8x32x8x128xf32, #tpu.memory_space<hbm>> -> memref<1x1x1x8x128xf32, #tpu.memory_space<hbm>>
    %dma_wait3A_515 = tpu.memref_squeeze %dma_wait3A_514 : memref<1x1x1x8x128xf32, #tpu.memory_space<hbm>> -> memref<8x128xf32, #tpu.memory_space<hbm>>
    %dma_wait3A_516 = arith.constant 0 : i32
    %dma_wait3A_517 = arith.constant 0 : i32
    %dma_wait3A_518 = tpu.memref_slice %arg7[%dma_wait3A_506, %dma_wait3A_507, %dma_wait3A_508, %dma_wait3A_516, %dma_wait3A_517] : memref<200x8x32x8x128xf32, #tpu.memory_space<hbm>> -> memref<1x1x1x8x128xf32, #tpu.memory_space<hbm>>
    %dma_wait3A_519 = tpu.memref_squeeze %dma_wait3A_518 : memref<1x1x1x8x128xf32, #tpu.memory_space<hbm>> -> memref<8x128xf32, #tpu.memory_space<hbm>>
    %dma_wait3A_520 = arith.constant 32 : i32
    %dma_wait3A_521 = arith.constant 128 : i32
    %dma_wait3A_522 = tpu.memref_slice %arg13[%dma_wait3A_520, %dma_wait3A_521] : memref<64x257xf32, #tpu.memory_space<vmem>> -> memref<8x128xf32, #tpu.memory_space<vmem>>
    tpu.wait_dma2 semaphore(%arg22 : memref<!tpu.dma_semaphore, #tpu.memory_space<semaphore_mem>>) src(%dma_wait3A_522 : memref<8x128xf32, #tpu.memory_space<vmem>>) dst(%dma_wait3A_519 : memref<8x128xf32, #tpu.memory_space<hbm>>)
    %dma_wait3A_523 = arith.constant 0 : i32
    %dma_wait3A_524 = arith.constant 0 : i32
    %dma_wait3A_525 = arith.constant 0 : i32
    %dma_wait3A_526 = arith.constant 40 : i32
    %dma_wait3A_527 = arith.constant 0 : i32
    %dma_wait3A_528 = tpu.memref_slice %arg13[%dma_wait3A_526, %dma_wait3A_527] : memref<64x257xf32, #tpu.memory_space<vmem>> -> memref<8x128xf32, #tpu.memory_space<vmem>>
    %dma_wait3A_529 = arith.constant 0 : i32
    %dma_wait3A_530 = arith.constant 0 : i32
    %dma_wait3A_531 = tpu.memref_slice %arg7[%dma_wait3A_523, %dma_wait3A_524, %dma_wait3A_525, %dma_wait3A_529, %dma_wait3A_530] : memref<200x8x32x8x128xf32, #tpu.memory_space<hbm>> -> memref<1x1x1x8x128xf32, #tpu.memory_space<hbm>>
    %dma_wait3A_532 = tpu.memref_squeeze %dma_wait3A_531 : memref<1x1x1x8x128xf32, #tpu.memory_space<hbm>> -> memref<8x128xf32, #tpu.memory_space<hbm>>
    %dma_wait3A_533 = arith.constant 0 : i32
    %dma_wait3A_534 = arith.constant 0 : i32
    %dma_wait3A_535 = tpu.memref_slice %arg7[%dma_wait3A_523, %dma_wait3A_524, %dma_wait3A_525, %dma_wait3A_533, %dma_wait3A_534] : memref<200x8x32x8x128xf32, #tpu.memory_space<hbm>> -> memref<1x1x1x8x128xf32, #tpu.memory_space<hbm>>
    %dma_wait3A_536 = tpu.memref_squeeze %dma_wait3A_535 : memref<1x1x1x8x128xf32, #tpu.memory_space<hbm>> -> memref<8x128xf32, #tpu.memory_space<hbm>>
    %dma_wait3A_537 = arith.constant 40 : i32
    %dma_wait3A_538 = arith.constant 0 : i32
    %dma_wait3A_539 = tpu.memref_slice %arg13[%dma_wait3A_537, %dma_wait3A_538] : memref<64x257xf32, #tpu.memory_space<vmem>> -> memref<8x128xf32, #tpu.memory_space<vmem>>
    tpu.wait_dma2 semaphore(%arg22 : memref<!tpu.dma_semaphore, #tpu.memory_space<semaphore_mem>>) src(%dma_wait3A_539 : memref<8x128xf32, #tpu.memory_space<vmem>>) dst(%dma_wait3A_536 : memref<8x128xf32, #tpu.memory_space<hbm>>)
    %dma_wait3A_540 = arith.constant 0 : i32
    %dma_wait3A_541 = arith.constant 0 : i32
    %dma_wait3A_542 = arith.constant 0 : i32
    %dma_wait3A_543 = arith.constant 40 : i32
    %dma_wait3A_544 = arith.constant 128 : i32
    %dma_wait3A_545 = tpu.memref_slice %arg13[%dma_wait3A_543, %dma_wait3A_544] : memref<64x257xf32, #tpu.memory_space<vmem>> -> memref<8x128xf32, #tpu.memory_space<vmem>>
    %dma_wait3A_546 = arith.constant 0 : i32
    %dma_wait3A_547 = arith.constant 0 : i32
    %dma_wait3A_548 = tpu.memref_slice %arg7[%dma_wait3A_540, %dma_wait3A_541, %dma_wait3A_542, %dma_wait3A_546, %dma_wait3A_547] : memref<200x8x32x8x128xf32, #tpu.memory_space<hbm>> -> memref<1x1x1x8x128xf32, #tpu.memory_space<hbm>>
    %dma_wait3A_549 = tpu.memref_squeeze %dma_wait3A_548 : memref<1x1x1x8x128xf32, #tpu.memory_space<hbm>> -> memref<8x128xf32, #tpu.memory_space<hbm>>
    %dma_wait3A_550 = arith.constant 0 : i32
    %dma_wait3A_551 = arith.constant 0 : i32
    %dma_wait3A_552 = tpu.memref_slice %arg7[%dma_wait3A_540, %dma_wait3A_541, %dma_wait3A_542, %dma_wait3A_550, %dma_wait3A_551] : memref<200x8x32x8x128xf32, #tpu.memory_space<hbm>> -> memref<1x1x1x8x128xf32, #tpu.memory_space<hbm>>
    %dma_wait3A_553 = tpu.memref_squeeze %dma_wait3A_552 : memref<1x1x1x8x128xf32, #tpu.memory_space<hbm>> -> memref<8x128xf32, #tpu.memory_space<hbm>>
    %dma_wait3A_554 = arith.constant 40 : i32
    %dma_wait3A_555 = arith.constant 128 : i32
    %dma_wait3A_556 = tpu.memref_slice %arg13[%dma_wait3A_554, %dma_wait3A_555] : memref<64x257xf32, #tpu.memory_space<vmem>> -> memref<8x128xf32, #tpu.memory_space<vmem>>
    tpu.wait_dma2 semaphore(%arg22 : memref<!tpu.dma_semaphore, #tpu.memory_space<semaphore_mem>>) src(%dma_wait3A_556 : memref<8x128xf32, #tpu.memory_space<vmem>>) dst(%dma_wait3A_553 : memref<8x128xf32, #tpu.memory_space<hbm>>)
    %dma_wait3A_557 = arith.constant 0 : i32
    %dma_wait3A_558 = arith.constant 0 : i32
    %dma_wait3A_559 = arith.constant 0 : i32
    %dma_wait3A_560 = arith.constant 48 : i32
    %dma_wait3A_561 = arith.constant 0 : i32
    %dma_wait3A_562 = tpu.memref_slice %arg13[%dma_wait3A_560, %dma_wait3A_561] : memref<64x257xf32, #tpu.memory_space<vmem>> -> memref<8x128xf32, #tpu.memory_space<vmem>>
    %dma_wait3A_563 = arith.constant 0 : i32
    %dma_wait3A_564 = arith.constant 0 : i32
    %dma_wait3A_565 = tpu.memref_slice %arg7[%dma_wait3A_557, %dma_wait3A_558, %dma_wait3A_559, %dma_wait3A_563, %dma_wait3A_564] : memref<200x8x32x8x128xf32, #tpu.memory_space<hbm>> -> memref<1x1x1x8x128xf32, #tpu.memory_space<hbm>>
    %dma_wait3A_566 = tpu.memref_squeeze %dma_wait3A_565 : memref<1x1x1x8x128xf32, #tpu.memory_space<hbm>> -> memref<8x128xf32, #tpu.memory_space<hbm>>
    %dma_wait3A_567 = arith.constant 0 : i32
    %dma_wait3A_568 = arith.constant 0 : i32
    %dma_wait3A_569 = tpu.memref_slice %arg7[%dma_wait3A_557, %dma_wait3A_558, %dma_wait3A_559, %dma_wait3A_567, %dma_wait3A_568] : memref<200x8x32x8x128xf32, #tpu.memory_space<hbm>> -> memref<1x1x1x8x128xf32, #tpu.memory_space<hbm>>
    %dma_wait3A_570 = tpu.memref_squeeze %dma_wait3A_569 : memref<1x1x1x8x128xf32, #tpu.memory_space<hbm>> -> memref<8x128xf32, #tpu.memory_space<hbm>>
    %dma_wait3A_571 = arith.constant 48 : i32
    %dma_wait3A_572 = arith.constant 0 : i32
    %dma_wait3A_573 = tpu.memref_slice %arg13[%dma_wait3A_571, %dma_wait3A_572] : memref<64x257xf32, #tpu.memory_space<vmem>> -> memref<8x128xf32, #tpu.memory_space<vmem>>
    tpu.wait_dma2 semaphore(%arg22 : memref<!tpu.dma_semaphore, #tpu.memory_space<semaphore_mem>>) src(%dma_wait3A_573 : memref<8x128xf32, #tpu.memory_space<vmem>>) dst(%dma_wait3A_570 : memref<8x128xf32, #tpu.memory_space<hbm>>)
    %dma_wait3A_574 = arith.constant 0 : i32
    %dma_wait3A_575 = arith.constant 0 : i32
    %dma_wait3A_576 = arith.constant 0 : i32
    %dma_wait3A_577 = arith.constant 48 : i32
    %dma_wait3A_578 = arith.constant 128 : i32
    %dma_wait3A_579 = tpu.memref_slice %arg13[%dma_wait3A_577, %dma_wait3A_578] : memref<64x257xf32, #tpu.memory_space<vmem>> -> memref<8x128xf32, #tpu.memory_space<vmem>>
    %dma_wait3A_580 = arith.constant 0 : i32
    %dma_wait3A_581 = arith.constant 0 : i32
    %dma_wait3A_582 = tpu.memref_slice %arg7[%dma_wait3A_574, %dma_wait3A_575, %dma_wait3A_576, %dma_wait3A_580, %dma_wait3A_581] : memref<200x8x32x8x128xf32, #tpu.memory_space<hbm>> -> memref<1x1x1x8x128xf32, #tpu.memory_space<hbm>>
    %dma_wait3A_583 = tpu.memref_squeeze %dma_wait3A_582 : memref<1x1x1x8x128xf32, #tpu.memory_space<hbm>> -> memref<8x128xf32, #tpu.memory_space<hbm>>
    %dma_wait3A_584 = arith.constant 0 : i32
    %dma_wait3A_585 = arith.constant 0 : i32
    %dma_wait3A_586 = tpu.memref_slice %arg7[%dma_wait3A_574, %dma_wait3A_575, %dma_wait3A_576, %dma_wait3A_584, %dma_wait3A_585] : memref<200x8x32x8x128xf32, #tpu.memory_space<hbm>> -> memref<1x1x1x8x128xf32, #tpu.memory_space<hbm>>
    %dma_wait3A_587 = tpu.memref_squeeze %dma_wait3A_586 : memref<1x1x1x8x128xf32, #tpu.memory_space<hbm>> -> memref<8x128xf32, #tpu.memory_space<hbm>>
    %dma_wait3A_588 = arith.constant 48 : i32
    %dma_wait3A_589 = arith.constant 128 : i32
    %dma_wait3A_590 = tpu.memref_slice %arg13[%dma_wait3A_588, %dma_wait3A_589] : memref<64x257xf32, #tpu.memory_space<vmem>> -> memref<8x128xf32, #tpu.memory_space<vmem>>
    tpu.wait_dma2 semaphore(%arg22 : memref<!tpu.dma_semaphore, #tpu.memory_space<semaphore_mem>>) src(%dma_wait3A_590 : memref<8x128xf32, #tpu.memory_space<vmem>>) dst(%dma_wait3A_587 : memref<8x128xf32, #tpu.memory_space<hbm>>)
    %dma_wait3A_591 = arith.constant 0 : i32
    %dma_wait3A_592 = arith.constant 0 : i32
    %dma_wait3A_593 = arith.constant 0 : i32
    %dma_wait3A_594 = arith.constant 56 : i32
    %dma_wait3A_595 = arith.constant 0 : i32
    %dma_wait3A_596 = tpu.memref_slice %arg13[%dma_wait3A_594, %dma_wait3A_595] : memref<64x257xf32, #tpu.memory_space<vmem>> -> memref<8x128xf32, #tpu.memory_space<vmem>>
    %dma_wait3A_597 = arith.constant 0 : i32
    %dma_wait3A_598 = arith.constant 0 : i32
    %dma_wait3A_599 = tpu.memref_slice %arg7[%dma_wait3A_591, %dma_wait3A_592, %dma_wait3A_593, %dma_wait3A_597, %dma_wait3A_598] : memref<200x8x32x8x128xf32, #tpu.memory_space<hbm>> -> memref<1x1x1x8x128xf32, #tpu.memory_space<hbm>>
    %dma_wait3A_600 = tpu.memref_squeeze %dma_wait3A_599 : memref<1x1x1x8x128xf32, #tpu.memory_space<hbm>> -> memref<8x128xf32, #tpu.memory_space<hbm>>
    %dma_wait3A_601 = arith.constant 0 : i32
    %dma_wait3A_602 = arith.constant 0 : i32
    %dma_wait3A_603 = tpu.memref_slice %arg7[%dma_wait3A_591, %dma_wait3A_592, %dma_wait3A_593, %dma_wait3A_601, %dma_wait3A_602] : memref<200x8x32x8x128xf32, #tpu.memory_space<hbm>> -> memref<1x1x1x8x128xf32, #tpu.memory_space<hbm>>
    %dma_wait3A_604 = tpu.memref_squeeze %dma_wait3A_603 : memref<1x1x1x8x128xf32, #tpu.memory_space<hbm>> -> memref<8x128xf32, #tpu.memory_space<hbm>>
    %dma_wait3A_605 = arith.constant 56 : i32
    %dma_wait3A_606 = arith.constant 0 : i32
    %dma_wait3A_607 = tpu.memref_slice %arg13[%dma_wait3A_605, %dma_wait3A_606] : memref<64x257xf32, #tpu.memory_space<vmem>> -> memref<8x128xf32, #tpu.memory_space<vmem>>
    tpu.wait_dma2 semaphore(%arg22 : memref<!tpu.dma_semaphore, #tpu.memory_space<semaphore_mem>>) src(%dma_wait3A_607 : memref<8x128xf32, #tpu.memory_space<vmem>>) dst(%dma_wait3A_604 : memref<8x128xf32, #tpu.memory_space<hbm>>)
    %dma_wait3A_608 = arith.constant 0 : i32
    %dma_wait3A_609 = arith.constant 0 : i32
    %dma_wait3A_610 = arith.constant 0 : i32
    %dma_wait3A_611 = arith.constant 56 : i32
    %dma_wait3A_612 = arith.constant 128 : i32
    %dma_wait3A_613 = tpu.memref_slice %arg13[%dma_wait3A_611, %dma_wait3A_612] : memref<64x257xf32, #tpu.memory_space<vmem>> -> memref<8x128xf32, #tpu.memory_space<vmem>>
    %dma_wait3A_614 = arith.constant 0 : i32
    %dma_wait3A_615 = arith.constant 0 : i32
    %dma_wait3A_616 = tpu.memref_slice %arg7[%dma_wait3A_608, %dma_wait3A_609, %dma_wait3A_610, %dma_wait3A_614, %dma_wait3A_615] : memref<200x8x32x8x128xf32, #tpu.memory_space<hbm>> -> memref<1x1x1x8x128xf32, #tpu.memory_space<hbm>>
    %dma_wait3A_617 = tpu.memref_squeeze %dma_wait3A_616 : memref<1x1x1x8x128xf32, #tpu.memory_space<hbm>> -> memref<8x128xf32, #tpu.memory_space<hbm>>
    %dma_wait3A_618 = arith.constant 0 : i32
    %dma_wait3A_619 = arith.constant 0 : i32
    %dma_wait3A_620 = tpu.memref_slice %arg7[%dma_wait3A_608, %dma_wait3A_609, %dma_wait3A_610, %dma_wait3A_618, %dma_wait3A_619] : memref<200x8x32x8x128xf32, #tpu.memory_space<hbm>> -> memref<1x1x1x8x128xf32, #tpu.memory_space<hbm>>
    %dma_wait3A_621 = tpu.memref_squeeze %dma_wait3A_620 : memref<1x1x1x8x128xf32, #tpu.memory_space<hbm>> -> memref<8x128xf32, #tpu.memory_space<hbm>>
    %dma_wait3A_622 = arith.constant 56 : i32
    %dma_wait3A_623 = arith.constant 128 : i32
    %dma_wait3A_624 = tpu.memref_slice %arg13[%dma_wait3A_622, %dma_wait3A_623] : memref<64x257xf32, #tpu.memory_space<vmem>> -> memref<8x128xf32, #tpu.memory_space<vmem>>
    tpu.wait_dma2 semaphore(%arg22 : memref<!tpu.dma_semaphore, #tpu.memory_space<semaphore_mem>>) src(%dma_wait3A_624 : memref<8x128xf32, #tpu.memory_space<vmem>>) dst(%dma_wait3A_621 : memref<8x128xf32, #tpu.memory_space<hbm>>)
    return
  }
}

</mosaic_0001>

<sc_bundles>
// kernel: kernel.3.cloned.1.call-start
scs
__scs_entry_jumppad:
0x0: {  	(pc) =	sbr.rel $0x88, $3  }
0x1: {  	(tag) =	ssettag $0x0;
	lr =	simm.s32 $0x1  }
0x2: {  	[smem:$0x3F9C] =	sst lr;
	_ =	strace $0xD0000000  }
0x3: {  	_ = 	snop  }
0x4: {  	_ = 	snop  }
0x5: {  	_ = 	snop  }
0x6: {  	_ = 	snop  }
0x7: {  	_ = 	snop  }
__scs_overlays_trampoline_lowered:
0x8: {  	[smem:$0x3FAB] =	sst s0  }
0x9: {  	[smem:$0x3FAC] =	sst s1  }
0xa: {  	[smem:$0x3FAD] =	sst s2  }
0xb: {  	[smem:$0x3FAE] =	sst s3  }
0xc: {  	[smem:$0x3FAF] =	sst s4  }
0xd: {  	[smem:$0x3FB0] =	sst s5  }
0xe: {  	[smem:$0x3FB1] =	sst s6  }
0xf: {  	[smem:$0x3FB2] =	sst s7  }
0x10: {  	[smem:$0x3FB3] =	sst s8  }
0x11: {  	[smem:$0x3FB4] =	sst s9;
	s0 =	simm.s32 @!p0 $0x0  }
0x12: {  	s1 =	sld [smem:$0x3F9A];
	s0 =	simm.s32 @p0 $0x1  }
0x13: {  	[smem:$0x3FB5] =	sst s0;
	s0 =	simm.s32 @!p1 $0x0  }
0x14: {  	s2 =	sld [smem:$0x3F99];
	s0 =	simm.s32 @p1 $0x1  }
0x15: {  	[smem:$0x3FB6] =	sst s0;
	s0 =	simm.s32 @!p2 $0x0  }
0x16: {  	s3 =	sld [smem:$0x3FDB];
	s0 =	simm.s32 @p2 $0x1  }
0x17: {  	s4 =	simm.s32 $0x1BF5;
	[smem:$0x3FB8] =	sst s0  }
0x18: {  	s0 =	sld [smem:$0x3F9B];
	_ =	swait.ge [sflag:s4], $0x0  }
0x19: {  	s7 =	sld [smem:$0x3F9C]  }
0x1a: {  	s8 =	sadd.s32 $0xFFFFE003, lr  }
0x1b: {  	s9 =	sadd.s32 $0xFFFFFEF7, lr;
	s5 =	simm.s32 $0xFFFFFFFF;
	p2 =	slt.u32 s8, $0xFFFFF086  }
0x1c: {  	p1 =	slt.u32 s9, $0xF7A;
	s5 =	simm.s32 @!p2 $0x0  }
0x1d: {  	s5 =	simm.s32 @p1 $0x1;
	p0 =	seq.s32 s7, s2  }
0x1e: {  	s7 =	smul.u32 @!p0 $0xF7A, s2;
	p2 =	seq.s32 @!p0 s5, $0x0  }
0x1f: {  	s9 =	smul.u32 $0xF7A, s1;
	s8 =	simm.s32 @!p0 $0x1BF5;
	p2 =	por !p2, p0  }
0x20: {  	[sflag:s8] =	ssyncset.s32 @!p0 $0xFFFFF086;
	s6 =	sadd.s32 @!p0 s3, s7;
	s7 =	simm.s32 @!p0 $0x108  }
0x21: {  	s3 =	sadd.s32 s3, s9;
	s6 =	sadd.s32 @!p0 $0x88, s6;
	s7 =	simm.s32 @p2 $0x1082  }
0x22: {  	[simem:s7], [sflag:s8] =	dma.local @!p0 [hbm:s6], $0xF7A  }
0x23: {  	s9 =	sor.u32 $0xD0000000, s2;
	s6 =	simm.s32 $0x108;
	_ =	swait.ge @!p0 [sflag:s8], $0x0  }
0x24: {  	s3 =	sadd.s32 $0x88, s3;
	s6 =	simm.s32 @!p1 $0x1082;
	[sflag:s4] =	ssyncset.s32 $0xFFFFF086  }
0x25: {  	[simem:s6], [sflag:s4] =	dma.local [hbm:s3], $0xF7A  }
0x26: {  	[smem:$0x3F9C] =	sst s1;
	(tag) =	ssettag s2;
	_ =	strace s9  }
0x27: {  	s1 =	sld [smem:$0x3FAC]  }
0x28: {  	s2 =	sld [smem:$0x3FAD]  }
0x29: {  	s4 =	sld [smem:$0x3FAF]  }
0x2a: {  	p0 =	seq.s32 s5, $0x0;
	s5 =	sld [smem:$0x3FB0]  }
0x2b: {  	s6 =	sld [smem:$0x3FB1]  }
0x2c: {  	s7 =	sld [smem:$0x3FB2]  }
0x2d: {  	s3 =	simm.s32 $0x108;
	s8 =	sld [smem:$0x3FB3]  }
0x2e: {  	s3 =	simm.s32 @!p0 $0x1082;
	s9 =	sld [smem:$0x3FB4]  }
0x2f: {  	lr =	sadd.s32 s0, s3;
	s0 =	sld [smem:$0x3FAB]  }
0x30: {  	s3 =	sld [smem:$0x3FAE]  }
0x31: {  	[smem:$0x3FB7] =	sst s10  }
0x32: {  	s10 =	sld [smem:$0x3FB5];
	_ =	sdelay $0x3  }
0x33: {  	p0 =	seq.s32 s10, $0x1;
	s10 =	sld [smem:$0x3FB7];
	_ =	sdelay $0x3  }
0x34: {  	[smem:$0x3FB7] =	sst s10  }
0x35: {  	s10 =	sld [smem:$0x3FB6];
	_ =	sdelay $0x3  }
0x36: {  	p1 =	seq.s32 s10, $0x1;
	s10 =	sld [smem:$0x3FB7];
	_ =	sdelay $0x3  }
0x37: {  	[smem:$0x3FB7] =	sst s10  }
0x38: {  	s10 =	sld [smem:$0x3FB8]  }
0x39: {  	_ = 	snop;
	(pc) =	sbr.ind lr, $3  }
0x3a: {  	_ = 	snop  }
0x3b: {  	_ = 	snop  }
0x3c: {  	p2 =	seq.s32 s10, $0x1;
	s10 =	sld [smem:$0x3FB7]  }
0x3d: {  	_ =	shalt  }
0x3e: {  	_ =	shalt  }
0x3f: {  	_ =	shalt  }
0x40: {  	_ =	shalt  }
0x41: {  	_ =	shalt  }
0x42: {  	_ =	shalt  }
0x43: {  	_ =	shalt  }
0x44: {  	_ =	shalt  }
0x45: {  	_ =	shalt  }
0x46: {  	_ =	shalt  }
0x47: {  	_ =	shalt  }
0x48: {  	_ =	shalt  }
0x49: {  	_ =	shalt  }
0x4a: {  	_ =	shalt  }
0x4b: {  	_ =	shalt  }
0x4c: {  	_ =	shalt  }
0x4d: {  	_ =	shalt  }
0x4e: {  	_ =	shalt  }
0x4f: {  	_ =	shalt  }
0x50: {  	_ =	shalt  }
0x51: {  	_ =	shalt  }
0x52: {  	_ =	shalt  }
0x53: {  	_ =	shalt  }
0x54: {  	_ =	shalt  }
0x55: {  	_ =	shalt  }
0x56: {  	_ =	shalt  }
0x57: {  	_ =	shalt  }
0x58: {  	_ =	shalt  }
0x59: {  	_ =	shalt  }
0x5a: {  	_ =	shalt  }
0x5b: {  	_ =	shalt  }
0x5c: {  	_ =	shalt  }
0x5d: {  	_ =	shalt  }
0x5e: {  	_ =	shalt  }
0x5f: {  	_ =	shalt  }
0x60: {  	_ =	shalt  }
0x61: {  	_ =	shalt  }
0x62: {  	_ =	shalt  }
0x63: {  	_ =	shalt  }
0x64: {  	_ =	shalt  }
0x65: {  	_ =	shalt  }
0x66: {  	_ =	shalt  }
0x67: {  	_ =	shalt  }
0x68: {  	_ =	shalt  }
0x69: {  	_ =	shalt  }
0x6a: {  	_ =	shalt  }
0x6b: {  	_ =	shalt  }
0x6c: {  	_ =	shalt  }
0x6d: {  	_ =	shalt  }
0x6e: {  	_ =	shalt  }
0x6f: {  	_ =	shalt  }
0x70: {  	_ =	shalt  }
0x71: {  	_ =	shalt  }
0x72: {  	_ =	shalt  }
0x73: {  	_ =	shalt  }
0x74: {  	_ =	shalt  }
0x75: {  	_ =	shalt  }
0x76: {  	_ =	shalt  }
0x77: {  	_ =	shalt  }
0x78: {  	_ =	shalt  }
0x79: {  	_ =	shalt  }
0x7a: {  	_ =	shalt  }
0x7b: {  	_ =	shalt  }
0x7c: {  	_ =	shalt  }
0x7d: {  	_ =	shalt  }
0x7e: {  	_ =	shalt  }
0x7f: {  	_ =	shalt  }
0x80: {  	_ =	shalt  }
0x81: {  	_ =	shalt  }
0x82: {  	_ =	shalt  }
0x83: {  	_ =	shalt  }
0x84: {  	_ =	shalt  }
0x85: {  	_ =	shalt  }
0x86: {  	_ =	shalt  }
0x87: {  	_ =	shalt  }
.Lfunc_end0:
.L_simem_size_0:
called_computation_lowered:
.L_overlay_start_0:
0x88: {  	s2 =	sld [smem:$0x3FD9]  }
0x89: {  	s3 =	sld [smem:$0x3FFE];
	_ =	sdelay $0x1  }
0x8a: {  	s1 =	srdreg.scid  }
0x8b: {  	s0 =	sand.u32 $0x1, s1  }
0x8c: {  	s17 =	sshll.u32 s0, $0xA;
	s2 =	sadd.s32 s3, s2  }
0x8d: {  	s2 =	sadd.s32 s2, s17  }
0x8e: {  	[smem:$0x3FC3] =	sst s2  }
0x8f: {  	_ = 	snop  }
0x90: {  	s2 =	sld [smem:$0x3FC6]  }
0x91: {  	s18 =	sld [smem:$0x3FC5]  }
0x92: {  	s4 =	sld [smem:$0x3FD0];
	(tm) =	ssettm $0x1  }
0x93: {  	s5 =	sld [smem:$0x3FFB];
	_ =	sdelay $0x3  }
0x94: {  	_ =	strace s5  }
0x95: {  	s5 =	sld [smem:$0x3FFC];
	_ =	sdelay $0x3  }
0x96: {  	_ =	strace s5  }
0x97: {  	s5 =	sld [smem:$0x3FFD];
	_ =	sdelay $0x3  }
0x98: {  	_ =	strace s5  }
0x99: {  	_ =	strace $0x8FFFFFFF  }
0x9a: {  	s19 =	sld [smem:$0x3FDB];
	_ =	sdelay $0x1  }
0x9b: {  	s6 =	simm.s32 $_scs_section_size  }
0x9c: {  	s7 =	simm.s32 $_size__tile_overlayer_lowered;
	s8 =	simm.s32 $_tile_overlayer_lowered  }
0x9d: {  	s22 =	simm.s32 $0x1BFF;
	s21 =	sshll.u32 s8, $0x1;
	s5 =	sadd.s32 s6, s19  }
0x9e: {  	s9 =	simm.s32 $0x0;
	s20 =	sshll.u32 s7, $0x1;
	s7 =	sadd.s32 s21, s5  }
0x9f: {  	[timem:s9], [sflag:s22] =	dma.local [hbm:s7], s20  }
0xa0: {  	_ =	swait.ge [sflag:s22], s20  }
0xa1: {  	s6 =	ssub.s32 $0x0, s20;
	[sflag:s22] =	ssyncset.done $0x0  }
0xa2: {  	[sflag:s22] =	ssyncadd.s32 s6;
	_ =	sdelay $0x1  }
0xa3: {  	s23 =	simm.s32 $0x1B8B  }
0xa4: {  	_ =	swait.ge [sflag:s23], $0x1  }
0xa5: {  	[sflag:s23] =	ssyncset.done $0x0  }
0xa6: {  	s25 =	simm.s32 $0x1B8E;
	s24 =	sld [smem:$0x3FFE];
	[sflag:s23] =	ssyncadd.s32 $0xFFFFFFFF  }
0xa7: {  	s26 =	simm.s32 $execute0_lowered;
	[smem:$0x3FD2] =	sst s25  }
0xa8: {  	s7 =	sshll.u32 s26, $0x1;
	_ =	strace $0x80000046;
	[dreg:$0x1] =	wrdreg $0xFFFFFFFF  }
0xa9: {  	s28 =	simm.s32 $_size_execute0_lowered;
	s5 =	sadd.s32 s5, s7;
	[dreg:$0x0] =	wrdreg $0x0  }
0xaa: {  	s7 =	sshll.u32 s28, $0x1;
	[dreg:$0x2] =	wrdreg s5  }
0xab: {  	[dreg:$0x3] =	wrdreg s7  }
0xac: {  	[dreg:$0x4] =	wrdreg $0xC0  }
0xad: {  	_ =	task [dreg:s9], $0x5FFFF  }
0xae: {  	[dreg:$0x1] =	wrdreg $0xFFFFFFFF  }
0xaf: {  	[dreg:$0x0] =	wrdreg $0x60  }
0xb0: {  	[dreg:$0x2] =	wrdreg s24  }
0xb1: {  	[dreg:$0x3] =	wrdreg s2  }
0xb2: {  	[dreg:$0x4] =	wrdreg s18  }
0xb3: {  	[dreg:$0x5] =	wrdreg s4  }
0xb4: {  	[dreg:$0x6] =	wrdreg $0x9  }
0xb5: {  	_ =	task.clear_ibuf [dreg:s9], $0x7FFFF;
	_ =	strace $0x90000046  }
0xb6: {  	s29 =	simm.s32 $0x9;
	_ =	strace $0x80000048  }
0xb7: {  	_ =	swait.ge [sflag:s29], $0x1  }
0xb8: {  	[sflag:s29] =	ssyncadd.s32 $0xFFFFFFFF  }
0xb9: {  	_ =	strace $0x90000048  }
0xba: {  	_ =	sfence  }
0xbb: {  	s30 =	sld [smem:$0x0];
	_ =	sdelay $0x2  }
0xbc: {  	s31 =	sshll.u32 s1, $0xD;
	s1 =	sshrl.u32 s1, $0x2  }
0xbd: {  	s3 =	sand.u32 $0x4000, s31;
	s1 =	sadd.s32 s1, s30  }
0xbe: {  	s0 =	sor.u32 s3, s0;
	s1 =	sshll.u32 s1, $0x11  }
0xbf: {  	s0 =	sor.u32 s1, s0  }
0xc0: {  	s0 =	sadd.s32 $0x8F2B, s0  }
0xc1: {  	[sflag:s0] =	ssyncadd.remote.s32 $0x1  }
0xc2: {  	_ =	sfence.sel $0xFFFF  }
0xc3: {  	[dreg:$0x0] =	wrdreg $0xFFFFFFFF;
	(pc) =	sbr.abs _section_cstart, $3  }
0xc4: {  	[dreg:$0x1] =	wrdreg $0xFFFFFFFF  }
0xc5: {  	_ =	task.clear_ibuf [dreg:s9], $0x2FFFF;
	_ =	strace $0x9FFFFFFF  }
0xc6: {  	(tm) =	ssettm $0x7FFFFFFF  }
0xc7: {  	_ =	shalt  }
tec
execute0_lowered:
.L_overlay_start_1:
0x0: {  	(tag) =	ssettag $0x1  }
0x1: {  	s0 =	rddreg [dreg:$0x0]  }
0x2: {  	s4 =	rddreg [dreg:$0x3]  }
0x3: {  	s1 =	srdreg.scid;
	s2 =	stileid.u32;
	s5 =	simm.s32 $0x0  }
0x4: {  	s30 =	simm.s32 $0x80;
	s31 =	simm.s32 $0x8200;
	s28 =	simm.s32 $0xC400;
	v0 =	vimm.s32 $0x76543210;
	v1 =	vimm.s32 $0xFEDCBA98  }
0x5: {  	s29 =	simm.s32 $0x1;
	v2 =	vimm.s32 $0xBA98FEDC;
	v3 =	vimm.s32 $0x32107654;
	v4 =	vimm.s32 $0xDCFE98BA;
	s14 =	simm.s32 $0x5;
	s1 =	sand.u32 $0x1, s1  }
0x6: {  	v5 =	vimm.s32 $0x54761032;
	v6 =	vimm.s32 $0xEFCDAB89;
	s2 =	sshll.u32 s2, $0x1;
	[smem:$0x7FF] =	sst s5;
	s7 =	sadd.s32 $0x800, s0  }
0x7: {  	v7 =	vimm.s32 $0x67452301;
	s8 =	sadd.s32 $0xF42C00, s0;
	s21 =	sadd.s32 $0x19800, s0;
	s11 =	sadd.s32 $0x810, s0  }
0x8: {  	s16 =	sadd.s32 $0x1000, s4;
	s17 =	sadd.s32 $0x2000, s4;
	s18 =	sadd.s32 $0x3000, s4;
	v1 =	vunpack.c.l.s4.s8 v1;
	v0 =	vunpack.c.l.s4.s8 v0;
	v2 =	vunpack.c.l.s4.s8 v2  }
0x9: {  	s19 =	sadd.s32 $0x4000, s4;
	v3 =	vunpack.c.l.s4.s8 v3;
	v4 =	vunpack.c.l.s4.s8 v4;
	v5 =	vunpack.c.l.s4.s8 v5;
	s2 =	sor.u32 s1, s2;
	s1 =	ssub.s32 $0x2, s1  }
0xa: {  	s20 =	sadd.s32 $0x5000, s4;
	v6 =	vunpack.c.l.s4.s8 v6;
	v7 =	vunpack.c.l.s4.s8 v7;
	s6 =	smul.u32 $0x6400, s2;
	s22 =	sshrl.u32 s1, $0x1;
	v1 =	vunpack.c.0.s8.s32 v1  }
0xb: {  	_ =	strace $0x80000047;
	[dreg:$0x5] =	wrdreg s21;
	v2 =	vunpack.c.0.s8.s32 v2;
	v3 =	vunpack.c.0.s8.s32 v3;
	v4 =	vunpack.c.0.s8.s32 v4;
	s1 =	ssub.s32 s1, s22  }
0xc: {  	s21 =	sadd.s32 $0x6000, s4;
	v5 =	vunpack.c.0.s8.s32 v5;
	v6 =	vunpack.c.0.s8.s32 v6;
	v7 =	vunpack.c.0.s8.s32 v7;
	s3 =	sshrl.u32 s6, $0x3;
	s26 =	smax.u32 s1, $0x1  }
0xd: {  	v0 =	vunpack.c.0.s8.s32 v0;
	s22 =	sadd.s32 $0x7000, s4;
	v1 =	vand.u32 $0xF, v1;
	v2 =	vcombine.low v3, v2;
	s0 =	sadd.s32 s3, s11;
	[dreg:$0xa] =	wrdreg s26  }
0xe: {  	s15 =	sor.u32 $0x200, s6;
	v3 =	vcombine.low v5, v4;
	v4 =	vcombine.low v7, v6;
	v5 =	vlaneseq.u32;
	s23 =	sadd.s32 s7, s3;
	[dreg:$0x7] =	wrdreg s0  }
0xf: {  	s1 =	simm.s32 $0x0;
	v0 =	vcombine.low v1, v0;
	v1 =	vmul.u32 $0x108, v5;
	s24 =	sadd.s32 $0x20, s23;
	[dreg:$0x6] =	wrdreg s23  }
0x10: {  	s3 =	simm.s32 $0x4;
	s25 =	sadd.s32 $0x30, s23;
	v2 =	vand.u32 $0xF, v2;
	v3 =	vand.u32 $0xF, v3;
	v4 =	vand.u32 $0xF, v4;
	[dreg:$0x8] =	wrdreg s24  }
0x11: {  	s23 =	sor.u32 $0x300, s6;
	[dreg:$0x9] =	wrdreg s25;
	v5 =	vadd.s32 $0x1080, v1;
	v6 =	vadd.s32 $0x2100, v1;
	v7 =	vadd.s32 $0x3180, v1;
	s24 =	simm.s32 $0x6  }
.LBB2_1:
0x12: {  	[dreg:$0xb] =	wrdreg s1  }
0x13: {  	s0 =	rddreg [dreg:$0x5];
	s9 =	simm.s32 $0x10600;
	s10 =	simm.s32 $0x7  }
0x14: {  	[tilespmem:s9], [sflag:$0x7] =	stream.linear.gather [hbm4b:s0+s5], $0x3200, $0x38;
	[tilespmem:$0x13880] =	vst v63  }
0x15: {  	_ =	swait.ge [sflag:s10], $0x3200  }
0x16: {  	[sflag:s10] =	ssyncset.done $0x0  }
0x17: {  	[sflag:s10] =	ssyncadd.s32 $0xFFFFCE00  }
0x18: {  	s2 =	simm.s32 $0x13800;
	s12 =	rddreg [dreg:$0x1]  }
0x19: {  	[tilespmem:s2], [sflag:$0x7] =	stream.linear.gather [hbm4b:s12+s5], $0x40, $0x38;
	[tilespmem:$0x13880] =	vst v63  }
0x1a: {  	_ =	swait.ge [sflag:s10], $0x40  }
0x1b: {  	[sflag:s10] =	ssyncset.done $0x0  }
0x1c: {  	[sflag:s10] =	ssyncadd.s32 $0xFFFFFFC0  }
0x1d: {  	s25 =	simm.s32 $0x13840;
	s13 =	rddreg [dreg:$0x2]  }
0x1e: {  	[tilespmem:s25], [sflag:$0x7] =	stream.linear.gather [hbm4b:s13+s5], $0x40, $0x38;
	[tilespmem:$0x13880] =	vst v63  }
0x1f: {  	_ =	swait.ge [sflag:s10], $0x40  }
0x20: {  	[sflag:s10] =	ssyncset.done $0x0  }
0x21: {  	s26 =	rddreg [dreg:$0x6];
	[sflag:s10] =	ssyncadd.s32 $0xFFFFFFC0  }
0x22: {  	[tilespmem:s5], [sflag:$0x7] =	stream.linear.gather [hbm4b:s26+s5], $0x80, $0x38;
	[tilespmem:$0x13880] =	vst v63  }
0x23: {  	_ =	swait.ge [sflag:s10], $0x80  }
0x24: {  	[sflag:s10] =	ssyncset.done $0x0  }
0x25: {  	s2 =	rddreg [dreg:$0x7];
	[sflag:s10] =	ssyncadd.s32 $0xFFFFFF80  }
0x26: {  	[tilespmem:s30], [sflag:$0x7] =	stream.linear.gather [hbm4b:s2+s5], $0x80, $0x38;
	[tilespmem:$0x13880] =	vst v63  }
0x27: {  	_ =	swait.ge [sflag:s10], $0x80  }
0x28: {  	[sflag:s10] =	ssyncset.done $0x0  }
0x29: {  	s9 =	simm.s32 $0x200;
	[sflag:s10] =	ssyncadd.s32 $0xFFFFFF80  }
0x2a: {  	[tilespmem:s9], [sflag:$0x1] =	stream.indirect.gather [hbm4b:s8+s30], $0x40, s5, s30, $0xb8;
	[tilespmem:$0x13880] =	vst v63  }
0x2b: {  	s10 =	simm.s32 $0x2200  }
0x2c: {  	[tilespmem:s10], [sflag:$0x1] =	stream.indirect.gather [hbm4b:s8+s30], $0x40, s30, s30, $0xb8;
	[tilespmem:$0x13880] =	vst v63  }
0x2d: {  	s13 =	simm.s32 $0x100;
	s12 =	rddreg [dreg:$0x8]  }
0x2e: {  	[tilespmem:s13], [sflag:$0x4] =	stream.linear.gather [hbm4b:s12+s5], $0x80, $0x38;
	[tilespmem:$0x13880] =	vst v63  }
0x2f: {  	s26 =	simm.s32 $0x180;
	s25 =	rddreg [dreg:$0x9];
	s10 =	simm.s32 $0x0  }
0x30: {  	[tilespmem:s26], [sflag:$0x4] =	stream.linear.gather [hbm4b:s25+s5], $0x80, $0x38;
	[tilespmem:$0x13880] =	vst v63  }
.LBB2_2:
0x31: {  	_ =	swait.ge [sflag:s3], $0x80  }
0x32: {  	[sflag:s3] =	ssyncset.done $0x0  }
0x33: {  	[sflag:s3] =	ssyncadd.s32 $0xFFFFFF80  }
0x34: {  	_ =	swait.ge [sflag:s3], $0x80  }
0x35: {  	[sflag:s3] =	ssyncset.done $0x0  }
0x36: {  	s0 =	simm.s32 $0x100;
	s1 =	simm.s32 $0x4200;
	[sflag:s3] =	ssyncadd.s32 $0xFFFFFF80  }
0x37: {  	[tilespmem:s1], [sflag:$0x2] =	stream.indirect.gather [hbm4b:s8+s30], $0x40, s0, s30, $0xb8;
	[tilespmem:$0x13880] =	vst v63  }
0x38: {  	s25 =	simm.s32 $0x180;
	s26 =	simm.s32 $0x6200  }
0x39: {  	[tilespmem:s26], [sflag:$0x2] =	stream.indirect.gather [hbm4b:s8+s30], $0x40, s25, s30, $0xb8;
	[tilespmem:$0x13880] =	vst v63  }
0x3a: {  	_ =	swait.ge [sflag:s29], $0x2000  }
0x3b: {  	p0 =	seq.s32 s10, $0x31;
	[sflag:s29] =	ssyncset.done $0x0  }
0x3c: {  	p1 =	seq.s32 @!p0 s10, $0x0;
	s26 =	sshll.u32 s10, $0x9;
	[sflag:s29] =	ssyncadd.s32 $0xFFFFE000  }
0x3d: {  	p1 =	por p0, !p1;
	s0 =	sadd.s32 @!p0 s26, s15;
	_ =	swait.ge [sflag:s29], $0x2000  }
.Ltmp0:
0x3e: {  	s0 =	sshrl.u32 @!p0 s0, $0x3;
	[sflag:s29] =	ssyncset.done $0x0;
	(pc) =	sbr.rel @!p1 .LBB2_3-.Ltmp0, $4  }
0x3f: {  	s2 =	simm.s32 @!p0 $0x0;
	s1 =	sadd.s32 @!p0 s7, s0;
	[sflag:s29] =	ssyncadd.s32 $0xFFFFE000  }
0x40: {  	[tilespmem:s2], [sflag:$0x3] =	stream.linear.gather @!p0 [hbm4b:s1+s2], $0x80, $0x38;
	[tilespmem:$0x13880] =	vst v63  }
0x41: {  	s0 =	sadd.s32 @!p0 s0, s11;
	s1 =	simm.s32 @!p0 $0x80  }
0x42: {  	[tilespmem:s1], [sflag:$0x3] =	stream.linear.gather @!p0 [hbm4b:s0+s2], $0x80, $0x38;
	[tilespmem:$0x13880] =	vst v63  }
0x43: {  	_ =	swait.ge [sflag:s14], $0x400  }
0x44: {  	[sflag:s14] =	ssyncset.done $0x0  }
0x45: {  	[sflag:s14] =	ssyncadd.s32 $0xFFFFFC00  }
0x46: {  	_ =	swait.ge [sflag:s14], $0x400  }
0x47: {  	[sflag:s14] =	ssyncset.done $0x0  }
0x48: {  	[sflag:s14] =	ssyncadd.s32 $0xFFFFFC00  }
0x49: {  	_ =	swait.ge [sflag:s14], $0x400  }
0x4a: {  	[sflag:s14] =	ssyncset.done $0x0  }
0x4b: {  	[sflag:s14] =	ssyncadd.s32 $0xFFFFFC00  }
0x4c: {  	_ =	swait.ge [sflag:s14], $0x400  }
0x4d: {  	[sflag:s14] =	ssyncset.done $0x0  }
0x4e: {  	[sflag:s14] =	ssyncadd.s32 $0xFFFFFC00  }
0x4f: {  	_ =	swait.ge [sflag:s14], $0x400  }
0x50: {  	[sflag:s14] =	ssyncset.done $0x0  }
0x51: {  	[sflag:s14] =	ssyncadd.s32 $0xFFFFFC00  }
0x52: {  	_ =	swait.ge [sflag:s14], $0x400  }
0x53: {  	[sflag:s14] =	ssyncset.done $0x0  }
0x54: {  	[sflag:s14] =	ssyncadd.s32 $0xFFFFFC00  }
0x55: {  	_ =	swait.ge [sflag:s14], $0x400  }
0x56: {  	[sflag:s14] =	ssyncset.done $0x0  }
0x57: {  	[sflag:s14] =	ssyncadd.s32 $0xFFFFFC00  }
0x58: {  	_ =	swait.ge [sflag:s14], $0x400  }
0x59: {  	[sflag:s14] =	ssyncset.done $0x0  }
0x5a: {  	[sflag:s14] =	ssyncadd.s32 $0xFFFFFC00  }
0x5b: {  	_ =	swait.ge [sflag:s14], $0x400  }
0x5c: {  	[sflag:s14] =	ssyncset.done $0x0  }
0x5d: {  	[sflag:s14] =	ssyncadd.s32 $0xFFFFFC00  }
0x5e: {  	_ =	swait.ge [sflag:s14], $0x400  }
0x5f: {  	[sflag:s14] =	ssyncset.done $0x0  }
0x60: {  	[sflag:s14] =	ssyncadd.s32 $0xFFFFFC00  }
0x61: {  	_ =	swait.ge [sflag:s14], $0x400  }
0x62: {  	[sflag:s14] =	ssyncset.done $0x0  }
0x63: {  	[sflag:s14] =	ssyncadd.s32 $0xFFFFFC00  }
0x64: {  	_ =	swait.ge [sflag:s14], $0x400  }
0x65: {  	[sflag:s14] =	ssyncset.done $0x0  }
0x66: {  	[sflag:s14] =	ssyncadd.s32 $0xFFFFFC00  }
0x67: {  	_ =	swait.ge [sflag:s14], $0x400  }
0x68: {  	[sflag:s14] =	ssyncset.done $0x0  }
0x69: {  	[sflag:s14] =	ssyncadd.s32 $0xFFFFFC00  }
0x6a: {  	_ =	swait.ge [sflag:s14], $0x400  }
0x6b: {  	[sflag:s14] =	ssyncset.done $0x0  }
0x6c: {  	[sflag:s14] =	ssyncadd.s32 $0xFFFFFC00  }
0x6d: {  	_ =	swait.ge [sflag:s14], $0x400  }
.Ltmp1:
0x6e: {  	[sflag:s14] =	ssyncset.done $0x0;
	(pc) =	sbr.rel .LBB2_5-.Ltmp1, $4  }
0x6f: {  	[sflag:s14] =	ssyncadd.s32 $0xFFFFFC00  }
0x70: {  	_ =	swait.ge [sflag:s14], $0x400  }
0x71: {  	[sflag:s14] =	ssyncset.done $0x0  }
0x72: {  	p1 =	por $0x0, $0x0;
	[sflag:s14] =	ssyncadd.s32 $0xFFFFFC00  }
.LBB2_3:
0x73: {  	p1 =	por @!p0 $0x1, $0x1  }
.LBB2_5:
0x74: {  	s1 =	simm.s32 $0x240  }
0x75: {  	v8 =	vld [tilespmem:s1+$0x0]  }
0x76: {  	s2 =	sadd.s32 s6, s26;
	v9 =	vld [tilespmem:s1+$0x10]  }
0x77: {  	s25 =	sshrl.u32 s2, $0xC;
	v10 =	vld [tilespmem:s1+$0x20]  }
0x78: {  	v11 =	vld [tilespmem:s1+$0x30];
	s0 =	sshll.u32 s25, $0x6  }
0x79: {  	v19 =	vld [tilespmem:s0+$0x10600]  }
0x7a: {  	v18 =	vld [tilespmem:s0+$0x10610]  }
0x7b: {  	v16 =	vld [tilespmem:s0+$0x10620]  }
0x7c: {  	v17 =	vld [tilespmem:s0+$0x10630];
	_ =	sdelay $0x3  }
0x7d: {  	v12 =	vadd.f32 v8, v19;
	v13 =	vadd.f32 v9, v18  }
0x7e: {  	v10 =	vadd.f32 v10, v16;
	v11 =	vadd.f32 v11, v17;
	_ =	sdelay $0x1  }
0x7f: {  	v8 =	vadd.f32 v13, v12;
	v9 =	vadd.f32 v11, v10;
	_ =	sdelay $0x1  }
0x80: {  	v14 =	vmul.f32 v12, v12;
	v15 =	vmul.f32 v13, v13;
	v8 =	vadd.f32 v9, v8  }
0x81: {  	v20 =	vmul.f32 v11, v11;
	v9 =	vmul.f32 v10, v10  }
0x82: {  	v23 =	vld [tilespmem:s1+$0xFFFFFFC0];
	v22 =	vperm.xlane v8, v0  }
0x83: {  	v14 =	vadd.f32 v15, v14;
	v15 =	vld [tilespmem:s1+$0xFFFFFFE0];
	v9 =	vadd.f32 v20, v9  }
0x84: {  	v20 =	vld [tilespmem:s1+$0xFFFFFFF0];
	v8 =	vadd.f32 v8, v22  }
0x85: {  	v21 =	vld [tilespmem:s1+$0xFFFFFFD0];
	v9 =	vadd.f32 v9, v14  }
0x86: {  	v14 =	vperm.xlane v8, v2  }
0x87: {  	v23 =	vadd.f32 v23, v19;
	v22 =	vperm.xlane v9, v0  }
0x88: {  	v15 =	vadd.f32 v15, v16;
	v8 =	vadd.f32 v8, v14  }
0x89: {  	v25 =	vadd.f32 v20, v17;
	v9 =	vadd.f32 v22, v9  }
0x8a: {  	v14 =	vadd.f32 v21, v18;
	v20 =	vperm.xlane v8, v3  }
0x8b: {  	v22 =	vmul.f32 v23, v23;
	v27 =	vadd.f32 v25, v15;
	v24 =	vperm.xlane v9, v2  }
0x8c: {  	v28 =	vmul.f32 v25, v25;
	v21 =	vadd.f32 v14, v23;
	v8 =	vadd.f32 v8, v20  }
0x8d: {  	v26 =	vmul.f32 v14, v14;
	v20 =	vmul.f32 v15, v15;
	v9 =	vadd.f32 v24, v9  }
0x8e: {  	v21 =	vadd.f32 v27, v21;
	v24 =	vperm.xlane v8, v4  }
0x8f: {  	v22 =	vadd.f32 v26, v22;
	v20 =	vadd.f32 v28, v20;
	v26 =	vperm.xlane v9, v3  }
0x90: {  	v27 =	vperm.xlane v21, v0;
	v8 =	vadd.f32 v8, v24  }
0x91: {  	v20 =	vadd.f32 v20, v22;
	v9 =	vadd.f32 v26, v9  }
0x92: {  	v21 =	vadd.f32 v21, v27;
	v26 =	vmul.f32 $1.562500000e-02, v8  }
0x93: {  	v8 =	vperm.xlane v20, v0;
	v22 =	vperm.xlane v9, v4  }
0x94: {  	v27 =	vperm.xlane v21, v2;
	v24 =	vmul.f32 v26, v26  }
0x95: {  	v8 =	vadd.f32 v8, v20  }
0x96: {  	v9 =	vadd.f32 v22, v9;
	v21 =	vadd.f32 v21, v27;
	v20 =	vmul.f32 $6.400000000e+01, v24  }
0x97: {  	v22 =	vperm.xlane v8, v2  }
0x98: {  	v9 =	vsub.f32 v9, v20;
	v20 =	vperm.xlane v21, v3  }
0x99: {  	s9 =	simm.s32 $0x2C0;
	v8 =	vadd.f32 v22, v8  }
0x9a: {  	v38 =	vld [tilespmem:s9+$0xFFFFFFD0];
	v9 =	vadd.f32 $6.399999970e-11, v9;
	v20 =	vadd.f32 v21, v20  }
0x9b: {  	v50 =	vld [tilespmem:s9+$0xFFFFFFE0];
	v21 =	vperm.xlane v8, v3  }
0x9c: {  	v22 =	vshra.s32 v9, $0x1;
	v9 =	vmul.f32 $7.812500000e-03, v9;
	v24 =	vperm.xlane v20, v4  }
0x9d: {  	v29 =	vld [tilespmem:s9+$0x20];
	v8 =	vadd.f32 v21, v8;
	v22 =	vsub.s32 $0x60B759DF, v22  }
0x9e: {  	v27 =	vld [tilespmem:s9+$0x0];
	v21 =	vmul.f32 v22, v9;
	v20 =	vadd.f32 v20, v24  }
0x9f: {  	v38 =	vadd.f32 v38, v18;
	v24 =	vld [tilespmem:s9+$0x10];
	v28 =	vperm.xlane v8, v4  }
0xa0: {  	v42 =	vadd.f32 v50, v16;
	v21 =	vmul.f32 v22, v21;
	v30 =	vmul.f32 $1.562500000e-02, v20;
	v20 =	vld [tilespmem:s9+$0x30]  }
0xa1: {  	v12 =	vsub.f32 v12, v26;
	v13 =	vsub.f32 v13, v26  }
0xa2: {  	v8 =	vadd.f32 v28, v8;
	v28 =	vsub.f32 $1.500000000e+00, v21  }
0xa3: {  	v21 =	vsub.f32 v23, v30;
	v34 =	vsub.f32 v14, v30  }
0xa4: {  	v23 =	vadd.f32 v27, v19;
	v24 =	vadd.f32 v24, v18;
	v14 =	vmul.f32 v22, v28  }
0xa5: {  	v52 =	vmul.f32 v38, v38;
	v22 =	vadd.f32 v29, v16;
	v20 =	vadd.f32 v20, v17  }
0xa6: {  	v31 =	vmul.f32 v30, v30;
	v33 =	vsub.f32 v15, v30;
	v9 =	vmul.f32 v14, v9  }
0xa7: {  	v43 =	vmul.f32 v42, v42;
	v27 =	vadd.f32 v24, v23;
	v28 =	vadd.f32 v20, v22  }
0xa8: {  	v36 =	vsub.f32 v25, v30;
	v15 =	vmul.f32 $6.400000000e+01, v31;
	v9 =	vmul.f32 v9, v14  }
0xa9: {  	v30 =	vmul.f32 v23, v23;
	v31 =	vmul.f32 v24, v24;
	v27 =	vadd.f32 v28, v27  }
0xaa: {  	v51 =	vld [tilespmem:s9+$0xFFFFFFF0];
	v32 =	vmul.f32 v22, v22;
	v35 =	vmul.f32 v20, v20;
	v28 =	vsub.f32 $1.500000000e+00, v9  }
0xab: {  	v10 =	vsub.f32 v10, v26;
	v15 =	vsub.f32 v8, v15;
	v8 =	vld [tilespmem:$0x13800];
	v37 =	vperm.xlane v27, v0  }
0xac: {  	s1 =	simm.s32 $0x1;
	v14 =	vmul.f32 v28, v14;
	v28 =	vadd.f32 v31, v30;
	v30 =	vld [tilespmem:s9+$0xFFFFFFC0];
	v31 =	vadd.f32 v35, v32  }
0xad: {  	v11 =	vsub.f32 v11, v26;
	v25 =	vmov s1;
	v9 =	vld [tilespmem:$0x13810];
	v27 =	vadd.f32 v27, v37  }
0xae: {  	v25 =	vand.u32 $0xFF, v25;
	v12 =	vmul.f32 v14, v12;
	v28 =	vadd.f32 v31, v28  }
0xaf: {  	v29 =	vadd.s32 v1, v25;
	v13 =	vmul.f32 v14, v13;
	v31 =	vperm.xlane v27, v2  }
0xb0: {  	v26 =	vmul.f32 v12, v8;
	v12 =	vadd.f32 $6.399999970e-11, v15;
	v15 =	vperm.xlane v28, v0  }
0xb1: {  	v40 =	vmul.f32 v14, v10;
	v10 =	vadd.f32 v27, v31;
	v41 =	vadd.f32 v30, v19  }
0xb2: {  	v27 =	vmul.f32 v13, v9;
	v15 =	vadd.f32 v15, v28;
	v28 =	vadd.f32 v51, v17  }
0xb3: {  	v54 =	vshra.s32 v12, $0x1;
	v56 =	vmul.f32 $7.812500000e-03, v12;
	v13 =	vperm.xlane v10, v3  }
0xb4: {  	v30 =	vadd.f32 v38, v41;
	v31 =	vmul.f32 v41, v41;
	v37 =	vadd.f32 v28, v42  }
0xb5: {  	v12 =	vld [tilespmem:$0x13820];
	v44 =	vmul.f32 v28, v28;
	v13 =	vadd.f32 v10, v13;
	v10 =	vperm.xlane v15, v2  }
0xb6: {  	v45 =	vmul.f32 v14, v11;
	v31 =	vadd.f32 v52, v31;
	v14 =	vadd.f32 v37, v30  }
0xb7: {  	v11 =	vld [tilespmem:$0x13850];
	v30 =	vadd.f32 v44, v43;
	v53 =	vperm.xlane v13, v4;
	v15 =	vadd.f32 v10, v15  }
0xb8: {  	v39 =	vadd.s32 v5, v25;
	v35 =	vadd.s32 v6, v25;
	v46 =	vperm.xlane v14, v0  }
0xb9: {  	v10 =	vld [tilespmem:$0x13840];
	v30 =	vadd.f32 v30, v31;
	v13 =	vadd.f32 v13, v53;
	v55 =	vperm.xlane v15, v3  }
0xba: {  	v40 =	vmul.f32 v40, v12;
	v31 =	vsub.s32 $0x60B759DF, v54;
	v58 =	vadd.f32 v14, v46  }
0xbb: {  	v59 =	vperm.xlane v30, v0;
	v14 =	vld [tilespmem:$0x13860];
	v32 =	vmul.f32 $1.562500000e-02, v13;
	v57 =	vadd.f32 v55, v15  }
0xbc: {  	v27 =	vadd.f32 v27, v11;
	v15 =	vmul.f32 v31, v56;
	v50 =	vperm.xlane v58, v2  }
0xbd: {  	v30 =	vadd.f32 v59, v30;
	v47 =	vperm.xlane v57, v4;
	v48 =	vmul.f32 v32, v32  }
0xbe: {  	v13 =	vld [tilespmem:$0x13830];
	v26 =	vadd.f32 v26, v10;
	v49 =	vmul.f32 v31, v15;
	v43 =	vadd.f32 v58, v50  }
0xbf: {  	s12 =	simm.s32 $0x0;
	v62 =	vperm.xlane v30, v2;
	v37 =	vadd.f32 v47, v57;
	v60 =	vmul.f32 $6.400000000e+01, v48  }
0xc0: {  	v15 =	vld [tilespmem:$0x13870];
	v58 =	vmov s12;
	v61 =	vsub.f32 $1.500000000e+00, v49;
	v63 =	vadd.f32 v40, v14  }
0xc1: {  	v49 =	vadd.s32 v7, v25;
	v47 =	vand.u32 $0xFE, v58;
	v37 =	vsub.f32 v37, v60  }
0xc2: {  	v25 =	vadd.f32 v62, v30;
	v54 =	vmul.f32 v31, v61;
	v31 =	vperm.xlane v43, v3  }
0xc3: {  	[tilespmem:v29+s31+$0x0] =	vst.idx.msk $0xffff, v26;
	v45 =	vmul.f32 v45, v13;
	v29 =	vadd.s32 v6, v47;
	v30 =	vadd.f32 $6.399999970e-11, v37  }
0xc4: {  	s9 =	simm.s32 $0x340;
	v55 =	vperm.xlane v25, v3;
	v44 =	vmul.f32 v54, v56;
	v31 =	vadd.f32 v43, v31  }
0xc5: {  	v61 =	vld [tilespmem:s9+$0x0];
	v37 =	vadd.f32 v45, v15;
	v56 =	vshra.s32 v30, $0x1;
	v50 =	vmul.f32 $7.812500000e-03, v30  }
0xc6: {  	s13 =	simm.s32 $0x3;
	[tilespmem:v39+s31+$0x0] =	vst.idx.msk $0xffff, v27;
	v30 =	vmul.f32 v44, v54;
	v57 =	vperm.xlane v31, v4;
	v45 =	vsub.s32 $0x60B759DF, v56  }
0xc7: {  	[tilespmem:v35+s31+$0x0] =	vst.idx.msk $0xffff, v63;
	v63 =	vmov s13;
	v25 =	vadd.f32 v55, v25;
	v59 =	vmul.f32 v45, v50  }
0xc8: {  	[tilespmem:v49+s31+$0x0] =	vst.idx.msk $0xffff, v37;
	v49 =	vand.u32 $0xFF, v63;
	v60 =	vsub.f32 $1.500000000e+00, v30;
	v44 =	vadd.f32 v31, v57  }
0xc9: {  	v51 =	vperm.xlane v25, v4;
	v37 =	vadd.s32 v1, v49;
	v43 =	vmul.f32 v45, v59  }
0xca: {  	v39 =	vadd.f32 v61, v19;
	v52 =	vmul.f32 v60, v54;
	v44 =	vmul.f32 $1.562500000e-02, v44  }
0xcb: {  	v53 =	vld [tilespmem:s9+$0x10];
	v31 =	vadd.s32 v1, v47;
	v30 =	vadd.s32 v5, v47;
	v43 =	vsub.f32 $1.500000000e+00, v43  }
0xcc: {  	v40 =	vld [tilespmem:s9+$0x20];
	v51 =	vadd.f32 v51, v25;
	v54 =	vmul.f32 v52, v21;
	v21 =	vsub.f32 v28, v44  }
0xcd: {  	v48 =	vld [tilespmem:s9+$0x30];
	v62 =	vmul.f32 v44, v44;
	v28 =	vadd.s32 v7, v47;
	v47 =	vmul.f32 v45, v43  }
0xce: {  	v46 =	vld [tilespmem:s9+$0xFFFFFFC0];
	v26 =	vsub.f32 v38, v44;
	v34 =	vmul.f32 v52, v34;
	v35 =	vmul.f32 v52, v33  }
0xcf: {  	v25 =	vsub.f32 v42, v44;
	v42 =	vld [tilespmem:s9+$0xFFFFFFD0];
	v38 =	vmul.f32 $6.400000000e+01, v62;
	v50 =	vmul.f32 v47, v50  }
0xd0: {  	v27 =	vsub.f32 v41, v44;
	v44 =	vld [tilespmem:s9+$0xFFFFFFE0];
	v33 =	vmul.f32 v52, v36;
	v36 =	vmul.f32 v54, v8  }
0xd1: {  	s0 =	simm.s32 $0x4;
	s1 =	simm.s32 $0x2;
	s12 =	simm.s32 $0x6;
	v45 =	vld [tilespmem:s9+$0xFFFFFFF0];
	v43 =	vsub.f32 v51, v38;
	v38 =	vadd.f32 v53, v18;
	v50 =	vmul.f32 v50, v47  }
.LBB2_6:
0xd2: {  	p2 =	slt.u32 s12, $0xFE;
	v40 =	vadd.f32 v40, v16;
	v41 =	vadd.f32 v48, v17;
	v48 =	vadd.s32 v5, v49  }
0xd3: {  	v51 =	vadd.s32 v6, v49;
	v49 =	vadd.s32 v7, v49;
	v50 =	vsub.f32 $1.500000000e+00, v50  }
0xd4: {  	v52 =	vadd.f32 v38, v39;
	v54 =	vmul.f32 v39, v39;
	v53 =	vadd.f32 v41, v40  }
0xd5: {  	v55 =	vmul.f32 v38, v38;
	v47 =	vmul.f32 v50, v47;
	v50 =	vsub.f32 v23, v32;
	v23 =	vmovc v39  }
0xd6: {  	v39 =	vadd.f32 v53, v52;
	v52 =	vmul.f32 v40, v40;
	v53 =	vsub.f32 v24, v32;
	v24 =	vmovc v38  }
0xd7: {  	v56 =	vsub.f32 v22, v32;
	v22 =	vmovc v40;
	v38 =	vmul.f32 v41, v41;
	v50 =	vmul.f32 v47, v50  }
0xd8: {  	v32 =	vsub.f32 v20, v32;
	v20 =	vmovc v41;
	v40 =	vperm.xlane v39, v0;
	v53 =	vmul.f32 v47, v53  }
0xd9: {  	v41 =	vadd.f32 v55, v54;
	v54 =	vmul.f32 v47, v56;
	v50 =	vmul.f32 v50, v8  }
0xda: {  	v38 =	vadd.f32 v38, v52;
	v32 =	vmul.f32 v47, v32;
	v52 =	vmul.f32 v53, v9  }
0xdb: {  	v47 =	vmul.f32 v54, v12;
	v39 =	vadd.f32 v39, v40;
	v40 =	vadd.f32 v50, v10  }
0xdc: {  	v38 =	vadd.f32 v38, v41;
	v32 =	vmul.f32 v32, v13;
	v41 =	vadd.f32 v52, v11  }
0xdd: {  	v43 =	vadd.f32 $6.399999970e-11, v43;
	v50 =	vperm.xlane v39, v2;
	[tilespmem:v37+s31+$0x0] =	vst.idx.msk $0xffff, v40;
	v37 =	vadd.f32 v47, v14  }
0xde: {  	v46 =	vadd.f32 v46, v19;
	v32 =	vadd.f32 v32, v15;
	[tilespmem:v48+s31+$0x0] =	vst.idx.msk $0xffff, v41  }
0xdf: {  	v40 =	vperm.xlane v38, v0;
	v39 =	vadd.f32 v39, v50;
	v41 =	vshra.s32 v43, $0x1;
	[tilespmem:v51+s31+$0x0] =	vst.idx.msk $0xffff, v37  }
0xe0: {  	v43 =	vmul.f32 $7.812500000e-03, v43;
	v37 =	vadd.f32 v42, v18;
	v42 =	vadd.f32 v44, v16;
	[tilespmem:v49+s31+$0x0] =	vst.idx.msk $0xffff, v32  }
0xe1: {  	v44 =	vadd.f32 v45, v17;
	v38 =	vadd.f32 v40, v38;
	v32 =	vperm.xlane v39, v3  }
0xe2: {  	v45 =	vmul.f32 v46, v46;
	v40 =	vadd.f32 v37, v46;
	v47 =	vmul.f32 v37, v37  }
0xe3: {  	v48 =	vadd.f32 v44, v42;
	v32 =	vadd.f32 v39, v32;
	v39 =	vperm.xlane v38, v2  }
0xe4: {  	v49 =	vmul.f32 v44, v44;
	v45 =	vadd.f32 v47, v45;
	v47 =	vmul.f32 v42, v42  }
0xe5: {  	v40 =	vadd.f32 v48, v40;
	v48 =	vperm.xlane v32, v4;
	v38 =	vadd.f32 v39, v38  }
0xe6: {  	v34 =	vmul.f32 v34, v9;
	v41 =	vsub.s32 $0x60B759DF, v41;
	v39 =	vadd.f32 v49, v47  }
0xe7: {  	v47 =	vperm.xlane v40, v0;
	v32 =	vadd.f32 v32, v48;
	v48 =	vperm.xlane v38, v3  }
0xe8: {  	v35 =	vmul.f32 v35, v12;
	v39 =	vadd.f32 v39, v45;
	v45 =	vmul.f32 v41, v43  }
0xe9: {  	v40 =	vadd.f32 v40, v47;
	v32 =	vmul.f32 $1.562500000e-02, v32;
	v38 =	vadd.f32 v48, v38  }
0xea: {  	v36 =	vadd.f32 v36, v10;
	v47 =	vperm.xlane v39, v0;
	v45 =	vmul.f32 v41, v45  }
0xeb: {  	v34 =	vadd.f32 v34, v11;
	v48 =	vperm.xlane v38, v4;
	v49 =	vmul.f32 v32, v32  }
0xec: {  	v50 =	vperm.xlane v40, v2;
	v39 =	vadd.f32 v47, v39;
	v45 =	vsub.f32 $1.500000000e+00, v45;
	[tilespmem:v31+s31+$0x0] =	vst.idx.msk $0xffff, v36  }
0xed: {  	v31 =	vadd.f32 v48, v38;
	v36 =	vmul.f32 $6.400000000e+01, v49;
	[tilespmem:v30+s31+$0x0] =	vst.idx.msk $0xffff, v34;
	v30 =	vmul.f32 v33, v13  }
0xee: {  	v33 =	vadd.f32 v40, v50;
	v34 =	vperm.xlane v39, v2;
	v38 =	vmul.f32 v41, v45  }
0xef: {  	v35 =	vadd.f32 v35, v14;
	v31 =	vsub.f32 v31, v36  }
0xf0: {  	v36 =	vperm.xlane v33, v3;
	v34 =	vadd.f32 v34, v39;
	v39 =	vmul.f32 v38, v43  }
0xf1: {  	v40 =	vmov s1;
	s1 =	smov.u32 s0;
	s0 =	smov.u32 s12;
	v31 =	vadd.f32 $6.399999970e-11, v31;
	[tilespmem:v29+s31+$0x0] =	vst.idx.msk $0xffff, v35;
	v29 =	vadd.f32 v30, v15  }
0xf2: {  	v30 =	vadd.f32 v33, v36;
	v33 =	vperm.xlane v34, v3;
	v35 =	vmul.f32 v39, v38  }
0xf3: {  	v40 =	vand.u32 $0xFE, v40;
	v36 =	vshra.s32 v31, $0x1;
	v39 =	vmul.f32 $7.812500000e-03, v31;
	[tilespmem:v28+s31+$0x0] =	vst.idx.msk $0xffff, v29  }
0xf4: {  	v28 =	vperm.xlane v30, v4;
	v33 =	vadd.f32 v33, v34;
	v36 =	vsub.s32 $0x60B759DF, v36  }
0xf5: {  	v31 =	vadd.s32 v1, v40;
	v34 =	vsub.f32 $1.500000000e+00, v35;
	v29 =	vmul.f32 v36, v39  }
0xf6: {  	v28 =	vadd.f32 v30, v28;
	v35 =	vperm.xlane v33, v4;
	v30 =	vadd.s32 v5, v40  }
0xf7: {  	s9 =	sadd.s32 $0x80, s9;
	v38 =	vmul.f32 v34, v38;
	v41 =	vmul.f32 v36, v29;
	v29 =	vadd.s32 v6, v40  }
0xf8: {  	v43 =	vmul.f32 $1.562500000e-02, v28;
	v51 =	vadd.f32 v35, v33;
	v28 =	vadd.s32 v7, v40;
	v50 =	vld [tilespmem:s9+$0x0]  }
0xf9: {  	v34 =	vmul.f32 v38, v26;
	v33 =	vsub.f32 $1.500000000e+00, v41;
	v41 =	vmul.f32 v38, v27;
	v52 =	vld [tilespmem:s9+$0x10]  }
0xfa: {  	v35 =	vmul.f32 v43, v43;
	v27 =	vsub.f32 v46, v43;
	v26 =	vsub.f32 v37, v43;
	v40 =	vld [tilespmem:s9+$0x20]  }
.Ltmp2:
0xfb: {  	s13 =	sadd.s32 $0x1, s1;
	v37 =	vsub.f32 v42, v43;
	v43 =	vsub.f32 v44, v43;
	v47 =	vmul.f32 v36, v33;
	v48 =	vld [tilespmem:s9+$0x30];
	(pc) =	sbr.rel @p2 .LBB2_6-.Ltmp2, $4  }
0xfc: {  	v33 =	vmov s13;
	v36 =	vmul.f32 $6.400000000e+01, v35;
	v35 =	vmul.f32 v38, v25;
	v42 =	vld [tilespmem:s9+$0xFFFFFFD0]  }
0xfd: {  	v49 =	vand.u32 $0xFF, v33;
	v33 =	vmul.f32 v38, v21;
	v25 =	vmovc v37;
	v21 =	vmovc v43;
	v53 =	vmul.f32 v47, v39;
	v44 =	vld [tilespmem:s9+$0xFFFFFFE0]  }
0xfe: {  	v37 =	vadd.s32 v1, v49;
	v43 =	vsub.f32 v51, v36;
	v36 =	vmul.f32 v41, v8;
	v45 =	vld [tilespmem:s9+$0xFFFFFFF0]  }
0xff: {  	s12 =	sadd.s32 $0x2, s12;
	v39 =	vadd.f32 v50, v19;
	v38 =	vadd.f32 v52, v18;
	v50 =	vmul.f32 v53, v47;
	v46 =	vld [tilespmem:s9+$0xFFFFFFC0]  }
0x100: {  	v41 =	vadd.f32 v40, v16;
	v40 =	vadd.f32 v48, v17;
	_ =	sdelay $0x1  }
0x101: {  	v61 =	vadd.f32 v38, v39;
	v51 =	vadd.f32 v40, v41  }
0x102: {  	v23 =	vsub.f32 v23, v32;
	v24 =	vsub.f32 v24, v32  }
0x103: {  	v52 =	vmul.f32 v39, v39;
	v62 =	vmul.f32 v38, v38;
	v48 =	vadd.f32 v51, v61  }
0x104: {  	v22 =	vsub.f32 v22, v32;
	v53 =	vmul.f32 v41, v41;
	v54 =	vmul.f32 v40, v40  }
0x105: {  	v20 =	vsub.f32 v20, v32;
	v43 =	vadd.f32 $6.399999970e-11, v43;
	v55 =	vperm.xlane v48, v0  }
0x106: {  	v51 =	vadd.f32 v62, v52;
	v53 =	vadd.f32 v54, v53  }
0x107: {  	v50 =	vsub.f32 $1.500000000e+00, v50;
	v48 =	vadd.f32 v48, v55  }
0x108: {  	v34 =	vmul.f32 v34, v9;
	v42 =	vadd.f32 v42, v18;
	v51 =	vadd.f32 v53, v51  }
0x109: {  	v18 =	vadd.f32 v44, v16;
	v16 =	vadd.f32 v45, v17;
	v63 =	vperm.xlane v48, v2  }
0x10a: {  	v35 =	vmul.f32 v35, v12;
	v19 =	vadd.f32 v46, v19;
	v55 =	vperm.xlane v51, v0  }
0x10b: {  	v47 =	vmul.f32 v50, v47;
	v58 =	vadd.f32 v16, v18;
	v53 =	vadd.f32 v48, v63  }
0x10c: {  	v61 =	vmul.f32 v42, v42;
	v57 =	vadd.f32 v42, v19;
	v56 =	vadd.f32 v55, v51  }
0x10d: {  	v36 =	vadd.f32 v36, v10;
	v17 =	vmul.f32 v47, v24;
	v24 =	vperm.xlane v53, v3  }
0x10e: {  	v62 =	vmul.f32 v18, v18;
	v45 =	vadd.f32 v58, v57;
	v59 =	vperm.xlane v56, v2  }
0x10f: {  	v60 =	vmul.f32 v19, v19;
	v55 =	vmul.f32 v16, v16;
	v24 =	vadd.f32 v53, v24  }
0x110: {  	v33 =	vmul.f32 v33, v13;
	v44 =	vadd.f32 v59, v56;
	v56 =	vperm.xlane v45, v0  }
0x111: {  	v50 =	vadd.f32 v61, v60;
	v32 =	vadd.f32 v55, v62;
	v63 =	vperm.xlane v24, v4  }
0x112: {  	v34 =	vadd.f32 v34, v11;
	v23 =	vmul.f32 v47, v23;
	v45 =	vadd.f32 v45, v56  }
0x113: {  	v32 =	vadd.f32 v32, v50;
	v57 =	vperm.xlane v44, v3;
	v24 =	vadd.f32 v24, v63  }
0x114: {  	v33 =	vadd.f32 v33, v15;
	v22 =	vmul.f32 v47, v22;
	v46 =	vperm.xlane v45, v2  }
0x115: {  	v61 =	vperm.xlane v32, v0;
	v44 =	vadd.f32 v57, v44;
	v24 =	vmul.f32 $1.562500000e-02, v24  }
0x116: {  	v20 =	vmul.f32 v47, v20;
	v60 =	vshra.s32 v43, $0x1;
	v45 =	vadd.f32 v45, v46  }
0x117: {  	v32 =	vadd.f32 v61, v32;
	v58 =	vperm.xlane v44, v4;
	v59 =	vmul.f32 v24, v24  }
0x118: {  	v43 =	vmul.f32 $7.812500000e-03, v43;
	v63 =	vsub.s32 $0x60B759DF, v60;
	v55 =	vperm.xlane v45, v3  }
0x119: {  	v56 =	vperm.xlane v32, v2;
	v44 =	vadd.f32 v58, v44;
	v62 =	vmul.f32 $6.400000000e+01, v59  }
0x11a: {  	v23 =	vmul.f32 v23, v8;
	v50 =	vmul.f32 v63, v43;
	v45 =	vadd.f32 v45, v55  }
0x11b: {  	v17 =	vmul.f32 v17, v9;
	v32 =	vadd.f32 v56, v32;
	v44 =	vsub.f32 v44, v62  }
0x11c: {  	v52 =	vadd.s32 v5, v49;
	v57 =	vmul.f32 v63, v50;
	v58 =	vperm.xlane v45, v4  }
0x11d: {  	v22 =	vmul.f32 v22, v12;
	v60 =	vperm.xlane v32, v3;
	v44 =	vadd.f32 $6.399999970e-11, v44  }
0x11e: {  	v20 =	vmul.f32 v20, v13;
	v48 =	vsub.f32 $1.500000000e+00, v57;
	v45 =	vadd.f32 v45, v58  }
0x11f: {  	v32 =	vadd.f32 v60, v32;
	v59 =	vshra.s32 v44, $0x1;
	v44 =	vmul.f32 $7.812500000e-03, v44  }
0x120: {  	v61 =	vmul.f32 v63, v48;
	v45 =	vmul.f32 $1.562500000e-02, v45;
	v50 =	vsub.s32 $0x60B759DF, v59  }
0x121: {  	v54 =	vadd.s32 v6, v49;
	v63 =	vperm.xlane v32, v4;
	v62 =	vmul.f32 v50, v44  }
0x122: {  	v23 =	vadd.f32 v23, v10;
	v43 =	vmul.f32 v61, v43;
	v55 =	vmul.f32 v45, v45  }
0x123: {  	v17 =	vadd.f32 v17, v11;
	v22 =	vadd.f32 v22, v14;
	v47 =	vmul.f32 v50, v62  }
0x124: {  	v32 =	vadd.f32 v63, v32;
	v43 =	vmul.f32 v43, v61;
	v56 =	vmul.f32 $6.400000000e+01, v55  }
0x125: {  	[tilespmem:v31+s31+$0x0] =	vst.idx.msk $0xffff, v36;
	v49 =	vadd.s32 v7, v49;
	v20 =	vadd.f32 v20, v15;
	v47 =	vsub.f32 $1.500000000e+00, v47  }
0x126: {  	[tilespmem:v30+s31+$0x0] =	vst.idx.msk $0xffff, v34;
	v59 =	vsub.f32 $1.500000000e+00, v43;
	v32 =	vsub.f32 v32, v56  }
0x127: {  	[tilespmem:v37+s31+$0x0] =	vst.idx.msk $0xffff, v23;
	v23 =	vadd.f32 v35, v14;
	v57 =	vmov s1;
	v58 =	vmul.f32 v50, v47  }
0x128: {  	s13 =	sadd.s32 $0x1, s0;
	[tilespmem:v52+s31+$0x0] =	vst.idx.msk $0xffff, v17;
	v17 =	vand.u32 $0xFE, v57;
	v35 =	vmul.f32 v59, v61;
	v32 =	vadd.f32 $6.399999970e-11, v32  }
0x129: {  	v30 =	vmov s13;
	[tilespmem:v54+s31+$0x0] =	vst.idx.msk $0xffff, v22;
	v60 =	vadd.s32 v1, v17;
	v44 =	vmul.f32 v58, v44  }
0x12a: {  	[tilespmem:v49+s31+$0x0] =	vst.idx.msk $0xffff, v20;
	v20 =	vmul.f32 v35, v27;
	v27 =	vshra.s32 v32, $0x1;
	v32 =	vmul.f32 $7.812500000e-03, v32  }
0x12b: {  	v48 =	vsub.f32 v41, v24;
	v27 =	vsub.s32 $0x60B759DF, v27;
	v44 =	vmul.f32 v44, v58  }
0x12c: {  	v19 =	vsub.f32 v19, v45;
	v18 =	vsub.f32 v18, v45;
	v63 =	vmul.f32 v27, v32  }
0x12d: {  	[tilespmem:v29+s31+$0x0] =	vst.idx.msk $0xffff, v23;
	v22 =	vadd.s32 v5, v17;
	v16 =	vsub.f32 v16, v45;
	v31 =	vsub.f32 $1.500000000e+00, v44  }
0x12e: {  	v61 =	vadd.s32 v6, v17;
	v26 =	vmul.f32 v35, v26;
	v29 =	vmul.f32 v27, v63  }
0x12f: {  	v23 =	vmul.f32 v35, v25;
	v44 =	vsub.f32 v39, v24;
	v31 =	vmul.f32 v31, v58  }
0x130: {  	[tilespmem:v28+s31+$0x0] =	vst.idx.msk $0xffff, v33;
	v25 =	vand.u32 $0xFF, v30;
	v47 =	vsub.f32 v38, v24;
	v29 =	vsub.f32 $1.500000000e+00, v29  }
0x131: {  	v30 =	vadd.s32 v1, v25;
	v28 =	vadd.s32 v5, v25;
	v34 =	vmul.f32 v31, v44  }
0x132: {  	v24 =	vsub.f32 v40, v24;
	v27 =	vmul.f32 v27, v29;
	v37 =	vmul.f32 v31, v47  }
0x133: {  	v49 =	vadd.s32 v6, v25;
	v33 =	vmul.f32 v31, v48;
	v34 =	vmul.f32 v34, v8  }
0x134: {  	v25 =	vadd.s32 v7, v25;
	v24 =	vmul.f32 v31, v24;
	v29 =	vmul.f32 v37, v9  }
0x135: {  	v32 =	vmul.f32 v27, v32;
	v33 =	vmul.f32 v33, v12;
	v31 =	vadd.f32 v34, v10  }
0x136: {  	v20 =	vmul.f32 v20, v8;
	v24 =	vmul.f32 v24, v13;
	v29 =	vadd.f32 v29, v11  }
0x137: {  	[tilespmem:v30+s31+$0x0] =	vst.idx.msk $0xffff, v31;
	v30 =	vadd.f32 v33, v14;
	v31 =	vmul.f32 v32, v27  }
0x138: {  	v26 =	vmul.f32 v26, v9;
	v24 =	vadd.f32 v24, v15;
	[tilespmem:v28+s31+$0x0] =	vst.idx.msk $0xffff, v29  }
0x139: {  	v23 =	vmul.f32 v23, v12;
	v20 =	vadd.f32 v20, v10;
	[tilespmem:v49+s31+$0x0] =	vst.idx.msk $0xffff, v30;
	v28 =	vsub.f32 $1.500000000e+00, v31  }
0x13a: {  	v21 =	vmul.f32 v35, v21;
	[tilespmem:v25+s31+$0x0] =	vst.idx.msk $0xffff, v24;
	v24 =	vadd.f32 v26, v11  }
0x13b: {  	[tilespmem:v60+s31+$0x0] =	vst.idx.msk $0xffff, v20;
	v20 =	vadd.f32 v23, v14;
	v23 =	vmul.f32 v28, v27  }
0x13c: {  	v62 =	vsub.f32 v42, v45;
	v21 =	vmul.f32 v21, v13;
	[tilespmem:v22+s31+$0x0] =	vst.idx.msk $0xffff, v24;
	v22 =	vmov s0  }
0x13d: {  	v17 =	vadd.s32 v7, v17;
	[tilespmem:v61+s31+$0x0] =	vst.idx.msk $0xffff, v20;
	v20 =	vand.u32 $0xFE, v22;
	v19 =	vmul.f32 v23, v19  }
0x13e: {  	v21 =	vadd.f32 v21, v15;
	v24 =	vmul.f32 v23, v62;
	v22 =	vadd.s32 v1, v20  }
0x13f: {  	v18 =	vmul.f32 v23, v18;
	v25 =	vadd.s32 v5, v20;
	v8 =	vmul.f32 v19, v8  }
0x140: {  	v16 =	vmul.f32 v23, v16;
	v19 =	vadd.s32 v6, v20;
	v9 =	vmul.f32 v24, v9  }
0x141: {  	v20 =	vadd.s32 v7, v20;
	v12 =	vmul.f32 v18, v12;
	v8 =	vadd.f32 v8, v10  }
0x142: {  	s2 =	sshll.u32 s2, $0x3;
	[tilespmem:v17+s31+$0x0] =	vst.idx.msk $0xffff, v21;
	v9 =	vadd.f32 v9, v11;
	v10 =	vmul.f32 v16, v13  }
0x143: {  	s9 =	sshll.u32 s25, $0x12;
	s0 =	sand.u32 $0x7000, s2;
	[tilespmem:v22+s31+$0x0] =	vst.idx.msk $0xffff, v8;
	v8 =	vadd.f32 v12, v14  }
0x144: {  	s0 =	sor.u32 s0, s9;
	[tilespmem:v25+s31+$0x0] =	vst.idx.msk $0xffff, v9;
	v9 =	vadd.f32 v10, v15  }
0x145: {  	s0 =	sshrl.u32 s0, $0x3;
	[tilespmem:v19+s31+$0x0] =	vst.idx.msk $0xffff, v8  }
0x146: {  	s1 =	sadd.s32 s4, s0;
	[tilespmem:v20+s31+$0x0] =	vst.idx.msk $0xffff, v9  }
0x147: {  	[hbm4b:s1+s5] =	stream.linear.scatter [tilespmem:s31], [sflag:$0x5], $0x80, $0x38;
	[tilespmem:$0x13880] =	vst v63  }
0x148: {  	s9 =	simm.s32 $0x8308;
	s12 =	sadd.s32 $0x10, s1  }
0x149: {  	[hbm4b:s12+s5] =	stream.linear.scatter [tilespmem:s9], [sflag:$0x5], $0x80, $0x38;
	[tilespmem:$0x13880] =	vst v63  }
0x14a: {  	s25 =	simm.s32 $0x8410;
	s13 =	sadd.s32 $0x20, s1  }
0x14b: {  	[hbm4b:s13+s5] =	stream.linear.scatter [tilespmem:s25], [sflag:$0x5], $0x80, $0x38;
	[tilespmem:$0x13880] =	vst v63  }
0x14c: {  	s9 =	sadd.s32 $0x30, s1;
	s12 =	simm.s32 $0x8518  }
0x14d: {  	[hbm4b:s9+s5] =	stream.linear.scatter [tilespmem:s12], [sflag:$0x5], $0x80, $0x38;
	[tilespmem:$0x13880] =	vst v63  }
0x14e: {  	s13 =	sadd.s32 $0x40, s1;
	s25 =	simm.s32 $0x8620  }
0x14f: {  	[hbm4b:s13+s5] =	stream.linear.scatter [tilespmem:s25], [sflag:$0x5], $0x80, $0x38;
	[tilespmem:$0x13880] =	vst v63  }
0x150: {  	s9 =	sadd.s32 $0x50, s1;
	s12 =	simm.s32 $0x8728  }
0x151: {  	[hbm4b:s9+s5] =	stream.linear.scatter [tilespmem:s12], [sflag:$0x5], $0x80, $0x38;
	[tilespmem:$0x13880] =	vst v63  }
0x152: {  	s13 =	sadd.s32 $0x60, s1;
	s25 =	simm.s32 $0x8830  }
0x153: {  	[hbm4b:s13+s5] =	stream.linear.scatter [tilespmem:s25], [sflag:$0x5], $0x80, $0x38;
	[tilespmem:$0x13880] =	vst v63  }
0x154: {  	s1 =	sadd.s32 $0x70, s1;
	s12 =	simm.s32 $0x8938  }
0x155: {  	[hbm4b:s1+s5] =	stream.linear.scatter [tilespmem:s12], [sflag:$0x5], $0x80, $0x38;
	[tilespmem:$0x13880] =	vst v63  }
0x156: {  	s1 =	sor.u32 $0x80, s0  }
0x157: {  	s13 =	simm.s32 $0x8280;
	s2 =	sadd.s32 s4, s1  }
0x158: {  	[hbm4b:s2+s5] =	stream.linear.scatter [tilespmem:s13], [sflag:$0x5], $0x80, $0x38;
	[tilespmem:$0x13880] =	vst v63  }
0x159: {  	s12 =	simm.s32 $0x8388;
	s25 =	sadd.s32 $0x10, s2  }
0x15a: {  	[hbm4b:s25+s5] =	stream.linear.scatter [tilespmem:s12], [sflag:$0x5], $0x80, $0x38;
	[tilespmem:$0x13880] =	vst v63  }
0x15b: {  	s13 =	sadd.s32 $0x20, s2;
	s25 =	simm.s32 $0x8490  }
0x15c: {  	[hbm4b:s13+s5] =	stream.linear.scatter [tilespmem:s25], [sflag:$0x5], $0x80, $0x38;
	[tilespmem:$0x13880] =	vst v63  }
0x15d: {  	s13 =	sadd.s32 $0x30, s2;
	s25 =	simm.s32 $0x8598  }
0x15e: {  	[hbm4b:s13+s5] =	stream.linear.scatter [tilespmem:s25], [sflag:$0x5], $0x80, $0x38;
	[tilespmem:$0x13880] =	vst v63  }
0x15f: {  	s13 =	sadd.s32 $0x40, s2;
	s25 =	simm.s32 $0x86A0  }
0x160: {  	[hbm4b:s13+s5] =	stream.linear.scatter [tilespmem:s25], [sflag:$0x5], $0x80, $0x38;
	[tilespmem:$0x13880] =	vst v63  }
0x161: {  	s13 =	sadd.s32 $0x50, s2;
	s25 =	simm.s32 $0x87A8  }
0x162: {  	[hbm4b:s13+s5] =	stream.linear.scatter [tilespmem:s25], [sflag:$0x5], $0x80, $0x38;
	[tilespmem:$0x13880] =	vst v63  }
0x163: {  	s12 =	sadd.s32 $0x60, s2;
	s13 =	simm.s32 $0x88B0  }
0x164: {  	[hbm4b:s12+s5] =	stream.linear.scatter [tilespmem:s13], [sflag:$0x5], $0x80, $0x38;
	[tilespmem:$0x13880] =	vst v63  }
0x165: {  	s2 =	sadd.s32 $0x70, s2;
	s25 =	simm.s32 $0x89B8  }
0x166: {  	[hbm4b:s2+s5] =	stream.linear.scatter [tilespmem:s25], [sflag:$0x5], $0x80, $0x38;
	[tilespmem:$0x13880] =	vst v63  }
0x167: {  	s12 =	simm.s32 $0x8A40;
	s2 =	sadd.s32 s0, s16  }
0x168: {  	[hbm4b:s2+s5] =	stream.linear.scatter [tilespmem:s12], [sflag:$0x5], $0x80, $0x38;
	[tilespmem:$0x13880] =	vst v63  }
0x169: {  	s25 =	simm.s32 $0x8B48;
	s13 =	sadd.s32 $0x10, s2  }
0x16a: {  	[hbm4b:s13+s5] =	stream.linear.scatter [tilespmem:s25], [sflag:$0x5], $0x80, $0x38;
	[tilespmem:$0x13880] =	vst v63  }
0x16b: {  	s13 =	sadd.s32 $0x20, s2;
	s25 =	simm.s32 $0x8C50  }
0x16c: {  	[hbm4b:s13+s5] =	stream.linear.scatter [tilespmem:s25], [sflag:$0x5], $0x80, $0x38;
	[tilespmem:$0x13880] =	vst v63  }
0x16d: {  	s13 =	sadd.s32 $0x30, s2;
	s25 =	simm.s32 $0x8D58  }
0x16e: {  	[hbm4b:s13+s5] =	stream.linear.scatter [tilespmem:s25], [sflag:$0x5], $0x80, $0x38;
	[tilespmem:$0x13880] =	vst v63  }
0x16f: {  	s13 =	sadd.s32 $0x40, s2;
	s25 =	simm.s32 $0x8E60  }
0x170: {  	[hbm4b:s13+s5] =	stream.linear.scatter [tilespmem:s25], [sflag:$0x5], $0x80, $0x38;
	[tilespmem:$0x13880] =	vst v63  }
0x171: {  	s13 =	sadd.s32 $0x50, s2;
	s25 =	simm.s32 $0x8F68  }
0x172: {  	[hbm4b:s13+s5] =	stream.linear.scatter [tilespmem:s25], [sflag:$0x5], $0x80, $0x38;
	[tilespmem:$0x13880] =	vst v63  }
0x173: {  	s12 =	sadd.s32 $0x60, s2;
	s13 =	simm.s32 $0x9070  }
0x174: {  	[hbm4b:s12+s5] =	stream.linear.scatter [tilespmem:s13], [sflag:$0x5], $0x80, $0x38;
	[tilespmem:$0x13880] =	vst v63  }
0x175: {  	s2 =	sadd.s32 $0x70, s2;
	s25 =	simm.s32 $0x9178  }
0x176: {  	[hbm4b:s2+s5] =	stream.linear.scatter [tilespmem:s25], [sflag:$0x5], $0x80, $0x38;
	[tilespmem:$0x13880] =	vst v63  }
0x177: {  	s12 =	simm.s32 $0x8AC0;
	s2 =	sadd.s32 s1, s16  }
0x178: {  	[hbm4b:s2+s5] =	stream.linear.scatter [tilespmem:s12], [sflag:$0x5], $0x80, $0x38;
	[tilespmem:$0x13880] =	vst v63  }
0x179: {  	s25 =	simm.s32 $0x8BC8;
	s13 =	sadd.s32 $0x10, s2  }
0x17a: {  	[hbm4b:s13+s5] =	stream.linear.scatter [tilespmem:s25], [sflag:$0x5], $0x80, $0x38;
	[tilespmem:$0x13880] =	vst v63  }
0x17b: {  	s13 =	sadd.s32 $0x20, s2;
	s25 =	simm.s32 $0x8CD0  }
0x17c: {  	[hbm4b:s13+s5] =	stream.linear.scatter [tilespmem:s25], [sflag:$0x5], $0x80, $0x38;
	[tilespmem:$0x13880] =	vst v63  }
0x17d: {  	s13 =	sadd.s32 $0x30, s2;
	s25 =	simm.s32 $0x8DD8  }
0x17e: {  	[hbm4b:s13+s5] =	stream.linear.scatter [tilespmem:s25], [sflag:$0x5], $0x80, $0x38;
	[tilespmem:$0x13880] =	vst v63  }
0x17f: {  	s13 =	sadd.s32 $0x40, s2;
	s25 =	simm.s32 $0x8EE0  }
0x180: {  	[hbm4b:s13+s5] =	stream.linear.scatter [tilespmem:s25], [sflag:$0x5], $0x80, $0x38;
	[tilespmem:$0x13880] =	vst v63  }
0x181: {  	s13 =	sadd.s32 $0x50, s2;
	s25 =	simm.s32 $0x8FE8  }
0x182: {  	[hbm4b:s13+s5] =	stream.linear.scatter [tilespmem:s25], [sflag:$0x5], $0x80, $0x38;
	[tilespmem:$0x13880] =	vst v63  }
0x183: {  	s12 =	sadd.s32 $0x60, s2;
	s13 =	simm.s32 $0x90F0  }
0x184: {  	[hbm4b:s12+s5] =	stream.linear.scatter [tilespmem:s13], [sflag:$0x5], $0x80, $0x38;
	[tilespmem:$0x13880] =	vst v63  }
0x185: {  	s2 =	sadd.s32 $0x70, s2;
	s25 =	simm.s32 $0x91F8  }
0x186: {  	[hbm4b:s2+s5] =	stream.linear.scatter [tilespmem:s25], [sflag:$0x5], $0x80, $0x38;
	[tilespmem:$0x13880] =	vst v63  }
0x187: {  	s12 =	simm.s32 $0x9280;
	s2 =	sadd.s32 s0, s17  }
0x188: {  	[hbm4b:s2+s5] =	stream.linear.scatter [tilespmem:s12], [sflag:$0x5], $0x80, $0x38;
	[tilespmem:$0x13880] =	vst v63  }
0x189: {  	s25 =	simm.s32 $0x9388;
	s13 =	sadd.s32 $0x10, s2  }
0x18a: {  	[hbm4b:s13+s5] =	stream.linear.scatter [tilespmem:s25], [sflag:$0x5], $0x80, $0x38;
	[tilespmem:$0x13880] =	vst v63  }
0x18b: {  	s13 =	sadd.s32 $0x20, s2;
	s25 =	simm.s32 $0x9490  }
0x18c: {  	[hbm4b:s13+s5] =	stream.linear.scatter [tilespmem:s25], [sflag:$0x5], $0x80, $0x38;
	[tilespmem:$0x13880] =	vst v63  }
0x18d: {  	s13 =	sadd.s32 $0x30, s2;
	s25 =	simm.s32 $0x9598  }
0x18e: {  	[hbm4b:s13+s5] =	stream.linear.scatter [tilespmem:s25], [sflag:$0x5], $0x80, $0x38;
	[tilespmem:$0x13880] =	vst v63  }
0x18f: {  	s13 =	sadd.s32 $0x40, s2;
	s25 =	simm.s32 $0x96A0  }
0x190: {  	[hbm4b:s13+s5] =	stream.linear.scatter [tilespmem:s25], [sflag:$0x5], $0x80, $0x38;
	[tilespmem:$0x13880] =	vst v63  }
0x191: {  	s13 =	sadd.s32 $0x50, s2;
	s25 =	simm.s32 $0x97A8  }
0x192: {  	[hbm4b:s13+s5] =	stream.linear.scatter [tilespmem:s25], [sflag:$0x5], $0x80, $0x38;
	[tilespmem:$0x13880] =	vst v63  }
0x193: {  	s12 =	sadd.s32 $0x60, s2;
	s13 =	simm.s32 $0x98B0  }
0x194: {  	[hbm4b:s12+s5] =	stream.linear.scatter [tilespmem:s13], [sflag:$0x5], $0x80, $0x38;
	[tilespmem:$0x13880] =	vst v63  }
0x195: {  	s2 =	sadd.s32 $0x70, s2;
	s25 =	simm.s32 $0x99B8  }
0x196: {  	[hbm4b:s2+s5] =	stream.linear.scatter [tilespmem:s25], [sflag:$0x5], $0x80, $0x38;
	[tilespmem:$0x13880] =	vst v63  }
0x197: {  	s12 =	simm.s32 $0x9300;
	s2 =	sadd.s32 s1, s17  }
0x198: {  	[hbm4b:s2+s5] =	stream.linear.scatter [tilespmem:s12], [sflag:$0x5], $0x80, $0x38;
	[tilespmem:$0x13880] =	vst v63  }
0x199: {  	s25 =	simm.s32 $0x9408;
	s13 =	sadd.s32 $0x10, s2  }
0x19a: {  	[hbm4b:s13+s5] =	stream.linear.scatter [tilespmem:s25], [sflag:$0x5], $0x80, $0x38;
	[tilespmem:$0x13880] =	vst v63  }
0x19b: {  	s13 =	sadd.s32 $0x20, s2;
	s25 =	simm.s32 $0x9510  }
0x19c: {  	[hbm4b:s13+s5] =	stream.linear.scatter [tilespmem:s25], [sflag:$0x5], $0x80, $0x38;
	[tilespmem:$0x13880] =	vst v63  }
0x19d: {  	s13 =	sadd.s32 $0x30, s2;
	s25 =	simm.s32 $0x9618  }
0x19e: {  	[hbm4b:s13+s5] =	stream.linear.scatter [tilespmem:s25], [sflag:$0x5], $0x80, $0x38;
	[tilespmem:$0x13880] =	vst v63  }
0x19f: {  	s13 =	sadd.s32 $0x40, s2;
	s25 =	simm.s32 $0x9720  }
0x1a0: {  	[hbm4b:s13+s5] =	stream.linear.scatter [tilespmem:s25], [sflag:$0x5], $0x80, $0x38;
	[tilespmem:$0x13880] =	vst v63  }
0x1a1: {  	s13 =	sadd.s32 $0x50, s2;
	s25 =	simm.s32 $0x9828  }
0x1a2: {  	[hbm4b:s13+s5] =	stream.linear.scatter [tilespmem:s25], [sflag:$0x5], $0x80, $0x38;
	[tilespmem:$0x13880] =	vst v63  }
0x1a3: {  	s12 =	sadd.s32 $0x60, s2;
	s13 =	simm.s32 $0x9930  }
0x1a4: {  	[hbm4b:s12+s5] =	stream.linear.scatter [tilespmem:s13], [sflag:$0x5], $0x80, $0x38;
	[tilespmem:$0x13880] =	vst v63  }
0x1a5: {  	s2 =	sadd.s32 $0x70, s2;
	s25 =	simm.s32 $0x9A38  }
0x1a6: {  	[hbm4b:s2+s5] =	stream.linear.scatter [tilespmem:s25], [sflag:$0x5], $0x80, $0x38;
	[tilespmem:$0x13880] =	vst v63  }
0x1a7: {  	s12 =	simm.s32 $0x9AC0;
	s2 =	sadd.s32 s0, s18  }
0x1a8: {  	[hbm4b:s2+s5] =	stream.linear.scatter [tilespmem:s12], [sflag:$0x5], $0x80, $0x38;
	[tilespmem:$0x13880] =	vst v63  }
0x1a9: {  	s25 =	simm.s32 $0x9BC8;
	s13 =	sadd.s32 $0x10, s2  }
0x1aa: {  	[hbm4b:s13+s5] =	stream.linear.scatter [tilespmem:s25], [sflag:$0x5], $0x80, $0x38;
	[tilespmem:$0x13880] =	vst v63  }
0x1ab: {  	s13 =	sadd.s32 $0x20, s2;
	s25 =	simm.s32 $0x9CD0  }
0x1ac: {  	[hbm4b:s13+s5] =	stream.linear.scatter [tilespmem:s25], [sflag:$0x5], $0x80, $0x38;
	[tilespmem:$0x13880] =	vst v63  }
0x1ad: {  	s13 =	sadd.s32 $0x30, s2;
	s25 =	simm.s32 $0x9DD8  }
0x1ae: {  	[hbm4b:s13+s5] =	stream.linear.scatter [tilespmem:s25], [sflag:$0x5], $0x80, $0x38;
	[tilespmem:$0x13880] =	vst v63  }
0x1af: {  	s13 =	sadd.s32 $0x40, s2;
	s25 =	simm.s32 $0x9EE0  }
0x1b0: {  	[hbm4b:s13+s5] =	stream.linear.scatter [tilespmem:s25], [sflag:$0x5], $0x80, $0x38;
	[tilespmem:$0x13880] =	vst v63  }
0x1b1: {  	s13 =	sadd.s32 $0x50, s2;
	s25 =	simm.s32 $0x9FE8  }
0x1b2: {  	[hbm4b:s13+s5] =	stream.linear.scatter [tilespmem:s25], [sflag:$0x5], $0x80, $0x38;
	[tilespmem:$0x13880] =	vst v63  }
0x1b3: {  	s12 =	sadd.s32 $0x60, s2;
	s13 =	simm.s32 $0xA0F0  }
0x1b4: {  	[hbm4b:s12+s5] =	stream.linear.scatter [tilespmem:s13], [sflag:$0x5], $0x80, $0x38;
	[tilespmem:$0x13880] =	vst v63  }
0x1b5: {  	s2 =	sadd.s32 $0x70, s2;
	s25 =	simm.s32 $0xA1F8  }
0x1b6: {  	[hbm4b:s2+s5] =	stream.linear.scatter [tilespmem:s25], [sflag:$0x5], $0x80, $0x38;
	[tilespmem:$0x13880] =	vst v63  }
0x1b7: {  	s12 =	simm.s32 $0x9B40;
	s2 =	sadd.s32 s1, s18  }
0x1b8: {  	[hbm4b:s2+s5] =	stream.linear.scatter [tilespmem:s12], [sflag:$0x5], $0x80, $0x38;
	[tilespmem:$0x13880] =	vst v63  }
0x1b9: {  	s25 =	simm.s32 $0x9C48;
	s13 =	sadd.s32 $0x10, s2  }
0x1ba: {  	[hbm4b:s13+s5] =	stream.linear.scatter [tilespmem:s25], [sflag:$0x5], $0x80, $0x38;
	[tilespmem:$0x13880] =	vst v63  }
0x1bb: {  	s13 =	sadd.s32 $0x20, s2;
	s25 =	simm.s32 $0x9D50  }
0x1bc: {  	[hbm4b:s13+s5] =	stream.linear.scatter [tilespmem:s25], [sflag:$0x5], $0x80, $0x38;
	[tilespmem:$0x13880] =	vst v63  }
0x1bd: {  	s13 =	sadd.s32 $0x30, s2;
	s25 =	simm.s32 $0x9E58  }
0x1be: {  	[hbm4b:s13+s5] =	stream.linear.scatter [tilespmem:s25], [sflag:$0x5], $0x80, $0x38;
	[tilespmem:$0x13880] =	vst v63  }
0x1bf: {  	s13 =	sadd.s32 $0x40, s2;
	s25 =	simm.s32 $0x9F60  }
0x1c0: {  	[hbm4b:s13+s5] =	stream.linear.scatter [tilespmem:s25], [sflag:$0x5], $0x80, $0x38;
	[tilespmem:$0x13880] =	vst v63  }
0x1c1: {  	s13 =	sadd.s32 $0x50, s2;
	s25 =	simm.s32 $0xA068  }
0x1c2: {  	[hbm4b:s13+s5] =	stream.linear.scatter [tilespmem:s25], [sflag:$0x5], $0x80, $0x38;
	[tilespmem:$0x13880] =	vst v63  }
0x1c3: {  	s12 =	sadd.s32 $0x60, s2;
	s13 =	simm.s32 $0xA170  }
0x1c4: {  	[hbm4b:s12+s5] =	stream.linear.scatter [tilespmem:s13], [sflag:$0x5], $0x80, $0x38;
	[tilespmem:$0x13880] =	vst v63  }
0x1c5: {  	s2 =	sadd.s32 $0x70, s2;
	s25 =	simm.s32 $0xA278  }
0x1c6: {  	[hbm4b:s2+s5] =	stream.linear.scatter [tilespmem:s25], [sflag:$0x5], $0x80, $0x38;
	[tilespmem:$0x13880] =	vst v63  }
0x1c7: {  	s12 =	simm.s32 $0xA300;
	s2 =	sadd.s32 s0, s19  }
0x1c8: {  	[hbm4b:s2+s5] =	stream.linear.scatter [tilespmem:s12], [sflag:$0x5], $0x80, $0x38;
	[tilespmem:$0x13880] =	vst v63  }
0x1c9: {  	s25 =	simm.s32 $0xA408;
	s13 =	sadd.s32 $0x10, s2  }
0x1ca: {  	[hbm4b:s13+s5] =	stream.linear.scatter [tilespmem:s25], [sflag:$0x5], $0x80, $0x38;
	[tilespmem:$0x13880] =	vst v63  }
0x1cb: {  	s13 =	sadd.s32 $0x20, s2;
	s25 =	simm.s32 $0xA510  }
0x1cc: {  	[hbm4b:s13+s5] =	stream.linear.scatter [tilespmem:s25], [sflag:$0x5], $0x80, $0x38;
	[tilespmem:$0x13880] =	vst v63  }
0x1cd: {  	s13 =	sadd.s32 $0x30, s2;
	s25 =	simm.s32 $0xA618  }
0x1ce: {  	[hbm4b:s13+s5] =	stream.linear.scatter [tilespmem:s25], [sflag:$0x5], $0x80, $0x38;
	[tilespmem:$0x13880] =	vst v63  }
0x1cf: {  	s13 =	sadd.s32 $0x40, s2;
	s25 =	simm.s32 $0xA720  }
0x1d0: {  	[hbm4b:s13+s5] =	stream.linear.scatter [tilespmem:s25], [sflag:$0x5], $0x80, $0x38;
	[tilespmem:$0x13880] =	vst v63  }
0x1d1: {  	s13 =	sadd.s32 $0x50, s2;
	s25 =	simm.s32 $0xA828  }
0x1d2: {  	[hbm4b:s13+s5] =	stream.linear.scatter [tilespmem:s25], [sflag:$0x5], $0x80, $0x38;
	[tilespmem:$0x13880] =	vst v63  }
0x1d3: {  	s12 =	sadd.s32 $0x60, s2;
	s13 =	simm.s32 $0xA930  }
0x1d4: {  	[hbm4b:s12+s5] =	stream.linear.scatter [tilespmem:s13], [sflag:$0x5], $0x80, $0x38;
	[tilespmem:$0x13880] =	vst v63  }
0x1d5: {  	s2 =	sadd.s32 $0x70, s2;
	s25 =	simm.s32 $0xAA38  }
0x1d6: {  	[hbm4b:s2+s5] =	stream.linear.scatter [tilespmem:s25], [sflag:$0x5], $0x80, $0x38;
	[tilespmem:$0x13880] =	vst v63  }
0x1d7: {  	s12 =	simm.s32 $0xA380;
	s2 =	sadd.s32 s1, s19  }
0x1d8: {  	[hbm4b:s2+s5] =	stream.linear.scatter [tilespmem:s12], [sflag:$0x5], $0x80, $0x38;
	[tilespmem:$0x13880] =	vst v63  }
0x1d9: {  	s25 =	simm.s32 $0xA488;
	s13 =	sadd.s32 $0x10, s2  }
0x1da: {  	[hbm4b:s13+s5] =	stream.linear.scatter [tilespmem:s25], [sflag:$0x5], $0x80, $0x38;
	[tilespmem:$0x13880] =	vst v63  }
0x1db: {  	s13 =	sadd.s32 $0x20, s2;
	s25 =	simm.s32 $0xA590  }
0x1dc: {  	[hbm4b:s13+s5] =	stream.linear.scatter [tilespmem:s25], [sflag:$0x5], $0x80, $0x38;
	[tilespmem:$0x13880] =	vst v63  }
0x1dd: {  	s13 =	sadd.s32 $0x30, s2;
	s25 =	simm.s32 $0xA698  }
0x1de: {  	[hbm4b:s13+s5] =	stream.linear.scatter [tilespmem:s25], [sflag:$0x5], $0x80, $0x38;
	[tilespmem:$0x13880] =	vst v63  }
0x1df: {  	s13 =	sadd.s32 $0x40, s2;
	s25 =	simm.s32 $0xA7A0  }
0x1e0: {  	[hbm4b:s13+s5] =	stream.linear.scatter [tilespmem:s25], [sflag:$0x5], $0x80, $0x38;
	[tilespmem:$0x13880] =	vst v63  }
0x1e1: {  	s13 =	sadd.s32 $0x50, s2;
	s25 =	simm.s32 $0xA8A8  }
0x1e2: {  	[hbm4b:s13+s5] =	stream.linear.scatter [tilespmem:s25], [sflag:$0x5], $0x80, $0x38;
	[tilespmem:$0x13880] =	vst v63  }
0x1e3: {  	s12 =	sadd.s32 $0x60, s2;
	s13 =	simm.s32 $0xA9B0  }
0x1e4: {  	[hbm4b:s12+s5] =	stream.linear.scatter [tilespmem:s13], [sflag:$0x5], $0x80, $0x38;
	[tilespmem:$0x13880] =	vst v63  }
0x1e5: {  	s2 =	sadd.s32 $0x70, s2;
	s25 =	simm.s32 $0xAAB8  }
0x1e6: {  	[hbm4b:s2+s5] =	stream.linear.scatter [tilespmem:s25], [sflag:$0x5], $0x80, $0x38;
	[tilespmem:$0x13880] =	vst v63  }
0x1e7: {  	s12 =	simm.s32 $0xAB40;
	s2 =	sadd.s32 s0, s20  }
0x1e8: {  	[hbm4b:s2+s5] =	stream.linear.scatter [tilespmem:s12], [sflag:$0x5], $0x80, $0x38;
	[tilespmem:$0x13880] =	vst v63  }
0x1e9: {  	s25 =	simm.s32 $0xAC48;
	s13 =	sadd.s32 $0x10, s2  }
0x1ea: {  	[hbm4b:s13+s5] =	stream.linear.scatter [tilespmem:s25], [sflag:$0x5], $0x80, $0x38;
	[tilespmem:$0x13880] =	vst v63  }
0x1eb: {  	s13 =	sadd.s32 $0x20, s2;
	s25 =	simm.s32 $0xAD50  }
0x1ec: {  	[hbm4b:s13+s5] =	stream.linear.scatter [tilespmem:s25], [sflag:$0x5], $0x80, $0x38;
	[tilespmem:$0x13880] =	vst v63  }
0x1ed: {  	s13 =	sadd.s32 $0x30, s2;
	s25 =	simm.s32 $0xAE58  }
0x1ee: {  	[hbm4b:s13+s5] =	stream.linear.scatter [tilespmem:s25], [sflag:$0x5], $0x80, $0x38;
	[tilespmem:$0x13880] =	vst v63  }
0x1ef: {  	s13 =	sadd.s32 $0x40, s2;
	s25 =	simm.s32 $0xAF60  }
0x1f0: {  	[hbm4b:s13+s5] =	stream.linear.scatter [tilespmem:s25], [sflag:$0x5], $0x80, $0x38;
	[tilespmem:$0x13880] =	vst v63  }
0x1f1: {  	s13 =	sadd.s32 $0x50, s2;
	s25 =	simm.s32 $0xB068  }
0x1f2: {  	[hbm4b:s13+s5] =	stream.linear.scatter [tilespmem:s25], [sflag:$0x5], $0x80, $0x38;
	[tilespmem:$0x13880] =	vst v63  }
0x1f3: {  	s12 =	sadd.s32 $0x60, s2;
	s13 =	simm.s32 $0xB170  }
0x1f4: {  	[hbm4b:s12+s5] =	stream.linear.scatter [tilespmem:s13], [sflag:$0x5], $0x80, $0x38;
	[tilespmem:$0x13880] =	vst v63  }
0x1f5: {  	s2 =	sadd.s32 $0x70, s2;
	s25 =	simm.s32 $0xB278  }
0x1f6: {  	[hbm4b:s2+s5] =	stream.linear.scatter [tilespmem:s25], [sflag:$0x5], $0x80, $0x38;
	[tilespmem:$0x13880] =	vst v63  }
0x1f7: {  	s12 =	simm.s32 $0xABC0;
	s2 =	sadd.s32 s1, s20  }
0x1f8: {  	[hbm4b:s2+s5] =	stream.linear.scatter [tilespmem:s12], [sflag:$0x5], $0x80, $0x38;
	[tilespmem:$0x13880] =	vst v63  }
0x1f9: {  	s25 =	simm.s32 $0xACC8;
	s13 =	sadd.s32 $0x10, s2  }
0x1fa: {  	[hbm4b:s13+s5] =	stream.linear.scatter [tilespmem:s25], [sflag:$0x5], $0x80, $0x38;
	[tilespmem:$0x13880] =	vst v63  }
0x1fb: {  	s13 =	sadd.s32 $0x20, s2;
	s25 =	simm.s32 $0xADD0  }
0x1fc: {  	[hbm4b:s13+s5] =	stream.linear.scatter [tilespmem:s25], [sflag:$0x5], $0x80, $0x38;
	[tilespmem:$0x13880] =	vst v63  }
0x1fd: {  	s13 =	sadd.s32 $0x30, s2;
	s25 =	simm.s32 $0xAED8  }
0x1fe: {  	[hbm4b:s13+s5] =	stream.linear.scatter [tilespmem:s25], [sflag:$0x5], $0x80, $0x38;
	[tilespmem:$0x13880] =	vst v63  }
0x1ff: {  	s13 =	sadd.s32 $0x40, s2;
	s25 =	simm.s32 $0xAFE0  }
0x200: {  	[hbm4b:s13+s5] =	stream.linear.scatter [tilespmem:s25], [sflag:$0x5], $0x80, $0x38;
	[tilespmem:$0x13880] =	vst v63  }
0x201: {  	s13 =	sadd.s32 $0x50, s2;
	s25 =	simm.s32 $0xB0E8  }
0x202: {  	[hbm4b:s13+s5] =	stream.linear.scatter [tilespmem:s25], [sflag:$0x5], $0x80, $0x38;
	[tilespmem:$0x13880] =	vst v63  }
0x203: {  	s12 =	sadd.s32 $0x60, s2;
	s13 =	simm.s32 $0xB1F0  }
0x204: {  	[hbm4b:s12+s5] =	stream.linear.scatter [tilespmem:s13], [sflag:$0x5], $0x80, $0x38;
	[tilespmem:$0x13880] =	vst v63  }
0x205: {  	s2 =	sadd.s32 $0x70, s2;
	s25 =	simm.s32 $0xB2F8  }
0x206: {  	[hbm4b:s2+s5] =	stream.linear.scatter [tilespmem:s25], [sflag:$0x5], $0x80, $0x38;
	[tilespmem:$0x13880] =	vst v63  }
0x207: {  	s12 =	simm.s32 $0xB380;
	s2 =	sadd.s32 s0, s21  }
0x208: {  	[hbm4b:s2+s5] =	stream.linear.scatter [tilespmem:s12], [sflag:$0x5], $0x80, $0x38;
	[tilespmem:$0x13880] =	vst v63  }
0x209: {  	s25 =	simm.s32 $0xB488;
	s13 =	sadd.s32 $0x10, s2  }
0x20a: {  	[hbm4b:s13+s5] =	stream.linear.scatter [tilespmem:s25], [sflag:$0x5], $0x80, $0x38;
	[tilespmem:$0x13880] =	vst v63  }
0x20b: {  	s13 =	sadd.s32 $0x20, s2;
	s25 =	simm.s32 $0xB590  }
0x20c: {  	[hbm4b:s13+s5] =	stream.linear.scatter [tilespmem:s25], [sflag:$0x5], $0x80, $0x38;
	[tilespmem:$0x13880] =	vst v63  }
0x20d: {  	s13 =	sadd.s32 $0x30, s2;
	s25 =	simm.s32 $0xB698  }
0x20e: {  	[hbm4b:s13+s5] =	stream.linear.scatter [tilespmem:s25], [sflag:$0x5], $0x80, $0x38;
	[tilespmem:$0x13880] =	vst v63  }
0x20f: {  	s13 =	sadd.s32 $0x40, s2;
	s25 =	simm.s32 $0xB7A0  }
0x210: {  	[hbm4b:s13+s5] =	stream.linear.scatter [tilespmem:s25], [sflag:$0x5], $0x80, $0x38;
	[tilespmem:$0x13880] =	vst v63  }
0x211: {  	s13 =	sadd.s32 $0x50, s2;
	s25 =	simm.s32 $0xB8A8  }
0x212: {  	[hbm4b:s13+s5] =	stream.linear.scatter [tilespmem:s25], [sflag:$0x5], $0x80, $0x38;
	[tilespmem:$0x13880] =	vst v63  }
0x213: {  	s12 =	sadd.s32 $0x60, s2;
	s13 =	simm.s32 $0xB9B0  }
0x214: {  	[hbm4b:s12+s5] =	stream.linear.scatter [tilespmem:s13], [sflag:$0x5], $0x80, $0x38;
	[tilespmem:$0x13880] =	vst v63  }
0x215: {  	s2 =	sadd.s32 $0x70, s2;
	s25 =	simm.s32 $0xBAB8  }
0x216: {  	[hbm4b:s2+s5] =	stream.linear.scatter [tilespmem:s25], [sflag:$0x5], $0x80, $0x38;
	[tilespmem:$0x13880] =	vst v63  }
0x217: {  	s12 =	simm.s32 $0xB400;
	s2 =	sadd.s32 s1, s21  }
0x218: {  	[hbm4b:s2+s5] =	stream.linear.scatter [tilespmem:s12], [sflag:$0x5], $0x80, $0x38;
	[tilespmem:$0x13880] =	vst v63  }
0x219: {  	s25 =	simm.s32 $0xB508;
	s13 =	sadd.s32 $0x10, s2  }
0x21a: {  	[hbm4b:s13+s5] =	stream.linear.scatter [tilespmem:s25], [sflag:$0x5], $0x80, $0x38;
	[tilespmem:$0x13880] =	vst v63  }
0x21b: {  	s13 =	sadd.s32 $0x20, s2;
	s25 =	simm.s32 $0xB610  }
0x21c: {  	[hbm4b:s13+s5] =	stream.linear.scatter [tilespmem:s25], [sflag:$0x5], $0x80, $0x38;
	[tilespmem:$0x13880] =	vst v63  }
0x21d: {  	s13 =	sadd.s32 $0x30, s2;
	s25 =	simm.s32 $0xB718  }
0x21e: {  	[hbm4b:s13+s5] =	stream.linear.scatter [tilespmem:s25], [sflag:$0x5], $0x80, $0x38;
	[tilespmem:$0x13880] =	vst v63  }
0x21f: {  	s13 =	sadd.s32 $0x40, s2;
	s25 =	simm.s32 $0xB820  }
0x220: {  	[hbm4b:s13+s5] =	stream.linear.scatter [tilespmem:s25], [sflag:$0x5], $0x80, $0x38;
	[tilespmem:$0x13880] =	vst v63  }
0x221: {  	s13 =	sadd.s32 $0x50, s2;
	s25 =	simm.s32 $0xB928  }
0x222: {  	[hbm4b:s13+s5] =	stream.linear.scatter [tilespmem:s25], [sflag:$0x5], $0x80, $0x38;
	[tilespmem:$0x13880] =	vst v63  }
0x223: {  	s12 =	sadd.s32 $0x60, s2;
	s13 =	simm.s32 $0xBA30  }
0x224: {  	[hbm4b:s12+s5] =	stream.linear.scatter [tilespmem:s13], [sflag:$0x5], $0x80, $0x38;
	[tilespmem:$0x13880] =	vst v63  }
0x225: {  	s2 =	sadd.s32 $0x70, s2;
	s25 =	simm.s32 $0xBB38  }
0x226: {  	[hbm4b:s2+s5] =	stream.linear.scatter [tilespmem:s25], [sflag:$0x5], $0x80, $0x38;
	[tilespmem:$0x13880] =	vst v63  }
0x227: {  	s0 =	sadd.s32 s0, s22;
	s12 =	simm.s32 $0xBBC0  }
0x228: {  	[hbm4b:s0+s5] =	stream.linear.scatter [tilespmem:s12], [sflag:$0x5], $0x80, $0x38;
	[tilespmem:$0x13880] =	vst v63  }
0x229: {  	s13 =	sadd.s32 $0x10, s0;
	s25 =	simm.s32 $0xBCC8  }
0x22a: {  	[hbm4b:s13+s5] =	stream.linear.scatter [tilespmem:s25], [sflag:$0x5], $0x80, $0x38;
	[tilespmem:$0x13880] =	vst v63  }
0x22b: {  	s9 =	sadd.s32 $0x20, s0;
	s12 =	simm.s32 $0xBDD0  }
0x22c: {  	[hbm4b:s9+s5] =	stream.linear.scatter [tilespmem:s12], [sflag:$0x5], $0x80, $0x38;
	[tilespmem:$0x13880] =	vst v63  }
0x22d: {  	s13 =	sadd.s32 $0x30, s0;
	s25 =	simm.s32 $0xBED8  }
0x22e: {  	[hbm4b:s13+s5] =	stream.linear.scatter [tilespmem:s25], [sflag:$0x5], $0x80, $0x38;
	[tilespmem:$0x13880] =	vst v63  }
0x22f: {  	s9 =	sadd.s32 $0x40, s0;
	s12 =	simm.s32 $0xBFE0  }
0x230: {  	[hbm4b:s9+s5] =	stream.linear.scatter [tilespmem:s12], [sflag:$0x5], $0x80, $0x38;
	[tilespmem:$0x13880] =	vst v63  }
0x231: {  	s13 =	sadd.s32 $0x50, s0;
	s25 =	simm.s32 $0xC0E8  }
0x232: {  	[hbm4b:s13+s5] =	stream.linear.scatter [tilespmem:s25], [sflag:$0x5], $0x80, $0x38;
	[tilespmem:$0x13880] =	vst v63  }
0x233: {  	s12 =	sadd.s32 $0x60, s0;
	s13 =	simm.s32 $0xC1F0  }
0x234: {  	[hbm4b:s12+s5] =	stream.linear.scatter [tilespmem:s13], [sflag:$0x5], $0x80, $0x38;
	[tilespmem:$0x13880] =	vst v63  }
0x235: {  	s0 =	sadd.s32 $0x70, s0;
	s25 =	simm.s32 $0xC2F8  }
0x236: {  	[hbm4b:s0+s5] =	stream.linear.scatter [tilespmem:s25], [sflag:$0x5], $0x80, $0x38;
	[tilespmem:$0x13880] =	vst v63  }
0x237: {  	s2 =	simm.s32 $0xBC40;
	s0 =	sadd.s32 s1, s22  }
0x238: {  	[hbm4b:s0+s5] =	stream.linear.scatter [tilespmem:s2], [sflag:$0x5], $0x80, $0x38;
	[tilespmem:$0x13880] =	vst v63  }
0x239: {  	s12 =	simm.s32 $0xBD48;
	s9 =	sadd.s32 $0x10, s0  }
0x23a: {  	[hbm4b:s9+s5] =	stream.linear.scatter [tilespmem:s12], [sflag:$0x5], $0x80, $0x38;
	[tilespmem:$0x13880] =	vst v63  }
0x23b: {  	s25 =	simm.s32 $0xBE50;
	s13 =	sadd.s32 $0x20, s0  }
0x23c: {  	[hbm4b:s13+s5] =	stream.linear.scatter [tilespmem:s25], [sflag:$0x5], $0x80, $0x38;
	[tilespmem:$0x13880] =	vst v63  }
0x23d: {  	s9 =	sadd.s32 $0x30, s0;
	s12 =	simm.s32 $0xBF58  }
0x23e: {  	[hbm4b:s9+s5] =	stream.linear.scatter [tilespmem:s12], [sflag:$0x5], $0x80, $0x38;
	[tilespmem:$0x13880] =	vst v63  }
0x23f: {  	s13 =	sadd.s32 $0x40, s0;
	s25 =	simm.s32 $0xC060  }
0x240: {  	[hbm4b:s13+s5] =	stream.linear.scatter [tilespmem:s25], [sflag:$0x5], $0x80, $0x38;
	[tilespmem:$0x13880] =	vst v63  }
0x241: {  	s9 =	sadd.s32 $0x50, s0;
	s12 =	simm.s32 $0xC168  }
0x242: {  	[hbm4b:s9+s5] =	stream.linear.scatter [tilespmem:s12], [sflag:$0x5], $0x80, $0x38;
	[tilespmem:$0x13880] =	vst v63  }
0x243: {  	s13 =	sadd.s32 $0x60, s0;
	s25 =	simm.s32 $0xC270  }
0x244: {  	[hbm4b:s13+s5] =	stream.linear.scatter [tilespmem:s25], [sflag:$0x5], $0x80, $0x38;
	[tilespmem:$0x13880] =	vst v63  }
0x245: {  	s0 =	sadd.s32 $0x70, s0;
	s9 =	simm.s32 $0xC378  }
0x246: {  	[hbm4b:s0+s5] =	stream.linear.scatter [tilespmem:s9], [sflag:$0x5], $0x80, $0x38;
	[tilespmem:$0x13880] =	vst v63  }
0x247: {  	s0 =	simm.s32 @p0 $0x2  }
0x248: {  	_ =	swait.ge @p0 [sflag:s0], $0x2000  }
0x249: {  	[sflag:s0] =	ssyncset.done @p0 $0x0  }
0x24a: {  	[sflag:s0] =	ssyncadd.s32 @p0 $0xFFFFE000  }
0x24b: {  	_ =	swait.ge @p0 [sflag:s0], $0x2000  }
0x24c: {  	[sflag:s0] =	ssyncset.done @p0 $0x0  }
0x24d: {  	[sflag:s0] =	ssyncadd.s32 @p0 $0xFFFFE000;
	s0 =	simm.s32 @!p0 $0x3  }
0x24e: {  	_ =	swait.ge @!p0 [sflag:s0], $0x80  }
0x24f: {  	[sflag:s0] =	ssyncset.done @!p0 $0x0  }
0x250: {  	[sflag:s0] =	ssyncadd.s32 @!p0 $0xFFFFFF80  }
0x251: {  	_ =	swait.ge @!p0 [sflag:s0], $0x80  }
0x252: {  	s1 =	simm.s32 @!p0 $0x0;
	[sflag:s0] =	ssyncset.done @!p0 $0x0  }
0x253: {  	s2 =	simm.s32 @!p0 $0x200;
	[sflag:s0] =	ssyncadd.s32 @!p0 $0xFFFFFF80;
	s0 =	simm.s32 @!p0 $0x80  }
0x254: {  	[tilespmem:s2], [sflag:$0x1] =	stream.indirect.gather @!p0 [hbm4b:s8+s0], $0x40, s1, s0, $0xb8;
	[tilespmem:$0x13880] =	vst v63  }
0x255: {  	s2 =	simm.s32 @!p0 $0x2200  }
0x256: {  	[tilespmem:s2], [sflag:$0x1] =	stream.indirect.gather @!p0 [hbm4b:s8+s0], $0x40, s0, s0, $0xb8;
	[tilespmem:$0x13880] =	vst v63  }
0x257: {  	s0 =	simm.s32 @!p0 $0x2  }
0x258: {  	_ =	swait.ge @!p0 [sflag:s0], $0x2000  }
0x259: {  	[sflag:s0] =	ssyncset.done @!p0 $0x0  }
0x25a: {  	[sflag:s0] =	ssyncadd.s32 @!p0 $0xFFFFE000  }
0x25b: {  	s2 =	sadd.s32 @!p0 s26, s23;
	_ =	swait.ge @!p0 [sflag:s0], $0x2000  }
0x25c: {  	s2 =	sshrl.u32 @!p0 s2, $0x3;
	[sflag:s0] =	ssyncset.done @!p0 $0x0  }
0x25d: {  	s9 =	simm.s32 @!p0 $0x100;
	[sflag:s0] =	ssyncadd.s32 @!p0 $0xFFFFE000;
	s0 =	sadd.s32 @!p0 s7, s2  }
0x25e: {  	[tilespmem:s9], [sflag:$0x4] =	stream.linear.gather @!p0 [hbm4b:s0+s1], $0x80, $0x38;
	[tilespmem:$0x13880] =	vst v63  }
0x25f: {  	s0 =	sadd.s32 @!p0 s2, s11;
	s2 =	simm.s32 @!p0 $0x180  }
0x260: {  	[tilespmem:s2], [sflag:$0x4] =	stream.linear.gather @!p0 [hbm4b:s0+s1], $0x80, $0x38;
	[tilespmem:$0x13880] =	vst v63  }
0x261: {  	s0 =	simm.s32 @!p1 $0x6  }
0x262: {  	_ =	swait.ge @!p1 [sflag:s0], $0x400  }
0x263: {  	[sflag:s0] =	ssyncset.done @!p1 $0x0  }
0x264: {  	[sflag:s0] =	ssyncadd.s32 @!p1 $0xFFFFFC00  }
0x265: {  	_ =	swait.ge @!p1 [sflag:s0], $0x400  }
0x266: {  	[sflag:s0] =	ssyncset.done @!p1 $0x0  }
0x267: {  	[sflag:s0] =	ssyncadd.s32 @!p1 $0xFFFFFC00  }
0x268: {  	_ =	swait.ge @!p1 [sflag:s0], $0x400  }
0x269: {  	[sflag:s0] =	ssyncset.done @!p1 $0x0  }
0x26a: {  	[sflag:s0] =	ssyncadd.s32 @!p1 $0xFFFFFC00  }
0x26b: {  	_ =	swait.ge @!p1 [sflag:s0], $0x400  }
0x26c: {  	[sflag:s0] =	ssyncset.done @!p1 $0x0  }
0x26d: {  	[sflag:s0] =	ssyncadd.s32 @!p1 $0xFFFFFC00  }
0x26e: {  	_ =	swait.ge @!p1 [sflag:s0], $0x400  }
0x26f: {  	[sflag:s0] =	ssyncset.done @!p1 $0x0  }
0x270: {  	[sflag:s0] =	ssyncadd.s32 @!p1 $0xFFFFFC00  }
0x271: {  	_ =	swait.ge @!p1 [sflag:s0], $0x400  }
0x272: {  	[sflag:s0] =	ssyncset.done @!p1 $0x0  }
0x273: {  	[sflag:s0] =	ssyncadd.s32 @!p1 $0xFFFFFC00  }
0x274: {  	_ =	swait.ge @!p1 [sflag:s0], $0x400  }
0x275: {  	[sflag:s0] =	ssyncset.done @!p1 $0x0  }
0x276: {  	[sflag:s0] =	ssyncadd.s32 @!p1 $0xFFFFFC00  }
0x277: {  	_ =	swait.ge @!p1 [sflag:s0], $0x400  }
0x278: {  	[sflag:s0] =	ssyncset.done @!p1 $0x0  }
0x279: {  	[sflag:s0] =	ssyncadd.s32 @!p1 $0xFFFFFC00  }
0x27a: {  	_ =	swait.ge @!p1 [sflag:s0], $0x400  }
0x27b: {  	[sflag:s0] =	ssyncset.done @!p1 $0x0  }
0x27c: {  	[sflag:s0] =	ssyncadd.s32 @!p1 $0xFFFFFC00  }
0x27d: {  	_ =	swait.ge @!p1 [sflag:s0], $0x400  }
0x27e: {  	[sflag:s0] =	ssyncset.done @!p1 $0x0  }
0x27f: {  	[sflag:s0] =	ssyncadd.s32 @!p1 $0xFFFFFC00  }
0x280: {  	_ =	swait.ge @!p1 [sflag:s0], $0x400  }
0x281: {  	[sflag:s0] =	ssyncset.done @!p1 $0x0  }
0x282: {  	[sflag:s0] =	ssyncadd.s32 @!p1 $0xFFFFFC00  }
0x283: {  	_ =	swait.ge @!p1 [sflag:s0], $0x400  }
0x284: {  	[sflag:s0] =	ssyncset.done @!p1 $0x0  }
0x285: {  	[sflag:s0] =	ssyncadd.s32 @!p1 $0xFFFFFC00  }
0x286: {  	_ =	swait.ge @!p1 [sflag:s0], $0x400  }
0x287: {  	[sflag:s0] =	ssyncset.done @!p1 $0x0  }
0x288: {  	[sflag:s0] =	ssyncadd.s32 @!p1 $0xFFFFFC00  }
0x289: {  	_ =	swait.ge @!p1 [sflag:s0], $0x400  }
0x28a: {  	[sflag:s0] =	ssyncset.done @!p1 $0x0  }
0x28b: {  	[sflag:s0] =	ssyncadd.s32 @!p1 $0xFFFFFC00  }
0x28c: {  	_ =	swait.ge @!p1 [sflag:s0], $0x400  }
0x28d: {  	[sflag:s0] =	ssyncset.done @!p1 $0x0  }
0x28e: {  	s12 =	sor.u32 $0x100, s26;
	[sflag:s0] =	ssyncadd.s32 @!p1 $0xFFFFFC00  }
0x28f: {  	s25 =	sadd.s32 s6, s12;
	_ =	swait.ge @!p1 [sflag:s0], $0x400  }
0x290: {  	s26 =	sshrl.u32 s25, $0xC;
	[sflag:s0] =	ssyncset.done @!p1 $0x0  }
0x291: {  	s13 =	sshll.u32 s26, $0x6;
	[sflag:s0] =	ssyncadd.s32 @!p1 $0xFFFFFC00  }
0x292: {  	v19 =	vld [tilespmem:s13+$0x10600]  }
0x293: {  	v18 =	vld [tilespmem:s13+$0x10610]  }
0x294: {  	v16 =	vld [tilespmem:s13+$0x10620]  }
0x295: {  	s1 =	simm.s32 $0x4240;
	v17 =	vld [tilespmem:s13+$0x10630]  }
0x296: {  	v8 =	vld [tilespmem:s1+$0x0]  }
0x297: {  	v9 =	vld [tilespmem:s1+$0x10]  }
0x298: {  	v10 =	vld [tilespmem:s1+$0x20]  }
0x299: {  	v11 =	vld [tilespmem:s1+$0x30];
	_ =	sdelay $0x3  }
0x29a: {  	v12 =	vadd.f32 v8, v19;
	v13 =	vadd.f32 v9, v18  }
0x29b: {  	v10 =	vadd.f32 v10, v16;
	v11 =	vadd.f32 v11, v17;
	_ =	sdelay $0x1  }
0x29c: {  	v8 =	vadd.f32 v13, v12;
	v9 =	vadd.f32 v11, v10;
	_ =	sdelay $0x1  }
0x29d: {  	v14 =	vmul.f32 v12, v12;
	v8 =	vadd.f32 v9, v8  }
0x29e: {  	v15 =	vmul.f32 v10, v10;
	v20 =	vmul.f32 v11, v11  }
0x29f: {  	v9 =	vmul.f32 v13, v13;
	v21 =	vperm.xlane v8, v0  }
0x2a0: {  	v15 =	vadd.f32 v20, v15  }
0x2a1: {  	v22 =	vld [tilespmem:s1+$0xFFFFFFD0];
	v9 =	vadd.f32 v9, v14;
	v8 =	vadd.f32 v8, v21  }
0x2a2: {  	v20 =	vld [tilespmem:s1+$0xFFFFFFE0]  }
0x2a3: {  	v14 =	vld [tilespmem:s1+$0xFFFFFFC0];
	v9 =	vadd.f32 v15, v9;
	v15 =	vperm.xlane v8, v2  }
0x2a4: {  	v21 =	vld [tilespmem:s1+$0xFFFFFFF0]  }
0x2a5: {  	v8 =	vadd.f32 v8, v15;
	v15 =	vperm.xlane v9, v0;
	_ =	sdelay $0x1  }
0x2a6: {  	v22 =	vadd.f32 v22, v18;
	v23 =	vperm.xlane v8, v3;
	v9 =	vadd.f32 v15, v9  }
0x2a7: {  	v14 =	vadd.f32 v14, v19;
	v15 =	vadd.f32 v20, v16  }
0x2a8: {  	v20 =	vadd.f32 v21, v17;
	v8 =	vadd.f32 v8, v23;
	v21 =	vperm.xlane v9, v2  }
0x2a9: {  	v26 =	vmul.f32 v22, v22;
	v24 =	vmul.f32 v14, v14;
	v23 =	vadd.f32 v22, v14  }
0x2aa: {  	v25 =	vadd.f32 v20, v15;
	v27 =	vperm.xlane v8, v4;
	v9 =	vadd.f32 v21, v9  }
0x2ab: {  	v28 =	vmul.f32 v20, v20;
	v21 =	vmul.f32 v15, v15  }
0x2ac: {  	v23 =	vadd.f32 v25, v23;
	v8 =	vadd.f32 v8, v27;
	v25 =	vperm.xlane v9, v3  }
0x2ad: {  	v24 =	vadd.f32 v26, v24;
	v21 =	vadd.f32 v28, v21  }
0x2ae: {  	v26 =	vperm.xlane v23, v0;
	v27 =	vmul.f32 $1.562500000e-02, v8;
	v8 =	vadd.f32 v25, v9  }
0x2af: {  	v9 =	vadd.f32 v21, v24  }
0x2b0: {  	v21 =	vadd.f32 v23, v26;
	v23 =	vperm.xlane v8, v4  }
0x2b1: {  	v24 =	vmul.f32 v27, v27;
	v25 =	vperm.xlane v9, v0  }
0x2b2: {  	v26 =	vperm.xlane v21, v2  }
0x2b3: {  	v8 =	vadd.f32 v23, v8;
	v23 =	vmul.f32 $6.400000000e+01, v24;
	v9 =	vadd.f32 v25, v9  }
0x2b4: {  	v21 =	vadd.f32 v21, v26  }
0x2b5: {  	v8 =	vsub.f32 v8, v23;
	v23 =	vperm.xlane v9, v2  }
0x2b6: {  	v24 =	vperm.xlane v21, v3  }
0x2b7: {  	v8 =	vadd.f32 $6.399999970e-11, v8;
	v9 =	vadd.f32 v23, v9  }
0x2b8: {  	s2 =	simm.s32 $0x42C0;
	v21 =	vadd.f32 v21, v24  }
0x2b9: {  	v55 =	vld [tilespmem:s2+$0xFFFFFFE0];
	v23 =	vshra.s32 v8, $0x1;
	v8 =	vmul.f32 $7.812500000e-03, v8;
	v24 =	vperm.xlane v9, v3  }
0x2ba: {  	v25 =	vperm.xlane v21, v4;
	v23 =	vsub.s32 $0x60B759DF, v23  }
0x2bb: {  	v30 =	vld [tilespmem:s2+$0x20];
	v26 =	vmul.f32 v23, v8;
	v9 =	vadd.f32 v24, v9  }
0x2bc: {  	v31 =	vld [tilespmem:s2+$0x30];
	v21 =	vadd.f32 v21, v25  }
0x2bd: {  	v28 =	vld [tilespmem:s2+$0x10];
	v25 =	vmul.f32 v23, v26;
	v26 =	vperm.xlane v9, v4  }
0x2be: {  	v42 =	vadd.f32 v55, v16;
	v12 =	vsub.f32 v12, v27;
	v24 =	vld [tilespmem:s2+$0x0];
	v29 =	vmul.f32 $1.562500000e-02, v21  }
0x2bf: {  	v25 =	vsub.f32 $1.500000000e+00, v25;
	v9 =	vadd.f32 v26, v9  }
0x2c0: {  	v21 =	vsub.f32 v14, v29;
	v26 =	vsub.f32 v22, v29  }
0x2c1: {  	v50 =	vmul.f32 v29, v29;
	v35 =	vsub.f32 v15, v29;
	v33 =	vsub.f32 v20, v29  }
0x2c2: {  	v22 =	vadd.f32 v30, v16;
	v20 =	vadd.f32 v31, v17;
	v14 =	vmul.f32 v23, v25  }
0x2c3: {  	v15 =	vmul.f32 $6.400000000e+01, v50;
	v23 =	vadd.f32 v24, v19;
	v24 =	vadd.f32 v28, v18  }
0x2c4: {  	v13 =	vsub.f32 v13, v27;
	v28 =	vadd.f32 v20, v22;
	v8 =	vmul.f32 v14, v8  }
0x2c5: {  	v59 =	vmul.f32 v42, v42;
	v15 =	vsub.f32 v9, v15;
	v9 =	vadd.f32 v24, v23  }
0x2c6: {  	s9 =	simm.s32 $0x1;
	v10 =	vsub.f32 v10, v27;
	v11 =	vsub.f32 v11, v27;
	v8 =	vmul.f32 v8, v14  }
0x2c7: {  	v54 =	vld [tilespmem:s2+$0xFFFFFFD0];
	v25 =	vmov s9;
	v52 =	vmul.f32 v20, v20;
	v28 =	vadd.f32 v28, v9  }
0x2c8: {  	v27 =	vld [tilespmem:s2+$0xFFFFFFF0];
	v25 =	vand.u32 $0xFF, v25;
	v31 =	vmul.f32 v23, v23;
	v30 =	vsub.f32 $1.500000000e+00, v8  }
0x2c9: {  	v29 =	vadd.s32 v1, v25;
	v51 =	vmul.f32 v24, v24;
	v8 =	vld [tilespmem:$0x13800];
	v53 =	vperm.xlane v28, v0  }
0x2ca: {  	v34 =	vadd.s32 v5, v25;
	v9 =	vld [tilespmem:$0x13810];
	v14 =	vmul.f32 v30, v14;
	v30 =	vmul.f32 v22, v22  }
0x2cb: {  	v36 =	vadd.s32 v6, v25;
	v41 =	vadd.s32 v7, v25;
	v25 =	vadd.f32 v51, v31  }
0x2cc: {  	v31 =	vld [tilespmem:s2+$0xFFFFFFC0];
	v28 =	vadd.f32 v28, v53;
	v12 =	vmul.f32 v14, v12;
	v30 =	vadd.f32 v52, v30  }
0x2cd: {  	v39 =	vadd.f32 v54, v18;
	v13 =	vmul.f32 v14, v13;
	v58 =	vmul.f32 v14, v11  }
0x2ce: {  	v56 =	vmul.f32 v12, v8;
	v12 =	vadd.f32 v30, v25;
	v25 =	vperm.xlane v28, v2  }
0x2cf: {  	v43 =	vadd.f32 v27, v17;
	v30 =	vmul.f32 v14, v10;
	v57 =	vmul.f32 v13, v9  }
0x2d0: {  	v13 =	vadd.f32 $6.399999970e-11, v15;
	v10 =	vadd.f32 v28, v25;
	v11 =	vperm.xlane v12, v0  }
0x2d1: {  	v27 =	vmul.f32 v39, v39;
	v32 =	vadd.f32 v43, v42;
	v28 =	vadd.f32 v31, v19  }
0x2d2: {  	v14 =	vshra.s32 v13, $0x1;
	v15 =	vperm.xlane v10, v3;
	v11 =	vadd.f32 v11, v12  }
0x2d3: {  	v60 =	vmul.f32 v43, v43;
	v61 =	vmul.f32 $7.812500000e-03, v13;
	v63 =	vsub.s32 $0x60B759DF, v14  }
0x2d4: {  	v25 =	vmul.f32 v28, v28;
	v15 =	vadd.f32 v10, v15;
	v31 =	vperm.xlane v11, v2  }
0x2d5: {  	v13 =	vadd.f32 v60, v59;
	v12 =	vadd.f32 v39, v28;
	v51 =	vmul.f32 v63, v61  }
0x2d6: {  	v10 =	vld [tilespmem:$0x13820];
	v25 =	vadd.f32 v27, v25;
	v27 =	vperm.xlane v15, v4;
	v31 =	vadd.f32 v31, v11  }
0x2d7: {  	v62 =	vadd.f32 v32, v12;
	v45 =	vmul.f32 v63, v51  }
0x2d8: {  	v12 =	vld [tilespmem:$0x13850];
	v25 =	vadd.f32 v13, v25;
	v14 =	vadd.f32 v15, v27;
	v15 =	vperm.xlane v31, v3  }
0x2d9: {  	v11 =	vld [tilespmem:$0x13840];
	v45 =	vsub.f32 $1.500000000e+00, v45;
	v27 =	vperm.xlane v62, v0  }
0x2da: {  	v52 =	vperm.xlane v25, v0;
	v32 =	vmul.f32 $1.562500000e-02, v14;
	v31 =	vadd.f32 v15, v31  }
0x2db: {  	v44 =	vmul.f32 v63, v45;
	v30 =	vmul.f32 v30, v10;
	v14 =	vld [tilespmem:$0x13860];
	v27 =	vadd.f32 v62, v27  }
0x2dc: {  	v13 =	vld [tilespmem:$0x13830];
	v53 =	vperm.xlane v31, v4;
	v54 =	vmul.f32 v32, v32  }
0x2dd: {  	v38 =	vadd.f32 v57, v12;
	v46 =	vmul.f32 v44, v61;
	v55 =	vperm.xlane v27, v2  }
0x2de: {  	v15 =	vld [tilespmem:$0x13870];
	v37 =	vadd.f32 v56, v11;
	v31 =	vadd.f32 v53, v31;
	v56 =	vmul.f32 $6.400000000e+01, v54  }
0x2df: {  	v25 =	vadd.f32 v52, v25;
	v46 =	vmul.f32 v46, v44;
	v27 =	vadd.f32 v27, v55  }
0x2e0: {  	v45 =	vadd.f32 v30, v14;
	v30 =	vsub.f32 v31, v56  }
0x2e1: {  	s12 =	simm.s32 $0x0;
	v40 =	vmul.f32 v58, v13;
	v57 =	vperm.xlane v25, v2;
	v46 =	vsub.f32 $1.500000000e+00, v46  }
0x2e2: {  	v58 =	vmov s12;
	v31 =	vperm.xlane v27, v3;
	v30 =	vadd.f32 $6.399999970e-11, v30  }
0x2e3: {  	v25 =	vadd.f32 v57, v25;
	v49 =	vadd.f32 v40, v15;
	v46 =	vmul.f32 v46, v44  }
0x2e4: {  	[tilespmem:v29+s28+$0x0] =	vst.idx.msk $0xffff, v37;
	v27 =	vadd.f32 v27, v31;
	v59 =	vshra.s32 v30, $0x1;
	v50 =	vmul.f32 $7.812500000e-03, v30  }
0x2e5: {  	[tilespmem:v34+s28+$0x0] =	vst.idx.msk $0xffff, v38;
	v31 =	vperm.xlane v25, v3;
	v34 =	vmul.f32 v46, v26;
	v47 =	vsub.s32 $0x60B759DF, v59  }
0x2e6: {  	v40 =	vand.u32 $0xFE, v58;
	v30 =	vperm.xlane v27, v4;
	v60 =	vmul.f32 v47, v50  }
0x2e7: {  	v35 =	vmul.f32 v46, v35;
	v33 =	vmul.f32 v46, v33;
	v25 =	vadd.f32 v31, v25  }
0x2e8: {  	s2 =	simm.s32 $0x4340;
	v31 =	vadd.s32 v1, v40;
	v61 =	vadd.f32 v27, v30;
	v48 =	vmul.f32 v47, v60  }
0x2e9: {  	v53 =	vld [tilespmem:s2+$0x0];
	v59 =	vmul.f32 v46, v21;
	v62 =	vperm.xlane v25, v4;
	v30 =	vadd.s32 v5, v40  }
0x2ea: {  	s13 =	simm.s32 $0x3;
	v57 =	vld [tilespmem:s2+$0x10];
	v27 =	vadd.s32 v6, v40;
	v63 =	vmul.f32 $1.562500000e-02, v61;
	v58 =	vsub.f32 $1.500000000e+00, v48  }
0x2eb: {  	[tilespmem:v36+s28+$0x0] =	vst.idx.msk $0xffff, v45;
	v51 =	vadd.f32 v62, v25;
	v25 =	vadd.s32 v7, v40;
	v40 =	vld [tilespmem:s2+$0x20];
	v62 =	vmov s13  }
0x2ec: {  	v60 =	vmul.f32 v63, v63;
	v29 =	vsub.f32 v28, v63;
	v48 =	vld [tilespmem:s2+$0x30];
	v47 =	vmul.f32 v47, v58  }
0x2ed: {  	v44 =	vld [tilespmem:s2+$0xFFFFFFE0];
	[tilespmem:v41+s28+$0x0] =	vst.idx.msk $0xffff, v49;
	v49 =	vand.u32 $0xFF, v62;
	v28 =	vsub.f32 v39, v63;
	v26 =	vsub.f32 v42, v63  }
0x2ee: {  	v45 =	vld [tilespmem:s2+$0xFFFFFFF0];
	v21 =	vsub.f32 v43, v63;
	v61 =	vmul.f32 $6.400000000e+01, v60;
	v63 =	vmul.f32 v47, v50  }
0x2ef: {  	v38 =	vadd.f32 v57, v18;
	v46 =	vld [tilespmem:s2+$0xFFFFFFC0];
	v36 =	vmul.f32 v59, v8;
	v37 =	vadd.s32 v1, v49  }
0x2f0: {  	s0 =	simm.s32 $0x4;
	s1 =	simm.s32 $0x2;
	s9 =	simm.s32 $0x6;
	v42 =	vld [tilespmem:s2+$0xFFFFFFD0];
	v39 =	vadd.f32 v53, v19;
	v43 =	vsub.f32 v51, v61;
	v50 =	vmul.f32 v63, v47  }
.LBB2_8:
0x2f1: {  	p0 =	slt.u32 s9, $0xFE;
	v40 =	vadd.f32 v40, v16;
	v41 =	vadd.f32 v48, v17;
	v48 =	vadd.s32 v5, v49  }
0x2f2: {  	v51 =	vadd.s32 v6, v49;
	v49 =	vadd.s32 v7, v49;
	v50 =	vsub.f32 $1.500000000e+00, v50  }
0x2f3: {  	v52 =	vadd.f32 v38, v39;
	v54 =	vmul.f32 v39, v39;
	v53 =	vadd.f32 v41, v40  }
0x2f4: {  	v55 =	vmul.f32 v38, v38;
	v47 =	vmul.f32 v50, v47;
	v50 =	vsub.f32 v23, v32;
	v23 =	vmovc v39  }
0x2f5: {  	v39 =	vadd.f32 v53, v52;
	v52 =	vmul.f32 v40, v40;
	v53 =	vsub.f32 v24, v32;
	v24 =	vmovc v38  }
0x2f6: {  	v56 =	vsub.f32 v22, v32;
	v22 =	vmovc v40;
	v38 =	vmul.f32 v41, v41;
	v50 =	vmul.f32 v47, v50  }
0x2f7: {  	v32 =	vsub.f32 v20, v32;
	v20 =	vmovc v41;
	v40 =	vperm.xlane v39, v0;
	v53 =	vmul.f32 v47, v53  }
0x2f8: {  	v41 =	vadd.f32 v55, v54;
	v54 =	vmul.f32 v47, v56;
	v50 =	vmul.f32 v50, v8  }
0x2f9: {  	v38 =	vadd.f32 v38, v52;
	v32 =	vmul.f32 v47, v32;
	v52 =	vmul.f32 v53, v9  }
0x2fa: {  	v47 =	vmul.f32 v54, v10;
	v39 =	vadd.f32 v39, v40;
	v40 =	vadd.f32 v50, v11  }
0x2fb: {  	v38 =	vadd.f32 v38, v41;
	v32 =	vmul.f32 v32, v13;
	v41 =	vadd.f32 v52, v12  }
0x2fc: {  	v43 =	vadd.f32 $6.399999970e-11, v43;
	v50 =	vperm.xlane v39, v2;
	[tilespmem:v37+s28+$0x0] =	vst.idx.msk $0xffff, v40;
	v37 =	vadd.f32 v47, v14  }
0x2fd: {  	v46 =	vadd.f32 v46, v19;
	v32 =	vadd.f32 v32, v15;
	[tilespmem:v48+s28+$0x0] =	vst.idx.msk $0xffff, v41  }
0x2fe: {  	v40 =	vperm.xlane v38, v0;
	v39 =	vadd.f32 v39, v50;
	v41 =	vshra.s32 v43, $0x1;
	[tilespmem:v51+s28+$0x0] =	vst.idx.msk $0xffff, v37  }
0x2ff: {  	v43 =	vmul.f32 $7.812500000e-03, v43;
	v37 =	vadd.f32 v42, v18;
	v42 =	vadd.f32 v44, v16;
	[tilespmem:v49+s28+$0x0] =	vst.idx.msk $0xffff, v32  }
0x300: {  	v44 =	vadd.f32 v45, v17;
	v38 =	vadd.f32 v40, v38;
	v32 =	vperm.xlane v39, v3  }
0x301: {  	v45 =	vmul.f32 v46, v46;
	v40 =	vadd.f32 v37, v46;
	v47 =	vmul.f32 v37, v37  }
0x302: {  	v48 =	vadd.f32 v44, v42;
	v32 =	vadd.f32 v39, v32;
	v39 =	vperm.xlane v38, v2  }
0x303: {  	v49 =	vmul.f32 v44, v44;
	v45 =	vadd.f32 v47, v45;
	v47 =	vmul.f32 v42, v42  }
0x304: {  	v40 =	vadd.f32 v48, v40;
	v48 =	vperm.xlane v32, v4;
	v38 =	vadd.f32 v39, v38  }
0x305: {  	v34 =	vmul.f32 v34, v9;
	v41 =	vsub.s32 $0x60B759DF, v41;
	v39 =	vadd.f32 v49, v47  }
0x306: {  	v47 =	vperm.xlane v40, v0;
	v32 =	vadd.f32 v32, v48;
	v48 =	vperm.xlane v38, v3  }
0x307: {  	v35 =	vmul.f32 v35, v10;
	v39 =	vadd.f32 v39, v45;
	v45 =	vmul.f32 v41, v43  }
0x308: {  	v40 =	vadd.f32 v40, v47;
	v32 =	vmul.f32 $1.562500000e-02, v32;
	v38 =	vadd.f32 v48, v38  }
0x309: {  	v36 =	vadd.f32 v36, v11;
	v47 =	vperm.xlane v39, v0;
	v45 =	vmul.f32 v41, v45  }
0x30a: {  	v34 =	vadd.f32 v34, v12;
	v48 =	vperm.xlane v38, v4;
	v49 =	vmul.f32 v32, v32  }
0x30b: {  	v50 =	vperm.xlane v40, v2;
	v39 =	vadd.f32 v47, v39;
	v45 =	vsub.f32 $1.500000000e+00, v45;
	[tilespmem:v31+s28+$0x0] =	vst.idx.msk $0xffff, v36  }
0x30c: {  	v31 =	vadd.f32 v48, v38;
	v36 =	vmul.f32 $6.400000000e+01, v49;
	[tilespmem:v30+s28+$0x0] =	vst.idx.msk $0xffff, v34;
	v30 =	vmul.f32 v33, v13  }
0x30d: {  	v33 =	vadd.f32 v40, v50;
	v34 =	vperm.xlane v39, v2;
	v38 =	vmul.f32 v41, v45  }
0x30e: {  	v35 =	vadd.f32 v35, v14;
	v31 =	vsub.f32 v31, v36  }
0x30f: {  	v36 =	vperm.xlane v33, v3;
	v34 =	vadd.f32 v34, v39;
	v39 =	vmul.f32 v38, v43  }
0x310: {  	v40 =	vmov s1;
	s1 =	smov.u32 s0;
	s0 =	smov.u32 s9;
	v31 =	vadd.f32 $6.399999970e-11, v31;
	[tilespmem:v27+s28+$0x0] =	vst.idx.msk $0xffff, v35;
	v27 =	vadd.f32 v30, v15  }
0x311: {  	v30 =	vadd.f32 v33, v36;
	v33 =	vperm.xlane v34, v3;
	v35 =	vmul.f32 v39, v38  }
0x312: {  	v40 =	vand.u32 $0xFE, v40;
	v36 =	vshra.s32 v31, $0x1;
	v39 =	vmul.f32 $7.812500000e-03, v31;
	[tilespmem:v25+s28+$0x0] =	vst.idx.msk $0xffff, v27  }
0x313: {  	v25 =	vperm.xlane v30, v4;
	v33 =	vadd.f32 v33, v34;
	v36 =	vsub.s32 $0x60B759DF, v36  }
0x314: {  	v31 =	vadd.s32 v1, v40;
	v34 =	vsub.f32 $1.500000000e+00, v35;
	v27 =	vmul.f32 v36, v39  }
0x315: {  	v25 =	vadd.f32 v30, v25;
	v35 =	vperm.xlane v33, v4;
	v30 =	vadd.s32 v5, v40  }
0x316: {  	s2 =	sadd.s32 $0x80, s2;
	v38 =	vmul.f32 v34, v38;
	v41 =	vmul.f32 v36, v27;
	v27 =	vadd.s32 v6, v40  }
0x317: {  	v43 =	vmul.f32 $1.562500000e-02, v25;
	v51 =	vadd.f32 v35, v33;
	v25 =	vadd.s32 v7, v40;
	v50 =	vld [tilespmem:s2+$0x0]  }
0x318: {  	v34 =	vmul.f32 v38, v28;
	v33 =	vsub.f32 $1.500000000e+00, v41;
	v41 =	vmul.f32 v38, v29;
	v52 =	vld [tilespmem:s2+$0x10]  }
0x319: {  	v35 =	vmul.f32 v43, v43;
	v29 =	vsub.f32 v46, v43;
	v28 =	vsub.f32 v37, v43;
	v40 =	vld [tilespmem:s2+$0x20]  }
.Ltmp3:
0x31a: {  	s12 =	sadd.s32 $0x1, s1;
	v37 =	vsub.f32 v42, v43;
	v43 =	vsub.f32 v44, v43;
	v47 =	vmul.f32 v36, v33;
	v48 =	vld [tilespmem:s2+$0x30];
	(pc) =	sbr.rel @p0 .LBB2_8-.Ltmp3, $4  }
0x31b: {  	v33 =	vmov s12;
	v36 =	vmul.f32 $6.400000000e+01, v35;
	v35 =	vmul.f32 v38, v26;
	v42 =	vld [tilespmem:s2+$0xFFFFFFD0]  }
0x31c: {  	v49 =	vand.u32 $0xFF, v33;
	v33 =	vmul.f32 v38, v21;
	v26 =	vmovc v37;
	v21 =	vmovc v43;
	v53 =	vmul.f32 v47, v39;
	v44 =	vld [tilespmem:s2+$0xFFFFFFE0]  }
0x31d: {  	v37 =	vadd.s32 v1, v49;
	v43 =	vsub.f32 v51, v36;
	v36 =	vmul.f32 v41, v8;
	v45 =	vld [tilespmem:s2+$0xFFFFFFF0]  }
0x31e: {  	s9 =	sadd.s32 $0x2, s9;
	v39 =	vadd.f32 v50, v19;
	v38 =	vadd.f32 v52, v18;
	v50 =	vmul.f32 v53, v47;
	v46 =	vld [tilespmem:s2+$0xFFFFFFC0]  }
0x31f: {  	v41 =	vadd.f32 v40, v16  }
0x320: {  	v40 =	vadd.f32 v48, v17;
	v23 =	vsub.f32 v23, v32  }
0x321: {  	v24 =	vsub.f32 v24, v32;
	v22 =	vsub.f32 v22, v32  }
0x322: {  	v20 =	vsub.f32 v20, v32;
	v62 =	vadd.f32 v38, v39  }
0x323: {  	v52 =	vmul.f32 v39, v39;
	v63 =	vmul.f32 v38, v38;
	v51 =	vadd.f32 v40, v41  }
0x324: {  	v43 =	vadd.f32 $6.399999970e-11, v43;
	v53 =	vmul.f32 v41, v41;
	v54 =	vmul.f32 v40, v40  }
0x325: {  	v36 =	vadd.f32 v36, v11;
	v48 =	vadd.f32 v51, v62  }
0x326: {  	v51 =	vadd.f32 v63, v52;
	v53 =	vadd.f32 v54, v53  }
0x327: {  	v50 =	vsub.f32 $1.500000000e+00, v50;
	v42 =	vadd.f32 v42, v18;
	v55 =	vperm.xlane v48, v0  }
0x328: {  	v34 =	vmul.f32 v34, v9;
	v18 =	vadd.f32 v44, v16;
	v51 =	vadd.f32 v53, v51  }
0x329: {  	v33 =	vmul.f32 v33, v13;
	v16 =	vadd.f32 v45, v17;
	v48 =	vadd.f32 v48, v55  }
0x32a: {  	v34 =	vadd.f32 v34, v12;
	v19 =	vadd.f32 v46, v19;
	v58 =	vperm.xlane v51, v0  }
0x32b: {  	v47 =	vmul.f32 v50, v47;
	v62 =	vadd.f32 v16, v18;
	v56 =	vperm.xlane v48, v2  }
0x32c: {  	v35 =	vmul.f32 v35, v10;
	v61 =	vadd.f32 v42, v19;
	v60 =	vadd.f32 v58, v51  }
0x32d: {  	v33 =	vadd.f32 v33, v15;
	v23 =	vmul.f32 v47, v23;
	v57 =	vadd.f32 v48, v56  }
0x32e: {  	v17 =	vmul.f32 v47, v24;
	v45 =	vadd.f32 v62, v61;
	v63 =	vperm.xlane v60, v2  }
0x32f: {  	v52 =	vadd.s32 v5, v49;
	v58 =	vmul.f32 v18, v18;
	v59 =	vperm.xlane v57, v3  }
0x330: {  	v61 =	vperm.xlane v45, v0;
	v56 =	vmul.f32 v19, v19;
	v44 =	vadd.f32 v63, v60  }
0x331: {  	v60 =	vmul.f32 v16, v16;
	v24 =	vadd.f32 v57, v59;
	v57 =	vmul.f32 v42, v42  }
0x332: {  	v22 =	vmul.f32 v47, v22;
	v20 =	vmul.f32 v47, v20;
	v45 =	vadd.f32 v45, v61  }
0x333: {  	v23 =	vmul.f32 v23, v8;
	v32 =	vadd.f32 v60, v58;
	v50 =	vadd.f32 v57, v56  }
0x334: {  	v54 =	vadd.s32 v6, v49;
	v17 =	vmul.f32 v17, v9;
	v22 =	vmul.f32 v22, v10  }
0x335: {  	v20 =	vmul.f32 v20, v13;
	v46 =	vperm.xlane v45, v2;
	v32 =	vadd.f32 v32, v50  }
0x336: {  	v49 =	vadd.s32 v7, v49;
	v62 =	vperm.xlane v44, v3;
	v59 =	vperm.xlane v24, v4  }
0x337: {  	v23 =	vadd.f32 v23, v11;
	v45 =	vadd.f32 v45, v46;
	v57 =	vperm.xlane v32, v0  }
0x338: {  	v44 =	vadd.f32 v62, v44;
	v56 =	vshra.s32 v43, $0x1;
	v24 =	vadd.f32 v24, v59  }
0x339: {  	v43 =	vmul.f32 $7.812500000e-03, v43;
	v60 =	vperm.xlane v45, v3;
	v32 =	vadd.f32 v57, v32  }
0x33a: {  	v17 =	vadd.f32 v17, v12;
	v63 =	vperm.xlane v44, v4;
	v24 =	vmul.f32 $1.562500000e-02, v24  }
0x33b: {  	v59 =	vsub.s32 $0x60B759DF, v56;
	v45 =	vadd.f32 v45, v60;
	v61 =	vperm.xlane v32, v2  }
0x33c: {  	v22 =	vadd.f32 v22, v14;
	v50 =	vmul.f32 v59, v43;
	v55 =	vmul.f32 v24, v24  }
0x33d: {  	v44 =	vadd.f32 v63, v44;
	v63 =	vperm.xlane v45, v4;
	v32 =	vadd.f32 v61, v32  }
0x33e: {  	[tilespmem:v31+s28+$0x0] =	vst.idx.msk $0xffff, v36;
	v20 =	vadd.f32 v20, v15;
	v62 =	vmul.f32 v59, v50;
	v58 =	vmul.f32 $6.400000000e+01, v55  }
0x33f: {  	v45 =	vadd.f32 v45, v63;
	v41 =	vsub.f32 v41, v24;
	v56 =	vperm.xlane v32, v3  }
0x340: {  	[tilespmem:v37+s28+$0x0] =	vst.idx.msk $0xffff, v23;
	v63 =	vmov s1;
	v48 =	vsub.f32 $1.500000000e+00, v62;
	v44 =	vsub.f32 v44, v58  }
0x341: {  	[tilespmem:v52+s28+$0x0] =	vst.idx.msk $0xffff, v17;
	v62 =	vadd.f32 v35, v14;
	v45 =	vmul.f32 $1.562500000e-02, v45;
	v32 =	vadd.f32 v56, v32  }
0x342: {  	[tilespmem:v54+s28+$0x0] =	vst.idx.msk $0xffff, v22;
	v51 =	vand.u32 $0xFE, v63;
	v57 =	vmul.f32 v59, v48;
	v44 =	vadd.f32 $6.399999970e-11, v44  }
0x343: {  	v22 =	vadd.s32 v5, v51;
	v60 =	vmul.f32 v45, v45;
	v59 =	vperm.xlane v32, v4  }
0x344: {  	[tilespmem:v30+s28+$0x0] =	vst.idx.msk $0xffff, v34;
	v43 =	vmul.f32 v57, v43;
	v55 =	vshra.s32 v44, $0x1;
	v44 =	vmul.f32 $7.812500000e-03, v44  }
0x345: {  	[tilespmem:v27+s28+$0x0] =	vst.idx.msk $0xffff, v62;
	v61 =	vmul.f32 $6.400000000e+01, v60;
	v50 =	vsub.s32 $0x60B759DF, v55;
	v32 =	vadd.f32 v59, v32  }
0x346: {  	v62 =	vsub.f32 v38, v24;
	v43 =	vmul.f32 v43, v57;
	v58 =	vmul.f32 v50, v44  }
0x347: {  	v46 =	vadd.s32 v6, v51;
	v19 =	vsub.f32 v19, v45;
	v32 =	vsub.f32 v32, v61  }
0x348: {  	v36 =	vsub.f32 v42, v45;
	v52 =	vsub.f32 $1.500000000e+00, v43;
	v47 =	vmul.f32 v50, v58  }
0x349: {  	v17 =	vadd.s32 v7, v51;
	v18 =	vsub.f32 v18, v45;
	v32 =	vadd.f32 $6.399999970e-11, v32  }
0x34a: {  	v16 =	vsub.f32 v16, v45;
	v35 =	vmul.f32 v52, v57;
	v47 =	vsub.f32 $1.500000000e+00, v47  }
0x34b: {  	v43 =	vadd.s32 v1, v51;
	v54 =	vshra.s32 v32, $0x1;
	v32 =	vmul.f32 $7.812500000e-03, v32  }
0x34c: {  	s13 =	sadd.s32 $0x1, s0;
	v53 =	vmul.f32 v35, v29;
	v50 =	vmul.f32 v50, v47;
	v29 =	vsub.s32 $0x60B759DF, v54  }
0x34d: {  	v57 =	vmov s13;
	v58 =	vsub.f32 v39, v24;
	v56 =	vmul.f32 v29, v32  }
0x34e: {  	v60 =	vand.u32 $0xFF, v57;
	v28 =	vmul.f32 v35, v28;
	v44 =	vmul.f32 v50, v44  }
0x34f: {  	v24 =	vsub.f32 v40, v24;
	v59 =	vmul.f32 v35, v26;
	v61 =	vmul.f32 v29, v56  }
0x350: {  	v30 =	vadd.s32 v1, v60;
	v63 =	vadd.s32 v5, v60;
	v44 =	vmul.f32 v44, v50  }
0x351: {  	v42 =	vadd.s32 v6, v60;
	v21 =	vmul.f32 v35, v21;
	v27 =	vsub.f32 $1.500000000e+00, v61  }
0x352: {  	[tilespmem:v49+s28+$0x0] =	vst.idx.msk $0xffff, v20;
	v20 =	vmul.f32 v53, v8;
	v23 =	vmul.f32 v59, v10;
	v55 =	vsub.f32 $1.500000000e+00, v44  }
0x353: {  	v26 =	vadd.s32 v7, v60;
	v21 =	vmul.f32 v21, v13;
	v27 =	vmul.f32 v29, v27  }
0x354: {  	v20 =	vadd.f32 v20, v11;
	v53 =	vadd.f32 v23, v14;
	v31 =	vmul.f32 v55, v50  }
0x355: {  	v21 =	vadd.f32 v21, v15;
	v50 =	vmul.f32 v28, v9;
	v32 =	vmul.f32 v27, v32  }
0x356: {  	v55 =	vmov s0;
	v34 =	vmul.f32 v31, v58;
	v37 =	vmul.f32 v31, v62  }
0x357: {  	[tilespmem:v25+s28+$0x0] =	vst.idx.msk $0xffff, v33;
	v56 =	vand.u32 $0xFE, v55;
	v33 =	vmul.f32 v31, v41;
	v49 =	vmul.f32 v32, v27  }
0x358: {  	v24 =	vmul.f32 v31, v24;
	v52 =	vadd.f32 v50, v12;
	v58 =	vadd.s32 v5, v56  }
0x359: {  	[tilespmem:v43+s28+$0x0] =	vst.idx.msk $0xffff, v20;
	v59 =	vadd.s32 v6, v56;
	v34 =	vmul.f32 v34, v8;
	v51 =	vsub.f32 $1.500000000e+00, v49  }
0x35a: {  	v20 =	vadd.s32 v7, v56;
	v44 =	vmul.f32 v37, v9;
	v33 =	vmul.f32 v33, v10  }
0x35b: {  	v24 =	vmul.f32 v24, v13;
	[tilespmem:v22+s28+$0x0] =	vst.idx.msk $0xffff, v52;
	v54 =	vmul.f32 v51, v27  }
0x35c: {  	v22 =	vadd.s32 v1, v56;
	[tilespmem:v46+s28+$0x0] =	vst.idx.msk $0xffff, v53;
	v47 =	vadd.f32 v34, v11  }
0x35d: {  	v29 =	vadd.f32 v44, v12;
	v48 =	vadd.f32 v33, v14;
	v19 =	vmul.f32 v54, v19  }
0x35e: {  	v24 =	vadd.f32 v24, v15;
	[tilespmem:v17+s28+$0x0] =	vst.idx.msk $0xffff, v21;
	v57 =	vmul.f32 v54, v36  }
0x35f: {  	[tilespmem:v30+s28+$0x0] =	vst.idx.msk $0xffff, v47;
	v18 =	vmul.f32 v54, v18;
	v8 =	vmul.f32 v19, v8  }
0x360: {  	[tilespmem:v63+s28+$0x0] =	vst.idx.msk $0xffff, v29;
	v16 =	vmul.f32 v54, v16;
	v60 =	vmul.f32 v57, v9  }
0x361: {  	[tilespmem:v42+s28+$0x0] =	vst.idx.msk $0xffff, v48;
	v61 =	vmul.f32 v18, v10;
	v8 =	vadd.f32 v8, v11  }
0x362: {  	s2 =	sshll.u32 s25, $0x3;
	[tilespmem:v26+s28+$0x0] =	vst.idx.msk $0xffff, v24;
	v62 =	vmul.f32 v16, v13;
	v9 =	vadd.f32 v60, v12  }
0x363: {  	s9 =	sshll.u32 s26, $0x12;
	s0 =	sand.u32 $0x7800, s2;
	[tilespmem:v22+s28+$0x0] =	vst.idx.msk $0xffff, v8;
	v8 =	vadd.f32 v61, v14  }
0x364: {  	s0 =	sor.u32 s0, s9;
	v63 =	vadd.f32 v62, v15;
	[tilespmem:v58+s28+$0x0] =	vst.idx.msk $0xffff, v9  }
0x365: {  	s0 =	sshrl.u32 s0, $0x3;
	[tilespmem:v59+s28+$0x0] =	vst.idx.msk $0xffff, v8  }
0x366: {  	s1 =	sadd.s32 s4, s0;
	[tilespmem:v20+s28+$0x0] =	vst.idx.msk $0xffff, v63  }
0x367: {  	[hbm4b:s1+s5] =	stream.linear.scatter [tilespmem:s28], [sflag:$0x6], $0x80, $0x38;
	[tilespmem:$0x13880] =	vst v63  }
0x368: {  	s9 =	simm.s32 $0xC508;
	s2 =	sadd.s32 $0x10, s1  }
0x369: {  	[hbm4b:s2+s5] =	stream.linear.scatter [tilespmem:s9], [sflag:$0x6], $0x80, $0x38;
	[tilespmem:$0x13880] =	vst v63  }
0x36a: {  	s13 =	simm.s32 $0xC610;
	s12 =	sadd.s32 $0x20, s1  }
0x36b: {  	[hbm4b:s12+s5] =	stream.linear.scatter [tilespmem:s13], [sflag:$0x6], $0x80, $0x38;
	[tilespmem:$0x13880] =	vst v63  }
0x36c: {  	s26 =	simm.s32 $0xC718;
	s25 =	sadd.s32 $0x30, s1  }
0x36d: {  	[hbm4b:s25+s5] =	stream.linear.scatter [tilespmem:s26], [sflag:$0x6], $0x80, $0x38;
	[tilespmem:$0x13880] =	vst v63  }
0x36e: {  	s12 =	sadd.s32 $0x40, s1;
	s13 =	simm.s32 $0xC820  }
0x36f: {  	[hbm4b:s12+s5] =	stream.linear.scatter [tilespmem:s13], [sflag:$0x6], $0x80, $0x38;
	[tilespmem:$0x13880] =	vst v63  }
0x370: {  	s25 =	sadd.s32 $0x50, s1;
	s26 =	simm.s32 $0xC928  }
0x371: {  	[hbm4b:s25+s5] =	stream.linear.scatter [tilespmem:s26], [sflag:$0x6], $0x80, $0x38;
	[tilespmem:$0x13880] =	vst v63  }
0x372: {  	s9 =	sadd.s32 $0x60, s1;
	s12 =	simm.s32 $0xCA30  }
0x373: {  	[hbm4b:s9+s5] =	stream.linear.scatter [tilespmem:s12], [sflag:$0x6], $0x80, $0x38;
	[tilespmem:$0x13880] =	vst v63  }
0x374: {  	s1 =	sadd.s32 $0x70, s1;
	s13 =	simm.s32 $0xCB38  }
0x375: {  	[hbm4b:s1+s5] =	stream.linear.scatter [tilespmem:s13], [sflag:$0x6], $0x80, $0x38;
	[tilespmem:$0x13880] =	vst v63  }
0x376: {  	s1 =	sor.u32 $0x80, s0  }
0x377: {  	s25 =	simm.s32 $0xC480;
	s2 =	sadd.s32 s4, s1  }
0x378: {  	[hbm4b:s2+s5] =	stream.linear.scatter [tilespmem:s25], [sflag:$0x6], $0x80, $0x38;
	[tilespmem:$0x13880] =	vst v63  }
0x379: {  	s12 =	simm.s32 $0xC588;
	s26 =	sadd.s32 $0x10, s2  }
0x37a: {  	[hbm4b:s26+s5] =	stream.linear.scatter [tilespmem:s12], [sflag:$0x6], $0x80, $0x38;
	[tilespmem:$0x13880] =	vst v63  }
0x37b: {  	s13 =	simm.s32 $0xC690;
	s12 =	sadd.s32 $0x20, s2  }
0x37c: {  	[hbm4b:s12+s5] =	stream.linear.scatter [tilespmem:s13], [sflag:$0x6], $0x80, $0x38;
	[tilespmem:$0x13880] =	vst v63  }
0x37d: {  	s25 =	sadd.s32 $0x30, s2;
	s26 =	simm.s32 $0xC798  }
0x37e: {  	[hbm4b:s25+s5] =	stream.linear.scatter [tilespmem:s26], [sflag:$0x6], $0x80, $0x38;
	[tilespmem:$0x13880] =	vst v63  }
0x37f: {  	s12 =	sadd.s32 $0x40, s2;
	s13 =	simm.s32 $0xC8A0  }
0x380: {  	[hbm4b:s12+s5] =	stream.linear.scatter [tilespmem:s13], [sflag:$0x6], $0x80, $0x38;
	[tilespmem:$0x13880] =	vst v63  }
0x381: {  	s25 =	sadd.s32 $0x50, s2;
	s26 =	simm.s32 $0xC9A8  }
0x382: {  	[hbm4b:s25+s5] =	stream.linear.scatter [tilespmem:s26], [sflag:$0x6], $0x80, $0x38;
	[tilespmem:$0x13880] =	vst v63  }
0x383: {  	s12 =	sadd.s32 $0x60, s2;
	s13 =	simm.s32 $0xCAB0  }
0x384: {  	[hbm4b:s12+s5] =	stream.linear.scatter [tilespmem:s13], [sflag:$0x6], $0x80, $0x38;
	[tilespmem:$0x13880] =	vst v63  }
0x385: {  	s2 =	sadd.s32 $0x70, s2;
	s25 =	simm.s32 $0xCBB8  }
0x386: {  	[hbm4b:s2+s5] =	stream.linear.scatter [tilespmem:s25], [sflag:$0x6], $0x80, $0x38;
	[tilespmem:$0x13880] =	vst v63  }
0x387: {  	s26 =	simm.s32 $0xCC40;
	s2 =	sadd.s32 s0, s16  }
0x388: {  	[hbm4b:s2+s5] =	stream.linear.scatter [tilespmem:s26], [sflag:$0x6], $0x80, $0x38;
	[tilespmem:$0x13880] =	vst v63  }
0x389: {  	s13 =	simm.s32 $0xCD48;
	s12 =	sadd.s32 $0x10, s2  }
0x38a: {  	[hbm4b:s12+s5] =	stream.linear.scatter [tilespmem:s13], [sflag:$0x6], $0x80, $0x38;
	[tilespmem:$0x13880] =	vst v63  }
0x38b: {  	s25 =	sadd.s32 $0x20, s2;
	s26 =	simm.s32 $0xCE50  }
0x38c: {  	[hbm4b:s25+s5] =	stream.linear.scatter [tilespmem:s26], [sflag:$0x6], $0x80, $0x38;
	[tilespmem:$0x13880] =	vst v63  }
0x38d: {  	s12 =	sadd.s32 $0x30, s2;
	s13 =	simm.s32 $0xCF58  }
0x38e: {  	[hbm4b:s12+s5] =	stream.linear.scatter [tilespmem:s13], [sflag:$0x6], $0x80, $0x38;
	[tilespmem:$0x13880] =	vst v63  }
0x38f: {  	s25 =	sadd.s32 $0x40, s2;
	s26 =	simm.s32 $0xD060  }
0x390: {  	[hbm4b:s25+s5] =	stream.linear.scatter [tilespmem:s26], [sflag:$0x6], $0x80, $0x38;
	[tilespmem:$0x13880] =	vst v63  }
0x391: {  	s12 =	sadd.s32 $0x50, s2;
	s13 =	simm.s32 $0xD168  }
0x392: {  	[hbm4b:s12+s5] =	stream.linear.scatter [tilespmem:s13], [sflag:$0x6], $0x80, $0x38;
	[tilespmem:$0x13880] =	vst v63  }
0x393: {  	s25 =	sadd.s32 $0x60, s2;
	s26 =	simm.s32 $0xD270  }
0x394: {  	[hbm4b:s25+s5] =	stream.linear.scatter [tilespmem:s26], [sflag:$0x6], $0x80, $0x38;
	[tilespmem:$0x13880] =	vst v63  }
0x395: {  	s2 =	sadd.s32 $0x70, s2;
	s12 =	simm.s32 $0xD378  }
0x396: {  	[hbm4b:s2+s5] =	stream.linear.scatter [tilespmem:s12], [sflag:$0x6], $0x80, $0x38;
	[tilespmem:$0x13880] =	vst v63  }
0x397: {  	s13 =	simm.s32 $0xCCC0;
	s2 =	sadd.s32 s1, s16  }
0x398: {  	[hbm4b:s2+s5] =	stream.linear.scatter [tilespmem:s13], [sflag:$0x6], $0x80, $0x38;
	[tilespmem:$0x13880] =	vst v63  }
0x399: {  	s26 =	simm.s32 $0xCDC8;
	s25 =	sadd.s32 $0x10, s2  }
0x39a: {  	[hbm4b:s25+s5] =	stream.linear.scatter [tilespmem:s26], [sflag:$0x6], $0x80, $0x38;
	[tilespmem:$0x13880] =	vst v63  }
0x39b: {  	s12 =	sadd.s32 $0x20, s2;
	s13 =	simm.s32 $0xCED0  }
0x39c: {  	[hbm4b:s12+s5] =	stream.linear.scatter [tilespmem:s13], [sflag:$0x6], $0x80, $0x38;
	[tilespmem:$0x13880] =	vst v63  }
0x39d: {  	s25 =	sadd.s32 $0x30, s2;
	s26 =	simm.s32 $0xCFD8  }
0x39e: {  	[hbm4b:s25+s5] =	stream.linear.scatter [tilespmem:s26], [sflag:$0x6], $0x80, $0x38;
	[tilespmem:$0x13880] =	vst v63  }
0x39f: {  	s12 =	sadd.s32 $0x40, s2;
	s13 =	simm.s32 $0xD0E0  }
0x3a0: {  	[hbm4b:s12+s5] =	stream.linear.scatter [tilespmem:s13], [sflag:$0x6], $0x80, $0x38;
	[tilespmem:$0x13880] =	vst v63  }
0x3a1: {  	s25 =	sadd.s32 $0x50, s2;
	s26 =	simm.s32 $0xD1E8  }
0x3a2: {  	[hbm4b:s25+s5] =	stream.linear.scatter [tilespmem:s26], [sflag:$0x6], $0x80, $0x38;
	[tilespmem:$0x13880] =	vst v63  }
0x3a3: {  	s12 =	sadd.s32 $0x60, s2;
	s13 =	simm.s32 $0xD2F0  }
0x3a4: {  	[hbm4b:s12+s5] =	stream.linear.scatter [tilespmem:s13], [sflag:$0x6], $0x80, $0x38;
	[tilespmem:$0x13880] =	vst v63  }
0x3a5: {  	s2 =	sadd.s32 $0x70, s2;
	s25 =	simm.s32 $0xD3F8  }
0x3a6: {  	[hbm4b:s2+s5] =	stream.linear.scatter [tilespmem:s25], [sflag:$0x6], $0x80, $0x38;
	[tilespmem:$0x13880] =	vst v63  }
0x3a7: {  	s26 =	simm.s32 $0xD480;
	s2 =	sadd.s32 s0, s17  }
0x3a8: {  	[hbm4b:s2+s5] =	stream.linear.scatter [tilespmem:s26], [sflag:$0x6], $0x80, $0x38;
	[tilespmem:$0x13880] =	vst v63  }
0x3a9: {  	s13 =	simm.s32 $0xD588;
	s12 =	sadd.s32 $0x10, s2  }
0x3aa: {  	[hbm4b:s12+s5] =	stream.linear.scatter [tilespmem:s13], [sflag:$0x6], $0x80, $0x38;
	[tilespmem:$0x13880] =	vst v63  }
0x3ab: {  	s25 =	sadd.s32 $0x20, s2;
	s26 =	simm.s32 $0xD690  }
0x3ac: {  	[hbm4b:s25+s5] =	stream.linear.scatter [tilespmem:s26], [sflag:$0x6], $0x80, $0x38;
	[tilespmem:$0x13880] =	vst v63  }
0x3ad: {  	s12 =	sadd.s32 $0x30, s2;
	s13 =	simm.s32 $0xD798  }
0x3ae: {  	[hbm4b:s12+s5] =	stream.linear.scatter [tilespmem:s13], [sflag:$0x6], $0x80, $0x38;
	[tilespmem:$0x13880] =	vst v63  }
0x3af: {  	s25 =	sadd.s32 $0x40, s2;
	s26 =	simm.s32 $0xD8A0  }
0x3b0: {  	[hbm4b:s25+s5] =	stream.linear.scatter [tilespmem:s26], [sflag:$0x6], $0x80, $0x38;
	[tilespmem:$0x13880] =	vst v63  }
0x3b1: {  	s12 =	sadd.s32 $0x50, s2;
	s13 =	simm.s32 $0xD9A8  }
0x3b2: {  	[hbm4b:s12+s5] =	stream.linear.scatter [tilespmem:s13], [sflag:$0x6], $0x80, $0x38;
	[tilespmem:$0x13880] =	vst v63  }
0x3b3: {  	s25 =	sadd.s32 $0x60, s2;
	s26 =	simm.s32 $0xDAB0  }
0x3b4: {  	[hbm4b:s25+s5] =	stream.linear.scatter [tilespmem:s26], [sflag:$0x6], $0x80, $0x38;
	[tilespmem:$0x13880] =	vst v63  }
0x3b5: {  	s2 =	sadd.s32 $0x70, s2;
	s12 =	simm.s32 $0xDBB8  }
0x3b6: {  	[hbm4b:s2+s5] =	stream.linear.scatter [tilespmem:s12], [sflag:$0x6], $0x80, $0x38;
	[tilespmem:$0x13880] =	vst v63  }
0x3b7: {  	s13 =	simm.s32 $0xD500;
	s2 =	sadd.s32 s1, s17  }
0x3b8: {  	[hbm4b:s2+s5] =	stream.linear.scatter [tilespmem:s13], [sflag:$0x6], $0x80, $0x38;
	[tilespmem:$0x13880] =	vst v63  }
0x3b9: {  	s26 =	simm.s32 $0xD608;
	s25 =	sadd.s32 $0x10, s2  }
0x3ba: {  	[hbm4b:s25+s5] =	stream.linear.scatter [tilespmem:s26], [sflag:$0x6], $0x80, $0x38;
	[tilespmem:$0x13880] =	vst v63  }
0x3bb: {  	s12 =	sadd.s32 $0x20, s2;
	s13 =	simm.s32 $0xD710  }
0x3bc: {  	[hbm4b:s12+s5] =	stream.linear.scatter [tilespmem:s13], [sflag:$0x6], $0x80, $0x38;
	[tilespmem:$0x13880] =	vst v63  }
0x3bd: {  	s25 =	sadd.s32 $0x30, s2;
	s26 =	simm.s32 $0xD818  }
0x3be: {  	[hbm4b:s25+s5] =	stream.linear.scatter [tilespmem:s26], [sflag:$0x6], $0x80, $0x38;
	[tilespmem:$0x13880] =	vst v63  }
0x3bf: {  	s12 =	sadd.s32 $0x40, s2;
	s13 =	simm.s32 $0xD920  }
0x3c0: {  	[hbm4b:s12+s5] =	stream.linear.scatter [tilespmem:s13], [sflag:$0x6], $0x80, $0x38;
	[tilespmem:$0x13880] =	vst v63  }
0x3c1: {  	s25 =	sadd.s32 $0x50, s2;
	s26 =	simm.s32 $0xDA28  }
0x3c2: {  	[hbm4b:s25+s5] =	stream.linear.scatter [tilespmem:s26], [sflag:$0x6], $0x80, $0x38;
	[tilespmem:$0x13880] =	vst v63  }
0x3c3: {  	s12 =	sadd.s32 $0x60, s2;
	s13 =	simm.s32 $0xDB30  }
0x3c4: {  	[hbm4b:s12+s5] =	stream.linear.scatter [tilespmem:s13], [sflag:$0x6], $0x80, $0x38;
	[tilespmem:$0x13880] =	vst v63  }
0x3c5: {  	s2 =	sadd.s32 $0x70, s2;
	s25 =	simm.s32 $0xDC38  }
0x3c6: {  	[hbm4b:s2+s5] =	stream.linear.scatter [tilespmem:s25], [sflag:$0x6], $0x80, $0x38;
	[tilespmem:$0x13880] =	vst v63  }
0x3c7: {  	s26 =	simm.s32 $0xDCC0;
	s2 =	sadd.s32 s0, s18  }
0x3c8: {  	[hbm4b:s2+s5] =	stream.linear.scatter [tilespmem:s26], [sflag:$0x6], $0x80, $0x38;
	[tilespmem:$0x13880] =	vst v63  }
0x3c9: {  	s13 =	simm.s32 $0xDDC8;
	s12 =	sadd.s32 $0x10, s2  }
0x3ca: {  	[hbm4b:s12+s5] =	stream.linear.scatter [tilespmem:s13], [sflag:$0x6], $0x80, $0x38;
	[tilespmem:$0x13880] =	vst v63  }
0x3cb: {  	s25 =	sadd.s32 $0x20, s2;
	s26 =	simm.s32 $0xDED0  }
0x3cc: {  	[hbm4b:s25+s5] =	stream.linear.scatter [tilespmem:s26], [sflag:$0x6], $0x80, $0x38;
	[tilespmem:$0x13880] =	vst v63  }
0x3cd: {  	s12 =	sadd.s32 $0x30, s2;
	s13 =	simm.s32 $0xDFD8  }
0x3ce: {  	[hbm4b:s12+s5] =	stream.linear.scatter [tilespmem:s13], [sflag:$0x6], $0x80, $0x38;
	[tilespmem:$0x13880] =	vst v63  }
0x3cf: {  	s25 =	sadd.s32 $0x40, s2;
	s26 =	simm.s32 $0xE0E0  }
0x3d0: {  	[hbm4b:s25+s5] =	stream.linear.scatter [tilespmem:s26], [sflag:$0x6], $0x80, $0x38;
	[tilespmem:$0x13880] =	vst v63  }
0x3d1: {  	s12 =	sadd.s32 $0x50, s2;
	s13 =	simm.s32 $0xE1E8  }
0x3d2: {  	[hbm4b:s12+s5] =	stream.linear.scatter [tilespmem:s13], [sflag:$0x6], $0x80, $0x38;
	[tilespmem:$0x13880] =	vst v63  }
0x3d3: {  	s25 =	sadd.s32 $0x60, s2;
	s26 =	simm.s32 $0xE2F0  }
0x3d4: {  	[hbm4b:s25+s5] =	stream.linear.scatter [tilespmem:s26], [sflag:$0x6], $0x80, $0x38;
	[tilespmem:$0x13880] =	vst v63  }
0x3d5: {  	s2 =	sadd.s32 $0x70, s2;
	s12 =	simm.s32 $0xE3F8  }
0x3d6: {  	[hbm4b:s2+s5] =	stream.linear.scatter [tilespmem:s12], [sflag:$0x6], $0x80, $0x38;
	[tilespmem:$0x13880] =	vst v63  }
0x3d7: {  	s13 =	simm.s32 $0xDD40;
	s2 =	sadd.s32 s1, s18  }
0x3d8: {  	[hbm4b:s2+s5] =	stream.linear.scatter [tilespmem:s13], [sflag:$0x6], $0x80, $0x38;
	[tilespmem:$0x13880] =	vst v63  }
0x3d9: {  	s26 =	simm.s32 $0xDE48;
	s25 =	sadd.s32 $0x10, s2  }
0x3da: {  	[hbm4b:s25+s5] =	stream.linear.scatter [tilespmem:s26], [sflag:$0x6], $0x80, $0x38;
	[tilespmem:$0x13880] =	vst v63  }
0x3db: {  	s12 =	sadd.s32 $0x20, s2;
	s13 =	simm.s32 $0xDF50  }
0x3dc: {  	[hbm4b:s12+s5] =	stream.linear.scatter [tilespmem:s13], [sflag:$0x6], $0x80, $0x38;
	[tilespmem:$0x13880] =	vst v63  }
0x3dd: {  	s25 =	sadd.s32 $0x30, s2;
	s26 =	simm.s32 $0xE058  }
0x3de: {  	[hbm4b:s25+s5] =	stream.linear.scatter [tilespmem:s26], [sflag:$0x6], $0x80, $0x38;
	[tilespmem:$0x13880] =	vst v63  }
0x3df: {  	s12 =	sadd.s32 $0x40, s2;
	s13 =	simm.s32 $0xE160  }
0x3e0: {  	[hbm4b:s12+s5] =	stream.linear.scatter [tilespmem:s13], [sflag:$0x6], $0x80, $0x38;
	[tilespmem:$0x13880] =	vst v63  }
0x3e1: {  	s25 =	sadd.s32 $0x50, s2;
	s26 =	simm.s32 $0xE268  }
0x3e2: {  	[hbm4b:s25+s5] =	stream.linear.scatter [tilespmem:s26], [sflag:$0x6], $0x80, $0x38;
	[tilespmem:$0x13880] =	vst v63  }
0x3e3: {  	s12 =	sadd.s32 $0x60, s2;
	s13 =	simm.s32 $0xE370  }
0x3e4: {  	[hbm4b:s12+s5] =	stream.linear.scatter [tilespmem:s13], [sflag:$0x6], $0x80, $0x38;
	[tilespmem:$0x13880] =	vst v63  }
0x3e5: {  	s2 =	sadd.s32 $0x70, s2;
	s25 =	simm.s32 $0xE478  }
0x3e6: {  	[hbm4b:s2+s5] =	stream.linear.scatter [tilespmem:s25], [sflag:$0x6], $0x80, $0x38;
	[tilespmem:$0x13880] =	vst v63  }
0x3e7: {  	s26 =	simm.s32 $0xE500;
	s2 =	sadd.s32 s0, s19  }
0x3e8: {  	[hbm4b:s2+s5] =	stream.linear.scatter [tilespmem:s26], [sflag:$0x6], $0x80, $0x38;
	[tilespmem:$0x13880] =	vst v63  }
0x3e9: {  	s13 =	simm.s32 $0xE608;
	s12 =	sadd.s32 $0x10, s2  }
0x3ea: {  	[hbm4b:s12+s5] =	stream.linear.scatter [tilespmem:s13], [sflag:$0x6], $0x80, $0x38;
	[tilespmem:$0x13880] =	vst v63  }
0x3eb: {  	s25 =	sadd.s32 $0x20, s2;
	s26 =	simm.s32 $0xE710  }
0x3ec: {  	[hbm4b:s25+s5] =	stream.linear.scatter [tilespmem:s26], [sflag:$0x6], $0x80, $0x38;
	[tilespmem:$0x13880] =	vst v63  }
0x3ed: {  	s12 =	sadd.s32 $0x30, s2;
	s13 =	simm.s32 $0xE818  }
0x3ee: {  	[hbm4b:s12+s5] =	stream.linear.scatter [tilespmem:s13], [sflag:$0x6], $0x80, $0x38;
	[tilespmem:$0x13880] =	vst v63  }
0x3ef: {  	s25 =	sadd.s32 $0x40, s2;
	s26 =	simm.s32 $0xE920  }
0x3f0: {  	[hbm4b:s25+s5] =	stream.linear.scatter [tilespmem:s26], [sflag:$0x6], $0x80, $0x38;
	[tilespmem:$0x13880] =	vst v63  }
0x3f1: {  	s12 =	sadd.s32 $0x50, s2;
	s13 =	simm.s32 $0xEA28  }
0x3f2: {  	[hbm4b:s12+s5] =	stream.linear.scatter [tilespmem:s13], [sflag:$0x6], $0x80, $0x38;
	[tilespmem:$0x13880] =	vst v63  }
0x3f3: {  	s25 =	sadd.s32 $0x60, s2;
	s26 =	simm.s32 $0xEB30  }
0x3f4: {  	[hbm4b:s25+s5] =	stream.linear.scatter [tilespmem:s26], [sflag:$0x6], $0x80, $0x38;
	[tilespmem:$0x13880] =	vst v63  }
0x3f5: {  	s2 =	sadd.s32 $0x70, s2;
	s12 =	simm.s32 $0xEC38  }
0x3f6: {  	[hbm4b:s2+s5] =	stream.linear.scatter [tilespmem:s12], [sflag:$0x6], $0x80, $0x38;
	[tilespmem:$0x13880] =	vst v63  }
0x3f7: {  	s13 =	simm.s32 $0xE580;
	s2 =	sadd.s32 s1, s19  }
0x3f8: {  	[hbm4b:s2+s5] =	stream.linear.scatter [tilespmem:s13], [sflag:$0x6], $0x80, $0x38;
	[tilespmem:$0x13880] =	vst v63  }
0x3f9: {  	s26 =	simm.s32 $0xE688;
	s25 =	sadd.s32 $0x10, s2  }
0x3fa: {  	[hbm4b:s25+s5] =	stream.linear.scatter [tilespmem:s26], [sflag:$0x6], $0x80, $0x38;
	[tilespmem:$0x13880] =	vst v63  }
0x3fb: {  	s12 =	sadd.s32 $0x20, s2;
	s13 =	simm.s32 $0xE790  }
0x3fc: {  	[hbm4b:s12+s5] =	stream.linear.scatter [tilespmem:s13], [sflag:$0x6], $0x80, $0x38;
	[tilespmem:$0x13880] =	vst v63  }
0x3fd: {  	s25 =	sadd.s32 $0x30, s2;
	s26 =	simm.s32 $0xE898  }
0x3fe: {  	[hbm4b:s25+s5] =	stream.linear.scatter [tilespmem:s26], [sflag:$0x6], $0x80, $0x38;
	[tilespmem:$0x13880] =	vst v63  }
0x3ff: {  	s12 =	sadd.s32 $0x40, s2;
	s13 =	simm.s32 $0xE9A0  }
0x400: {  	[hbm4b:s12+s5] =	stream.linear.scatter [tilespmem:s13], [sflag:$0x6], $0x80, $0x38;
	[tilespmem:$0x13880] =	vst v63  }
0x401: {  	s25 =	sadd.s32 $0x50, s2;
	s26 =	simm.s32 $0xEAA8  }
0x402: {  	[hbm4b:s25+s5] =	stream.linear.scatter [tilespmem:s26], [sflag:$0x6], $0x80, $0x38;
	[tilespmem:$0x13880] =	vst v63  }
0x403: {  	s12 =	sadd.s32 $0x60, s2;
	s13 =	simm.s32 $0xEBB0  }
0x404: {  	[hbm4b:s12+s5] =	stream.linear.scatter [tilespmem:s13], [sflag:$0x6], $0x80, $0x38;
	[tilespmem:$0x13880] =	vst v63  }
0x405: {  	s2 =	sadd.s32 $0x70, s2;
	s25 =	simm.s32 $0xECB8  }
0x406: {  	[hbm4b:s2+s5] =	stream.linear.scatter [tilespmem:s25], [sflag:$0x6], $0x80, $0x38;
	[tilespmem:$0x13880] =	vst v63  }
0x407: {  	s26 =	simm.s32 $0xED40;
	s2 =	sadd.s32 s0, s20  }
0x408: {  	[hbm4b:s2+s5] =	stream.linear.scatter [tilespmem:s26], [sflag:$0x6], $0x80, $0x38;
	[tilespmem:$0x13880] =	vst v63  }
0x409: {  	s13 =	simm.s32 $0xEE48;
	s12 =	sadd.s32 $0x10, s2  }
0x40a: {  	[hbm4b:s12+s5] =	stream.linear.scatter [tilespmem:s13], [sflag:$0x6], $0x80, $0x38;
	[tilespmem:$0x13880] =	vst v63  }
0x40b: {  	s25 =	sadd.s32 $0x20, s2;
	s26 =	simm.s32 $0xEF50  }
0x40c: {  	[hbm4b:s25+s5] =	stream.linear.scatter [tilespmem:s26], [sflag:$0x6], $0x80, $0x38;
	[tilespmem:$0x13880] =	vst v63  }
0x40d: {  	s12 =	sadd.s32 $0x30, s2;
	s13 =	simm.s32 $0xF058  }
0x40e: {  	[hbm4b:s12+s5] =	stream.linear.scatter [tilespmem:s13], [sflag:$0x6], $0x80, $0x38;
	[tilespmem:$0x13880] =	vst v63  }
0x40f: {  	s25 =	sadd.s32 $0x40, s2;
	s26 =	simm.s32 $0xF160  }
0x410: {  	[hbm4b:s25+s5] =	stream.linear.scatter [tilespmem:s26], [sflag:$0x6], $0x80, $0x38;
	[tilespmem:$0x13880] =	vst v63  }
0x411: {  	s12 =	sadd.s32 $0x50, s2;
	s13 =	simm.s32 $0xF268  }
0x412: {  	[hbm4b:s12+s5] =	stream.linear.scatter [tilespmem:s13], [sflag:$0x6], $0x80, $0x38;
	[tilespmem:$0x13880] =	vst v63  }
0x413: {  	s25 =	sadd.s32 $0x60, s2;
	s26 =	simm.s32 $0xF370  }
0x414: {  	[hbm4b:s25+s5] =	stream.linear.scatter [tilespmem:s26], [sflag:$0x6], $0x80, $0x38;
	[tilespmem:$0x13880] =	vst v63  }
0x415: {  	s2 =	sadd.s32 $0x70, s2;
	s12 =	simm.s32 $0xF478  }
0x416: {  	[hbm4b:s2+s5] =	stream.linear.scatter [tilespmem:s12], [sflag:$0x6], $0x80, $0x38;
	[tilespmem:$0x13880] =	vst v63  }
0x417: {  	s13 =	simm.s32 $0xEDC0;
	s2 =	sadd.s32 s1, s20  }
0x418: {  	[hbm4b:s2+s5] =	stream.linear.scatter [tilespmem:s13], [sflag:$0x6], $0x80, $0x38;
	[tilespmem:$0x13880] =	vst v63  }
0x419: {  	s26 =	simm.s32 $0xEEC8;
	s25 =	sadd.s32 $0x10, s2  }
0x41a: {  	[hbm4b:s25+s5] =	stream.linear.scatter [tilespmem:s26], [sflag:$0x6], $0x80, $0x38;
	[tilespmem:$0x13880] =	vst v63  }
0x41b: {  	s12 =	sadd.s32 $0x20, s2;
	s13 =	simm.s32 $0xEFD0  }
0x41c: {  	[hbm4b:s12+s5] =	stream.linear.scatter [tilespmem:s13], [sflag:$0x6], $0x80, $0x38;
	[tilespmem:$0x13880] =	vst v63  }
0x41d: {  	s25 =	sadd.s32 $0x30, s2;
	s26 =	simm.s32 $0xF0D8  }
0x41e: {  	[hbm4b:s25+s5] =	stream.linear.scatter [tilespmem:s26], [sflag:$0x6], $0x80, $0x38;
	[tilespmem:$0x13880] =	vst v63  }
0x41f: {  	s12 =	sadd.s32 $0x40, s2;
	s13 =	simm.s32 $0xF1E0  }
0x420: {  	[hbm4b:s12+s5] =	stream.linear.scatter [tilespmem:s13], [sflag:$0x6], $0x80, $0x38;
	[tilespmem:$0x13880] =	vst v63  }
0x421: {  	s25 =	sadd.s32 $0x50, s2;
	s26 =	simm.s32 $0xF2E8  }
0x422: {  	[hbm4b:s25+s5] =	stream.linear.scatter [tilespmem:s26], [sflag:$0x6], $0x80, $0x38;
	[tilespmem:$0x13880] =	vst v63  }
0x423: {  	s12 =	sadd.s32 $0x60, s2;
	s13 =	simm.s32 $0xF3F0  }
0x424: {  	[hbm4b:s12+s5] =	stream.linear.scatter [tilespmem:s13], [sflag:$0x6], $0x80, $0x38;
	[tilespmem:$0x13880] =	vst v63  }
0x425: {  	s2 =	sadd.s32 $0x70, s2;
	s25 =	simm.s32 $0xF4F8  }
0x426: {  	[hbm4b:s2+s5] =	stream.linear.scatter [tilespmem:s25], [sflag:$0x6], $0x80, $0x38;
	[tilespmem:$0x13880] =	vst v63  }
0x427: {  	s26 =	simm.s32 $0xF580;
	s2 =	sadd.s32 s0, s21  }
0x428: {  	[hbm4b:s2+s5] =	stream.linear.scatter [tilespmem:s26], [sflag:$0x6], $0x80, $0x38;
	[tilespmem:$0x13880] =	vst v63  }
0x429: {  	s13 =	simm.s32 $0xF688;
	s12 =	sadd.s32 $0x10, s2  }
0x42a: {  	[hbm4b:s12+s5] =	stream.linear.scatter [tilespmem:s13], [sflag:$0x6], $0x80, $0x38;
	[tilespmem:$0x13880] =	vst v63  }
0x42b: {  	s25 =	sadd.s32 $0x20, s2;
	s26 =	simm.s32 $0xF790  }
0x42c: {  	[hbm4b:s25+s5] =	stream.linear.scatter [tilespmem:s26], [sflag:$0x6], $0x80, $0x38;
	[tilespmem:$0x13880] =	vst v63  }
0x42d: {  	s12 =	sadd.s32 $0x30, s2;
	s13 =	simm.s32 $0xF898  }
0x42e: {  	[hbm4b:s12+s5] =	stream.linear.scatter [tilespmem:s13], [sflag:$0x6], $0x80, $0x38;
	[tilespmem:$0x13880] =	vst v63  }
0x42f: {  	s25 =	sadd.s32 $0x40, s2;
	s26 =	simm.s32 $0xF9A0  }
0x430: {  	[hbm4b:s25+s5] =	stream.linear.scatter [tilespmem:s26], [sflag:$0x6], $0x80, $0x38;
	[tilespmem:$0x13880] =	vst v63  }
0x431: {  	s12 =	sadd.s32 $0x50, s2;
	s13 =	simm.s32 $0xFAA8  }
0x432: {  	[hbm4b:s12+s5] =	stream.linear.scatter [tilespmem:s13], [sflag:$0x6], $0x80, $0x38;
	[tilespmem:$0x13880] =	vst v63  }
0x433: {  	s25 =	sadd.s32 $0x60, s2;
	s26 =	simm.s32 $0xFBB0  }
0x434: {  	[hbm4b:s25+s5] =	stream.linear.scatter [tilespmem:s26], [sflag:$0x6], $0x80, $0x38;
	[tilespmem:$0x13880] =	vst v63  }
0x435: {  	s2 =	sadd.s32 $0x70, s2;
	s12 =	simm.s32 $0xFCB8  }
0x436: {  	[hbm4b:s2+s5] =	stream.linear.scatter [tilespmem:s12], [sflag:$0x6], $0x80, $0x38;
	[tilespmem:$0x13880] =	vst v63  }
0x437: {  	s13 =	simm.s32 $0xF600;
	s2 =	sadd.s32 s1, s21  }
0x438: {  	[hbm4b:s2+s5] =	stream.linear.scatter [tilespmem:s13], [sflag:$0x6], $0x80, $0x38;
	[tilespmem:$0x13880] =	vst v63  }
0x439: {  	s26 =	simm.s32 $0xF708;
	s25 =	sadd.s32 $0x10, s2  }
0x43a: {  	[hbm4b:s25+s5] =	stream.linear.scatter [tilespmem:s26], [sflag:$0x6], $0x80, $0x38;
	[tilespmem:$0x13880] =	vst v63  }
0x43b: {  	s12 =	sadd.s32 $0x20, s2;
	s13 =	simm.s32 $0xF810  }
0x43c: {  	[hbm4b:s12+s5] =	stream.linear.scatter [tilespmem:s13], [sflag:$0x6], $0x80, $0x38;
	[tilespmem:$0x13880] =	vst v63  }
0x43d: {  	s25 =	sadd.s32 $0x30, s2;
	s26 =	simm.s32 $0xF918  }
0x43e: {  	[hbm4b:s25+s5] =	stream.linear.scatter [tilespmem:s26], [sflag:$0x6], $0x80, $0x38;
	[tilespmem:$0x13880] =	vst v63  }
0x43f: {  	s12 =	sadd.s32 $0x40, s2;
	s13 =	simm.s32 $0xFA20  }
0x440: {  	[hbm4b:s12+s5] =	stream.linear.scatter [tilespmem:s13], [sflag:$0x6], $0x80, $0x38;
	[tilespmem:$0x13880] =	vst v63  }
0x441: {  	s25 =	sadd.s32 $0x50, s2;
	s26 =	simm.s32 $0xFB28  }
0x442: {  	[hbm4b:s25+s5] =	stream.linear.scatter [tilespmem:s26], [sflag:$0x6], $0x80, $0x38;
	[tilespmem:$0x13880] =	vst v63  }
0x443: {  	s13 =	sadd.s32 $0x60, s2;
	s25 =	simm.s32 $0xFC30  }
0x444: {  	[hbm4b:s13+s5] =	stream.linear.scatter [tilespmem:s25], [sflag:$0x6], $0x80, $0x38;
	[tilespmem:$0x13880] =	vst v63  }
0x445: {  	s2 =	sadd.s32 $0x70, s2;
	s26 =	simm.s32 $0xFD38  }
0x446: {  	[hbm4b:s2+s5] =	stream.linear.scatter [tilespmem:s26], [sflag:$0x6], $0x80, $0x38;
	[tilespmem:$0x13880] =	vst v63  }
0x447: {  	s9 =	simm.s32 $0xFDC0;
	s0 =	sadd.s32 s0, s22  }
0x448: {  	[hbm4b:s0+s5] =	stream.linear.scatter [tilespmem:s9], [sflag:$0x6], $0x80, $0x38;
	[tilespmem:$0x13880] =	vst v63  }
0x449: {  	s12 =	sadd.s32 $0x10, s0;
	s13 =	simm.s32 $0xFEC8  }
0x44a: {  	[hbm4b:s12+s5] =	stream.linear.scatter [tilespmem:s13], [sflag:$0x6], $0x80, $0x38;
	[tilespmem:$0x13880] =	vst v63  }
0x44b: {  	s25 =	sadd.s32 $0x20, s0;
	s26 =	simm.s32 $0xFFD0  }
0x44c: {  	[hbm4b:s25+s5] =	stream.linear.scatter [tilespmem:s26], [sflag:$0x6], $0x80, $0x38;
	[tilespmem:$0x13880] =	vst v63  }
0x44d: {  	s12 =	sadd.s32 $0x30, s0;
	s13 =	simm.s32 $0x100D8  }
0x44e: {  	[hbm4b:s12+s5] =	stream.linear.scatter [tilespmem:s13], [sflag:$0x6], $0x80, $0x38;
	[tilespmem:$0x13880] =	vst v63  }
0x44f: {  	s25 =	sadd.s32 $0x40, s0;
	s26 =	simm.s32 $0x101E0  }
0x450: {  	[hbm4b:s25+s5] =	stream.linear.scatter [tilespmem:s26], [sflag:$0x6], $0x80, $0x38;
	[tilespmem:$0x13880] =	vst v63  }
0x451: {  	s12 =	sadd.s32 $0x50, s0;
	s13 =	simm.s32 $0x102E8  }
0x452: {  	[hbm4b:s12+s5] =	stream.linear.scatter [tilespmem:s13], [sflag:$0x6], $0x80, $0x38;
	[tilespmem:$0x13880] =	vst v63  }
0x453: {  	s25 =	sadd.s32 $0x60, s0;
	s26 =	simm.s32 $0x103F0  }
0x454: {  	[hbm4b:s25+s5] =	stream.linear.scatter [tilespmem:s26], [sflag:$0x6], $0x80, $0x38;
	[tilespmem:$0x13880] =	vst v63  }
0x455: {  	s0 =	sadd.s32 $0x70, s0;
	s12 =	simm.s32 $0x104F8  }
0x456: {  	[hbm4b:s0+s5] =	stream.linear.scatter [tilespmem:s12], [sflag:$0x6], $0x80, $0x38;
	[tilespmem:$0x13880] =	vst v63  }
0x457: {  	s13 =	simm.s32 $0xFE40;
	s0 =	sadd.s32 s1, s22  }
0x458: {  	[hbm4b:s0+s5] =	stream.linear.scatter [tilespmem:s13], [sflag:$0x6], $0x80, $0x38;
	[tilespmem:$0x13880] =	vst v63  }
0x459: {  	s26 =	simm.s32 $0xFF48;
	s25 =	sadd.s32 $0x10, s0  }
0x45a: {  	[hbm4b:s25+s5] =	stream.linear.scatter [tilespmem:s26], [sflag:$0x6], $0x80, $0x38;
	[tilespmem:$0x13880] =	vst v63  }
0x45b: {  	s9 =	simm.s32 $0x10050;
	s2 =	sadd.s32 $0x20, s0  }
0x45c: {  	[hbm4b:s2+s5] =	stream.linear.scatter [tilespmem:s9], [sflag:$0x6], $0x80, $0x38;
	[tilespmem:$0x13880] =	vst v63  }
0x45d: {  	s12 =	sadd.s32 $0x30, s0;
	s13 =	simm.s32 $0x10158  }
0x45e: {  	[hbm4b:s12+s5] =	stream.linear.scatter [tilespmem:s13], [sflag:$0x6], $0x80, $0x38;
	[tilespmem:$0x13880] =	vst v63  }
0x45f: {  	s10 =	sadd.s32 $0x1, s10;
	s25 =	sadd.s32 $0x40, s0;
	s26 =	simm.s32 $0x10260  }
0x460: {  	[hbm4b:s25+s5] =	stream.linear.scatter [tilespmem:s26], [sflag:$0x6], $0x80, $0x38;
	[tilespmem:$0x13880] =	vst v63  }
0x461: {  	p0 =	sne.s32 s10, $0x32;
	s9 =	sadd.s32 $0x50, s0;
	s12 =	simm.s32 $0x10368  }
0x462: {  	[hbm4b:s9+s5] =	stream.linear.scatter [tilespmem:s12], [sflag:$0x6], $0x80, $0x38;
	[tilespmem:$0x13880] =	vst v63  }
.Ltmp4:
0x463: {  	_ = 	snop;
	(pc) =	sbr.rel @p0 .LBB2_2-.Ltmp4, $4  }
0x464: {  	s13 =	sadd.s32 $0x60, s0;
	s25 =	simm.s32 $0x10470  }
0x465: {  	[hbm4b:s13+s5] =	stream.linear.scatter [tilespmem:s25], [sflag:$0x6], $0x80, $0x38;
	[tilespmem:$0x13880] =	vst v63  }
0x466: {  	s0 =	sadd.s32 $0x70, s0;
	s26 =	simm.s32 $0x10578  }
0x467: {  	[hbm4b:s0+s5] =	stream.linear.scatter [tilespmem:s26], [sflag:$0x6], $0x80, $0x38;
	[tilespmem:$0x13880] =	vst v63  }
0x468: {  	_ =	swait.ge [sflag:s14], $0x400  }
0x469: {  	[sflag:s14] =	ssyncset.done $0x0  }
0x46a: {  	[sflag:s14] =	ssyncadd.s32 $0xFFFFFC00  }
0x46b: {  	_ =	swait.ge [sflag:s14], $0x400  }
0x46c: {  	[sflag:s14] =	ssyncset.done $0x0  }
0x46d: {  	[sflag:s14] =	ssyncadd.s32 $0xFFFFFC00  }
0x46e: {  	_ =	swait.ge [sflag:s14], $0x400  }
0x46f: {  	[sflag:s14] =	ssyncset.done $0x0  }
0x470: {  	[sflag:s14] =	ssyncadd.s32 $0xFFFFFC00  }
0x471: {  	_ =	swait.ge [sflag:s14], $0x400  }
0x472: {  	[sflag:s14] =	ssyncset.done $0x0  }
0x473: {  	[sflag:s14] =	ssyncadd.s32 $0xFFFFFC00  }
0x474: {  	_ =	swait.ge [sflag:s14], $0x400  }
0x475: {  	[sflag:s14] =	ssyncset.done $0x0  }
0x476: {  	[sflag:s14] =	ssyncadd.s32 $0xFFFFFC00  }
0x477: {  	_ =	swait.ge [sflag:s14], $0x400  }
0x478: {  	[sflag:s14] =	ssyncset.done $0x0  }
0x479: {  	[sflag:s14] =	ssyncadd.s32 $0xFFFFFC00  }
0x47a: {  	_ =	swait.ge [sflag:s14], $0x400  }
0x47b: {  	[sflag:s14] =	ssyncset.done $0x0  }
0x47c: {  	[sflag:s14] =	ssyncadd.s32 $0xFFFFFC00  }
0x47d: {  	_ =	swait.ge [sflag:s14], $0x400  }
0x47e: {  	[sflag:s14] =	ssyncset.done $0x0  }
0x47f: {  	[sflag:s14] =	ssyncadd.s32 $0xFFFFFC00  }
0x480: {  	_ =	swait.ge [sflag:s14], $0x400  }
0x481: {  	[sflag:s14] =	ssyncset.done $0x0  }
0x482: {  	[sflag:s14] =	ssyncadd.s32 $0xFFFFFC00  }
0x483: {  	_ =	swait.ge [sflag:s14], $0x400  }
0x484: {  	[sflag:s14] =	ssyncset.done $0x0  }
0x485: {  	[sflag:s14] =	ssyncadd.s32 $0xFFFFFC00  }
0x486: {  	_ =	swait.ge [sflag:s14], $0x400  }
0x487: {  	[sflag:s14] =	ssyncset.done $0x0  }
0x488: {  	[sflag:s14] =	ssyncadd.s32 $0xFFFFFC00  }
0x489: {  	_ =	swait.ge [sflag:s14], $0x400  }
0x48a: {  	[sflag:s14] =	ssyncset.done $0x0  }
0x48b: {  	[sflag:s14] =	ssyncadd.s32 $0xFFFFFC00  }
0x48c: {  	_ =	swait.ge [sflag:s14], $0x400  }
0x48d: {  	[sflag:s14] =	ssyncset.done $0x0  }
0x48e: {  	[sflag:s14] =	ssyncadd.s32 $0xFFFFFC00  }
0x48f: {  	_ =	swait.ge [sflag:s14], $0x400  }
0x490: {  	[sflag:s14] =	ssyncset.done $0x0  }
0x491: {  	[sflag:s14] =	ssyncadd.s32 $0xFFFFFC00  }
0x492: {  	_ =	swait.ge [sflag:s14], $0x400  }
0x493: {  	[sflag:s14] =	ssyncset.done $0x0  }
0x494: {  	[sflag:s14] =	ssyncadd.s32 $0xFFFFFC00  }
0x495: {  	_ =	swait.ge [sflag:s14], $0x400  }
0x496: {  	[sflag:s14] =	ssyncset.done $0x0  }
0x497: {  	[sflag:s14] =	ssyncadd.s32 $0xFFFFFC00  }
0x498: {  	_ =	swait.ge [sflag:s24], $0x400  }
0x499: {  	[sflag:s24] =	ssyncset.done $0x0  }
0x49a: {  	[sflag:s24] =	ssyncadd.s32 $0xFFFFFC00  }
0x49b: {  	_ =	swait.ge [sflag:s24], $0x400  }
0x49c: {  	[sflag:s24] =	ssyncset.done $0x0  }
0x49d: {  	[sflag:s24] =	ssyncadd.s32 $0xFFFFFC00  }
0x49e: {  	_ =	swait.ge [sflag:s24], $0x400  }
0x49f: {  	[sflag:s24] =	ssyncset.done $0x0  }
0x4a0: {  	[sflag:s24] =	ssyncadd.s32 $0xFFFFFC00  }
0x4a1: {  	_ =	swait.ge [sflag:s24], $0x400  }
0x4a2: {  	[sflag:s24] =	ssyncset.done $0x0  }
0x4a3: {  	[sflag:s24] =	ssyncadd.s32 $0xFFFFFC00  }
0x4a4: {  	_ =	swait.ge [sflag:s24], $0x400  }
0x4a5: {  	[sflag:s24] =	ssyncset.done $0x0  }
0x4a6: {  	[sflag:s24] =	ssyncadd.s32 $0xFFFFFC00  }
0x4a7: {  	_ =	swait.ge [sflag:s24], $0x400  }
0x4a8: {  	[sflag:s24] =	ssyncset.done $0x0  }
0x4a9: {  	[sflag:s24] =	ssyncadd.s32 $0xFFFFFC00  }
0x4aa: {  	_ =	swait.ge [sflag:s24], $0x400  }
0x4ab: {  	[sflag:s24] =	ssyncset.done $0x0  }
0x4ac: {  	[sflag:s24] =	ssyncadd.s32 $0xFFFFFC00  }
0x4ad: {  	_ =	swait.ge [sflag:s24], $0x400  }
0x4ae: {  	[sflag:s24] =	ssyncset.done $0x0  }
0x4af: {  	[sflag:s24] =	ssyncadd.s32 $0xFFFFFC00  }
0x4b0: {  	_ =	swait.ge [sflag:s24], $0x400  }
0x4b1: {  	[sflag:s24] =	ssyncset.done $0x0  }
0x4b2: {  	[sflag:s24] =	ssyncadd.s32 $0xFFFFFC00  }
0x4b3: {  	_ =	swait.ge [sflag:s24], $0x400  }
0x4b4: {  	[sflag:s24] =	ssyncset.done $0x0  }
0x4b5: {  	[sflag:s24] =	ssyncadd.s32 $0xFFFFFC00  }
0x4b6: {  	_ =	swait.ge [sflag:s24], $0x400  }
0x4b7: {  	[sflag:s24] =	ssyncset.done $0x0  }
0x4b8: {  	[sflag:s24] =	ssyncadd.s32 $0xFFFFFC00  }
0x4b9: {  	_ =	swait.ge [sflag:s24], $0x400  }
0x4ba: {  	[sflag:s24] =	ssyncset.done $0x0  }
0x4bb: {  	[sflag:s24] =	ssyncadd.s32 $0xFFFFFC00  }
0x4bc: {  	_ =	swait.ge [sflag:s24], $0x400  }
0x4bd: {  	[sflag:s24] =	ssyncset.done $0x0  }
0x4be: {  	[sflag:s24] =	ssyncadd.s32 $0xFFFFFC00  }
0x4bf: {  	_ =	swait.ge [sflag:s24], $0x400  }
0x4c0: {  	[sflag:s24] =	ssyncset.done $0x0  }
0x4c1: {  	[sflag:s24] =	ssyncadd.s32 $0xFFFFFC00  }
0x4c2: {  	_ =	swait.ge [sflag:s24], $0x400  }
0x4c3: {  	[sflag:s24] =	ssyncset.done $0x0  }
0x4c4: {  	[sflag:s24] =	ssyncadd.s32 $0xFFFFFC00  }
0x4c5: {  	_ =	swait.ge [sflag:s24], $0x400  }
0x4c6: {  	s1 =	rddreg [dreg:$0xb]  }
0x4c7: {  	s0 =	rddreg [dreg:$0xa];
	s1 =	sadd.s32 $0x1, s1  }
0x4c8: {  	p0 =	sne.s32 s1, s0  }
.Ltmp5:
0x4c9: {  	_ = 	snop;
	(pc) =	sbr.rel @p0 .LBB2_1-.Ltmp5, $3  }
0x4ca: {  	_ =	sdelay $0x1  }
0x4cb: {  	[sflag:s24] =	ssyncset.done $0x0  }
0x4cc: {  	[sflag:s24] =	ssyncadd.s32 $0xFFFFFC00  }
0x4cd: {  	_ =	sfence.sel $0x180000  }
0x4ce: {  	[bflag:$0x0] =	sbarrier.arrive $0xFFFF  }
0x4cf: {  	_ =	strace $0x90000047  }
0x4d0: {  	s0 =	stileid.u32;
	[bflag:$0x2] =	sbarrier.arrive $0xFFFF  }
0x4d1: {  	p0 =	sne.s32 s0, $0x0;
	s0 =	rddreg [dreg:$0x4]  }
0x4d2: {  	s0 =	sadd.s32 @!p0 $0x100000, s0  }
0x4d3: {  	[sflag:s0] =	ssyncadd.tile.s32 @!p0 $0x1;
	_ =	shalt  }
.Lfunc_end2:
_tile_overlayer_lowered:
.L_overlay_start_2:
0x4d4: {  	(tag) =	ssettag $0x2  }
0x4d5: {  	s0 =	rddreg [dreg:$0x0];
	s2 =	stileid.u32  }
0x4d6: {  	s1 =	rddreg [dreg:$0x1];
	p0 =	sne.s32 s2, $0x0  }
0x4d7: {  	s3 =	rddreg [dreg:$0x2];
	[bflag:$0x3] =	sbarrier.arrive $0xFFFF;
	s2 =	simm.s32 @!p0 $0x1C07  }
0x4d8: {  	[timem:s3], [sflag:s2] =	dma.local @!p0 [hbm:s0], s1  }
0x4d9: {  	s0 =	simm.s32 @!p0 $0x7  }
0x4da: {  	_ =	swait.ge @!p0 [sflag:s0], s1  }
0x4db: {  	s1 =	ssub.s32 @!p0 $0x0, s1;
	[sflag:s0] =	ssyncset.done @!p0 $0x0  }
0x4dc: {  	[sflag:s0] =	ssyncadd.s32 @!p0 s1  }
0x4dd: {  	[bflag:$0x3] =	sbarrier.arrive $0xFFFF  }
0x4de: {  	_ =	shalt  }

</sc_bundles>
